<compile_context>
chip_gen: v7x
topology: tpu7x:2x2x1
jax: 0.10.2.dev20260603
libtpu: 0.0.44.dev20260713+nightly
codegen_flags: <defaults>
</compile_context>

<pallas_src>
import functools

import numpy as np

import jax
import jax.numpy as jnp
from jax import lax
from jax.experimental import pallas as pl
from jax.experimental.pallas import tpu as pltpu
from jax.experimental.pallas import tpu_sc as plsc

f32 = jnp.float32
i32 = jnp.int32

N0 = 10000
N0P = 10240
E = 160000
EP = 163840
H = 64
NC, NS = 2, 16
NW = NC * NS
EPW = EP // NW
EHALF = EP // NC
GC = 1024
RPT = N0P // NS
BLKE = 4096

_mesh = plsc.VectorSubcoreMesh(core_axis_name="c", subcore_axis_name="s")


def _silu(x):
    return x * jax.nn.sigmoid(x)



GC2 = 512
NCH = EPW // GC2


def _make_gather2(width, dtype):

    @functools.partial(
        pl.kernel,
        out_type=jax.ShapeDtypeStruct((EP, 2 * width), dtype),
        mesh=_mesh,
        scratch_types=[
            pltpu.VMEM_SHARED((N0P, width), dtype),
            pltpu.VMEM((EPW,), i32),
            pltpu.VMEM((EPW,), i32),
            pltpu.VMEM((GC2, width), dtype),
            pltpu.VMEM((GC2, width), dtype),
            pltpu.SemaphoreType.DMA,
            pltpu.SemaphoreType.DMA,
            pltpu.SemaphoreType.DMA,
            pltpu.SemaphoreType.DMA,
        ],
        compiler_params=pltpu.CompilerParams(use_tc_tiling_on_sc=False),
    )
    def _g2(h_h, s_h, r_h, xx_h, shared, sv, rv, row0, row1,
            g0, g1, w0, w1):
        s = lax.axis_index("s")
        wid = s * NC + lax.axis_index("c")
        base = wid * EPW
        pltpu.sync_copy(h_h.at[pl.ds(s * RPT, RPT)],
                        shared.at[pl.ds(s * RPT, RPT)])
        pltpu.sync_copy(s_h.at[pl.ds(base, EPW)], sv)
        pltpu.sync_copy(r_h.at[pl.ds(base, EPW)], rv)
        plsc.subcore_barrier()

        rows = (row0, row1)
        gsems = (g0, g1)
        wsems = (w0, w1)
        nsteps = 2 * NCH

        def idx_at(k):
            iv = sv if k < NCH else rv
            return iv.at[pl.ds((k % NCH) * GC2, GC2)]

        def out_at(k):
            col = 0 if k < NCH else width
            return xx_h.at[pl.ds(base + (k % NCH) * GC2, GC2),
                           pl.ds(col, width)]

        gd = [None] * nsteps
        wdesc = [None] * nsteps
        gd[0] = pltpu.async_copy(shared.at[idx_at(0)], rows[0], gsems[0])
        for k in range(nsteps):
            b = k % 2
            if k + 1 < nsteps:
                if k >= 1:
                    wdesc[k - 1].wait()
                gd[k + 1] = pltpu.async_copy(shared.at[idx_at(k + 1)],
                                             rows[(k + 1) % 2],
                                             gsems[(k + 1) % 2])
            gd[k].wait()
            wdesc[k] = pltpu.async_copy(rows[b], out_at(k), wsems[b])
        wdesc[nsteps - 2].wait()
        wdesc[nsteps - 1].wait()

    return _g2


_sc_gather2 = _make_gather2(H, f32)


@functools.partial(
    pl.kernel,
    out_type=(jax.ShapeDtypeStruct((EP, 16), f32),
              jax.ShapeDtypeStruct((EP, 16), f32)),
    mesh=_mesh,
    scratch_types=[
        pltpu.VMEM_SHARED((N0P, 16), f32),
        pltpu.VMEM((EPW,), i32),
        pltpu.VMEM((EPW,), i32),
        pltpu.VMEM((GC2, 16), f32),
        pltpu.VMEM((GC2, 16), f32),
        pltpu.SemaphoreType.DMA,
        pltpu.SemaphoreType.DMA,
        pltpu.SemaphoreType.DMA,
        pltpu.SemaphoreType.DMA,
    ],
    compiler_params=pltpu.CompilerParams(use_tc_tiling_on_sc=False),
)
def _sc_gather2_pos(h_h, s_h, r_h, o1_h, o2_h, shared, sv, rv, row0, row1,
                    g0, g1, w0, w1):
    s = lax.axis_index("s")
    wid = s * NC + lax.axis_index("c")
    base = wid * EPW
    pltpu.sync_copy(h_h.at[pl.ds(s * RPT, RPT)],
                    shared.at[pl.ds(s * RPT, RPT)])
    pltpu.sync_copy(s_h.at[pl.ds(base, EPW)], sv)
    pltpu.sync_copy(r_h.at[pl.ds(base, EPW)], rv)
    plsc.subcore_barrier()

    rows = (row0, row1)
    gsems = (g0, g1)
    wsems = (w0, w1)
    nsteps = 2 * NCH
    wdesc = [None] * nsteps
    for k in range(nsteps):
        b = k % 2
        if k >= 2:
            wdesc[k - 2].wait()
        iv = sv if k < NCH else rv
        oh = o1_h if k < NCH else o2_h
        j = k % NCH
        pltpu.async_copy(shared.at[iv.at[pl.ds(j * GC2, GC2)]],
                         rows[b], gsems[b]).wait()
        wdesc[k] = pltpu.async_copy(
            rows[b], oh.at[pl.ds(base + j * GC2, GC2)], wsems[b])
    wdesc[nsteps - 2].wait()
    wdesc[nsteps - 1].wait()


EP2 = EP // 2
EPW2 = EP2 // NW
GCH = 512


@functools.partial(
    pl.kernel,
    out_type=jax.ShapeDtypeStruct((N0P, 2 * H), f32),
    mesh=_mesh,
    scratch_types=[
        pltpu.VMEM_SHARED((N0P, H), f32),
        pltpu.VMEM((GCH,), i32),
        pltpu.VMEM((GCH,), i32),
        pltpu.VMEM((GCH, H), f32),
        pltpu.VMEM((GCH, H), f32),
        pltpu.SemaphoreType.DMA,
        pltpu.SemaphoreType.DMA,
        pltpu.SemaphoreType.DMA,
        pltpu.SemaphoreType.DMA,
    ],
    compiler_params=pltpu.CompilerParams(use_tc_tiling_on_sc=False),
)
def _sc_scatter(m_h, re_h, ro_h, z_h, o_h, shared, ive, ivo, mva, mvb,
                se, so, sa, sb):
    c = lax.axis_index("c")
    s = lax.axis_index("s")
    pltpu.sync_copy(z_h.at[pl.ds(s * RPT, RPT)], shared.at[pl.ds(s * RPT, RPT)])
    plsc.subcore_barrier()
    ebase = c * (EP2 // NC) + s * EPW2

    def chunk(j, carry):
        off = ebase + j * GCH
        de = pltpu.async_copy(re_h.at[pl.ds(off, GCH)], ive, se)
        do = pltpu.async_copy(ro_h.at[pl.ds(off, GCH)], ivo, so)
        da = pltpu.async_copy(m_h.at[pl.ds(off, GCH), pl.ds(0, H)], mva, sa)
        db = pltpu.async_copy(m_h.at[pl.ds(off, GCH), pl.ds(H, H)], mvb, sb)
        de.wait()
        da.wait()
        pltpu.sync_copy(mva, shared.at[ive], add=True)
        do.wait()
        db.wait()
        pltpu.sync_copy(mvb, shared.at[ivo], add=True)
        return carry

    lax.fori_loop(0, EPW2 // GCH, chunk, 0)
    plsc.subcore_barrier()
    pltpu.sync_copy(shared.at[pl.ds(s * RPT, RPT)],
                    o_h.at[pl.ds(s * RPT, RPT), pl.ds(c * H, H)])



def _emb_body(x_ref, w_ref, b_ref, o_ref):
    o_ref[...] = jnp.dot(x_ref[...], w_ref[...],
                         preferred_element_type=f32) + b_ref[...]


def _tc_emb(x, w, b):
    return pl.pallas_call(
        _emb_body,
        out_shape=jax.ShapeDtypeStruct((N0P, H), f32),
    )(x, w, b[None, :])


_SEL = np.zeros((128, 8), np.float32)
for _g in range(8):
    _SEL[16 * _g:16 * _g + 3, _g] = 1.0


def _d2_body(p1_ref, p2_ref, sel_ref, o_ref, s1_ref, s2_ref):
    i = pl.program_id(0)
    diff = p1_ref[...] - p2_ref[...]
    d2 = jnp.dot(diff * diff, sel_ref[...], preferred_element_type=f32)
    dd = jnp.sqrt(d2)
    o_ref[...] = dd

    @pl.when(i == 0)
    def _init():
        s1_ref[...] = jnp.zeros_like(s1_ref)
        s2_ref[...] = jnp.zeros_like(s2_ref)

    s1_ref[...] += jnp.sum(dd, axis=0, keepdims=True)
    s2_ref[...] += jnp.sum(d2, axis=0, keepdims=True)


def _tc_d2(p1, p2, sel):
    n = (EP // 8) // BLKE
    pblk = lambda: pl.BlockSpec((BLKE, 128), lambda i: (i, 0))
    zblk = lambda c: pl.BlockSpec((1, c), lambda i: (0, 0))
    return pl.pallas_call(
        _d2_body,
        grid=(n,),
        in_specs=[pblk(), pblk(), pl.BlockSpec((128, 8), lambda i: (0, 0))],
        out_specs=(pl.BlockSpec((BLKE, 8), lambda i: (i, 0)),
                   zblk(8), zblk(8)),
        out_shape=(jax.ShapeDtypeStruct((EP // 8, 8), f32),
                   jax.ShapeDtypeStruct((1, 8), f32),
                   jax.ShapeDtypeStruct((1, 8), f32)),
    )(p1, p2, sel)


def _msg_body(xlo_ref, xhi_ref, dlo_ref, dhi_ref, w1_ref, cp_ref, b1_ref,
              w2_ref, b2_ref, o_ref):
    def mlp(xx, dd):
        pre = (jnp.dot(xx.astype(jnp.bfloat16), w1_ref[...],
                       preferred_element_type=f32)
               + dd * cp_ref[...] + b1_ref[...])
        h1 = _silu(pre)
        return _silu(jnp.dot(h1.astype(jnp.bfloat16), w2_ref[...],
                             preferred_element_type=f32) + b2_ref[...])

    m_lo = mlp(xlo_ref[...], dlo_ref[...])
    m_hi = mlp(xhi_ref[...], dhi_ref[...])
    o_ref[...] = jnp.concatenate([m_lo, m_hi], axis=1)


def _tc_msg(xx, dcol, w1, cp, b1, w2, b2):
    n = EP2 // BLKE
    wblk = lambda r: pl.BlockSpec((r, H), lambda i: (0, 0))
    return pl.pallas_call(
        _msg_body,
        grid=(n,),
        in_specs=[pl.BlockSpec((BLKE, 2 * H), lambda i: (i, 0)),
                  pl.BlockSpec((BLKE, 2 * H), lambda i: (i + n, 0)),
                  pl.BlockSpec((BLKE, 1), lambda i: (i, 0)),
                  pl.BlockSpec((BLKE, 1), lambda i: (i + n, 0)),
                  pl.BlockSpec((2 * H, H), lambda i: (0, 0)),
                  wblk(1), wblk(1), wblk(H), wblk(1)],
        out_specs=pl.BlockSpec((BLKE, 2 * H), lambda i: (i, 0)),
        out_shape=jax.ShapeDtypeStruct((EP2, 2 * H), f32),
    )(xx, xx, dcol, dcol, w1, cp[None, :], b1[None, :], w2, b2[None, :])


def _upd_body(h_ref, ap_ref, u1x_ref, u1a_ref, bu1_ref,
              u2_ref, bu2_ref, o_ref):
    hh = h_ref[...]
    ap = ap_ref[...]
    agg = ap[:, 0:H] + ap[:, H:2 * H]
    u = _silu(jnp.dot(hh, u1x_ref[...], preferred_element_type=f32)
              + jnp.dot(agg, u1a_ref[...], preferred_element_type=f32)
              + bu1_ref[...])
    o_ref[...] = hh + _silu(jnp.dot(u, u2_ref[...],
                                    preferred_element_type=f32) + bu2_ref[...])


def _tc_upd(h, ap, u1x, u1a, bu1, u2, bu2):
    return pl.pallas_call(
        _upd_body,
        out_shape=jax.ShapeDtypeStruct((N0P, H), f32),
    )(h, ap, u1x, u1a, bu1[None, :], u2, bu2[None, :])


def _upd_final_body(h_ref, ap_ref, u1x_ref, u1a_ref, bu1_ref,
                    u2_ref, bu2_ref, p_ref, bp_ref, o_ref):
    hh = h_ref[...]
    ap = ap_ref[...]
    agg = ap[:, 0:H] + ap[:, H:2 * H]
    u = _silu(jnp.dot(hh, u1x_ref[...], preferred_element_type=f32)
              + jnp.dot(agg, u1a_ref[...], preferred_element_type=f32)
              + bu1_ref[...])
    h2 = hh + _silu(jnp.dot(u, u2_ref[...],
                            preferred_element_type=f32) + bu2_ref[...])
    o_ref[...] = jnp.dot(h2, p_ref[...],
                         preferred_element_type=f32) + bp_ref[...]


def _tc_upd_final(h, ap, u1x, u1a, bu1, u2, bu2, p, bp):
    return pl.pallas_call(
        _upd_final_body,
        out_shape=jax.ShapeDtypeStruct((N0P, H), f32),
    )(h, ap, u1x, u1a, bu1[None, :], u2, bu2[None, :], p, bp[None, :])



def kernel(x_0, x_1, pos, cell_ind_0, cell_ind_1, adj_0_0, adj_0_1_send,
           adj_0_1_recv, adj_1_1, params):
    send = adj_0_0[0].astype(i32)
    recv = adj_0_0[1].astype(i32)
    pad = EP - E
    zi = jnp.zeros((pad,), i32)
    send_p = jnp.concatenate([send, zi])
    recv_p = jnp.concatenate([recv, zi])
    recv_sc = jnp.concatenate([recv, N0 + (jnp.arange(pad, dtype=i32) % 8)])

    posrow = jnp.pad(pos, ((0, N0P - N0), (0, 13)))
    x0p = jnp.pad(x_0, ((0, N0P - N0), (0, 0)))

    h = _tc_emb(x0p, params["emb"]["0"]["W"], params["emb"]["0"]["b"])

    po1, po2 = _sc_gather2_pos(posrow, send_p, recv_p)
    d8, s1, s2 = _tc_d2(po1.reshape(EP // 8, 128), po2.reshape(EP // 8, 128),
                        jnp.asarray(_SEL))
    dcol = d8.reshape(EP, 1)
    mu = jnp.sum(s1) / E
    var = jnp.sum(s2) / E - mu * mu
    sinv = lax.rsqrt(var + 1e-5)

    zeros_n = jnp.zeros((N0P, H), f32)

    nlayers = len(params["layers"])
    for li, layer in enumerate(params["layers"]):
        w1 = layer["msg"]["0_0"]["l1"]["W"]
        b1 = layer["msg"]["0_0"]["l1"]["b"]
        c_w = w1[2 * H:]
        ctil = jnp.sum(c_w, axis=0)
        cp = ctil * sinv
        b1p = b1 - mu * sinv * ctil
        w2 = layer["msg"]["0_0"]["l2"]["W"]
        b2 = layer["msg"]["0_0"]["l2"]["b"]

        xx = _sc_gather2(h, send_p, recv_p)
        m2 = _tc_msg(xx, dcol, w1[:2 * H].astype(jnp.bfloat16), cp, b1p,
                     w2.astype(jnp.bfloat16), b2)
        aggp = _sc_scatter(m2, recv_sc[:EP2], recv_sc[EP2:], zeros_n)

        u1 = layer["upd"]["0"]["l1"]["W"]
        bu1 = layer["upd"]["0"]["l1"]["b"]
        u2 = layer["upd"]["0"]["l2"]["W"]
        bu2 = layer["upd"]["0"]["l2"]["b"]
        if li == nlayers - 1:
            h = _tc_upd_final(h, aggp, u1[:H], u1[H:], bu1,
                              u2, bu2, params["pre_pool"]["0"]["W"],
                              params["pre_pool"]["0"]["b"])
        else:
            h = _tc_upd(h, aggp, u1[:H], u1[H:], bu1, u2, bu2)

    out = h[:N0]
    return (out, out, jnp.zeros((1, H), f32))

# --- scband reference (transcript-rebuilt; emitter-appended) ---
"""Pipeline reference for scband-etnn-52063593562431 (READ-ONLY COPY).

The authoritative reference and input builder live on the scoring server;
editing this copy changes nothing except your own understanding.
"""

import jax, jax.numpy as jnp
import numpy as np

N0 = 10000
N1 = 160000
E = 160000
F0 = 128
F1 = 128
H = 64
NUM_OUT = 64
NUM_LAYERS = 2
NINV = 5


def _init_linear(key, fan_in, fan_out):
    k1, k2 = jax.random.split(key)
    lim = 1.0 / np.sqrt(fan_in)
    W = jax.random.uniform(k1, (fan_in, fan_out), minval=-lim, maxval=lim, dtype=jnp.float32)
    b = jax.random.uniform(k2, (fan_out,), minval=-lim, maxval=lim, dtype=jnp.float32)
    return {"W": W, "b": b}


def _init_mlp(key, fan_in, hidden):
    k1, k2 = jax.random.split(key)
    return {"l1": _init_linear(k1, fan_in, hidden), "l2": _init_linear(k2, hidden, hidden)}


def _make_params(key):
    ks = iter(jax.random.split(key, 64))
    params = {
        "emb": {"0": _init_linear(next(ks), F0, H), "1": _init_linear(next(ks), F1, H)},
        "layers": [],
        "pre_pool": {"0": _init_linear(next(ks), H, NUM_OUT), "1": _init_linear(next(ks), H, NUM_OUT)},
    }
    for _ in range(NUM_LAYERS):
        layer = {
            "msg": {a: _init_mlp(next(ks), 2 * H + NINV, H) for a in ("0_0", "0_1", "1_1")},
            "upd": {d: _init_mlp(next(ks), 2 * H, H) for d in ("0", "1")},
        }
        params["layers"].append(layer)
    return params


def setup_inputs(seed: int = 0):
    key = jax.random.key(seed)
    ks = jax.random.split(key, 12)
    return {
        "x_0": jax.random.normal(ks[0], (N0, F0), dtype=jnp.float32),
        "x_1": jax.random.normal(ks[1], (N1, F1), dtype=jnp.float32),
        "pos": jax.random.normal(ks[2], (N0, 3), dtype=jnp.float32),
        "cell_ind_0": jnp.arange(N0, dtype=jnp.int32)[:, None],
        "cell_ind_1": jax.random.randint(ks[3], (N1, 2), 0, N0),
        "adj_0_0": jax.random.randint(ks[4], (2, E), 0, N0),
        "adj_0_1_send": jax.random.randint(ks[5], (E,), 0, N0),
        "adj_0_1_recv": jax.random.randint(ks[6], (E,), 0, N1),
        "adj_1_1": jax.random.randint(ks[7], (2, E), 0, N1),
        "params": _make_params(ks[8]),
    }


def _lin(p, x):
    return x @ p["W"] + p["b"]


def _mlp(p, x):
    return jax.nn.silu(_lin(p["l2"], jax.nn.silu(_lin(p["l1"], x))))


def _invariants(pos, ci, cj, send, recv):
    pi = pos[ci[send]]
    pj = pos[cj[recv]]
    d_cent = jnp.linalg.norm(pi.mean(axis=1) - pj.mean(axis=1), axis=-1)
    dmat = jnp.linalg.norm(pi[:, :, None, :] - pj[:, None, :, :], axis=-1)
    dmin = dmat.min(axis=(1, 2))
    dmax = dmat.max(axis=(1, 2))
    h_ij = dmat.min(axis=2).max(axis=1)
    h_ji = dmat.min(axis=1).max(axis=1)
    return jnp.stack([d_cent, dmin, dmax, h_ij, h_ji], axis=1)


def _bn(v):
    return (v - v.mean(axis=0)) / jnp.sqrt(v.var(axis=0) + 1e-5)


def _forward(x_0, x_1, pos, params, cells, adjs, sizes):
    x = {"0": _lin(params["emb"]["0"], x_0), "1": _lin(params["emb"]["1"], x_1)}
    inv = {a: _bn(_invariants(pos, cells[ri], cells[rj], s, r)) for a, (s, r, ri, rj) in adjs.items()}
    for layer in params["layers"]:
        agg = {d: jnp.zeros((sizes[d], H), dtype=x[d].dtype) for d in x}
        for a, (s, r, ri, rj) in adjs.items():
            m = _mlp(layer["msg"][a], jnp.concatenate([x[ri][s], x[rj][r], inv[a]], axis=1))
            agg[rj] = agg[rj].at[r].add(m)
        x = {d: x[d] + _mlp(layer["upd"][d], jnp.concatenate([x[d], agg[d]], axis=1)) for d in x}
    out_node = {d: _lin(params["pre_pool"][d], x[d]) for d in x}
    return out_node


def reference(x_0, x_1, pos, cell_ind_0, cell_ind_1, adj_0_0, adj_0_1_send, adj_0_1_recv, adj_1_1, params):
    cells = {"0": cell_ind_0, "1": cell_ind_1}
    adjs = {
        "0_0": (adj_0_0[0], adj_0_0[1], "0", "0"),
        "0_1": (adj_0_1_send, adj_0_1_recv, "0", "1"),
        "1_1": (adj_1_1[0], adj_1_1[1], "1", "1"),
    }
    sizes = {"0": N0, "1": N1}
    out_node = _forward(x_0, x_1, pos, params, cells, adjs, sizes)
    out = out_node["0"]
    x_mol_feat = out_node["0"]
    x_sub_feat = jnp.zeros((1, NUM_OUT), dtype=out.dtype)
    return (out, x_mol_feat, x_sub_feat)

if __name__ == "__main__":
    import jax
    _d = setup_inputs()
    print(jax.jit(kernel)(*tuple(_d.values())))

</pallas_src>

<mosaic_0001>
#map = affine_map<(d0, d1) -> (0, 0)>
#map1 = affine_map<(d0, d1) -> (0)>
module attributes {stable_mosaic.version = 14 : i64} {
  func.func @_g2(%arg0: i32, %arg1: i32, %arg2: memref<10240x64xf32, #tpu.memory_space<hbm>>, %arg3: memref<163840xi32, #tpu.memory_space<hbm>>, %arg4: memref<163840xi32, #tpu.memory_space<hbm>>, %arg5: memref<163840x128xf32, #tpu.memory_space<hbm>>, %arg6: memref<10240x64xf32, #tpu.memory_space<vmem_shared>>, %arg7: memref<5120xi32, #tpu.memory_space<vmem>>, %arg8: memref<5120xi32, #tpu.memory_space<vmem>>, %arg9: memref<512x64xf32, #tpu.memory_space<vmem>>, %arg10: memref<512x64xf32, #tpu.memory_space<vmem>>, %arg11: memref<!tpu.dma_semaphore, #tpu.memory_space<semaphore_mem>>, %arg12: memref<!tpu.dma_semaphore, #tpu.memory_space<semaphore_mem>>, %arg13: memref<!tpu.dma_semaphore, #tpu.memory_space<semaphore_mem>>, %arg14: memref<!tpu.dma_semaphore, #tpu.memory_space<semaphore_mem>>) attributes {dimension_semantics = [#tpu.dimension_semantics<core_parallel>, #tpu.dimension_semantics<subcore_parallel>], iteration_bounds = array<i64: 2, 16>, scalar_prefetch = 0 : i64, scratch_operands = 9 : i64, tpu.core_type = #tpu.core_type<sc_vector_subcore>, window_params = [{transform_indices = #map}, {transform_indices = #map1}, {transform_indices = #map1}, {transform_indices = #map}]} {
    %mul3A = arith.constant 2 : i32
    %mul3A_0 = arith.muli %arg1, %mul3A : i32
    %add3A = arith.addi %mul3A_0, %arg0 : i32
    %mul3A_1 = arith.constant 5120 : i32
    %mul3A_2 = arith.muli %add3A, %mul3A_1 : i32
    %mul3A_3 = arith.constant 640 : i32
    %mul3A_4 = arith.muli %arg1, %mul3A_3 : i32
    %mul3A_5 = arith.constant 640 : i32
    %mul3A_6 = arith.muli %arg1, %mul3A_5 : i32
    "tpu.region"() ({
      %run_scoped3A = tpu.sem_alloc : memref<!tpu.dma_semaphore, #tpu.memory_space<semaphore_mem>>
      %dma_start3A_405 = arith.constant 0 : i32
      %dma_start3A_406 = tpu.memref_slice %arg6[%mul3A_6, %dma_start3A_405] : memref<10240x64xf32, #tpu.memory_space<vmem_shared>> -> memref<640x64xf32, #tpu.memory_space<vmem_shared>>
      %dma_start3A_407 = arith.constant 0 : i32
      %dma_start3A_408 = tpu.memref_slice %arg2[%mul3A_4, %dma_start3A_407] : memref<10240x64xf32, #tpu.memory_space<hbm>> -> memref<640x64xf32, #tpu.memory_space<hbm>>
      tpu.enqueue_dma source(%dma_start3A_408 : memref<640x64xf32, #tpu.memory_space<hbm>>) target(%dma_start3A_406 : memref<640x64xf32, #tpu.memory_space<vmem_shared>>) target_semaphore(%run_scoped3A : memref<!tpu.dma_semaphore, #tpu.memory_space<semaphore_mem>>)
      %dma_wait3A_409 = arith.constant 0 : i32
      %dma_wait3A_410 = tpu.memref_slice %arg6[%mul3A_6, %dma_wait3A_409] : memref<10240x64xf32, #tpu.memory_space<vmem_shared>> -> memref<640x64xf32, #tpu.memory_space<vmem_shared>>
      %dma_wait3A_411 = arith.constant 0 : i32
      %dma_wait3A_412 = tpu.memref_slice %arg2[%mul3A_4, %dma_wait3A_411] : memref<10240x64xf32, #tpu.memory_space<hbm>> -> memref<640x64xf32, #tpu.memory_space<hbm>>
      tpu.wait_dma2 semaphore(%run_scoped3A : memref<!tpu.dma_semaphore, #tpu.memory_space<semaphore_mem>>) src(%dma_wait3A_412 : memref<640x64xf32, #tpu.memory_space<hbm>>) dst(%dma_wait3A_410 : memref<640x64xf32, #tpu.memory_space<vmem_shared>>)
      tpu.yield
    }) : () -> ()
    "tpu.region"() ({
      %run_scoped3A = tpu.sem_alloc : memref<!tpu.dma_semaphore, #tpu.memory_space<semaphore_mem>>
      %dma_start3A_405 = tpu.memref_slice %arg3[%mul3A_2] : memref<163840xi32, #tpu.memory_space<hbm>> -> memref<5120xi32, #tpu.memory_space<hbm>>
      %dma_start3A_406 = tpu.memref_slice %arg3[%mul3A_2] : memref<163840xi32, #tpu.memory_space<hbm>> -> memref<5120xi32, #tpu.memory_space<hbm>>
      tpu.enqueue_dma source(%dma_start3A_406 : memref<5120xi32, #tpu.memory_space<hbm>>) target(%arg7 : memref<5120xi32, #tpu.memory_space<vmem>>) target_semaphore(%run_scoped3A : memref<!tpu.dma_semaphore, #tpu.memory_space<semaphore_mem>>)
      %dma_wait3A_407 = tpu.memref_slice %arg3[%mul3A_2] : memref<163840xi32, #tpu.memory_space<hbm>> -> memref<5120xi32, #tpu.memory_space<hbm>>
      %dma_wait3A_408 = tpu.memref_slice %arg3[%mul3A_2] : memref<163840xi32, #tpu.memory_space<hbm>> -> memref<5120xi32, #tpu.memory_space<hbm>>
      tpu.wait_dma2 semaphore(%run_scoped3A : memref<!tpu.dma_semaphore, #tpu.memory_space<semaphore_mem>>) src(%dma_wait3A_408 : memref<5120xi32, #tpu.memory_space<hbm>>) dst(%arg7 : memref<5120xi32, #tpu.memory_space<vmem>>)
      tpu.yield
    }) : () -> ()
    "tpu.region"() ({
      %run_scoped3A = tpu.sem_alloc : memref<!tpu.dma_semaphore, #tpu.memory_space<semaphore_mem>>
      %dma_start3A_405 = tpu.memref_slice %arg4[%mul3A_2] : memref<163840xi32, #tpu.memory_space<hbm>> -> memref<5120xi32, #tpu.memory_space<hbm>>
      %dma_start3A_406 = tpu.memref_slice %arg4[%mul3A_2] : memref<163840xi32, #tpu.memory_space<hbm>> -> memref<5120xi32, #tpu.memory_space<hbm>>
      tpu.enqueue_dma source(%dma_start3A_406 : memref<5120xi32, #tpu.memory_space<hbm>>) target(%arg8 : memref<5120xi32, #tpu.memory_space<vmem>>) target_semaphore(%run_scoped3A : memref<!tpu.dma_semaphore, #tpu.memory_space<semaphore_mem>>)
      %dma_wait3A_407 = tpu.memref_slice %arg4[%mul3A_2] : memref<163840xi32, #tpu.memory_space<hbm>> -> memref<5120xi32, #tpu.memory_space<hbm>>
      %dma_wait3A_408 = tpu.memref_slice %arg4[%mul3A_2] : memref<163840xi32, #tpu.memory_space<hbm>> -> memref<5120xi32, #tpu.memory_space<hbm>>
      tpu.wait_dma2 semaphore(%run_scoped3A : memref<!tpu.dma_semaphore, #tpu.memory_space<semaphore_mem>>) src(%dma_wait3A_408 : memref<5120xi32, #tpu.memory_space<hbm>>) dst(%arg8 : memref<5120xi32, #tpu.memory_space<vmem>>)
      tpu.yield
    }) : () -> ()
    %barrier3A = arith.constant 0 : index
    tpu.barrier barrier_id(%barrier3A)
    %dma_start3A = arith.constant 0 : i32
    %dma_start3A_7 = tpu.memref_slice %arg7[%dma_start3A] : memref<5120xi32, #tpu.memory_space<vmem>> -> memref<512xi32, #tpu.memory_space<vmem>>
    %dma_start3A_8 = arith.constant 0 : i32
    %dma_start3A_9 = arith.constant 0 : i32
    %dma_start3A_10 = tpu.memref_slice %arg6[%dma_start3A_8, %dma_start3A_9] : memref<10240x64xf32, #tpu.memory_space<vmem_shared>> -> memref<10240x64xf32, #tpu.memory_space<vmem_shared>>
    tpu.enqueue_indirect_dma source(%dma_start3A_10 : memref<10240x64xf32, #tpu.memory_space<vmem_shared>>) target(%arg9 : memref<512x64xf32, #tpu.memory_space<vmem>>) offsets(%dma_start3A_7 : memref<512xi32, #tpu.memory_space<vmem>>) semaphore(%arg11 : memref<!tpu.dma_semaphore, #tpu.memory_space<semaphore_mem>>)
    %dma_start3A_11 = arith.constant 512 : i32
    %dma_start3A_12 = tpu.memref_slice %arg7[%dma_start3A_11] : memref<5120xi32, #tpu.memory_space<vmem>> -> memref<512xi32, #tpu.memory_space<vmem>>
    %dma_start3A_13 = arith.constant 0 : i32
    %dma_start3A_14 = arith.constant 0 : i32
    %dma_start3A_15 = tpu.memref_slice %arg6[%dma_start3A_13, %dma_start3A_14] : memref<10240x64xf32, #tpu.memory_space<vmem_shared>> -> memref<10240x64xf32, #tpu.memory_space<vmem_shared>>
    tpu.enqueue_indirect_dma source(%dma_start3A_15 : memref<10240x64xf32, #tpu.memory_space<vmem_shared>>) target(%arg10 : memref<512x64xf32, #tpu.memory_space<vmem>>) offsets(%dma_start3A_12 : memref<512xi32, #tpu.memory_space<vmem>>) semaphore(%arg12 : memref<!tpu.dma_semaphore, #tpu.memory_space<semaphore_mem>>)
    %dma_wait3A = arith.constant 0 : i32
    %dma_wait3A_16 = tpu.memref_slice %arg7[%dma_wait3A] : memref<5120xi32, #tpu.memory_space<vmem>> -> memref<512xi32, #tpu.memory_space<vmem>>
    %dma_wait3A_17 = arith.constant 0 : i32
    %dma_wait3A_18 = arith.constant 0 : i32
    %dma_wait3A_19 = tpu.memref_slice %arg6[%dma_wait3A_17, %dma_wait3A_18] : memref<10240x64xf32, #tpu.memory_space<vmem_shared>> -> memref<10240x64xf32, #tpu.memory_space<vmem_shared>>
    tpu.wait_indirect_dma semaphore(%arg11 : memref<!tpu.dma_semaphore, #tpu.memory_space<semaphore_mem>>) src(%dma_wait3A_19 : memref<10240x64xf32, #tpu.memory_space<vmem_shared>>) dst(%arg9 : memref<512x64xf32, #tpu.memory_space<vmem>>)
    %add3A_20 = arith.constant 0 : i32
    %add3A_21 = arith.addi %mul3A_2, %add3A_20 : i32
    %dma_start3A_22 = arith.constant 0 : i32
    %dma_start3A_23 = tpu.memref_slice %arg5[%add3A_21, %dma_start3A_22] : memref<163840x128xf32, #tpu.memory_space<hbm>> -> memref<512x64xf32, #tpu.memory_space<hbm>>
    %dma_start3A_24 = arith.constant 0 : i32
    %dma_start3A_25 = tpu.memref_slice %arg5[%add3A_21, %dma_start3A_24] : memref<163840x128xf32, #tpu.memory_space<hbm>> -> memref<512x64xf32, #tpu.memory_space<hbm>>
    tpu.enqueue_dma source(%arg9 : memref<512x64xf32, #tpu.memory_space<vmem>>) target(%dma_start3A_25 : memref<512x64xf32, #tpu.memory_space<hbm>>) target_semaphore(%arg13 : memref<!tpu.dma_semaphore, #tpu.memory_space<semaphore_mem>>)
    %dma_wait3A_26 = arith.constant 0 : i32
    %dma_wait3A_27 = tpu.memref_slice %arg5[%add3A_21, %dma_wait3A_26] : memref<163840x128xf32, #tpu.memory_space<hbm>> -> memref<512x64xf32, #tpu.memory_space<hbm>>
    %dma_wait3A_28 = arith.constant 0 : i32
    %dma_wait3A_29 = tpu.memref_slice %arg5[%add3A_21, %dma_wait3A_28] : memref<163840x128xf32, #tpu.memory_space<hbm>> -> memref<512x64xf32, #tpu.memory_space<hbm>>
    tpu.wait_dma2 semaphore(%arg13 : memref<!tpu.dma_semaphore, #tpu.memory_space<semaphore_mem>>) src(%arg9 : memref<512x64xf32, #tpu.memory_space<vmem>>) dst(%dma_wait3A_29 : memref<512x64xf32, #tpu.memory_space<hbm>>)
    %dma_start3A_30 = arith.constant 1024 : i32
    %dma_start3A_31 = tpu.memref_slice %arg7[%dma_start3A_30] : memref<5120xi32, #tpu.memory_space<vmem>> -> memref<512xi32, #tpu.memory_space<vmem>>
    %dma_start3A_32 = arith.constant 0 : i32
    %dma_start3A_33 = arith.constant 0 : i32
    %dma_start3A_34 = tpu.memref_slice %arg6[%dma_start3A_32, %dma_start3A_33] : memref<10240x64xf32, #tpu.memory_space<vmem_shared>> -> memref<10240x64xf32, #tpu.memory_space<vmem_shared>>
    tpu.enqueue_indirect_dma source(%dma_start3A_34 : memref<10240x64xf32, #tpu.memory_space<vmem_shared>>) target(%arg9 : memref<512x64xf32, #tpu.memory_space<vmem>>) offsets(%dma_start3A_31 : memref<512xi32, #tpu.memory_space<vmem>>) semaphore(%arg11 : memref<!tpu.dma_semaphore, #tpu.memory_space<semaphore_mem>>)
    %dma_wait3A_35 = arith.constant 512 : i32
    %dma_wait3A_36 = tpu.memref_slice %arg7[%dma_wait3A_35] : memref<5120xi32, #tpu.memory_space<vmem>> -> memref<512xi32, #tpu.memory_space<vmem>>
    %dma_wait3A_37 = arith.constant 0 : i32
    %dma_wait3A_38 = arith.constant 0 : i32
    %dma_wait3A_39 = tpu.memref_slice %arg6[%dma_wait3A_37, %dma_wait3A_38] : memref<10240x64xf32, #tpu.memory_space<vmem_shared>> -> memref<10240x64xf32, #tpu.memory_space<vmem_shared>>
    tpu.wait_indirect_dma semaphore(%arg12 : memref<!tpu.dma_semaphore, #tpu.memory_space<semaphore_mem>>) src(%dma_wait3A_39 : memref<10240x64xf32, #tpu.memory_space<vmem_shared>>) dst(%arg10 : memref<512x64xf32, #tpu.memory_space<vmem>>)
    %add3A_40 = arith.constant 512 : i32
    %add3A_41 = arith.addi %mul3A_2, %add3A_40 : i32
    %dma_start3A_42 = arith.constant 0 : i32
    %dma_start3A_43 = tpu.memref_slice %arg5[%add3A_41, %dma_start3A_42] : memref<163840x128xf32, #tpu.memory_space<hbm>> -> memref<512x64xf32, #tpu.memory_space<hbm>>
    %dma_start3A_44 = arith.constant 0 : i32
    %dma_start3A_45 = tpu.memref_slice %arg5[%add3A_41, %dma_start3A_44] : memref<163840x128xf32, #tpu.memory_space<hbm>> -> memref<512x64xf32, #tpu.memory_space<hbm>>
    tpu.enqueue_dma source(%arg10 : memref<512x64xf32, #tpu.memory_space<vmem>>) target(%dma_start3A_45 : memref<512x64xf32, #tpu.memory_space<hbm>>) target_semaphore(%arg14 : memref<!tpu.dma_semaphore, #tpu.memory_space<semaphore_mem>>)
    %dma_wait3A_46 = arith.constant 0 : i32
    %dma_wait3A_47 = tpu.memref_slice %arg5[%add3A_41, %dma_wait3A_46] : memref<163840x128xf32, #tpu.memory_space<hbm>> -> memref<512x64xf32, #tpu.memory_space<hbm>>
    %dma_wait3A_48 = arith.constant 0 : i32
    %dma_wait3A_49 = tpu.memref_slice %arg5[%add3A_41, %dma_wait3A_48] : memref<163840x128xf32, #tpu.memory_space<hbm>> -> memref<512x64xf32, #tpu.memory_space<hbm>>
    tpu.wait_dma2 semaphore(%arg14 : memref<!tpu.dma_semaphore, #tpu.memory_space<semaphore_mem>>) src(%arg10 : memref<512x64xf32, #tpu.memory_space<vmem>>) dst(%dma_wait3A_49 : memref<512x64xf32, #tpu.memory_space<hbm>>)
    %dma_start3A_50 = arith.constant 1536 : i32
    %dma_start3A_51 = tpu.memref_slice %arg7[%dma_start3A_50] : memref<5120xi32, #tpu.memory_space<vmem>> -> memref<512xi32, #tpu.memory_space<vmem>>
    %dma_start3A_52 = arith.constant 0 : i32
    %dma_start3A_53 = arith.constant 0 : i32
    %dma_start3A_54 = tpu.memref_slice %arg6[%dma_start3A_52, %dma_start3A_53] : memref<10240x64xf32, #tpu.memory_space<vmem_shared>> -> memref<10240x64xf32, #tpu.memory_space<vmem_shared>>
    tpu.enqueue_indirect_dma source(%dma_start3A_54 : memref<10240x64xf32, #tpu.memory_space<vmem_shared>>) target(%arg10 : memref<512x64xf32, #tpu.memory_space<vmem>>) offsets(%dma_start3A_51 : memref<512xi32, #tpu.memory_space<vmem>>) semaphore(%arg12 : memref<!tpu.dma_semaphore, #tpu.memory_space<semaphore_mem>>)
    %dma_wait3A_55 = arith.constant 1024 : i32
    %dma_wait3A_56 = tpu.memref_slice %arg7[%dma_wait3A_55] : memref<5120xi32, #tpu.memory_space<vmem>> -> memref<512xi32, #tpu.memory_space<vmem>>
    %dma_wait3A_57 = arith.constant 0 : i32
    %dma_wait3A_58 = arith.constant 0 : i32
    %dma_wait3A_59 = tpu.memref_slice %arg6[%dma_wait3A_57, %dma_wait3A_58] : memref<10240x64xf32, #tpu.memory_space<vmem_shared>> -> memref<10240x64xf32, #tpu.memory_space<vmem_shared>>
    tpu.wait_indirect_dma semaphore(%arg11 : memref<!tpu.dma_semaphore, #tpu.memory_space<semaphore_mem>>) src(%dma_wait3A_59 : memref<10240x64xf32, #tpu.memory_space<vmem_shared>>) dst(%arg9 : memref<512x64xf32, #tpu.memory_space<vmem>>)
    %add3A_60 = arith.constant 1024 : i32
    %add3A_61 = arith.addi %mul3A_2, %add3A_60 : i32
    %dma_start3A_62 = arith.constant 0 : i32
    %dma_start3A_63 = tpu.memref_slice %arg5[%add3A_61, %dma_start3A_62] : memref<163840x128xf32, #tpu.memory_space<hbm>> -> memref<512x64xf32, #tpu.memory_space<hbm>>
    %dma_start3A_64 = arith.constant 0 : i32
    %dma_start3A_65 = tpu.memref_slice %arg5[%add3A_61, %dma_start3A_64] : memref<163840x128xf32, #tpu.memory_space<hbm>> -> memref<512x64xf32, #tpu.memory_space<hbm>>
    tpu.enqueue_dma source(%arg9 : memref<512x64xf32, #tpu.memory_space<vmem>>) target(%dma_start3A_65 : memref<512x64xf32, #tpu.memory_space<hbm>>) target_semaphore(%arg13 : memref<!tpu.dma_semaphore, #tpu.memory_space<semaphore_mem>>)
    %dma_wait3A_66 = arith.constant 0 : i32
    %dma_wait3A_67 = tpu.memref_slice %arg5[%add3A_61, %dma_wait3A_66] : memref<163840x128xf32, #tpu.memory_space<hbm>> -> memref<512x64xf32, #tpu.memory_space<hbm>>
    %dma_wait3A_68 = arith.constant 0 : i32
    %dma_wait3A_69 = tpu.memref_slice %arg5[%add3A_61, %dma_wait3A_68] : memref<163840x128xf32, #tpu.memory_space<hbm>> -> memref<512x64xf32, #tpu.memory_space<hbm>>
    tpu.wait_dma2 semaphore(%arg13 : memref<!tpu.dma_semaphore, #tpu.memory_space<semaphore_mem>>) src(%arg9 : memref<512x64xf32, #tpu.memory_space<vmem>>) dst(%dma_wait3A_69 : memref<512x64xf32, #tpu.memory_space<hbm>>)
    %dma_start3A_70 = arith.constant 2048 : i32
    %dma_start3A_71 = tpu.memref_slice %arg7[%dma_start3A_70] : memref<5120xi32, #tpu.memory_space<vmem>> -> memref<512xi32, #tpu.memory_space<vmem>>
    %dma_start3A_72 = arith.constant 0 : i32
    %dma_start3A_73 = arith.constant 0 : i32
    %dma_start3A_74 = tpu.memref_slice %arg6[%dma_start3A_72, %dma_start3A_73] : memref<10240x64xf32, #tpu.memory_space<vmem_shared>> -> memref<10240x64xf32, #tpu.memory_space<vmem_shared>>
    tpu.enqueue_indirect_dma source(%dma_start3A_74 : memref<10240x64xf32, #tpu.memory_space<vmem_shared>>) target(%arg9 : memref<512x64xf32, #tpu.memory_space<vmem>>) offsets(%dma_start3A_71 : memref<512xi32, #tpu.memory_space<vmem>>) semaphore(%arg11 : memref<!tpu.dma_semaphore, #tpu.memory_space<semaphore_mem>>)
    %dma_wait3A_75 = arith.constant 1536 : i32
    %dma_wait3A_76 = tpu.memref_slice %arg7[%dma_wait3A_75] : memref<5120xi32, #tpu.memory_space<vmem>> -> memref<512xi32, #tpu.memory_space<vmem>>
    %dma_wait3A_77 = arith.constant 0 : i32
    %dma_wait3A_78 = arith.constant 0 : i32
    %dma_wait3A_79 = tpu.memref_slice %arg6[%dma_wait3A_77, %dma_wait3A_78] : memref<10240x64xf32, #tpu.memory_space<vmem_shared>> -> memref<10240x64xf32, #tpu.memory_space<vmem_shared>>
    tpu.wait_indirect_dma semaphore(%arg12 : memref<!tpu.dma_semaphore, #tpu.memory_space<semaphore_mem>>) src(%dma_wait3A_79 : memref<10240x64xf32, #tpu.memory_space<vmem_shared>>) dst(%arg10 : memref<512x64xf32, #tpu.memory_space<vmem>>)
    %add3A_80 = arith.constant 1536 : i32
    %add3A_81 = arith.addi %mul3A_2, %add3A_80 : i32
    %dma_start3A_82 = arith.constant 0 : i32
    %dma_start3A_83 = tpu.memref_slice %arg5[%add3A_81, %dma_start3A_82] : memref<163840x128xf32, #tpu.memory_space<hbm>> -> memref<512x64xf32, #tpu.memory_space<hbm>>
    %dma_start3A_84 = arith.constant 0 : i32
    %dma_start3A_85 = tpu.memref_slice %arg5[%add3A_81, %dma_start3A_84] : memref<163840x128xf32, #tpu.memory_space<hbm>> -> memref<512x64xf32, #tpu.memory_space<hbm>>
    tpu.enqueue_dma source(%arg10 : memref<512x64xf32, #tpu.memory_space<vmem>>) target(%dma_start3A_85 : memref<512x64xf32, #tpu.memory_space<hbm>>) target_semaphore(%arg14 : memref<!tpu.dma_semaphore, #tpu.memory_space<semaphore_mem>>)
    %dma_wait3A_86 = arith.constant 0 : i32
    %dma_wait3A_87 = tpu.memref_slice %arg5[%add3A_81, %dma_wait3A_86] : memref<163840x128xf32, #tpu.memory_space<hbm>> -> memref<512x64xf32, #tpu.memory_space<hbm>>
    %dma_wait3A_88 = arith.constant 0 : i32
    %dma_wait3A_89 = tpu.memref_slice %arg5[%add3A_81, %dma_wait3A_88] : memref<163840x128xf32, #tpu.memory_space<hbm>> -> memref<512x64xf32, #tpu.memory_space<hbm>>
    tpu.wait_dma2 semaphore(%arg14 : memref<!tpu.dma_semaphore, #tpu.memory_space<semaphore_mem>>) src(%arg10 : memref<512x64xf32, #tpu.memory_space<vmem>>) dst(%dma_wait3A_89 : memref<512x64xf32, #tpu.memory_space<hbm>>)
    %dma_start3A_90 = arith.constant 2560 : i32
    %dma_start3A_91 = tpu.memref_slice %arg7[%dma_start3A_90] : memref<5120xi32, #tpu.memory_space<vmem>> -> memref<512xi32, #tpu.memory_space<vmem>>
    %dma_start3A_92 = arith.constant 0 : i32
    %dma_start3A_93 = arith.constant 0 : i32
    %dma_start3A_94 = tpu.memref_slice %arg6[%dma_start3A_92, %dma_start3A_93] : memref<10240x64xf32, #tpu.memory_space<vmem_shared>> -> memref<10240x64xf32, #tpu.memory_space<vmem_shared>>
    tpu.enqueue_indirect_dma source(%dma_start3A_94 : memref<10240x64xf32, #tpu.memory_space<vmem_shared>>) target(%arg10 : memref<512x64xf32, #tpu.memory_space<vmem>>) offsets(%dma_start3A_91 : memref<512xi32, #tpu.memory_space<vmem>>) semaphore(%arg12 : memref<!tpu.dma_semaphore, #tpu.memory_space<semaphore_mem>>)
    %dma_wait3A_95 = arith.constant 2048 : i32
    %dma_wait3A_96 = tpu.memref_slice %arg7[%dma_wait3A_95] : memref<5120xi32, #tpu.memory_space<vmem>> -> memref<512xi32, #tpu.memory_space<vmem>>
    %dma_wait3A_97 = arith.constant 0 : i32
    %dma_wait3A_98 = arith.constant 0 : i32
    %dma_wait3A_99 = tpu.memref_slice %arg6[%dma_wait3A_97, %dma_wait3A_98] : memref<10240x64xf32, #tpu.memory_space<vmem_shared>> -> memref<10240x64xf32, #tpu.memory_space<vmem_shared>>
    tpu.wait_indirect_dma semaphore(%arg11 : memref<!tpu.dma_semaphore, #tpu.memory_space<semaphore_mem>>) src(%dma_wait3A_99 : memref<10240x64xf32, #tpu.memory_space<vmem_shared>>) dst(%arg9 : memref<512x64xf32, #tpu.memory_space<vmem>>)
    %add3A_100 = arith.constant 2048 : i32
    %add3A_101 = arith.addi %mul3A_2, %add3A_100 : i32
    %dma_start3A_102 = arith.constant 0 : i32
    %dma_start3A_103 = tpu.memref_slice %arg5[%add3A_101, %dma_start3A_102] : memref<163840x128xf32, #tpu.memory_space<hbm>> -> memref<512x64xf32, #tpu.memory_space<hbm>>
    %dma_start3A_104 = arith.constant 0 : i32
    %dma_start3A_105 = tpu.memref_slice %arg5[%add3A_101, %dma_start3A_104] : memref<163840x128xf32, #tpu.memory_space<hbm>> -> memref<512x64xf32, #tpu.memory_space<hbm>>
    tpu.enqueue_dma source(%arg9 : memref<512x64xf32, #tpu.memory_space<vmem>>) target(%dma_start3A_105 : memref<512x64xf32, #tpu.memory_space<hbm>>) target_semaphore(%arg13 : memref<!tpu.dma_semaphore, #tpu.memory_space<semaphore_mem>>)
    %dma_wait3A_106 = arith.constant 0 : i32
    %dma_wait3A_107 = tpu.memref_slice %arg5[%add3A_101, %dma_wait3A_106] : memref<163840x128xf32, #tpu.memory_space<hbm>> -> memref<512x64xf32, #tpu.memory_space<hbm>>
    %dma_wait3A_108 = arith.constant 0 : i32
    %dma_wait3A_109 = tpu.memref_slice %arg5[%add3A_101, %dma_wait3A_108] : memref<163840x128xf32, #tpu.memory_space<hbm>> -> memref<512x64xf32, #tpu.memory_space<hbm>>
    tpu.wait_dma2 semaphore(%arg13 : memref<!tpu.dma_semaphore, #tpu.memory_space<semaphore_mem>>) src(%arg9 : memref<512x64xf32, #tpu.memory_space<vmem>>) dst(%dma_wait3A_109 : memref<512x64xf32, #tpu.memory_space<hbm>>)
    %dma_start3A_110 = arith.constant 3072 : i32
    %dma_start3A_111 = tpu.memref_slice %arg7[%dma_start3A_110] : memref<5120xi32, #tpu.memory_space<vmem>> -> memref<512xi32, #tpu.memory_space<vmem>>
    %dma_start3A_112 = arith.constant 0 : i32
    %dma_start3A_113 = arith.constant 0 : i32
    %dma_start3A_114 = tpu.memref_slice %arg6[%dma_start3A_112, %dma_start3A_113] : memref<10240x64xf32, #tpu.memory_space<vmem_shared>> -> memref<10240x64xf32, #tpu.memory_space<vmem_shared>>
    tpu.enqueue_indirect_dma source(%dma_start3A_114 : memref<10240x64xf32, #tpu.memory_space<vmem_shared>>) target(%arg9 : memref<512x64xf32, #tpu.memory_space<vmem>>) offsets(%dma_start3A_111 : memref<512xi32, #tpu.memory_space<vmem>>) semaphore(%arg11 : memref<!tpu.dma_semaphore, #tpu.memory_space<semaphore_mem>>)
    %dma_wait3A_115 = arith.constant 2560 : i32
    %dma_wait3A_116 = tpu.memref_slice %arg7[%dma_wait3A_115] : memref<5120xi32, #tpu.memory_space<vmem>> -> memref<512xi32, #tpu.memory_space<vmem>>
    %dma_wait3A_117 = arith.constant 0 : i32
    %dma_wait3A_118 = arith.constant 0 : i32
    %dma_wait3A_119 = tpu.memref_slice %arg6[%dma_wait3A_117, %dma_wait3A_118] : memref<10240x64xf32, #tpu.memory_space<vmem_shared>> -> memref<10240x64xf32, #tpu.memory_space<vmem_shared>>
    tpu.wait_indirect_dma semaphore(%arg12 : memref<!tpu.dma_semaphore, #tpu.memory_space<semaphore_mem>>) src(%dma_wait3A_119 : memref<10240x64xf32, #tpu.memory_space<vmem_shared>>) dst(%arg10 : memref<512x64xf32, #tpu.memory_space<vmem>>)
    %add3A_120 = arith.constant 2560 : i32
    %add3A_121 = arith.addi %mul3A_2, %add3A_120 : i32
    %dma_start3A_122 = arith.constant 0 : i32
    %dma_start3A_123 = tpu.memref_slice %arg5[%add3A_121, %dma_start3A_122] : memref<163840x128xf32, #tpu.memory_space<hbm>> -> memref<512x64xf32, #tpu.memory_space<hbm>>
    %dma_start3A_124 = arith.constant 0 : i32
    %dma_start3A_125 = tpu.memref_slice %arg5[%add3A_121, %dma_start3A_124] : memref<163840x128xf32, #tpu.memory_space<hbm>> -> memref<512x64xf32, #tpu.memory_space<hbm>>
    tpu.enqueue_dma source(%arg10 : memref<512x64xf32, #tpu.memory_space<vmem>>) target(%dma_start3A_125 : memref<512x64xf32, #tpu.memory_space<hbm>>) target_semaphore(%arg14 : memref<!tpu.dma_semaphore, #tpu.memory_space<semaphore_mem>>)
    %dma_wait3A_126 = arith.constant 0 : i32
    %dma_wait3A_127 = tpu.memref_slice %arg5[%add3A_121, %dma_wait3A_126] : memref<163840x128xf32, #tpu.memory_space<hbm>> -> memref<512x64xf32, #tpu.memory_space<hbm>>
    %dma_wait3A_128 = arith.constant 0 : i32
    %dma_wait3A_129 = tpu.memref_slice %arg5[%add3A_121, %dma_wait3A_128] : memref<163840x128xf32, #tpu.memory_space<hbm>> -> memref<512x64xf32, #tpu.memory_space<hbm>>
    tpu.wait_dma2 semaphore(%arg14 : memref<!tpu.dma_semaphore, #tpu.memory_space<semaphore_mem>>) src(%arg10 : memref<512x64xf32, #tpu.memory_space<vmem>>) dst(%dma_wait3A_129 : memref<512x64xf32, #tpu.memory_space<hbm>>)
    %dma_start3A_130 = arith.constant 3584 : i32
    %dma_start3A_131 = tpu.memref_slice %arg7[%dma_start3A_130] : memref<5120xi32, #tpu.memory_space<vmem>> -> memref<512xi32, #tpu.memory_space<vmem>>
    %dma_start3A_132 = arith.constant 0 : i32
    %dma_start3A_133 = arith.constant 0 : i32
    %dma_start3A_134 = tpu.memref_slice %arg6[%dma_start3A_132, %dma_start3A_133] : memref<10240x64xf32, #tpu.memory_space<vmem_shared>> -> memref<10240x64xf32, #tpu.memory_space<vmem_shared>>
    tpu.enqueue_indirect_dma source(%dma_start3A_134 : memref<10240x64xf32, #tpu.memory_space<vmem_shared>>) target(%arg10 : memref<512x64xf32, #tpu.memory_space<vmem>>) offsets(%dma_start3A_131 : memref<512xi32, #tpu.memory_space<vmem>>) semaphore(%arg12 : memref<!tpu.dma_semaphore, #tpu.memory_space<semaphore_mem>>)
    %dma_wait3A_135 = arith.constant 3072 : i32
    %dma_wait3A_136 = tpu.memref_slice %arg7[%dma_wait3A_135] : memref<5120xi32, #tpu.memory_space<vmem>> -> memref<512xi32, #tpu.memory_space<vmem>>
    %dma_wait3A_137 = arith.constant 0 : i32
    %dma_wait3A_138 = arith.constant 0 : i32
    %dma_wait3A_139 = tpu.memref_slice %arg6[%dma_wait3A_137, %dma_wait3A_138] : memref<10240x64xf32, #tpu.memory_space<vmem_shared>> -> memref<10240x64xf32, #tpu.memory_space<vmem_shared>>
    tpu.wait_indirect_dma semaphore(%arg11 : memref<!tpu.dma_semaphore, #tpu.memory_space<semaphore_mem>>) src(%dma_wait3A_139 : memref<10240x64xf32, #tpu.memory_space<vmem_shared>>) dst(%arg9 : memref<512x64xf32, #tpu.memory_space<vmem>>)
    %add3A_140 = arith.constant 3072 : i32
    %add3A_141 = arith.addi %mul3A_2, %add3A_140 : i32
    %dma_start3A_142 = arith.constant 0 : i32
    %dma_start3A_143 = tpu.memref_slice %arg5[%add3A_141, %dma_start3A_142] : memref<163840x128xf32, #tpu.memory_space<hbm>> -> memref<512x64xf32, #tpu.memory_space<hbm>>
    %dma_start3A_144 = arith.constant 0 : i32
    %dma_start3A_145 = tpu.memref_slice %arg5[%add3A_141, %dma_start3A_144] : memref<163840x128xf32, #tpu.memory_space<hbm>> -> memref<512x64xf32, #tpu.memory_space<hbm>>
    tpu.enqueue_dma source(%arg9 : memref<512x64xf32, #tpu.memory_space<vmem>>) target(%dma_start3A_145 : memref<512x64xf32, #tpu.memory_space<hbm>>) target_semaphore(%arg13 : memref<!tpu.dma_semaphore, #tpu.memory_space<semaphore_mem>>)
    %dma_wait3A_146 = arith.constant 0 : i32
    %dma_wait3A_147 = tpu.memref_slice %arg5[%add3A_141, %dma_wait3A_146] : memref<163840x128xf32, #tpu.memory_space<hbm>> -> memref<512x64xf32, #tpu.memory_space<hbm>>
    %dma_wait3A_148 = arith.constant 0 : i32
    %dma_wait3A_149 = tpu.memref_slice %arg5[%add3A_141, %dma_wait3A_148] : memref<163840x128xf32, #tpu.memory_space<hbm>> -> memref<512x64xf32, #tpu.memory_space<hbm>>
    tpu.wait_dma2 semaphore(%arg13 : memref<!tpu.dma_semaphore, #tpu.memory_space<semaphore_mem>>) src(%arg9 : memref<512x64xf32, #tpu.memory_space<vmem>>) dst(%dma_wait3A_149 : memref<512x64xf32, #tpu.memory_space<hbm>>)
    %dma_start3A_150 = arith.constant 4096 : i32
    %dma_start3A_151 = tpu.memref_slice %arg7[%dma_start3A_150] : memref<5120xi32, #tpu.memory_space<vmem>> -> memref<512xi32, #tpu.memory_space<vmem>>
    %dma_start3A_152 = arith.constant 0 : i32
    %dma_start3A_153 = arith.constant 0 : i32
    %dma_start3A_154 = tpu.memref_slice %arg6[%dma_start3A_152, %dma_start3A_153] : memref<10240x64xf32, #tpu.memory_space<vmem_shared>> -> memref<10240x64xf32, #tpu.memory_space<vmem_shared>>
    tpu.enqueue_indirect_dma source(%dma_start3A_154 : memref<10240x64xf32, #tpu.memory_space<vmem_shared>>) target(%arg9 : memref<512x64xf32, #tpu.memory_space<vmem>>) offsets(%dma_start3A_151 : memref<512xi32, #tpu.memory_space<vmem>>) semaphore(%arg11 : memref<!tpu.dma_semaphore, #tpu.memory_space<semaphore_mem>>)
    %dma_wait3A_155 = arith.constant 3584 : i32
    %dma_wait3A_156 = tpu.memref_slice %arg7[%dma_wait3A_155] : memref<5120xi32, #tpu.memory_space<vmem>> -> memref<512xi32, #tpu.memory_space<vmem>>
    %dma_wait3A_157 = arith.constant 0 : i32
    %dma_wait3A_158 = arith.constant 0 : i32
    %dma_wait3A_159 = tpu.memref_slice %arg6[%dma_wait3A_157, %dma_wait3A_158] : memref<10240x64xf32, #tpu.memory_space<vmem_shared>> -> memref<10240x64xf32, #tpu.memory_space<vmem_shared>>
    tpu.wait_indirect_dma semaphore(%arg12 : memref<!tpu.dma_semaphore, #tpu.memory_space<semaphore_mem>>) src(%dma_wait3A_159 : memref<10240x64xf32, #tpu.memory_space<vmem_shared>>) dst(%arg10 : memref<512x64xf32, #tpu.memory_space<vmem>>)
    %add3A_160 = arith.constant 3584 : i32
    %add3A_161 = arith.addi %mul3A_2, %add3A_160 : i32
    %dma_start3A_162 = arith.constant 0 : i32
    %dma_start3A_163 = tpu.memref_slice %arg5[%add3A_161, %dma_start3A_162] : memref<163840x128xf32, #tpu.memory_space<hbm>> -> memref<512x64xf32, #tpu.memory_space<hbm>>
    %dma_start3A_164 = arith.constant 0 : i32
    %dma_start3A_165 = tpu.memref_slice %arg5[%add3A_161, %dma_start3A_164] : memref<163840x128xf32, #tpu.memory_space<hbm>> -> memref<512x64xf32, #tpu.memory_space<hbm>>
    tpu.enqueue_dma source(%arg10 : memref<512x64xf32, #tpu.memory_space<vmem>>) target(%dma_start3A_165 : memref<512x64xf32, #tpu.memory_space<hbm>>) target_semaphore(%arg14 : memref<!tpu.dma_semaphore, #tpu.memory_space<semaphore_mem>>)
    %dma_wait3A_166 = arith.constant 0 : i32
    %dma_wait3A_167 = tpu.memref_slice %arg5[%add3A_161, %dma_wait3A_166] : memref<163840x128xf32, #tpu.memory_space<hbm>> -> memref<512x64xf32, #tpu.memory_space<hbm>>
    %dma_wait3A_168 = arith.constant 0 : i32
    %dma_wait3A_169 = tpu.memref_slice %arg5[%add3A_161, %dma_wait3A_168] : memref<163840x128xf32, #tpu.memory_space<hbm>> -> memref<512x64xf32, #tpu.memory_space<hbm>>
    tpu.wait_dma2 semaphore(%arg14 : memref<!tpu.dma_semaphore, #tpu.memory_space<semaphore_mem>>) src(%arg10 : memref<512x64xf32, #tpu.memory_space<vmem>>) dst(%dma_wait3A_169 : memref<512x64xf32, #tpu.memory_space<hbm>>)
    %dma_start3A_170 = arith.constant 4608 : i32
    %dma_start3A_171 = tpu.memref_slice %arg7[%dma_start3A_170] : memref<5120xi32, #tpu.memory_space<vmem>> -> memref<512xi32, #tpu.memory_space<vmem>>
    %dma_start3A_172 = arith.constant 0 : i32
    %dma_start3A_173 = arith.constant 0 : i32
    %dma_start3A_174 = tpu.memref_slice %arg6[%dma_start3A_172, %dma_start3A_173] : memref<10240x64xf32, #tpu.memory_space<vmem_shared>> -> memref<10240x64xf32, #tpu.memory_space<vmem_shared>>
    tpu.enqueue_indirect_dma source(%dma_start3A_174 : memref<10240x64xf32, #tpu.memory_space<vmem_shared>>) target(%arg10 : memref<512x64xf32, #tpu.memory_space<vmem>>) offsets(%dma_start3A_171 : memref<512xi32, #tpu.memory_space<vmem>>) semaphore(%arg12 : memref<!tpu.dma_semaphore, #tpu.memory_space<semaphore_mem>>)
    %dma_wait3A_175 = arith.constant 4096 : i32
    %dma_wait3A_176 = tpu.memref_slice %arg7[%dma_wait3A_175] : memref<5120xi32, #tpu.memory_space<vmem>> -> memref<512xi32, #tpu.memory_space<vmem>>
    %dma_wait3A_177 = arith.constant 0 : i32
    %dma_wait3A_178 = arith.constant 0 : i32
    %dma_wait3A_179 = tpu.memref_slice %arg6[%dma_wait3A_177, %dma_wait3A_178] : memref<10240x64xf32, #tpu.memory_space<vmem_shared>> -> memref<10240x64xf32, #tpu.memory_space<vmem_shared>>
    tpu.wait_indirect_dma semaphore(%arg11 : memref<!tpu.dma_semaphore, #tpu.memory_space<semaphore_mem>>) src(%dma_wait3A_179 : memref<10240x64xf32, #tpu.memory_space<vmem_shared>>) dst(%arg9 : memref<512x64xf32, #tpu.memory_space<vmem>>)
    %add3A_180 = arith.constant 4096 : i32
    %add3A_181 = arith.addi %mul3A_2, %add3A_180 : i32
    %dma_start3A_182 = arith.constant 0 : i32
    %dma_start3A_183 = tpu.memref_slice %arg5[%add3A_181, %dma_start3A_182] : memref<163840x128xf32, #tpu.memory_space<hbm>> -> memref<512x64xf32, #tpu.memory_space<hbm>>
    %dma_start3A_184 = arith.constant 0 : i32
    %dma_start3A_185 = tpu.memref_slice %arg5[%add3A_181, %dma_start3A_184] : memref<163840x128xf32, #tpu.memory_space<hbm>> -> memref<512x64xf32, #tpu.memory_space<hbm>>
    tpu.enqueue_dma source(%arg9 : memref<512x64xf32, #tpu.memory_space<vmem>>) target(%dma_start3A_185 : memref<512x64xf32, #tpu.memory_space<hbm>>) target_semaphore(%arg13 : memref<!tpu.dma_semaphore, #tpu.memory_space<semaphore_mem>>)
    %dma_wait3A_186 = arith.constant 0 : i32
    %dma_wait3A_187 = tpu.memref_slice %arg5[%add3A_181, %dma_wait3A_186] : memref<163840x128xf32, #tpu.memory_space<hbm>> -> memref<512x64xf32, #tpu.memory_space<hbm>>
    %dma_wait3A_188 = arith.constant 0 : i32
    %dma_wait3A_189 = tpu.memref_slice %arg5[%add3A_181, %dma_wait3A_188] : memref<163840x128xf32, #tpu.memory_space<hbm>> -> memref<512x64xf32, #tpu.memory_space<hbm>>
    tpu.wait_dma2 semaphore(%arg13 : memref<!tpu.dma_semaphore, #tpu.memory_space<semaphore_mem>>) src(%arg9 : memref<512x64xf32, #tpu.memory_space<vmem>>) dst(%dma_wait3A_189 : memref<512x64xf32, #tpu.memory_space<hbm>>)
    %dma_start3A_190 = arith.constant 0 : i32
    %dma_start3A_191 = tpu.memref_slice %arg8[%dma_start3A_190] : memref<5120xi32, #tpu.memory_space<vmem>> -> memref<512xi32, #tpu.memory_space<vmem>>
    %dma_start3A_192 = arith.constant 0 : i32
    %dma_start3A_193 = arith.constant 0 : i32
    %dma_start3A_194 = tpu.memref_slice %arg6[%dma_start3A_192, %dma_start3A_193] : memref<10240x64xf32, #tpu.memory_space<vmem_shared>> -> memref<10240x64xf32, #tpu.memory_space<vmem_shared>>
    tpu.enqueue_indirect_dma source(%dma_start3A_194 : memref<10240x64xf32, #tpu.memory_space<vmem_shared>>) target(%arg9 : memref<512x64xf32, #tpu.memory_space<vmem>>) offsets(%dma_start3A_191 : memref<512xi32, #tpu.memory_space<vmem>>) semaphore(%arg11 : memref<!tpu.dma_semaphore, #tpu.memory_space<semaphore_mem>>)
    %dma_wait3A_195 = arith.constant 4608 : i32
    %dma_wait3A_196 = tpu.memref_slice %arg7[%dma_wait3A_195] : memref<5120xi32, #tpu.memory_space<vmem>> -> memref<512xi32, #tpu.memory_space<vmem>>
    %dma_wait3A_197 = arith.constant 0 : i32
    %dma_wait3A_198 = arith.constant 0 : i32
    %dma_wait3A_199 = tpu.memref_slice %arg6[%dma_wait3A_197, %dma_wait3A_198] : memref<10240x64xf32, #tpu.memory_space<vmem_shared>> -> memref<10240x64xf32, #tpu.memory_space<vmem_shared>>
    tpu.wait_indirect_dma semaphore(%arg12 : memref<!tpu.dma_semaphore, #tpu.memory_space<semaphore_mem>>) src(%dma_wait3A_199 : memref<10240x64xf32, #tpu.memory_space<vmem_shared>>) dst(%arg10 : memref<512x64xf32, #tpu.memory_space<vmem>>)
    %add3A_200 = arith.constant 4608 : i32
    %add3A_201 = arith.addi %mul3A_2, %add3A_200 : i32
    %dma_start3A_202 = arith.constant 0 : i32
    %dma_start3A_203 = tpu.memref_slice %arg5[%add3A_201, %dma_start3A_202] : memref<163840x128xf32, #tpu.memory_space<hbm>> -> memref<512x64xf32, #tpu.memory_space<hbm>>
    %dma_start3A_204 = arith.constant 0 : i32
    %dma_start3A_205 = tpu.memref_slice %arg5[%add3A_201, %dma_start3A_204] : memref<163840x128xf32, #tpu.memory_space<hbm>> -> memref<512x64xf32, #tpu.memory_space<hbm>>
    tpu.enqueue_dma source(%arg10 : memref<512x64xf32, #tpu.memory_space<vmem>>) target(%dma_start3A_205 : memref<512x64xf32, #tpu.memory_space<hbm>>) target_semaphore(%arg14 : memref<!tpu.dma_semaphore, #tpu.memory_space<semaphore_mem>>)
    %dma_wait3A_206 = arith.constant 0 : i32
    %dma_wait3A_207 = tpu.memref_slice %arg5[%add3A_201, %dma_wait3A_206] : memref<163840x128xf32, #tpu.memory_space<hbm>> -> memref<512x64xf32, #tpu.memory_space<hbm>>
    %dma_wait3A_208 = arith.constant 0 : i32
    %dma_wait3A_209 = tpu.memref_slice %arg5[%add3A_201, %dma_wait3A_208] : memref<163840x128xf32, #tpu.memory_space<hbm>> -> memref<512x64xf32, #tpu.memory_space<hbm>>
    tpu.wait_dma2 semaphore(%arg14 : memref<!tpu.dma_semaphore, #tpu.memory_space<semaphore_mem>>) src(%arg10 : memref<512x64xf32, #tpu.memory_space<vmem>>) dst(%dma_wait3A_209 : memref<512x64xf32, #tpu.memory_space<hbm>>)
    %dma_start3A_210 = arith.constant 512 : i32
    %dma_start3A_211 = tpu.memref_slice %arg8[%dma_start3A_210] : memref<5120xi32, #tpu.memory_space<vmem>> -> memref<512xi32, #tpu.memory_space<vmem>>
    %dma_start3A_212 = arith.constant 0 : i32
    %dma_start3A_213 = arith.constant 0 : i32
    %dma_start3A_214 = tpu.memref_slice %arg6[%dma_start3A_212, %dma_start3A_213] : memref<10240x64xf32, #tpu.memory_space<vmem_shared>> -> memref<10240x64xf32, #tpu.memory_space<vmem_shared>>
    tpu.enqueue_indirect_dma source(%dma_start3A_214 : memref<10240x64xf32, #tpu.memory_space<vmem_shared>>) target(%arg10 : memref<512x64xf32, #tpu.memory_space<vmem>>) offsets(%dma_start3A_211 : memref<512xi32, #tpu.memory_space<vmem>>) semaphore(%arg12 : memref<!tpu.dma_semaphore, #tpu.memory_space<semaphore_mem>>)
    %dma_wait3A_215 = arith.constant 0 : i32
    %dma_wait3A_216 = tpu.memref_slice %arg8[%dma_wait3A_215] : memref<5120xi32, #tpu.memory_space<vmem>> -> memref<512xi32, #tpu.memory_space<vmem>>
    %dma_wait3A_217 = arith.constant 0 : i32
    %dma_wait3A_218 = arith.constant 0 : i32
    %dma_wait3A_219 = tpu.memref_slice %arg6[%dma_wait3A_217, %dma_wait3A_218] : memref<10240x64xf32, #tpu.memory_space<vmem_shared>> -> memref<10240x64xf32, #tpu.memory_space<vmem_shared>>
    tpu.wait_indirect_dma semaphore(%arg11 : memref<!tpu.dma_semaphore, #tpu.memory_space<semaphore_mem>>) src(%dma_wait3A_219 : memref<10240x64xf32, #tpu.memory_space<vmem_shared>>) dst(%arg9 : memref<512x64xf32, #tpu.memory_space<vmem>>)
    %add3A_220 = arith.constant 0 : i32
    %add3A_221 = arith.addi %mul3A_2, %add3A_220 : i32
    %dma_start3A_222 = arith.constant 64 : i32
    %dma_start3A_223 = tpu.memref_slice %arg5[%add3A_221, %dma_start3A_222] : memref<163840x128xf32, #tpu.memory_space<hbm>> -> memref<512x64xf32, #tpu.memory_space<hbm>>
    %dma_start3A_224 = arith.constant 64 : i32
    %dma_start3A_225 = tpu.memref_slice %arg5[%add3A_221, %dma_start3A_224] : memref<163840x128xf32, #tpu.memory_space<hbm>> -> memref<512x64xf32, #tpu.memory_space<hbm>>
    tpu.enqueue_dma source(%arg9 : memref<512x64xf32, #tpu.memory_space<vmem>>) target(%dma_start3A_225 : memref<512x64xf32, #tpu.memory_space<hbm>>) target_semaphore(%arg13 : memref<!tpu.dma_semaphore, #tpu.memory_space<semaphore_mem>>)
    %dma_wait3A_226 = arith.constant 64 : i32
    %dma_wait3A_227 = tpu.memref_slice %arg5[%add3A_221, %dma_wait3A_226] : memref<163840x128xf32, #tpu.memory_space<hbm>> -> memref<512x64xf32, #tpu.memory_space<hbm>>
    %dma_wait3A_228 = arith.constant 64 : i32
    %dma_wait3A_229 = tpu.memref_slice %arg5[%add3A_221, %dma_wait3A_228] : memref<163840x128xf32, #tpu.memory_space<hbm>> -> memref<512x64xf32, #tpu.memory_space<hbm>>
    tpu.wait_dma2 semaphore(%arg13 : memref<!tpu.dma_semaphore, #tpu.memory_space<semaphore_mem>>) src(%arg9 : memref<512x64xf32, #tpu.memory_space<vmem>>) dst(%dma_wait3A_229 : memref<512x64xf32, #tpu.memory_space<hbm>>)
    %dma_start3A_230 = arith.constant 1024 : i32
    %dma_start3A_231 = tpu.memref_slice %arg8[%dma_start3A_230] : memref<5120xi32, #tpu.memory_space<vmem>> -> memref<512xi32, #tpu.memory_space<vmem>>
    %dma_start3A_232 = arith.constant 0 : i32
    %dma_start3A_233 = arith.constant 0 : i32
    %dma_start3A_234 = tpu.memref_slice %arg6[%dma_start3A_232, %dma_start3A_233] : memref<10240x64xf32, #tpu.memory_space<vmem_shared>> -> memref<10240x64xf32, #tpu.memory_space<vmem_shared>>
    tpu.enqueue_indirect_dma source(%dma_start3A_234 : memref<10240x64xf32, #tpu.memory_space<vmem_shared>>) target(%arg9 : memref<512x64xf32, #tpu.memory_space<vmem>>) offsets(%dma_start3A_231 : memref<512xi32, #tpu.memory_space<vmem>>) semaphore(%arg11 : memref<!tpu.dma_semaphore, #tpu.memory_space<semaphore_mem>>)
    %dma_wait3A_235 = arith.constant 512 : i32
    %dma_wait3A_236 = tpu.memref_slice %arg8[%dma_wait3A_235] : memref<5120xi32, #tpu.memory_space<vmem>> -> memref<512xi32, #tpu.memory_space<vmem>>
    %dma_wait3A_237 = arith.constant 0 : i32
    %dma_wait3A_238 = arith.constant 0 : i32
    %dma_wait3A_239 = tpu.memref_slice %arg6[%dma_wait3A_237, %dma_wait3A_238] : memref<10240x64xf32, #tpu.memory_space<vmem_shared>> -> memref<10240x64xf32, #tpu.memory_space<vmem_shared>>
    tpu.wait_indirect_dma semaphore(%arg12 : memref<!tpu.dma_semaphore, #tpu.memory_space<semaphore_mem>>) src(%dma_wait3A_239 : memref<10240x64xf32, #tpu.memory_space<vmem_shared>>) dst(%arg10 : memref<512x64xf32, #tpu.memory_space<vmem>>)
    %add3A_240 = arith.constant 512 : i32
    %add3A_241 = arith.addi %mul3A_2, %add3A_240 : i32
    %dma_start3A_242 = arith.constant 64 : i32
    %dma_start3A_243 = tpu.memref_slice %arg5[%add3A_241, %dma_start3A_242] : memref<163840x128xf32, #tpu.memory_space<hbm>> -> memref<512x64xf32, #tpu.memory_space<hbm>>
    %dma_start3A_244 = arith.constant 64 : i32
    %dma_start3A_245 = tpu.memref_slice %arg5[%add3A_241, %dma_start3A_244] : memref<163840x128xf32, #tpu.memory_space<hbm>> -> memref<512x64xf32, #tpu.memory_space<hbm>>
    tpu.enqueue_dma source(%arg10 : memref<512x64xf32, #tpu.memory_space<vmem>>) target(%dma_start3A_245 : memref<512x64xf32, #tpu.memory_space<hbm>>) target_semaphore(%arg14 : memref<!tpu.dma_semaphore, #tpu.memory_space<semaphore_mem>>)
    %dma_wait3A_246 = arith.constant 64 : i32
    %dma_wait3A_247 = tpu.memref_slice %arg5[%add3A_241, %dma_wait3A_246] : memref<163840x128xf32, #tpu.memory_space<hbm>> -> memref<512x64xf32, #tpu.memory_space<hbm>>
    %dma_wait3A_248 = arith.constant 64 : i32
    %dma_wait3A_249 = tpu.memref_slice %arg5[%add3A_241, %dma_wait3A_248] : memref<163840x128xf32, #tpu.memory_space<hbm>> -> memref<512x64xf32, #tpu.memory_space<hbm>>
    tpu.wait_dma2 semaphore(%arg14 : memref<!tpu.dma_semaphore, #tpu.memory_space<semaphore_mem>>) src(%arg10 : memref<512x64xf32, #tpu.memory_space<vmem>>) dst(%dma_wait3A_249 : memref<512x64xf32, #tpu.memory_space<hbm>>)
    %dma_start3A_250 = arith.constant 1536 : i32
    %dma_start3A_251 = tpu.memref_slice %arg8[%dma_start3A_250] : memref<5120xi32, #tpu.memory_space<vmem>> -> memref<512xi32, #tpu.memory_space<vmem>>
    %dma_start3A_252 = arith.constant 0 : i32
    %dma_start3A_253 = arith.constant 0 : i32
    %dma_start3A_254 = tpu.memref_slice %arg6[%dma_start3A_252, %dma_start3A_253] : memref<10240x64xf32, #tpu.memory_space<vmem_shared>> -> memref<10240x64xf32, #tpu.memory_space<vmem_shared>>
    tpu.enqueue_indirect_dma source(%dma_start3A_254 : memref<10240x64xf32, #tpu.memory_space<vmem_shared>>) target(%arg10 : memref<512x64xf32, #tpu.memory_space<vmem>>) offsets(%dma_start3A_251 : memref<512xi32, #tpu.memory_space<vmem>>) semaphore(%arg12 : memref<!tpu.dma_semaphore, #tpu.memory_space<semaphore_mem>>)
    %dma_wait3A_255 = arith.constant 1024 : i32
    %dma_wait3A_256 = tpu.memref_slice %arg8[%dma_wait3A_255] : memref<5120xi32, #tpu.memory_space<vmem>> -> memref<512xi32, #tpu.memory_space<vmem>>
    %dma_wait3A_257 = arith.constant 0 : i32
    %dma_wait3A_258 = arith.constant 0 : i32
    %dma_wait3A_259 = tpu.memref_slice %arg6[%dma_wait3A_257, %dma_wait3A_258] : memref<10240x64xf32, #tpu.memory_space<vmem_shared>> -> memref<10240x64xf32, #tpu.memory_space<vmem_shared>>
    tpu.wait_indirect_dma semaphore(%arg11 : memref<!tpu.dma_semaphore, #tpu.memory_space<semaphore_mem>>) src(%dma_wait3A_259 : memref<10240x64xf32, #tpu.memory_space<vmem_shared>>) dst(%arg9 : memref<512x64xf32, #tpu.memory_space<vmem>>)
    %add3A_260 = arith.constant 1024 : i32
    %add3A_261 = arith.addi %mul3A_2, %add3A_260 : i32
    %dma_start3A_262 = arith.constant 64 : i32
    %dma_start3A_263 = tpu.memref_slice %arg5[%add3A_261, %dma_start3A_262] : memref<163840x128xf32, #tpu.memory_space<hbm>> -> memref<512x64xf32, #tpu.memory_space<hbm>>
    %dma_start3A_264 = arith.constant 64 : i32
    %dma_start3A_265 = tpu.memref_slice %arg5[%add3A_261, %dma_start3A_264] : memref<163840x128xf32, #tpu.memory_space<hbm>> -> memref<512x64xf32, #tpu.memory_space<hbm>>
    tpu.enqueue_dma source(%arg9 : memref<512x64xf32, #tpu.memory_space<vmem>>) target(%dma_start3A_265 : memref<512x64xf32, #tpu.memory_space<hbm>>) target_semaphore(%arg13 : memref<!tpu.dma_semaphore, #tpu.memory_space<semaphore_mem>>)
    %dma_wait3A_266 = arith.constant 64 : i32
    %dma_wait3A_267 = tpu.memref_slice %arg5[%add3A_261, %dma_wait3A_266] : memref<163840x128xf32, #tpu.memory_space<hbm>> -> memref<512x64xf32, #tpu.memory_space<hbm>>
    %dma_wait3A_268 = arith.constant 64 : i32
    %dma_wait3A_269 = tpu.memref_slice %arg5[%add3A_261, %dma_wait3A_268] : memref<163840x128xf32, #tpu.memory_space<hbm>> -> memref<512x64xf32, #tpu.memory_space<hbm>>
    tpu.wait_dma2 semaphore(%arg13 : memref<!tpu.dma_semaphore, #tpu.memory_space<semaphore_mem>>) src(%arg9 : memref<512x64xf32, #tpu.memory_space<vmem>>) dst(%dma_wait3A_269 : memref<512x64xf32, #tpu.memory_space<hbm>>)
    %dma_start3A_270 = arith.constant 2048 : i32
    %dma_start3A_271 = tpu.memref_slice %arg8[%dma_start3A_270] : memref<5120xi32, #tpu.memory_space<vmem>> -> memref<512xi32, #tpu.memory_space<vmem>>
    %dma_start3A_272 = arith.constant 0 : i32
    %dma_start3A_273 = arith.constant 0 : i32
    %dma_start3A_274 = tpu.memref_slice %arg6[%dma_start3A_272, %dma_start3A_273] : memref<10240x64xf32, #tpu.memory_space<vmem_shared>> -> memref<10240x64xf32, #tpu.memory_space<vmem_shared>>
    tpu.enqueue_indirect_dma source(%dma_start3A_274 : memref<10240x64xf32, #tpu.memory_space<vmem_shared>>) target(%arg9 : memref<512x64xf32, #tpu.memory_space<vmem>>) offsets(%dma_start3A_271 : memref<512xi32, #tpu.memory_space<vmem>>) semaphore(%arg11 : memref<!tpu.dma_semaphore, #tpu.memory_space<semaphore_mem>>)
    %dma_wait3A_275 = arith.constant 1536 : i32
    %dma_wait3A_276 = tpu.memref_slice %arg8[%dma_wait3A_275] : memref<5120xi32, #tpu.memory_space<vmem>> -> memref<512xi32, #tpu.memory_space<vmem>>
    %dma_wait3A_277 = arith.constant 0 : i32
    %dma_wait3A_278 = arith.constant 0 : i32
    %dma_wait3A_279 = tpu.memref_slice %arg6[%dma_wait3A_277, %dma_wait3A_278] : memref<10240x64xf32, #tpu.memory_space<vmem_shared>> -> memref<10240x64xf32, #tpu.memory_space<vmem_shared>>
    tpu.wait_indirect_dma semaphore(%arg12 : memref<!tpu.dma_semaphore, #tpu.memory_space<semaphore_mem>>) src(%dma_wait3A_279 : memref<10240x64xf32, #tpu.memory_space<vmem_shared>>) dst(%arg10 : memref<512x64xf32, #tpu.memory_space<vmem>>)
    %add3A_280 = arith.constant 1536 : i32
    %add3A_281 = arith.addi %mul3A_2, %add3A_280 : i32
    %dma_start3A_282 = arith.constant 64 : i32
    %dma_start3A_283 = tpu.memref_slice %arg5[%add3A_281, %dma_start3A_282] : memref<163840x128xf32, #tpu.memory_space<hbm>> -> memref<512x64xf32, #tpu.memory_space<hbm>>
    %dma_start3A_284 = arith.constant 64 : i32
    %dma_start3A_285 = tpu.memref_slice %arg5[%add3A_281, %dma_start3A_284] : memref<163840x128xf32, #tpu.memory_space<hbm>> -> memref<512x64xf32, #tpu.memory_space<hbm>>
    tpu.enqueue_dma source(%arg10 : memref<512x64xf32, #tpu.memory_space<vmem>>) target(%dma_start3A_285 : memref<512x64xf32, #tpu.memory_space<hbm>>) target_semaphore(%arg14 : memref<!tpu.dma_semaphore, #tpu.memory_space<semaphore_mem>>)
    %dma_wait3A_286 = arith.constant 64 : i32
    %dma_wait3A_287 = tpu.memref_slice %arg5[%add3A_281, %dma_wait3A_286] : memref<163840x128xf32, #tpu.memory_space<hbm>> -> memref<512x64xf32, #tpu.memory_space<hbm>>
    %dma_wait3A_288 = arith.constant 64 : i32
    %dma_wait3A_289 = tpu.memref_slice %arg5[%add3A_281, %dma_wait3A_288] : memref<163840x128xf32, #tpu.memory_space<hbm>> -> memref<512x64xf32, #tpu.memory_space<hbm>>
    tpu.wait_dma2 semaphore(%arg14 : memref<!tpu.dma_semaphore, #tpu.memory_space<semaphore_mem>>) src(%arg10 : memref<512x64xf32, #tpu.memory_space<vmem>>) dst(%dma_wait3A_289 : memref<512x64xf32, #tpu.memory_space<hbm>>)
    %dma_start3A_290 = arith.constant 2560 : i32
    %dma_start3A_291 = tpu.memref_slice %arg8[%dma_start3A_290] : memref<5120xi32, #tpu.memory_space<vmem>> -> memref<512xi32, #tpu.memory_space<vmem>>
    %dma_start3A_292 = arith.constant 0 : i32
    %dma_start3A_293 = arith.constant 0 : i32
    %dma_start3A_294 = tpu.memref_slice %arg6[%dma_start3A_292, %dma_start3A_293] : memref<10240x64xf32, #tpu.memory_space<vmem_shared>> -> memref<10240x64xf32, #tpu.memory_space<vmem_shared>>
    tpu.enqueue_indirect_dma source(%dma_start3A_294 : memref<10240x64xf32, #tpu.memory_space<vmem_shared>>) target(%arg10 : memref<512x64xf32, #tpu.memory_space<vmem>>) offsets(%dma_start3A_291 : memref<512xi32, #tpu.memory_space<vmem>>) semaphore(%arg12 : memref<!tpu.dma_semaphore, #tpu.memory_space<semaphore_mem>>)
    %dma_wait3A_295 = arith.constant 2048 : i32
    %dma_wait3A_296 = tpu.memref_slice %arg8[%dma_wait3A_295] : memref<5120xi32, #tpu.memory_space<vmem>> -> memref<512xi32, #tpu.memory_space<vmem>>
    %dma_wait3A_297 = arith.constant 0 : i32
    %dma_wait3A_298 = arith.constant 0 : i32
    %dma_wait3A_299 = tpu.memref_slice %arg6[%dma_wait3A_297, %dma_wait3A_298] : memref<10240x64xf32, #tpu.memory_space<vmem_shared>> -> memref<10240x64xf32, #tpu.memory_space<vmem_shared>>
    tpu.wait_indirect_dma semaphore(%arg11 : memref<!tpu.dma_semaphore, #tpu.memory_space<semaphore_mem>>) src(%dma_wait3A_299 : memref<10240x64xf32, #tpu.memory_space<vmem_shared>>) dst(%arg9 : memref<512x64xf32, #tpu.memory_space<vmem>>)
    %add3A_300 = arith.constant 2048 : i32
    %add3A_301 = arith.addi %mul3A_2, %add3A_300 : i32
    %dma_start3A_302 = arith.constant 64 : i32
    %dma_start3A_303 = tpu.memref_slice %arg5[%add3A_301, %dma_start3A_302] : memref<163840x128xf32, #tpu.memory_space<hbm>> -> memref<512x64xf32, #tpu.memory_space<hbm>>
    %dma_start3A_304 = arith.constant 64 : i32
    %dma_start3A_305 = tpu.memref_slice %arg5[%add3A_301, %dma_start3A_304] : memref<163840x128xf32, #tpu.memory_space<hbm>> -> memref<512x64xf32, #tpu.memory_space<hbm>>
    tpu.enqueue_dma source(%arg9 : memref<512x64xf32, #tpu.memory_space<vmem>>) target(%dma_start3A_305 : memref<512x64xf32, #tpu.memory_space<hbm>>) target_semaphore(%arg13 : memref<!tpu.dma_semaphore, #tpu.memory_space<semaphore_mem>>)
    %dma_wait3A_306 = arith.constant 64 : i32
    %dma_wait3A_307 = tpu.memref_slice %arg5[%add3A_301, %dma_wait3A_306] : memref<163840x128xf32, #tpu.memory_space<hbm>> -> memref<512x64xf32, #tpu.memory_space<hbm>>
    %dma_wait3A_308 = arith.constant 64 : i32
    %dma_wait3A_309 = tpu.memref_slice %arg5[%add3A_301, %dma_wait3A_308] : memref<163840x128xf32, #tpu.memory_space<hbm>> -> memref<512x64xf32, #tpu.memory_space<hbm>>
    tpu.wait_dma2 semaphore(%arg13 : memref<!tpu.dma_semaphore, #tpu.memory_space<semaphore_mem>>) src(%arg9 : memref<512x64xf32, #tpu.memory_space<vmem>>) dst(%dma_wait3A_309 : memref<512x64xf32, #tpu.memory_space<hbm>>)
    %dma_start3A_310 = arith.constant 3072 : i32
    %dma_start3A_311 = tpu.memref_slice %arg8[%dma_start3A_310] : memref<5120xi32, #tpu.memory_space<vmem>> -> memref<512xi32, #tpu.memory_space<vmem>>
    %dma_start3A_312 = arith.constant 0 : i32
    %dma_start3A_313 = arith.constant 0 : i32
    %dma_start3A_314 = tpu.memref_slice %arg6[%dma_start3A_312, %dma_start3A_313] : memref<10240x64xf32, #tpu.memory_space<vmem_shared>> -> memref<10240x64xf32, #tpu.memory_space<vmem_shared>>
    tpu.enqueue_indirect_dma source(%dma_start3A_314 : memref<10240x64xf32, #tpu.memory_space<vmem_shared>>) target(%arg9 : memref<512x64xf32, #tpu.memory_space<vmem>>) offsets(%dma_start3A_311 : memref<512xi32, #tpu.memory_space<vmem>>) semaphore(%arg11 : memref<!tpu.dma_semaphore, #tpu.memory_space<semaphore_mem>>)
    %dma_wait3A_315 = arith.constant 2560 : i32
    %dma_wait3A_316 = tpu.memref_slice %arg8[%dma_wait3A_315] : memref<5120xi32, #tpu.memory_space<vmem>> -> memref<512xi32, #tpu.memory_space<vmem>>
    %dma_wait3A_317 = arith.constant 0 : i32
    %dma_wait3A_318 = arith.constant 0 : i32
    %dma_wait3A_319 = tpu.memref_slice %arg6[%dma_wait3A_317, %dma_wait3A_318] : memref<10240x64xf32, #tpu.memory_space<vmem_shared>> -> memref<10240x64xf32, #tpu.memory_space<vmem_shared>>
    tpu.wait_indirect_dma semaphore(%arg12 : memref<!tpu.dma_semaphore, #tpu.memory_space<semaphore_mem>>) src(%dma_wait3A_319 : memref<10240x64xf32, #tpu.memory_space<vmem_shared>>) dst(%arg10 : memref<512x64xf32, #tpu.memory_space<vmem>>)
    %add3A_320 = arith.constant 2560 : i32
    %add3A_321 = arith.addi %mul3A_2, %add3A_320 : i32
    %dma_start3A_322 = arith.constant 64 : i32
    %dma_start3A_323 = tpu.memref_slice %arg5[%add3A_321, %dma_start3A_322] : memref<163840x128xf32, #tpu.memory_space<hbm>> -> memref<512x64xf32, #tpu.memory_space<hbm>>
    %dma_start3A_324 = arith.constant 64 : i32
    %dma_start3A_325 = tpu.memref_slice %arg5[%add3A_321, %dma_start3A_324] : memref<163840x128xf32, #tpu.memory_space<hbm>> -> memref<512x64xf32, #tpu.memory_space<hbm>>
    tpu.enqueue_dma source(%arg10 : memref<512x64xf32, #tpu.memory_space<vmem>>) target(%dma_start3A_325 : memref<512x64xf32, #tpu.memory_space<hbm>>) target_semaphore(%arg14 : memref<!tpu.dma_semaphore, #tpu.memory_space<semaphore_mem>>)
    %dma_wait3A_326 = arith.constant 64 : i32
    %dma_wait3A_327 = tpu.memref_slice %arg5[%add3A_321, %dma_wait3A_326] : memref<163840x128xf32, #tpu.memory_space<hbm>> -> memref<512x64xf32, #tpu.memory_space<hbm>>
    %dma_wait3A_328 = arith.constant 64 : i32
    %dma_wait3A_329 = tpu.memref_slice %arg5[%add3A_321, %dma_wait3A_328] : memref<163840x128xf32, #tpu.memory_space<hbm>> -> memref<512x64xf32, #tpu.memory_space<hbm>>
    tpu.wait_dma2 semaphore(%arg14 : memref<!tpu.dma_semaphore, #tpu.memory_space<semaphore_mem>>) src(%arg10 : memref<512x64xf32, #tpu.memory_space<vmem>>) dst(%dma_wait3A_329 : memref<512x64xf32, #tpu.memory_space<hbm>>)
    %dma_start3A_330 = arith.constant 3584 : i32
    %dma_start3A_331 = tpu.memref_slice %arg8[%dma_start3A_330] : memref<5120xi32, #tpu.memory_space<vmem>> -> memref<512xi32, #tpu.memory_space<vmem>>
    %dma_start3A_332 = arith.constant 0 : i32
    %dma_start3A_333 = arith.constant 0 : i32
    %dma_start3A_334 = tpu.memref_slice %arg6[%dma_start3A_332, %dma_start3A_333] : memref<10240x64xf32, #tpu.memory_space<vmem_shared>> -> memref<10240x64xf32, #tpu.memory_space<vmem_shared>>
    tpu.enqueue_indirect_dma source(%dma_start3A_334 : memref<10240x64xf32, #tpu.memory_space<vmem_shared>>) target(%arg10 : memref<512x64xf32, #tpu.memory_space<vmem>>) offsets(%dma_start3A_331 : memref<512xi32, #tpu.memory_space<vmem>>) semaphore(%arg12 : memref<!tpu.dma_semaphore, #tpu.memory_space<semaphore_mem>>)
    %dma_wait3A_335 = arith.constant 3072 : i32
    %dma_wait3A_336 = tpu.memref_slice %arg8[%dma_wait3A_335] : memref<5120xi32, #tpu.memory_space<vmem>> -> memref<512xi32, #tpu.memory_space<vmem>>
    %dma_wait3A_337 = arith.constant 0 : i32
    %dma_wait3A_338 = arith.constant 0 : i32
    %dma_wait3A_339 = tpu.memref_slice %arg6[%dma_wait3A_337, %dma_wait3A_338] : memref<10240x64xf32, #tpu.memory_space<vmem_shared>> -> memref<10240x64xf32, #tpu.memory_space<vmem_shared>>
    tpu.wait_indirect_dma semaphore(%arg11 : memref<!tpu.dma_semaphore, #tpu.memory_space<semaphore_mem>>) src(%dma_wait3A_339 : memref<10240x64xf32, #tpu.memory_space<vmem_shared>>) dst(%arg9 : memref<512x64xf32, #tpu.memory_space<vmem>>)
    %add3A_340 = arith.constant 3072 : i32
    %add3A_341 = arith.addi %mul3A_2, %add3A_340 : i32
    %dma_start3A_342 = arith.constant 64 : i32
    %dma_start3A_343 = tpu.memref_slice %arg5[%add3A_341, %dma_start3A_342] : memref<163840x128xf32, #tpu.memory_space<hbm>> -> memref<512x64xf32, #tpu.memory_space<hbm>>
    %dma_start3A_344 = arith.constant 64 : i32
    %dma_start3A_345 = tpu.memref_slice %arg5[%add3A_341, %dma_start3A_344] : memref<163840x128xf32, #tpu.memory_space<hbm>> -> memref<512x64xf32, #tpu.memory_space<hbm>>
    tpu.enqueue_dma source(%arg9 : memref<512x64xf32, #tpu.memory_space<vmem>>) target(%dma_start3A_345 : memref<512x64xf32, #tpu.memory_space<hbm>>) target_semaphore(%arg13 : memref<!tpu.dma_semaphore, #tpu.memory_space<semaphore_mem>>)
    %dma_wait3A_346 = arith.constant 64 : i32
    %dma_wait3A_347 = tpu.memref_slice %arg5[%add3A_341, %dma_wait3A_346] : memref<163840x128xf32, #tpu.memory_space<hbm>> -> memref<512x64xf32, #tpu.memory_space<hbm>>
    %dma_wait3A_348 = arith.constant 64 : i32
    %dma_wait3A_349 = tpu.memref_slice %arg5[%add3A_341, %dma_wait3A_348] : memref<163840x128xf32, #tpu.memory_space<hbm>> -> memref<512x64xf32, #tpu.memory_space<hbm>>
    tpu.wait_dma2 semaphore(%arg13 : memref<!tpu.dma_semaphore, #tpu.memory_space<semaphore_mem>>) src(%arg9 : memref<512x64xf32, #tpu.memory_space<vmem>>) dst(%dma_wait3A_349 : memref<512x64xf32, #tpu.memory_space<hbm>>)
    %dma_start3A_350 = arith.constant 4096 : i32
    %dma_start3A_351 = tpu.memref_slice %arg8[%dma_start3A_350] : memref<5120xi32, #tpu.memory_space<vmem>> -> memref<512xi32, #tpu.memory_space<vmem>>
    %dma_start3A_352 = arith.constant 0 : i32
    %dma_start3A_353 = arith.constant 0 : i32
    %dma_start3A_354 = tpu.memref_slice %arg6[%dma_start3A_352, %dma_start3A_353] : memref<10240x64xf32, #tpu.memory_space<vmem_shared>> -> memref<10240x64xf32, #tpu.memory_space<vmem_shared>>
    tpu.enqueue_indirect_dma source(%dma_start3A_354 : memref<10240x64xf32, #tpu.memory_space<vmem_shared>>) target(%arg9 : memref<512x64xf32, #tpu.memory_space<vmem>>) offsets(%dma_start3A_351 : memref<512xi32, #tpu.memory_space<vmem>>) semaphore(%arg11 : memref<!tpu.dma_semaphore, #tpu.memory_space<semaphore_mem>>)
    %dma_wait3A_355 = arith.constant 3584 : i32
    %dma_wait3A_356 = tpu.memref_slice %arg8[%dma_wait3A_355] : memref<5120xi32, #tpu.memory_space<vmem>> -> memref<512xi32, #tpu.memory_space<vmem>>
    %dma_wait3A_357 = arith.constant 0 : i32
    %dma_wait3A_358 = arith.constant 0 : i32
    %dma_wait3A_359 = tpu.memref_slice %arg6[%dma_wait3A_357, %dma_wait3A_358] : memref<10240x64xf32, #tpu.memory_space<vmem_shared>> -> memref<10240x64xf32, #tpu.memory_space<vmem_shared>>
    tpu.wait_indirect_dma semaphore(%arg12 : memref<!tpu.dma_semaphore, #tpu.memory_space<semaphore_mem>>) src(%dma_wait3A_359 : memref<10240x64xf32, #tpu.memory_space<vmem_shared>>) dst(%arg10 : memref<512x64xf32, #tpu.memory_space<vmem>>)
    %add3A_360 = arith.constant 3584 : i32
    %add3A_361 = arith.addi %mul3A_2, %add3A_360 : i32
    %dma_start3A_362 = arith.constant 64 : i32
    %dma_start3A_363 = tpu.memref_slice %arg5[%add3A_361, %dma_start3A_362] : memref<163840x128xf32, #tpu.memory_space<hbm>> -> memref<512x64xf32, #tpu.memory_space<hbm>>
    %dma_start3A_364 = arith.constant 64 : i32
    %dma_start3A_365 = tpu.memref_slice %arg5[%add3A_361, %dma_start3A_364] : memref<163840x128xf32, #tpu.memory_space<hbm>> -> memref<512x64xf32, #tpu.memory_space<hbm>>
    tpu.enqueue_dma source(%arg10 : memref<512x64xf32, #tpu.memory_space<vmem>>) target(%dma_start3A_365 : memref<512x64xf32, #tpu.memory_space<hbm>>) target_semaphore(%arg14 : memref<!tpu.dma_semaphore, #tpu.memory_space<semaphore_mem>>)
    %dma_wait3A_366 = arith.constant 64 : i32
    %dma_wait3A_367 = tpu.memref_slice %arg5[%add3A_361, %dma_wait3A_366] : memref<163840x128xf32, #tpu.memory_space<hbm>> -> memref<512x64xf32, #tpu.memory_space<hbm>>
    %dma_wait3A_368 = arith.constant 64 : i32
    %dma_wait3A_369 = tpu.memref_slice %arg5[%add3A_361, %dma_wait3A_368] : memref<163840x128xf32, #tpu.memory_space<hbm>> -> memref<512x64xf32, #tpu.memory_space<hbm>>
    tpu.wait_dma2 semaphore(%arg14 : memref<!tpu.dma_semaphore, #tpu.memory_space<semaphore_mem>>) src(%arg10 : memref<512x64xf32, #tpu.memory_space<vmem>>) dst(%dma_wait3A_369 : memref<512x64xf32, #tpu.memory_space<hbm>>)
    %dma_start3A_370 = arith.constant 4608 : i32
    %dma_start3A_371 = tpu.memref_slice %arg8[%dma_start3A_370] : memref<5120xi32, #tpu.memory_space<vmem>> -> memref<512xi32, #tpu.memory_space<vmem>>
    %dma_start3A_372 = arith.constant 0 : i32
    %dma_start3A_373 = arith.constant 0 : i32
    %dma_start3A_374 = tpu.memref_slice %arg6[%dma_start3A_372, %dma_start3A_373] : memref<10240x64xf32, #tpu.memory_space<vmem_shared>> -> memref<10240x64xf32, #tpu.memory_space<vmem_shared>>
    tpu.enqueue_indirect_dma source(%dma_start3A_374 : memref<10240x64xf32, #tpu.memory_space<vmem_shared>>) target(%arg10 : memref<512x64xf32, #tpu.memory_space<vmem>>) offsets(%dma_start3A_371 : memref<512xi32, #tpu.memory_space<vmem>>) semaphore(%arg12 : memref<!tpu.dma_semaphore, #tpu.memory_space<semaphore_mem>>)
    %dma_wait3A_375 = arith.constant 4096 : i32
    %dma_wait3A_376 = tpu.memref_slice %arg8[%dma_wait3A_375] : memref<5120xi32, #tpu.memory_space<vmem>> -> memref<512xi32, #tpu.memory_space<vmem>>
    %dma_wait3A_377 = arith.constant 0 : i32
    %dma_wait3A_378 = arith.constant 0 : i32
    %dma_wait3A_379 = tpu.memref_slice %arg6[%dma_wait3A_377, %dma_wait3A_378] : memref<10240x64xf32, #tpu.memory_space<vmem_shared>> -> memref<10240x64xf32, #tpu.memory_space<vmem_shared>>
    tpu.wait_indirect_dma semaphore(%arg11 : memref<!tpu.dma_semaphore, #tpu.memory_space<semaphore_mem>>) src(%dma_wait3A_379 : memref<10240x64xf32, #tpu.memory_space<vmem_shared>>) dst(%arg9 : memref<512x64xf32, #tpu.memory_space<vmem>>)
    %add3A_380 = arith.constant 4096 : i32
    %add3A_381 = arith.addi %mul3A_2, %add3A_380 : i32
    %dma_start3A_382 = arith.constant 64 : i32
    %dma_start3A_383 = tpu.memref_slice %arg5[%add3A_381, %dma_start3A_382] : memref<163840x128xf32, #tpu.memory_space<hbm>> -> memref<512x64xf32, #tpu.memory_space<hbm>>
    %dma_start3A_384 = arith.constant 64 : i32
    %dma_start3A_385 = tpu.memref_slice %arg5[%add3A_381, %dma_start3A_384] : memref<163840x128xf32, #tpu.memory_space<hbm>> -> memref<512x64xf32, #tpu.memory_space<hbm>>
    tpu.enqueue_dma source(%arg9 : memref<512x64xf32, #tpu.memory_space<vmem>>) target(%dma_start3A_385 : memref<512x64xf32, #tpu.memory_space<hbm>>) target_semaphore(%arg13 : memref<!tpu.dma_semaphore, #tpu.memory_space<semaphore_mem>>)
    %dma_wait3A_386 = arith.constant 4608 : i32
    %dma_wait3A_387 = tpu.memref_slice %arg8[%dma_wait3A_386] : memref<5120xi32, #tpu.memory_space<vmem>> -> memref<512xi32, #tpu.memory_space<vmem>>
    %dma_wait3A_388 = arith.constant 0 : i32
    %dma_wait3A_389 = arith.constant 0 : i32
    %dma_wait3A_390 = tpu.memref_slice %arg6[%dma_wait3A_388, %dma_wait3A_389] : memref<10240x64xf32, #tpu.memory_space<vmem_shared>> -> memref<10240x64xf32, #tpu.memory_space<vmem_shared>>
    tpu.wait_indirect_dma semaphore(%arg12 : memref<!tpu.dma_semaphore, #tpu.memory_space<semaphore_mem>>) src(%dma_wait3A_390 : memref<10240x64xf32, #tpu.memory_space<vmem_shared>>) dst(%arg10 : memref<512x64xf32, #tpu.memory_space<vmem>>)
    %add3A_391 = arith.constant 4608 : i32
    %add3A_392 = arith.addi %mul3A_2, %add3A_391 : i32
    %dma_start3A_393 = arith.constant 64 : i32
    %dma_start3A_394 = tpu.memref_slice %arg5[%add3A_392, %dma_start3A_393] : memref<163840x128xf32, #tpu.memory_space<hbm>> -> memref<512x64xf32, #tpu.memory_space<hbm>>
    %dma_start3A_395 = arith.constant 64 : i32
    %dma_start3A_396 = tpu.memref_slice %arg5[%add3A_392, %dma_start3A_395] : memref<163840x128xf32, #tpu.memory_space<hbm>> -> memref<512x64xf32, #tpu.memory_space<hbm>>
    tpu.enqueue_dma source(%arg10 : memref<512x64xf32, #tpu.memory_space<vmem>>) target(%dma_start3A_396 : memref<512x64xf32, #tpu.memory_space<hbm>>) target_semaphore(%arg14 : memref<!tpu.dma_semaphore, #tpu.memory_space<semaphore_mem>>)
    %dma_wait3A_397 = arith.constant 64 : i32
    %dma_wait3A_398 = tpu.memref_slice %arg5[%add3A_381, %dma_wait3A_397] : memref<163840x128xf32, #tpu.memory_space<hbm>> -> memref<512x64xf32, #tpu.memory_space<hbm>>
    %dma_wait3A_399 = arith.constant 64 : i32
    %dma_wait3A_400 = tpu.memref_slice %arg5[%add3A_381, %dma_wait3A_399] : memref<163840x128xf32, #tpu.memory_space<hbm>> -> memref<512x64xf32, #tpu.memory_space<hbm>>
    tpu.wait_dma2 semaphore(%arg13 : memref<!tpu.dma_semaphore, #tpu.memory_space<semaphore_mem>>) src(%arg9 : memref<512x64xf32, #tpu.memory_space<vmem>>) dst(%dma_wait3A_400 : memref<512x64xf32, #tpu.memory_space<hbm>>)
    %dma_wait3A_401 = arith.constant 64 : i32
    %dma_wait3A_402 = tpu.memref_slice %arg5[%add3A_392, %dma_wait3A_401] : memref<163840x128xf32, #tpu.memory_space<hbm>> -> memref<512x64xf32, #tpu.memory_space<hbm>>
    %dma_wait3A_403 = arith.constant 64 : i32
    %dma_wait3A_404 = tpu.memref_slice %arg5[%add3A_392, %dma_wait3A_403] : memref<163840x128xf32, #tpu.memory_space<hbm>> -> memref<512x64xf32, #tpu.memory_space<hbm>>
    tpu.wait_dma2 semaphore(%arg14 : memref<!tpu.dma_semaphore, #tpu.memory_space<semaphore_mem>>) src(%arg10 : memref<512x64xf32, #tpu.memory_space<vmem>>) dst(%dma_wait3A_404 : memref<512x64xf32, #tpu.memory_space<hbm>>)
    return
  }
}

#map = affine_map<(d0, d1) -> (0, 0)>
#map1 = affine_map<(d0, d1) -> (0)>
module attributes {stable_mosaic.version = 14 : i64} {
  func.func @_sc_scatter(%arg0: i32, %arg1: i32, %arg2: memref<81920x128xf32, #tpu.memory_space<hbm>>, %arg3: memref<81920xi32, #tpu.memory_space<hbm>>, %arg4: memref<81920xi32, #tpu.memory_space<hbm>>, %arg5: memref<10240x64xf32, #tpu.memory_space<hbm>>, %arg6: memref<10240x128xf32, #tpu.memory_space<hbm>>, %arg7: memref<10240x64xf32, #tpu.memory_space<vmem_shared>>, %arg8: memref<512xi32, #tpu.memory_space<vmem>>, %arg9: memref<512xi32, #tpu.memory_space<vmem>>, %arg10: memref<512x64xf32, #tpu.memory_space<vmem>>, %arg11: memref<512x64xf32, #tpu.memory_space<vmem>>, %arg12: memref<!tpu.dma_semaphore, #tpu.memory_space<semaphore_mem>>, %arg13: memref<!tpu.dma_semaphore, #tpu.memory_space<semaphore_mem>>, %arg14: memref<!tpu.dma_semaphore, #tpu.memory_space<semaphore_mem>>, %arg15: memref<!tpu.dma_semaphore, #tpu.memory_space<semaphore_mem>>) attributes {dimension_semantics = [#tpu.dimension_semantics<core_parallel>, #tpu.dimension_semantics<subcore_parallel>], iteration_bounds = array<i64: 2, 16>, scalar_prefetch = 0 : i64, scratch_operands = 9 : i64, tpu.core_type = #tpu.core_type<sc_vector_subcore>, window_params = [{transform_indices = #map}, {transform_indices = #map1}, {transform_indices = #map1}, {transform_indices = #map}, {transform_indices = #map}]} {
    %mul3A = arith.constant 640 : i32
    %mul3A_0 = arith.muli %arg1, %mul3A : i32
    %mul3A_1 = arith.constant 640 : i32
    %mul3A_2 = arith.muli %arg1, %mul3A_1 : i32
    "tpu.region"() ({
      %run_scoped3A = tpu.sem_alloc : memref<!tpu.dma_semaphore, #tpu.memory_space<semaphore_mem>>
      %dma_start3A = arith.constant 0 : i32
      %dma_start3A_19 = tpu.memref_slice %arg7[%mul3A_2, %dma_start3A] : memref<10240x64xf32, #tpu.memory_space<vmem_shared>> -> memref<640x64xf32, #tpu.memory_space<vmem_shared>>
      %dma_start3A_20 = arith.constant 0 : i32
      %dma_start3A_21 = tpu.memref_slice %arg5[%mul3A_0, %dma_start3A_20] : memref<10240x64xf32, #tpu.memory_space<hbm>> -> memref<640x64xf32, #tpu.memory_space<hbm>>
      tpu.enqueue_dma source(%dma_start3A_21 : memref<640x64xf32, #tpu.memory_space<hbm>>) target(%dma_start3A_19 : memref<640x64xf32, #tpu.memory_space<vmem_shared>>) target_semaphore(%run_scoped3A : memref<!tpu.dma_semaphore, #tpu.memory_space<semaphore_mem>>)
      %dma_wait3A = arith.constant 0 : i32
      %dma_wait3A_22 = tpu.memref_slice %arg7[%mul3A_2, %dma_wait3A] : memref<10240x64xf32, #tpu.memory_space<vmem_shared>> -> memref<640x64xf32, #tpu.memory_space<vmem_shared>>
      %dma_wait3A_23 = arith.constant 0 : i32
      %dma_wait3A_24 = tpu.memref_slice %arg5[%mul3A_0, %dma_wait3A_23] : memref<10240x64xf32, #tpu.memory_space<hbm>> -> memref<640x64xf32, #tpu.memory_space<hbm>>
      tpu.wait_dma2 semaphore(%run_scoped3A : memref<!tpu.dma_semaphore, #tpu.memory_space<semaphore_mem>>) src(%dma_wait3A_24 : memref<640x64xf32, #tpu.memory_space<hbm>>) dst(%dma_wait3A_22 : memref<640x64xf32, #tpu.memory_space<vmem_shared>>)
      tpu.yield
    }) : () -> ()
    %barrier3A = arith.constant 0 : index
    tpu.barrier barrier_id(%barrier3A)
    %mul3A_3 = arith.constant 40960 : i32
    %mul3A_4 = arith.muli %arg0, %mul3A_3 : i32
    %mul3A_5 = arith.constant 2560 : i32
    %mul3A_6 = arith.muli %arg1, %mul3A_5 : i32
    %add3A = arith.addi %mul3A_4, %mul3A_6 : i32
    %scan3A = arith.constant 0 : i32
    %scan3A_7 = arith.constant 0 : i32
    %scan3A_8 = arith.constant 5 : i32
    %scan3A_9 = arith.addi %scan3A_7, %scan3A_8 : i32
    %scan3A_10 = arith.constant 1 : i32
    scf.for %scan3A_19 = %scan3A_7 to %scan3A_9 step %scan3A_10  : i32 {
      %mul3A_20 = arith.constant 512 : i32
      %mul3A_21 = arith.muli %scan3A_19, %mul3A_20 : i32
      %add3A_22 = arith.addi %add3A, %mul3A_21 : i32
      %dma_start3A = tpu.memref_slice %arg3[%add3A_22] : memref<81920xi32, #tpu.memory_space<hbm>> -> memref<512xi32, #tpu.memory_space<hbm>>
      %dma_start3A_23 = tpu.memref_slice %arg3[%add3A_22] : memref<81920xi32, #tpu.memory_space<hbm>> -> memref<512xi32, #tpu.memory_space<hbm>>
      tpu.enqueue_dma source(%dma_start3A_23 : memref<512xi32, #tpu.memory_space<hbm>>) target(%arg8 : memref<512xi32, #tpu.memory_space<vmem>>) target_semaphore(%arg12 : memref<!tpu.dma_semaphore, #tpu.memory_space<semaphore_mem>>)
      %dma_start3A_24 = tpu.memref_slice %arg4[%add3A_22] : memref<81920xi32, #tpu.memory_space<hbm>> -> memref<512xi32, #tpu.memory_space<hbm>>
      %dma_start3A_25 = tpu.memref_slice %arg4[%add3A_22] : memref<81920xi32, #tpu.memory_space<hbm>> -> memref<512xi32, #tpu.memory_space<hbm>>
      tpu.enqueue_dma source(%dma_start3A_25 : memref<512xi32, #tpu.memory_space<hbm>>) target(%arg9 : memref<512xi32, #tpu.memory_space<vmem>>) target_semaphore(%arg13 : memref<!tpu.dma_semaphore, #tpu.memory_space<semaphore_mem>>)
      %dma_start3A_26 = arith.constant 0 : i32
      %dma_start3A_27 = tpu.memref_slice %arg2[%add3A_22, %dma_start3A_26] : memref<81920x128xf32, #tpu.memory_space<hbm>> -> memref<512x64xf32, #tpu.memory_space<hbm>>
      %dma_start3A_28 = arith.constant 0 : i32
      %dma_start3A_29 = tpu.memref_slice %arg2[%add3A_22, %dma_start3A_28] : memref<81920x128xf32, #tpu.memory_space<hbm>> -> memref<512x64xf32, #tpu.memory_space<hbm>>
      tpu.enqueue_dma source(%dma_start3A_29 : memref<512x64xf32, #tpu.memory_space<hbm>>) target(%arg10 : memref<512x64xf32, #tpu.memory_space<vmem>>) target_semaphore(%arg14 : memref<!tpu.dma_semaphore, #tpu.memory_space<semaphore_mem>>)
      %dma_start3A_30 = arith.constant 64 : i32
      %dma_start3A_31 = tpu.memref_slice %arg2[%add3A_22, %dma_start3A_30] : memref<81920x128xf32, #tpu.memory_space<hbm>> -> memref<512x64xf32, #tpu.memory_space<hbm>>
      %dma_start3A_32 = arith.constant 64 : i32
      %dma_start3A_33 = tpu.memref_slice %arg2[%add3A_22, %dma_start3A_32] : memref<81920x128xf32, #tpu.memory_space<hbm>> -> memref<512x64xf32, #tpu.memory_space<hbm>>
      tpu.enqueue_dma source(%dma_start3A_33 : memref<512x64xf32, #tpu.memory_space<hbm>>) target(%arg11 : memref<512x64xf32, #tpu.memory_space<vmem>>) target_semaphore(%arg15 : memref<!tpu.dma_semaphore, #tpu.memory_space<semaphore_mem>>)
      %dma_wait3A = tpu.memref_slice %arg3[%add3A_22] : memref<81920xi32, #tpu.memory_space<hbm>> -> memref<512xi32, #tpu.memory_space<hbm>>
      %dma_wait3A_34 = tpu.memref_slice %arg3[%add3A_22] : memref<81920xi32, #tpu.memory_space<hbm>> -> memref<512xi32, #tpu.memory_space<hbm>>
      tpu.wait_dma2 semaphore(%arg12 : memref<!tpu.dma_semaphore, #tpu.memory_space<semaphore_mem>>) src(%dma_wait3A_34 : memref<512xi32, #tpu.memory_space<hbm>>) dst(%arg8 : memref<512xi32, #tpu.memory_space<vmem>>)
      %dma_wait3A_35 = arith.constant 0 : i32
      %dma_wait3A_36 = tpu.memref_slice %arg2[%add3A_22, %dma_wait3A_35] : memref<81920x128xf32, #tpu.memory_space<hbm>> -> memref<512x64xf32, #tpu.memory_space<hbm>>
      %dma_wait3A_37 = arith.constant 0 : i32
      %dma_wait3A_38 = tpu.memref_slice %arg2[%add3A_22, %dma_wait3A_37] : memref<81920x128xf32, #tpu.memory_space<hbm>> -> memref<512x64xf32, #tpu.memory_space<hbm>>
      tpu.wait_dma2 semaphore(%arg14 : memref<!tpu.dma_semaphore, #tpu.memory_space<semaphore_mem>>) src(%dma_wait3A_38 : memref<512x64xf32, #tpu.memory_space<hbm>>) dst(%arg10 : memref<512x64xf32, #tpu.memory_space<vmem>>)
      "tpu.region"() ({
        %run_scoped3A = tpu.sem_alloc : memref<!tpu.dma_semaphore, #tpu.memory_space<semaphore_mem>>
        %dma_start3A_45 = arith.constant 0 : i32
        %dma_start3A_46 = arith.constant 0 : i32
        %dma_start3A_47 = tpu.memref_slice %arg7[%dma_start3A_45, %dma_start3A_46] : memref<10240x64xf32, #tpu.memory_space<vmem_shared>> -> memref<10240x64xf32, #tpu.memory_space<vmem_shared>>
        tpu.enqueue_indirect_dma source(%arg10 : memref<512x64xf32, #tpu.memory_space<vmem>>) target(%dma_start3A_47 : memref<10240x64xf32, #tpu.memory_space<vmem_shared>>) offsets(%arg8 : memref<512xi32, #tpu.memory_space<vmem>>) semaphore(%run_scoped3A : memref<!tpu.dma_semaphore, #tpu.memory_space<semaphore_mem>>) {add = true}
        %dma_wait3A_48 = arith.constant 0 : i32
        %dma_wait3A_49 = arith.constant 0 : i32
        %dma_wait3A_50 = tpu.memref_slice %arg7[%dma_wait3A_48, %dma_wait3A_49] : memref<10240x64xf32, #tpu.memory_space<vmem_shared>> -> memref<10240x64xf32, #tpu.memory_space<vmem_shared>>
        tpu.wait_indirect_dma semaphore(%run_scoped3A : memref<!tpu.dma_semaphore, #tpu.memory_space<semaphore_mem>>) src(%arg10 : memref<512x64xf32, #tpu.memory_space<vmem>>) dst(%dma_wait3A_50 : memref<10240x64xf32, #tpu.memory_space<vmem_shared>>)
        tpu.yield
      }) : () -> ()
      %dma_wait3A_39 = tpu.memref_slice %arg4[%add3A_22] : memref<81920xi32, #tpu.memory_space<hbm>> -> memref<512xi32, #tpu.memory_space<hbm>>
      %dma_wait3A_40 = tpu.memref_slice %arg4[%add3A_22] : memref<81920xi32, #tpu.memory_space<hbm>> -> memref<512xi32, #tpu.memory_space<hbm>>
      tpu.wait_dma2 semaphore(%arg13 : memref<!tpu.dma_semaphore, #tpu.memory_space<semaphore_mem>>) src(%dma_wait3A_40 : memref<512xi32, #tpu.memory_space<hbm>>) dst(%arg9 : memref<512xi32, #tpu.memory_space<vmem>>)
      %dma_wait3A_41 = arith.constant 64 : i32
      %dma_wait3A_42 = tpu.memref_slice %arg2[%add3A_22, %dma_wait3A_41] : memref<81920x128xf32, #tpu.memory_space<hbm>> -> memref<512x64xf32, #tpu.memory_space<hbm>>
      %dma_wait3A_43 = arith.constant 64 : i32
      %dma_wait3A_44 = tpu.memref_slice %arg2[%add3A_22, %dma_wait3A_43] : memref<81920x128xf32, #tpu.memory_space<hbm>> -> memref<512x64xf32, #tpu.memory_space<hbm>>
      tpu.wait_dma2 semaphore(%arg15 : memref<!tpu.dma_semaphore, #tpu.memory_space<semaphore_mem>>) src(%dma_wait3A_44 : memref<512x64xf32, #tpu.memory_space<hbm>>) dst(%arg11 : memref<512x64xf32, #tpu.memory_space<vmem>>)
      "tpu.region"() ({
        %run_scoped3A = tpu.sem_alloc : memref<!tpu.dma_semaphore, #tpu.memory_space<semaphore_mem>>
        %dma_start3A_45 = arith.constant 0 : i32
        %dma_start3A_46 = arith.constant 0 : i32
        %dma_start3A_47 = tpu.memref_slice %arg7[%dma_start3A_45, %dma_start3A_46] : memref<10240x64xf32, #tpu.memory_space<vmem_shared>> -> memref<10240x64xf32, #tpu.memory_space<vmem_shared>>
        tpu.enqueue_indirect_dma source(%arg11 : memref<512x64xf32, #tpu.memory_space<vmem>>) target(%dma_start3A_47 : memref<10240x64xf32, #tpu.memory_space<vmem_shared>>) offsets(%arg9 : memref<512xi32, #tpu.memory_space<vmem>>) semaphore(%run_scoped3A : memref<!tpu.dma_semaphore, #tpu.memory_space<semaphore_mem>>) {add = true}
        %dma_wait3A_48 = arith.constant 0 : i32
        %dma_wait3A_49 = arith.constant 0 : i32
        %dma_wait3A_50 = tpu.memref_slice %arg7[%dma_wait3A_48, %dma_wait3A_49] : memref<10240x64xf32, #tpu.memory_space<vmem_shared>> -> memref<10240x64xf32, #tpu.memory_space<vmem_shared>>
        tpu.wait_indirect_dma semaphore(%run_scoped3A : memref<!tpu.dma_semaphore, #tpu.memory_space<semaphore_mem>>) src(%arg11 : memref<512x64xf32, #tpu.memory_space<vmem>>) dst(%dma_wait3A_50 : memref<10240x64xf32, #tpu.memory_space<vmem_shared>>)
        tpu.yield
      }) : () -> ()
    }
    %scan3A_11 = arith.constant 5 : i32
    %barrier3A_12 = arith.constant 0 : index
    tpu.barrier barrier_id(%barrier3A_12)
    %mul3A_13 = arith.constant 640 : i32
    %mul3A_14 = arith.muli %arg1, %mul3A_13 : i32
    %mul3A_15 = arith.constant 640 : i32
    %mul3A_16 = arith.muli %arg1, %mul3A_15 : i32
    %mul3A_17 = arith.constant 64 : i32
    %mul3A_18 = arith.muli %arg0, %mul3A_17 : i32
    "tpu.region"() ({
      %run_scoped3A = tpu.sem_alloc : memref<!tpu.dma_semaphore, #tpu.memory_space<semaphore_mem>>
      %dma_start3A = tpu.memref_slice %arg6[%mul3A_16, %mul3A_18] : memref<10240x128xf32, #tpu.memory_space<hbm>> -> memref<640x64xf32, #tpu.memory_space<hbm>>
      %dma_start3A_19 = arith.constant 0 : i32
      %dma_start3A_20 = tpu.memref_slice %arg7[%mul3A_14, %dma_start3A_19] : memref<10240x64xf32, #tpu.memory_space<vmem_shared>> -> memref<640x64xf32, #tpu.memory_space<vmem_shared>>
      tpu.enqueue_dma source(%dma_start3A_20 : memref<640x64xf32, #tpu.memory_space<vmem_shared>>) target(%dma_start3A : memref<640x64xf32, #tpu.memory_space<hbm>>) target_semaphore(%run_scoped3A : memref<!tpu.dma_semaphore, #tpu.memory_space<semaphore_mem>>)
      %dma_wait3A = tpu.memref_slice %arg6[%mul3A_16, %mul3A_18] : memref<10240x128xf32, #tpu.memory_space<hbm>> -> memref<640x64xf32, #tpu.memory_space<hbm>>
      %dma_wait3A_21 = arith.constant 0 : i32
      %dma_wait3A_22 = tpu.memref_slice %arg7[%mul3A_14, %dma_wait3A_21] : memref<10240x64xf32, #tpu.memory_space<vmem_shared>> -> memref<640x64xf32, #tpu.memory_space<vmem_shared>>
      tpu.wait_dma2 semaphore(%run_scoped3A : memref<!tpu.dma_semaphore, #tpu.memory_space<semaphore_mem>>) src(%dma_wait3A_22 : memref<640x64xf32, #tpu.memory_space<vmem_shared>>) dst(%dma_wait3A : memref<640x64xf32, #tpu.memory_space<hbm>>)
      tpu.yield
    }) : () -> ()
    return
  }
}

#map = affine_map<(d0, d1) -> (0, 0)>
#map1 = affine_map<(d0, d1) -> (0)>
module attributes {stable_mosaic.version = 14 : i64} {
  func.func @_sc_gather2_pos(%arg0: i32, %arg1: i32, %arg2: memref<10240x16xf32, #tpu.memory_space<hbm>>, %arg3: memref<163840xi32, #tpu.memory_space<hbm>>, %arg4: memref<163840xi32, #tpu.memory_space<hbm>>, %arg5: memref<163840x16xf32, #tpu.memory_space<hbm>>, %arg6: memref<163840x16xf32, #tpu.memory_space<hbm>>, %arg7: memref<10240x16xf32, #tpu.memory_space<vmem_shared>>, %arg8: memref<5120xi32, #tpu.memory_space<vmem>>, %arg9: memref<5120xi32, #tpu.memory_space<vmem>>, %arg10: memref<512x16xf32, #tpu.memory_space<vmem>>, %arg11: memref<512x16xf32, #tpu.memory_space<vmem>>, %arg12: memref<!tpu.dma_semaphore, #tpu.memory_space<semaphore_mem>>, %arg13: memref<!tpu.dma_semaphore, #tpu.memory_space<semaphore_mem>>, %arg14: memref<!tpu.dma_semaphore, #tpu.memory_space<semaphore_mem>>, %arg15: memref<!tpu.dma_semaphore, #tpu.memory_space<semaphore_mem>>) attributes {dimension_semantics = [#tpu.dimension_semantics<core_parallel>, #tpu.dimension_semantics<subcore_parallel>], iteration_bounds = array<i64: 2, 16>, scalar_prefetch = 0 : i64, scratch_operands = 9 : i64, tpu.core_type = #tpu.core_type<sc_vector_subcore>, window_params = [{transform_indices = #map}, {transform_indices = #map1}, {transform_indices = #map1}, {transform_indices = #map}, {transform_indices = #map}]} {
    %mul3A = arith.constant 2 : i32
    %mul3A_0 = arith.muli %arg1, %mul3A : i32
    %add3A = arith.addi %mul3A_0, %arg0 : i32
    %mul3A_1 = arith.constant 5120 : i32
    %mul3A_2 = arith.muli %add3A, %mul3A_1 : i32
    %mul3A_3 = arith.constant 640 : i32
    %mul3A_4 = arith.muli %arg1, %mul3A_3 : i32
    %mul3A_5 = arith.constant 640 : i32
    %mul3A_6 = arith.muli %arg1, %mul3A_5 : i32
    "tpu.region"() ({
      %run_scoped3A = tpu.sem_alloc : memref<!tpu.dma_semaphore, #tpu.memory_space<semaphore_mem>>
      %dma_start3A_405 = arith.constant 0 : i32
      %dma_start3A_406 = tpu.memref_slice %arg7[%mul3A_6, %dma_start3A_405] : memref<10240x16xf32, #tpu.memory_space<vmem_shared>> -> memref<640x16xf32, #tpu.memory_space<vmem_shared>>
      %dma_start3A_407 = arith.constant 0 : i32
      %dma_start3A_408 = tpu.memref_slice %arg2[%mul3A_4, %dma_start3A_407] : memref<10240x16xf32, #tpu.memory_space<hbm>> -> memref<640x16xf32, #tpu.memory_space<hbm>>
      tpu.enqueue_dma source(%dma_start3A_408 : memref<640x16xf32, #tpu.memory_space<hbm>>) target(%dma_start3A_406 : memref<640x16xf32, #tpu.memory_space<vmem_shared>>) target_semaphore(%run_scoped3A : memref<!tpu.dma_semaphore, #tpu.memory_space<semaphore_mem>>)
      %dma_wait3A_409 = arith.constant 0 : i32
      %dma_wait3A_410 = tpu.memref_slice %arg7[%mul3A_6, %dma_wait3A_409] : memref<10240x16xf32, #tpu.memory_space<vmem_shared>> -> memref<640x16xf32, #tpu.memory_space<vmem_shared>>
      %dma_wait3A_411 = arith.constant 0 : i32
      %dma_wait3A_412 = tpu.memref_slice %arg2[%mul3A_4, %dma_wait3A_411] : memref<10240x16xf32, #tpu.memory_space<hbm>> -> memref<640x16xf32, #tpu.memory_space<hbm>>
      tpu.wait_dma2 semaphore(%run_scoped3A : memref<!tpu.dma_semaphore, #tpu.memory_space<semaphore_mem>>) src(%dma_wait3A_412 : memref<640x16xf32, #tpu.memory_space<hbm>>) dst(%dma_wait3A_410 : memref<640x16xf32, #tpu.memory_space<vmem_shared>>)
      tpu.yield
    }) : () -> ()
    "tpu.region"() ({
      %run_scoped3A = tpu.sem_alloc : memref<!tpu.dma_semaphore, #tpu.memory_space<semaphore_mem>>
      %dma_start3A_405 = tpu.memref_slice %arg3[%mul3A_2] : memref<163840xi32, #tpu.memory_space<hbm>> -> memref<5120xi32, #tpu.memory_space<hbm>>
      %dma_start3A_406 = tpu.memref_slice %arg3[%mul3A_2] : memref<163840xi32, #tpu.memory_space<hbm>> -> memref<5120xi32, #tpu.memory_space<hbm>>
      tpu.enqueue_dma source(%dma_start3A_406 : memref<5120xi32, #tpu.memory_space<hbm>>) target(%arg8 : memref<5120xi32, #tpu.memory_space<vmem>>) target_semaphore(%run_scoped3A : memref<!tpu.dma_semaphore, #tpu.memory_space<semaphore_mem>>)
      %dma_wait3A_407 = tpu.memref_slice %arg3[%mul3A_2] : memref<163840xi32, #tpu.memory_space<hbm>> -> memref<5120xi32, #tpu.memory_space<hbm>>
      %dma_wait3A_408 = tpu.memref_slice %arg3[%mul3A_2] : memref<163840xi32, #tpu.memory_space<hbm>> -> memref<5120xi32, #tpu.memory_space<hbm>>
      tpu.wait_dma2 semaphore(%run_scoped3A : memref<!tpu.dma_semaphore, #tpu.memory_space<semaphore_mem>>) src(%dma_wait3A_408 : memref<5120xi32, #tpu.memory_space<hbm>>) dst(%arg8 : memref<5120xi32, #tpu.memory_space<vmem>>)
      tpu.yield
    }) : () -> ()
    "tpu.region"() ({
      %run_scoped3A = tpu.sem_alloc : memref<!tpu.dma_semaphore, #tpu.memory_space<semaphore_mem>>
      %dma_start3A_405 = tpu.memref_slice %arg4[%mul3A_2] : memref<163840xi32, #tpu.memory_space<hbm>> -> memref<5120xi32, #tpu.memory_space<hbm>>
      %dma_start3A_406 = tpu.memref_slice %arg4[%mul3A_2] : memref<163840xi32, #tpu.memory_space<hbm>> -> memref<5120xi32, #tpu.memory_space<hbm>>
      tpu.enqueue_dma source(%dma_start3A_406 : memref<5120xi32, #tpu.memory_space<hbm>>) target(%arg9 : memref<5120xi32, #tpu.memory_space<vmem>>) target_semaphore(%run_scoped3A : memref<!tpu.dma_semaphore, #tpu.memory_space<semaphore_mem>>)
      %dma_wait3A_407 = tpu.memref_slice %arg4[%mul3A_2] : memref<163840xi32, #tpu.memory_space<hbm>> -> memref<5120xi32, #tpu.memory_space<hbm>>
      %dma_wait3A_408 = tpu.memref_slice %arg4[%mul3A_2] : memref<163840xi32, #tpu.memory_space<hbm>> -> memref<5120xi32, #tpu.memory_space<hbm>>
      tpu.wait_dma2 semaphore(%run_scoped3A : memref<!tpu.dma_semaphore, #tpu.memory_space<semaphore_mem>>) src(%dma_wait3A_408 : memref<5120xi32, #tpu.memory_space<hbm>>) dst(%arg9 : memref<5120xi32, #tpu.memory_space<vmem>>)
      tpu.yield
    }) : () -> ()
    %barrier3A = arith.constant 0 : index
    tpu.barrier barrier_id(%barrier3A)
    %dma_start3A = arith.constant 0 : i32
    %dma_start3A_7 = tpu.memref_slice %arg8[%dma_start3A] : memref<5120xi32, #tpu.memory_space<vmem>> -> memref<512xi32, #tpu.memory_space<vmem>>
    %dma_start3A_8 = arith.constant 0 : i32
    %dma_start3A_9 = arith.constant 0 : i32
    %dma_start3A_10 = tpu.memref_slice %arg7[%dma_start3A_8, %dma_start3A_9] : memref<10240x16xf32, #tpu.memory_space<vmem_shared>> -> memref<10240x16xf32, #tpu.memory_space<vmem_shared>>
    tpu.enqueue_indirect_dma source(%dma_start3A_10 : memref<10240x16xf32, #tpu.memory_space<vmem_shared>>) target(%arg10 : memref<512x16xf32, #tpu.memory_space<vmem>>) offsets(%dma_start3A_7 : memref<512xi32, #tpu.memory_space<vmem>>) semaphore(%arg12 : memref<!tpu.dma_semaphore, #tpu.memory_space<semaphore_mem>>)
    %dma_wait3A = arith.constant 0 : i32
    %dma_wait3A_11 = tpu.memref_slice %arg8[%dma_wait3A] : memref<5120xi32, #tpu.memory_space<vmem>> -> memref<512xi32, #tpu.memory_space<vmem>>
    %dma_wait3A_12 = arith.constant 0 : i32
    %dma_wait3A_13 = arith.constant 0 : i32
    %dma_wait3A_14 = tpu.memref_slice %arg7[%dma_wait3A_12, %dma_wait3A_13] : memref<10240x16xf32, #tpu.memory_space<vmem_shared>> -> memref<10240x16xf32, #tpu.memory_space<vmem_shared>>
    tpu.wait_indirect_dma semaphore(%arg12 : memref<!tpu.dma_semaphore, #tpu.memory_space<semaphore_mem>>) src(%dma_wait3A_14 : memref<10240x16xf32, #tpu.memory_space<vmem_shared>>) dst(%arg10 : memref<512x16xf32, #tpu.memory_space<vmem>>)
    %add3A_15 = arith.constant 0 : i32
    %add3A_16 = arith.addi %mul3A_2, %add3A_15 : i32
    %dma_start3A_17 = arith.constant 0 : i32
    %dma_start3A_18 = tpu.memref_slice %arg5[%add3A_16, %dma_start3A_17] : memref<163840x16xf32, #tpu.memory_space<hbm>> -> memref<512x16xf32, #tpu.memory_space<hbm>>
    %dma_start3A_19 = arith.constant 0 : i32
    %dma_start3A_20 = tpu.memref_slice %arg5[%add3A_16, %dma_start3A_19] : memref<163840x16xf32, #tpu.memory_space<hbm>> -> memref<512x16xf32, #tpu.memory_space<hbm>>
    tpu.enqueue_dma source(%arg10 : memref<512x16xf32, #tpu.memory_space<vmem>>) target(%dma_start3A_20 : memref<512x16xf32, #tpu.memory_space<hbm>>) target_semaphore(%arg14 : memref<!tpu.dma_semaphore, #tpu.memory_space<semaphore_mem>>)
    %dma_start3A_21 = arith.constant 512 : i32
    %dma_start3A_22 = tpu.memref_slice %arg8[%dma_start3A_21] : memref<5120xi32, #tpu.memory_space<vmem>> -> memref<512xi32, #tpu.memory_space<vmem>>
    %dma_start3A_23 = arith.constant 0 : i32
    %dma_start3A_24 = arith.constant 0 : i32
    %dma_start3A_25 = tpu.memref_slice %arg7[%dma_start3A_23, %dma_start3A_24] : memref<10240x16xf32, #tpu.memory_space<vmem_shared>> -> memref<10240x16xf32, #tpu.memory_space<vmem_shared>>
    tpu.enqueue_indirect_dma source(%dma_start3A_25 : memref<10240x16xf32, #tpu.memory_space<vmem_shared>>) target(%arg11 : memref<512x16xf32, #tpu.memory_space<vmem>>) offsets(%dma_start3A_22 : memref<512xi32, #tpu.memory_space<vmem>>) semaphore(%arg13 : memref<!tpu.dma_semaphore, #tpu.memory_space<semaphore_mem>>)
    %dma_wait3A_26 = arith.constant 512 : i32
    %dma_wait3A_27 = tpu.memref_slice %arg8[%dma_wait3A_26] : memref<5120xi32, #tpu.memory_space<vmem>> -> memref<512xi32, #tpu.memory_space<vmem>>
    %dma_wait3A_28 = arith.constant 0 : i32
    %dma_wait3A_29 = arith.constant 0 : i32
    %dma_wait3A_30 = tpu.memref_slice %arg7[%dma_wait3A_28, %dma_wait3A_29] : memref<10240x16xf32, #tpu.memory_space<vmem_shared>> -> memref<10240x16xf32, #tpu.memory_space<vmem_shared>>
    tpu.wait_indirect_dma semaphore(%arg13 : memref<!tpu.dma_semaphore, #tpu.memory_space<semaphore_mem>>) src(%dma_wait3A_30 : memref<10240x16xf32, #tpu.memory_space<vmem_shared>>) dst(%arg11 : memref<512x16xf32, #tpu.memory_space<vmem>>)
    %add3A_31 = arith.constant 512 : i32
    %add3A_32 = arith.addi %mul3A_2, %add3A_31 : i32
    %dma_start3A_33 = arith.constant 0 : i32
    %dma_start3A_34 = tpu.memref_slice %arg5[%add3A_32, %dma_start3A_33] : memref<163840x16xf32, #tpu.memory_space<hbm>> -> memref<512x16xf32, #tpu.memory_space<hbm>>
    %dma_start3A_35 = arith.constant 0 : i32
    %dma_start3A_36 = tpu.memref_slice %arg5[%add3A_32, %dma_start3A_35] : memref<163840x16xf32, #tpu.memory_space<hbm>> -> memref<512x16xf32, #tpu.memory_space<hbm>>
    tpu.enqueue_dma source(%arg11 : memref<512x16xf32, #tpu.memory_space<vmem>>) target(%dma_start3A_36 : memref<512x16xf32, #tpu.memory_space<hbm>>) target_semaphore(%arg15 : memref<!tpu.dma_semaphore, #tpu.memory_space<semaphore_mem>>)
    %dma_wait3A_37 = arith.constant 0 : i32
    %dma_wait3A_38 = tpu.memref_slice %arg5[%add3A_16, %dma_wait3A_37] : memref<163840x16xf32, #tpu.memory_space<hbm>> -> memref<512x16xf32, #tpu.memory_space<hbm>>
    %dma_wait3A_39 = arith.constant 0 : i32
    %dma_wait3A_40 = tpu.memref_slice %arg5[%add3A_16, %dma_wait3A_39] : memref<163840x16xf32, #tpu.memory_space<hbm>> -> memref<512x16xf32, #tpu.memory_space<hbm>>
    tpu.wait_dma2 semaphore(%arg14 : memref<!tpu.dma_semaphore, #tpu.memory_space<semaphore_mem>>) src(%arg10 : memref<512x16xf32, #tpu.memory_space<vmem>>) dst(%dma_wait3A_40 : memref<512x16xf32, #tpu.memory_space<hbm>>)
    %dma_start3A_41 = arith.constant 1024 : i32
    %dma_start3A_42 = tpu.memref_slice %arg8[%dma_start3A_41] : memref<5120xi32, #tpu.memory_space<vmem>> -> memref<512xi32, #tpu.memory_space<vmem>>
    %dma_start3A_43 = arith.constant 0 : i32
    %dma_start3A_44 = arith.constant 0 : i32
    %dma_start3A_45 = tpu.memref_slice %arg7[%dma_start3A_43, %dma_start3A_44] : memref<10240x16xf32, #tpu.memory_space<vmem_shared>> -> memref<10240x16xf32, #tpu.memory_space<vmem_shared>>
    tpu.enqueue_indirect_dma source(%dma_start3A_45 : memref<10240x16xf32, #tpu.memory_space<vmem_shared>>) target(%arg10 : memref<512x16xf32, #tpu.memory_space<vmem>>) offsets(%dma_start3A_42 : memref<512xi32, #tpu.memory_space<vmem>>) semaphore(%arg12 : memref<!tpu.dma_semaphore, #tpu.memory_space<semaphore_mem>>)
    %dma_wait3A_46 = arith.constant 1024 : i32
    %dma_wait3A_47 = tpu.memref_slice %arg8[%dma_wait3A_46] : memref<5120xi32, #tpu.memory_space<vmem>> -> memref<512xi32, #tpu.memory_space<vmem>>
    %dma_wait3A_48 = arith.constant 0 : i32
    %dma_wait3A_49 = arith.constant 0 : i32
    %dma_wait3A_50 = tpu.memref_slice %arg7[%dma_wait3A_48, %dma_wait3A_49] : memref<10240x16xf32, #tpu.memory_space<vmem_shared>> -> memref<10240x16xf32, #tpu.memory_space<vmem_shared>>
    tpu.wait_indirect_dma semaphore(%arg12 : memref<!tpu.dma_semaphore, #tpu.memory_space<semaphore_mem>>) src(%dma_wait3A_50 : memref<10240x16xf32, #tpu.memory_space<vmem_shared>>) dst(%arg10 : memref<512x16xf32, #tpu.memory_space<vmem>>)
    %add3A_51 = arith.constant 1024 : i32
    %add3A_52 = arith.addi %mul3A_2, %add3A_51 : i32
    %dma_start3A_53 = arith.constant 0 : i32
    %dma_start3A_54 = tpu.memref_slice %arg5[%add3A_52, %dma_start3A_53] : memref<163840x16xf32, #tpu.memory_space<hbm>> -> memref<512x16xf32, #tpu.memory_space<hbm>>
    %dma_start3A_55 = arith.constant 0 : i32
    %dma_start3A_56 = tpu.memref_slice %arg5[%add3A_52, %dma_start3A_55] : memref<163840x16xf32, #tpu.memory_space<hbm>> -> memref<512x16xf32, #tpu.memory_space<hbm>>
    tpu.enqueue_dma source(%arg10 : memref<512x16xf32, #tpu.memory_space<vmem>>) target(%dma_start3A_56 : memref<512x16xf32, #tpu.memory_space<hbm>>) target_semaphore(%arg14 : memref<!tpu.dma_semaphore, #tpu.memory_space<semaphore_mem>>)
    %dma_wait3A_57 = arith.constant 0 : i32
    %dma_wait3A_58 = tpu.memref_slice %arg5[%add3A_32, %dma_wait3A_57] : memref<163840x16xf32, #tpu.memory_space<hbm>> -> memref<512x16xf32, #tpu.memory_space<hbm>>
    %dma_wait3A_59 = arith.constant 0 : i32
    %dma_wait3A_60 = tpu.memref_slice %arg5[%add3A_32, %dma_wait3A_59] : memref<163840x16xf32, #tpu.memory_space<hbm>> -> memref<512x16xf32, #tpu.memory_space<hbm>>
    tpu.wait_dma2 semaphore(%arg15 : memref<!tpu.dma_semaphore, #tpu.memory_space<semaphore_mem>>) src(%arg11 : memref<512x16xf32, #tpu.memory_space<vmem>>) dst(%dma_wait3A_60 : memref<512x16xf32, #tpu.memory_space<hbm>>)
    %dma_start3A_61 = arith.constant 1536 : i32
    %dma_start3A_62 = tpu.memref_slice %arg8[%dma_start3A_61] : memref<5120xi32, #tpu.memory_space<vmem>> -> memref<512xi32, #tpu.memory_space<vmem>>
    %dma_start3A_63 = arith.constant 0 : i32
    %dma_start3A_64 = arith.constant 0 : i32
    %dma_start3A_65 = tpu.memref_slice %arg7[%dma_start3A_63, %dma_start3A_64] : memref<10240x16xf32, #tpu.memory_space<vmem_shared>> -> memref<10240x16xf32, #tpu.memory_space<vmem_shared>>
    tpu.enqueue_indirect_dma source(%dma_start3A_65 : memref<10240x16xf32, #tpu.memory_space<vmem_shared>>) target(%arg11 : memref<512x16xf32, #tpu.memory_space<vmem>>) offsets(%dma_start3A_62 : memref<512xi32, #tpu.memory_space<vmem>>) semaphore(%arg13 : memref<!tpu.dma_semaphore, #tpu.memory_space<semaphore_mem>>)
    %dma_wait3A_66 = arith.constant 1536 : i32
    %dma_wait3A_67 = tpu.memref_slice %arg8[%dma_wait3A_66] : memref<5120xi32, #tpu.memory_space<vmem>> -> memref<512xi32, #tpu.memory_space<vmem>>
    %dma_wait3A_68 = arith.constant 0 : i32
    %dma_wait3A_69 = arith.constant 0 : i32
    %dma_wait3A_70 = tpu.memref_slice %arg7[%dma_wait3A_68, %dma_wait3A_69] : memref<10240x16xf32, #tpu.memory_space<vmem_shared>> -> memref<10240x16xf32, #tpu.memory_space<vmem_shared>>
    tpu.wait_indirect_dma semaphore(%arg13 : memref<!tpu.dma_semaphore, #tpu.memory_space<semaphore_mem>>) src(%dma_wait3A_70 : memref<10240x16xf32, #tpu.memory_space<vmem_shared>>) dst(%arg11 : memref<512x16xf32, #tpu.memory_space<vmem>>)
    %add3A_71 = arith.constant 1536 : i32
    %add3A_72 = arith.addi %mul3A_2, %add3A_71 : i32
    %dma_start3A_73 = arith.constant 0 : i32
    %dma_start3A_74 = tpu.memref_slice %arg5[%add3A_72, %dma_start3A_73] : memref<163840x16xf32, #tpu.memory_space<hbm>> -> memref<512x16xf32, #tpu.memory_space<hbm>>
    %dma_start3A_75 = arith.constant 0 : i32
    %dma_start3A_76 = tpu.memref_slice %arg5[%add3A_72, %dma_start3A_75] : memref<163840x16xf32, #tpu.memory_space<hbm>> -> memref<512x16xf32, #tpu.memory_space<hbm>>
    tpu.enqueue_dma source(%arg11 : memref<512x16xf32, #tpu.memory_space<vmem>>) target(%dma_start3A_76 : memref<512x16xf32, #tpu.memory_space<hbm>>) target_semaphore(%arg15 : memref<!tpu.dma_semaphore, #tpu.memory_space<semaphore_mem>>)
    %dma_wait3A_77 = arith.constant 0 : i32
    %dma_wait3A_78 = tpu.memref_slice %arg5[%add3A_52, %dma_wait3A_77] : memref<163840x16xf32, #tpu.memory_space<hbm>> -> memref<512x16xf32, #tpu.memory_space<hbm>>
    %dma_wait3A_79 = arith.constant 0 : i32
    %dma_wait3A_80 = tpu.memref_slice %arg5[%add3A_52, %dma_wait3A_79] : memref<163840x16xf32, #tpu.memory_space<hbm>> -> memref<512x16xf32, #tpu.memory_space<hbm>>
    tpu.wait_dma2 semaphore(%arg14 : memref<!tpu.dma_semaphore, #tpu.memory_space<semaphore_mem>>) src(%arg10 : memref<512x16xf32, #tpu.memory_space<vmem>>) dst(%dma_wait3A_80 : memref<512x16xf32, #tpu.memory_space<hbm>>)
    %dma_start3A_81 = arith.constant 2048 : i32
    %dma_start3A_82 = tpu.memref_slice %arg8[%dma_start3A_81] : memref<5120xi32, #tpu.memory_space<vmem>> -> memref<512xi32, #tpu.memory_space<vmem>>
    %dma_start3A_83 = arith.constant 0 : i32
    %dma_start3A_84 = arith.constant 0 : i32
    %dma_start3A_85 = tpu.memref_slice %arg7[%dma_start3A_83, %dma_start3A_84] : memref<10240x16xf32, #tpu.memory_space<vmem_shared>> -> memref<10240x16xf32, #tpu.memory_space<vmem_shared>>
    tpu.enqueue_indirect_dma source(%dma_start3A_85 : memref<10240x16xf32, #tpu.memory_space<vmem_shared>>) target(%arg10 : memref<512x16xf32, #tpu.memory_space<vmem>>) offsets(%dma_start3A_82 : memref<512xi32, #tpu.memory_space<vmem>>) semaphore(%arg12 : memref<!tpu.dma_semaphore, #tpu.memory_space<semaphore_mem>>)
    %dma_wait3A_86 = arith.constant 2048 : i32
    %dma_wait3A_87 = tpu.memref_slice %arg8[%dma_wait3A_86] : memref<5120xi32, #tpu.memory_space<vmem>> -> memref<512xi32, #tpu.memory_space<vmem>>
    %dma_wait3A_88 = arith.constant 0 : i32
    %dma_wait3A_89 = arith.constant 0 : i32
    %dma_wait3A_90 = tpu.memref_slice %arg7[%dma_wait3A_88, %dma_wait3A_89] : memref<10240x16xf32, #tpu.memory_space<vmem_shared>> -> memref<10240x16xf32, #tpu.memory_space<vmem_shared>>
    tpu.wait_indirect_dma semaphore(%arg12 : memref<!tpu.dma_semaphore, #tpu.memory_space<semaphore_mem>>) src(%dma_wait3A_90 : memref<10240x16xf32, #tpu.memory_space<vmem_shared>>) dst(%arg10 : memref<512x16xf32, #tpu.memory_space<vmem>>)
    %add3A_91 = arith.constant 2048 : i32
    %add3A_92 = arith.addi %mul3A_2, %add3A_91 : i32
    %dma_start3A_93 = arith.constant 0 : i32
    %dma_start3A_94 = tpu.memref_slice %arg5[%add3A_92, %dma_start3A_93] : memref<163840x16xf32, #tpu.memory_space<hbm>> -> memref<512x16xf32, #tpu.memory_space<hbm>>
    %dma_start3A_95 = arith.constant 0 : i32
    %dma_start3A_96 = tpu.memref_slice %arg5[%add3A_92, %dma_start3A_95] : memref<163840x16xf32, #tpu.memory_space<hbm>> -> memref<512x16xf32, #tpu.memory_space<hbm>>
    tpu.enqueue_dma source(%arg10 : memref<512x16xf32, #tpu.memory_space<vmem>>) target(%dma_start3A_96 : memref<512x16xf32, #tpu.memory_space<hbm>>) target_semaphore(%arg14 : memref<!tpu.dma_semaphore, #tpu.memory_space<semaphore_mem>>)
    %dma_wait3A_97 = arith.constant 0 : i32
    %dma_wait3A_98 = tpu.memref_slice %arg5[%add3A_72, %dma_wait3A_97] : memref<163840x16xf32, #tpu.memory_space<hbm>> -> memref<512x16xf32, #tpu.memory_space<hbm>>
    %dma_wait3A_99 = arith.constant 0 : i32
    %dma_wait3A_100 = tpu.memref_slice %arg5[%add3A_72, %dma_wait3A_99] : memref<163840x16xf32, #tpu.memory_space<hbm>> -> memref<512x16xf32, #tpu.memory_space<hbm>>
    tpu.wait_dma2 semaphore(%arg15 : memref<!tpu.dma_semaphore, #tpu.memory_space<semaphore_mem>>) src(%arg11 : memref<512x16xf32, #tpu.memory_space<vmem>>) dst(%dma_wait3A_100 : memref<512x16xf32, #tpu.memory_space<hbm>>)
    %dma_start3A_101 = arith.constant 2560 : i32
    %dma_start3A_102 = tpu.memref_slice %arg8[%dma_start3A_101] : memref<5120xi32, #tpu.memory_space<vmem>> -> memref<512xi32, #tpu.memory_space<vmem>>
    %dma_start3A_103 = arith.constant 0 : i32
    %dma_start3A_104 = arith.constant 0 : i32
    %dma_start3A_105 = tpu.memref_slice %arg7[%dma_start3A_103, %dma_start3A_104] : memref<10240x16xf32, #tpu.memory_space<vmem_shared>> -> memref<10240x16xf32, #tpu.memory_space<vmem_shared>>
    tpu.enqueue_indirect_dma source(%dma_start3A_105 : memref<10240x16xf32, #tpu.memory_space<vmem_shared>>) target(%arg11 : memref<512x16xf32, #tpu.memory_space<vmem>>) offsets(%dma_start3A_102 : memref<512xi32, #tpu.memory_space<vmem>>) semaphore(%arg13 : memref<!tpu.dma_semaphore, #tpu.memory_space<semaphore_mem>>)
    %dma_wait3A_106 = arith.constant 2560 : i32
    %dma_wait3A_107 = tpu.memref_slice %arg8[%dma_wait3A_106] : memref<5120xi32, #tpu.memory_space<vmem>> -> memref<512xi32, #tpu.memory_space<vmem>>
    %dma_wait3A_108 = arith.constant 0 : i32
    %dma_wait3A_109 = arith.constant 0 : i32
    %dma_wait3A_110 = tpu.memref_slice %arg7[%dma_wait3A_108, %dma_wait3A_109] : memref<10240x16xf32, #tpu.memory_space<vmem_shared>> -> memref<10240x16xf32, #tpu.memory_space<vmem_shared>>
    tpu.wait_indirect_dma semaphore(%arg13 : memref<!tpu.dma_semaphore, #tpu.memory_space<semaphore_mem>>) src(%dma_wait3A_110 : memref<10240x16xf32, #tpu.memory_space<vmem_shared>>) dst(%arg11 : memref<512x16xf32, #tpu.memory_space<vmem>>)
    %add3A_111 = arith.constant 2560 : i32
    %add3A_112 = arith.addi %mul3A_2, %add3A_111 : i32
    %dma_start3A_113 = arith.constant 0 : i32
    %dma_start3A_114 = tpu.memref_slice %arg5[%add3A_112, %dma_start3A_113] : memref<163840x16xf32, #tpu.memory_space<hbm>> -> memref<512x16xf32, #tpu.memory_space<hbm>>
    %dma_start3A_115 = arith.constant 0 : i32
    %dma_start3A_116 = tpu.memref_slice %arg5[%add3A_112, %dma_start3A_115] : memref<163840x16xf32, #tpu.memory_space<hbm>> -> memref<512x16xf32, #tpu.memory_space<hbm>>
    tpu.enqueue_dma source(%arg11 : memref<512x16xf32, #tpu.memory_space<vmem>>) target(%dma_start3A_116 : memref<512x16xf32, #tpu.memory_space<hbm>>) target_semaphore(%arg15 : memref<!tpu.dma_semaphore, #tpu.memory_space<semaphore_mem>>)
    %dma_wait3A_117 = arith.constant 0 : i32
    %dma_wait3A_118 = tpu.memref_slice %arg5[%add3A_92, %dma_wait3A_117] : memref<163840x16xf32, #tpu.memory_space<hbm>> -> memref<512x16xf32, #tpu.memory_space<hbm>>
    %dma_wait3A_119 = arith.constant 0 : i32
    %dma_wait3A_120 = tpu.memref_slice %arg5[%add3A_92, %dma_wait3A_119] : memref<163840x16xf32, #tpu.memory_space<hbm>> -> memref<512x16xf32, #tpu.memory_space<hbm>>
    tpu.wait_dma2 semaphore(%arg14 : memref<!tpu.dma_semaphore, #tpu.memory_space<semaphore_mem>>) src(%arg10 : memref<512x16xf32, #tpu.memory_space<vmem>>) dst(%dma_wait3A_120 : memref<512x16xf32, #tpu.memory_space<hbm>>)
    %dma_start3A_121 = arith.constant 3072 : i32
    %dma_start3A_122 = tpu.memref_slice %arg8[%dma_start3A_121] : memref<5120xi32, #tpu.memory_space<vmem>> -> memref<512xi32, #tpu.memory_space<vmem>>
    %dma_start3A_123 = arith.constant 0 : i32
    %dma_start3A_124 = arith.constant 0 : i32
    %dma_start3A_125 = tpu.memref_slice %arg7[%dma_start3A_123, %dma_start3A_124] : memref<10240x16xf32, #tpu.memory_space<vmem_shared>> -> memref<10240x16xf32, #tpu.memory_space<vmem_shared>>
    tpu.enqueue_indirect_dma source(%dma_start3A_125 : memref<10240x16xf32, #tpu.memory_space<vmem_shared>>) target(%arg10 : memref<512x16xf32, #tpu.memory_space<vmem>>) offsets(%dma_start3A_122 : memref<512xi32, #tpu.memory_space<vmem>>) semaphore(%arg12 : memref<!tpu.dma_semaphore, #tpu.memory_space<semaphore_mem>>)
    %dma_wait3A_126 = arith.constant 3072 : i32
    %dma_wait3A_127 = tpu.memref_slice %arg8[%dma_wait3A_126] : memref<5120xi32, #tpu.memory_space<vmem>> -> memref<512xi32, #tpu.memory_space<vmem>>
    %dma_wait3A_128 = arith.constant 0 : i32
    %dma_wait3A_129 = arith.constant 0 : i32
    %dma_wait3A_130 = tpu.memref_slice %arg7[%dma_wait3A_128, %dma_wait3A_129] : memref<10240x16xf32, #tpu.memory_space<vmem_shared>> -> memref<10240x16xf32, #tpu.memory_space<vmem_shared>>
    tpu.wait_indirect_dma semaphore(%arg12 : memref<!tpu.dma_semaphore, #tpu.memory_space<semaphore_mem>>) src(%dma_wait3A_130 : memref<10240x16xf32, #tpu.memory_space<vmem_shared>>) dst(%arg10 : memref<512x16xf32, #tpu.memory_space<vmem>>)
    %add3A_131 = arith.constant 3072 : i32
    %add3A_132 = arith.addi %mul3A_2, %add3A_131 : i32
    %dma_start3A_133 = arith.constant 0 : i32
    %dma_start3A_134 = tpu.memref_slice %arg5[%add3A_132, %dma_start3A_133] : memref<163840x16xf32, #tpu.memory_space<hbm>> -> memref<512x16xf32, #tpu.memory_space<hbm>>
    %dma_start3A_135 = arith.constant 0 : i32
    %dma_start3A_136 = tpu.memref_slice %arg5[%add3A_132, %dma_start3A_135] : memref<163840x16xf32, #tpu.memory_space<hbm>> -> memref<512x16xf32, #tpu.memory_space<hbm>>
    tpu.enqueue_dma source(%arg10 : memref<512x16xf32, #tpu.memory_space<vmem>>) target(%dma_start3A_136 : memref<512x16xf32, #tpu.memory_space<hbm>>) target_semaphore(%arg14 : memref<!tpu.dma_semaphore, #tpu.memory_space<semaphore_mem>>)
    %dma_wait3A_137 = arith.constant 0 : i32
    %dma_wait3A_138 = tpu.memref_slice %arg5[%add3A_112, %dma_wait3A_137] : memref<163840x16xf32, #tpu.memory_space<hbm>> -> memref<512x16xf32, #tpu.memory_space<hbm>>
    %dma_wait3A_139 = arith.constant 0 : i32
    %dma_wait3A_140 = tpu.memref_slice %arg5[%add3A_112, %dma_wait3A_139] : memref<163840x16xf32, #tpu.memory_space<hbm>> -> memref<512x16xf32, #tpu.memory_space<hbm>>
    tpu.wait_dma2 semaphore(%arg15 : memref<!tpu.dma_semaphore, #tpu.memory_space<semaphore_mem>>) src(%arg11 : memref<512x16xf32, #tpu.memory_space<vmem>>) dst(%dma_wait3A_140 : memref<512x16xf32, #tpu.memory_space<hbm>>)
    %dma_start3A_141 = arith.constant 3584 : i32
    %dma_start3A_142 = tpu.memref_slice %arg8[%dma_start3A_141] : memref<5120xi32, #tpu.memory_space<vmem>> -> memref<512xi32, #tpu.memory_space<vmem>>
    %dma_start3A_143 = arith.constant 0 : i32
    %dma_start3A_144 = arith.constant 0 : i32
    %dma_start3A_145 = tpu.memref_slice %arg7[%dma_start3A_143, %dma_start3A_144] : memref<10240x16xf32, #tpu.memory_space<vmem_shared>> -> memref<10240x16xf32, #tpu.memory_space<vmem_shared>>
    tpu.enqueue_indirect_dma source(%dma_start3A_145 : memref<10240x16xf32, #tpu.memory_space<vmem_shared>>) target(%arg11 : memref<512x16xf32, #tpu.memory_space<vmem>>) offsets(%dma_start3A_142 : memref<512xi32, #tpu.memory_space<vmem>>) semaphore(%arg13 : memref<!tpu.dma_semaphore, #tpu.memory_space<semaphore_mem>>)
    %dma_wait3A_146 = arith.constant 3584 : i32
    %dma_wait3A_147 = tpu.memref_slice %arg8[%dma_wait3A_146] : memref<5120xi32, #tpu.memory_space<vmem>> -> memref<512xi32, #tpu.memory_space<vmem>>
    %dma_wait3A_148 = arith.constant 0 : i32
    %dma_wait3A_149 = arith.constant 0 : i32
    %dma_wait3A_150 = tpu.memref_slice %arg7[%dma_wait3A_148, %dma_wait3A_149] : memref<10240x16xf32, #tpu.memory_space<vmem_shared>> -> memref<10240x16xf32, #tpu.memory_space<vmem_shared>>
    tpu.wait_indirect_dma semaphore(%arg13 : memref<!tpu.dma_semaphore, #tpu.memory_space<semaphore_mem>>) src(%dma_wait3A_150 : memref<10240x16xf32, #tpu.memory_space<vmem_shared>>) dst(%arg11 : memref<512x16xf32, #tpu.memory_space<vmem>>)
    %add3A_151 = arith.constant 3584 : i32
    %add3A_152 = arith.addi %mul3A_2, %add3A_151 : i32
    %dma_start3A_153 = arith.constant 0 : i32
    %dma_start3A_154 = tpu.memref_slice %arg5[%add3A_152, %dma_start3A_153] : memref<163840x16xf32, #tpu.memory_space<hbm>> -> memref<512x16xf32, #tpu.memory_space<hbm>>
    %dma_start3A_155 = arith.constant 0 : i32
    %dma_start3A_156 = tpu.memref_slice %arg5[%add3A_152, %dma_start3A_155] : memref<163840x16xf32, #tpu.memory_space<hbm>> -> memref<512x16xf32, #tpu.memory_space<hbm>>
    tpu.enqueue_dma source(%arg11 : memref<512x16xf32, #tpu.memory_space<vmem>>) target(%dma_start3A_156 : memref<512x16xf32, #tpu.memory_space<hbm>>) target_semaphore(%arg15 : memref<!tpu.dma_semaphore, #tpu.memory_space<semaphore_mem>>)
    %dma_wait3A_157 = arith.constant 0 : i32
    %dma_wait3A_158 = tpu.memref_slice %arg5[%add3A_132, %dma_wait3A_157] : memref<163840x16xf32, #tpu.memory_space<hbm>> -> memref<512x16xf32, #tpu.memory_space<hbm>>
    %dma_wait3A_159 = arith.constant 0 : i32
    %dma_wait3A_160 = tpu.memref_slice %arg5[%add3A_132, %dma_wait3A_159] : memref<163840x16xf32, #tpu.memory_space<hbm>> -> memref<512x16xf32, #tpu.memory_space<hbm>>
    tpu.wait_dma2 semaphore(%arg14 : memref<!tpu.dma_semaphore, #tpu.memory_space<semaphore_mem>>) src(%arg10 : memref<512x16xf32, #tpu.memory_space<vmem>>) dst(%dma_wait3A_160 : memref<512x16xf32, #tpu.memory_space<hbm>>)
    %dma_start3A_161 = arith.constant 4096 : i32
    %dma_start3A_162 = tpu.memref_slice %arg8[%dma_start3A_161] : memref<5120xi32, #tpu.memory_space<vmem>> -> memref<512xi32, #tpu.memory_space<vmem>>
    %dma_start3A_163 = arith.constant 0 : i32
    %dma_start3A_164 = arith.constant 0 : i32
    %dma_start3A_165 = tpu.memref_slice %arg7[%dma_start3A_163, %dma_start3A_164] : memref<10240x16xf32, #tpu.memory_space<vmem_shared>> -> memref<10240x16xf32, #tpu.memory_space<vmem_shared>>
    tpu.enqueue_indirect_dma source(%dma_start3A_165 : memref<10240x16xf32, #tpu.memory_space<vmem_shared>>) target(%arg10 : memref<512x16xf32, #tpu.memory_space<vmem>>) offsets(%dma_start3A_162 : memref<512xi32, #tpu.memory_space<vmem>>) semaphore(%arg12 : memref<!tpu.dma_semaphore, #tpu.memory_space<semaphore_mem>>)
    %dma_wait3A_166 = arith.constant 4096 : i32
    %dma_wait3A_167 = tpu.memref_slice %arg8[%dma_wait3A_166] : memref<5120xi32, #tpu.memory_space<vmem>> -> memref<512xi32, #tpu.memory_space<vmem>>
    %dma_wait3A_168 = arith.constant 0 : i32
    %dma_wait3A_169 = arith.constant 0 : i32
    %dma_wait3A_170 = tpu.memref_slice %arg7[%dma_wait3A_168, %dma_wait3A_169] : memref<10240x16xf32, #tpu.memory_space<vmem_shared>> -> memref<10240x16xf32, #tpu.memory_space<vmem_shared>>
    tpu.wait_indirect_dma semaphore(%arg12 : memref<!tpu.dma_semaphore, #tpu.memory_space<semaphore_mem>>) src(%dma_wait3A_170 : memref<10240x16xf32, #tpu.memory_space<vmem_shared>>) dst(%arg10 : memref<512x16xf32, #tpu.memory_space<vmem>>)
    %add3A_171 = arith.constant 4096 : i32
    %add3A_172 = arith.addi %mul3A_2, %add3A_171 : i32
    %dma_start3A_173 = arith.constant 0 : i32
    %dma_start3A_174 = tpu.memref_slice %arg5[%add3A_172, %dma_start3A_173] : memref<163840x16xf32, #tpu.memory_space<hbm>> -> memref<512x16xf32, #tpu.memory_space<hbm>>
    %dma_start3A_175 = arith.constant 0 : i32
    %dma_start3A_176 = tpu.memref_slice %arg5[%add3A_172, %dma_start3A_175] : memref<163840x16xf32, #tpu.memory_space<hbm>> -> memref<512x16xf32, #tpu.memory_space<hbm>>
    tpu.enqueue_dma source(%arg10 : memref<512x16xf32, #tpu.memory_space<vmem>>) target(%dma_start3A_176 : memref<512x16xf32, #tpu.memory_space<hbm>>) target_semaphore(%arg14 : memref<!tpu.dma_semaphore, #tpu.memory_space<semaphore_mem>>)
    %dma_wait3A_177 = arith.constant 0 : i32
    %dma_wait3A_178 = tpu.memref_slice %arg5[%add3A_152, %dma_wait3A_177] : memref<163840x16xf32, #tpu.memory_space<hbm>> -> memref<512x16xf32, #tpu.memory_space<hbm>>
    %dma_wait3A_179 = arith.constant 0 : i32
    %dma_wait3A_180 = tpu.memref_slice %arg5[%add3A_152, %dma_wait3A_179] : memref<163840x16xf32, #tpu.memory_space<hbm>> -> memref<512x16xf32, #tpu.memory_space<hbm>>
    tpu.wait_dma2 semaphore(%arg15 : memref<!tpu.dma_semaphore, #tpu.memory_space<semaphore_mem>>) src(%arg11 : memref<512x16xf32, #tpu.memory_space<vmem>>) dst(%dma_wait3A_180 : memref<512x16xf32, #tpu.memory_space<hbm>>)
    %dma_start3A_181 = arith.constant 4608 : i32
    %dma_start3A_182 = tpu.memref_slice %arg8[%dma_start3A_181] : memref<5120xi32, #tpu.memory_space<vmem>> -> memref<512xi32, #tpu.memory_space<vmem>>
    %dma_start3A_183 = arith.constant 0 : i32
    %dma_start3A_184 = arith.constant 0 : i32
    %dma_start3A_185 = tpu.memref_slice %arg7[%dma_start3A_183, %dma_start3A_184] : memref<10240x16xf32, #tpu.memory_space<vmem_shared>> -> memref<10240x16xf32, #tpu.memory_space<vmem_shared>>
    tpu.enqueue_indirect_dma source(%dma_start3A_185 : memref<10240x16xf32, #tpu.memory_space<vmem_shared>>) target(%arg11 : memref<512x16xf32, #tpu.memory_space<vmem>>) offsets(%dma_start3A_182 : memref<512xi32, #tpu.memory_space<vmem>>) semaphore(%arg13 : memref<!tpu.dma_semaphore, #tpu.memory_space<semaphore_mem>>)
    %dma_wait3A_186 = arith.constant 4608 : i32
    %dma_wait3A_187 = tpu.memref_slice %arg8[%dma_wait3A_186] : memref<5120xi32, #tpu.memory_space<vmem>> -> memref<512xi32, #tpu.memory_space<vmem>>
    %dma_wait3A_188 = arith.constant 0 : i32
    %dma_wait3A_189 = arith.constant 0 : i32
    %dma_wait3A_190 = tpu.memref_slice %arg7[%dma_wait3A_188, %dma_wait3A_189] : memref<10240x16xf32, #tpu.memory_space<vmem_shared>> -> memref<10240x16xf32, #tpu.memory_space<vmem_shared>>
    tpu.wait_indirect_dma semaphore(%arg13 : memref<!tpu.dma_semaphore, #tpu.memory_space<semaphore_mem>>) src(%dma_wait3A_190 : memref<10240x16xf32, #tpu.memory_space<vmem_shared>>) dst(%arg11 : memref<512x16xf32, #tpu.memory_space<vmem>>)
    %add3A_191 = arith.constant 4608 : i32
    %add3A_192 = arith.addi %mul3A_2, %add3A_191 : i32
    %dma_start3A_193 = arith.constant 0 : i32
    %dma_start3A_194 = tpu.memref_slice %arg5[%add3A_192, %dma_start3A_193] : memref<163840x16xf32, #tpu.memory_space<hbm>> -> memref<512x16xf32, #tpu.memory_space<hbm>>
    %dma_start3A_195 = arith.constant 0 : i32
    %dma_start3A_196 = tpu.memref_slice %arg5[%add3A_192, %dma_start3A_195] : memref<163840x16xf32, #tpu.memory_space<hbm>> -> memref<512x16xf32, #tpu.memory_space<hbm>>
    tpu.enqueue_dma source(%arg11 : memref<512x16xf32, #tpu.memory_space<vmem>>) target(%dma_start3A_196 : memref<512x16xf32, #tpu.memory_space<hbm>>) target_semaphore(%arg15 : memref<!tpu.dma_semaphore, #tpu.memory_space<semaphore_mem>>)
    %dma_wait3A_197 = arith.constant 0 : i32
    %dma_wait3A_198 = tpu.memref_slice %arg5[%add3A_172, %dma_wait3A_197] : memref<163840x16xf32, #tpu.memory_space<hbm>> -> memref<512x16xf32, #tpu.memory_space<hbm>>
    %dma_wait3A_199 = arith.constant 0 : i32
    %dma_wait3A_200 = tpu.memref_slice %arg5[%add3A_172, %dma_wait3A_199] : memref<163840x16xf32, #tpu.memory_space<hbm>> -> memref<512x16xf32, #tpu.memory_space<hbm>>
    tpu.wait_dma2 semaphore(%arg14 : memref<!tpu.dma_semaphore, #tpu.memory_space<semaphore_mem>>) src(%arg10 : memref<512x16xf32, #tpu.memory_space<vmem>>) dst(%dma_wait3A_200 : memref<512x16xf32, #tpu.memory_space<hbm>>)
    %dma_start3A_201 = arith.constant 0 : i32
    %dma_start3A_202 = tpu.memref_slice %arg9[%dma_start3A_201] : memref<5120xi32, #tpu.memory_space<vmem>> -> memref<512xi32, #tpu.memory_space<vmem>>
    %dma_start3A_203 = arith.constant 0 : i32
    %dma_start3A_204 = arith.constant 0 : i32
    %dma_start3A_205 = tpu.memref_slice %arg7[%dma_start3A_203, %dma_start3A_204] : memref<10240x16xf32, #tpu.memory_space<vmem_shared>> -> memref<10240x16xf32, #tpu.memory_space<vmem_shared>>
    tpu.enqueue_indirect_dma source(%dma_start3A_205 : memref<10240x16xf32, #tpu.memory_space<vmem_shared>>) target(%arg10 : memref<512x16xf32, #tpu.memory_space<vmem>>) offsets(%dma_start3A_202 : memref<512xi32, #tpu.memory_space<vmem>>) semaphore(%arg12 : memref<!tpu.dma_semaphore, #tpu.memory_space<semaphore_mem>>)
    %dma_wait3A_206 = arith.constant 0 : i32
    %dma_wait3A_207 = tpu.memref_slice %arg9[%dma_wait3A_206] : memref<5120xi32, #tpu.memory_space<vmem>> -> memref<512xi32, #tpu.memory_space<vmem>>
    %dma_wait3A_208 = arith.constant 0 : i32
    %dma_wait3A_209 = arith.constant 0 : i32
    %dma_wait3A_210 = tpu.memref_slice %arg7[%dma_wait3A_208, %dma_wait3A_209] : memref<10240x16xf32, #tpu.memory_space<vmem_shared>> -> memref<10240x16xf32, #tpu.memory_space<vmem_shared>>
    tpu.wait_indirect_dma semaphore(%arg12 : memref<!tpu.dma_semaphore, #tpu.memory_space<semaphore_mem>>) src(%dma_wait3A_210 : memref<10240x16xf32, #tpu.memory_space<vmem_shared>>) dst(%arg10 : memref<512x16xf32, #tpu.memory_space<vmem>>)
    %add3A_211 = arith.constant 0 : i32
    %add3A_212 = arith.addi %mul3A_2, %add3A_211 : i32
    %dma_start3A_213 = arith.constant 0 : i32
    %dma_start3A_214 = tpu.memref_slice %arg6[%add3A_212, %dma_start3A_213] : memref<163840x16xf32, #tpu.memory_space<hbm>> -> memref<512x16xf32, #tpu.memory_space<hbm>>
    %dma_start3A_215 = arith.constant 0 : i32
    %dma_start3A_216 = tpu.memref_slice %arg6[%add3A_212, %dma_start3A_215] : memref<163840x16xf32, #tpu.memory_space<hbm>> -> memref<512x16xf32, #tpu.memory_space<hbm>>
    tpu.enqueue_dma source(%arg10 : memref<512x16xf32, #tpu.memory_space<vmem>>) target(%dma_start3A_216 : memref<512x16xf32, #tpu.memory_space<hbm>>) target_semaphore(%arg14 : memref<!tpu.dma_semaphore, #tpu.memory_space<semaphore_mem>>)
    %dma_wait3A_217 = arith.constant 0 : i32
    %dma_wait3A_218 = tpu.memref_slice %arg5[%add3A_192, %dma_wait3A_217] : memref<163840x16xf32, #tpu.memory_space<hbm>> -> memref<512x16xf32, #tpu.memory_space<hbm>>
    %dma_wait3A_219 = arith.constant 0 : i32
    %dma_wait3A_220 = tpu.memref_slice %arg5[%add3A_192, %dma_wait3A_219] : memref<163840x16xf32, #tpu.memory_space<hbm>> -> memref<512x16xf32, #tpu.memory_space<hbm>>
    tpu.wait_dma2 semaphore(%arg15 : memref<!tpu.dma_semaphore, #tpu.memory_space<semaphore_mem>>) src(%arg11 : memref<512x16xf32, #tpu.memory_space<vmem>>) dst(%dma_wait3A_220 : memref<512x16xf32, #tpu.memory_space<hbm>>)
    %dma_start3A_221 = arith.constant 512 : i32
    %dma_start3A_222 = tpu.memref_slice %arg9[%dma_start3A_221] : memref<5120xi32, #tpu.memory_space<vmem>> -> memref<512xi32, #tpu.memory_space<vmem>>
    %dma_start3A_223 = arith.constant 0 : i32
    %dma_start3A_224 = arith.constant 0 : i32
    %dma_start3A_225 = tpu.memref_slice %arg7[%dma_start3A_223, %dma_start3A_224] : memref<10240x16xf32, #tpu.memory_space<vmem_shared>> -> memref<10240x16xf32, #tpu.memory_space<vmem_shared>>
    tpu.enqueue_indirect_dma source(%dma_start3A_225 : memref<10240x16xf32, #tpu.memory_space<vmem_shared>>) target(%arg11 : memref<512x16xf32, #tpu.memory_space<vmem>>) offsets(%dma_start3A_222 : memref<512xi32, #tpu.memory_space<vmem>>) semaphore(%arg13 : memref<!tpu.dma_semaphore, #tpu.memory_space<semaphore_mem>>)
    %dma_wait3A_226 = arith.constant 512 : i32
    %dma_wait3A_227 = tpu.memref_slice %arg9[%dma_wait3A_226] : memref<5120xi32, #tpu.memory_space<vmem>> -> memref<512xi32, #tpu.memory_space<vmem>>
    %dma_wait3A_228 = arith.constant 0 : i32
    %dma_wait3A_229 = arith.constant 0 : i32
    %dma_wait3A_230 = tpu.memref_slice %arg7[%dma_wait3A_228, %dma_wait3A_229] : memref<10240x16xf32, #tpu.memory_space<vmem_shared>> -> memref<10240x16xf32, #tpu.memory_space<vmem_shared>>
    tpu.wait_indirect_dma semaphore(%arg13 : memref<!tpu.dma_semaphore, #tpu.memory_space<semaphore_mem>>) src(%dma_wait3A_230 : memref<10240x16xf32, #tpu.memory_space<vmem_shared>>) dst(%arg11 : memref<512x16xf32, #tpu.memory_space<vmem>>)
    %add3A_231 = arith.constant 512 : i32
    %add3A_232 = arith.addi %mul3A_2, %add3A_231 : i32
    %dma_start3A_233 = arith.constant 0 : i32
    %dma_start3A_234 = tpu.memref_slice %arg6[%add3A_232, %dma_start3A_233] : memref<163840x16xf32, #tpu.memory_space<hbm>> -> memref<512x16xf32, #tpu.memory_space<hbm>>
    %dma_start3A_235 = arith.constant 0 : i32
    %dma_start3A_236 = tpu.memref_slice %arg6[%add3A_232, %dma_start3A_235] : memref<163840x16xf32, #tpu.memory_space<hbm>> -> memref<512x16xf32, #tpu.memory_space<hbm>>
    tpu.enqueue_dma source(%arg11 : memref<512x16xf32, #tpu.memory_space<vmem>>) target(%dma_start3A_236 : memref<512x16xf32, #tpu.memory_space<hbm>>) target_semaphore(%arg15 : memref<!tpu.dma_semaphore, #tpu.memory_space<semaphore_mem>>)
    %dma_wait3A_237 = arith.constant 0 : i32
    %dma_wait3A_238 = tpu.memref_slice %arg6[%add3A_212, %dma_wait3A_237] : memref<163840x16xf32, #tpu.memory_space<hbm>> -> memref<512x16xf32, #tpu.memory_space<hbm>>
    %dma_wait3A_239 = arith.constant 0 : i32
    %dma_wait3A_240 = tpu.memref_slice %arg6[%add3A_212, %dma_wait3A_239] : memref<163840x16xf32, #tpu.memory_space<hbm>> -> memref<512x16xf32, #tpu.memory_space<hbm>>
    tpu.wait_dma2 semaphore(%arg14 : memref<!tpu.dma_semaphore, #tpu.memory_space<semaphore_mem>>) src(%arg10 : memref<512x16xf32, #tpu.memory_space<vmem>>) dst(%dma_wait3A_240 : memref<512x16xf32, #tpu.memory_space<hbm>>)
    %dma_start3A_241 = arith.constant 1024 : i32
    %dma_start3A_242 = tpu.memref_slice %arg9[%dma_start3A_241] : memref<5120xi32, #tpu.memory_space<vmem>> -> memref<512xi32, #tpu.memory_space<vmem>>
    %dma_start3A_243 = arith.constant 0 : i32
    %dma_start3A_244 = arith.constant 0 : i32
    %dma_start3A_245 = tpu.memref_slice %arg7[%dma_start3A_243, %dma_start3A_244] : memref<10240x16xf32, #tpu.memory_space<vmem_shared>> -> memref<10240x16xf32, #tpu.memory_space<vmem_shared>>
    tpu.enqueue_indirect_dma source(%dma_start3A_245 : memref<10240x16xf32, #tpu.memory_space<vmem_shared>>) target(%arg10 : memref<512x16xf32, #tpu.memory_space<vmem>>) offsets(%dma_start3A_242 : memref<512xi32, #tpu.memory_space<vmem>>) semaphore(%arg12 : memref<!tpu.dma_semaphore, #tpu.memory_space<semaphore_mem>>)
    %dma_wait3A_246 = arith.constant 1024 : i32
    %dma_wait3A_247 = tpu.memref_slice %arg9[%dma_wait3A_246] : memref<5120xi32, #tpu.memory_space<vmem>> -> memref<512xi32, #tpu.memory_space<vmem>>
    %dma_wait3A_248 = arith.constant 0 : i32
    %dma_wait3A_249 = arith.constant 0 : i32
    %dma_wait3A_250 = tpu.memref_slice %arg7[%dma_wait3A_248, %dma_wait3A_249] : memref<10240x16xf32, #tpu.memory_space<vmem_shared>> -> memref<10240x16xf32, #tpu.memory_space<vmem_shared>>
    tpu.wait_indirect_dma semaphore(%arg12 : memref<!tpu.dma_semaphore, #tpu.memory_space<semaphore_mem>>) src(%dma_wait3A_250 : memref<10240x16xf32, #tpu.memory_space<vmem_shared>>) dst(%arg10 : memref<512x16xf32, #tpu.memory_space<vmem>>)
    %add3A_251 = arith.constant 1024 : i32
    %add3A_252 = arith.addi %mul3A_2, %add3A_251 : i32
    %dma_start3A_253 = arith.constant 0 : i32
    %dma_start3A_254 = tpu.memref_slice %arg6[%add3A_252, %dma_start3A_253] : memref<163840x16xf32, #tpu.memory_space<hbm>> -> memref<512x16xf32, #tpu.memory_space<hbm>>
    %dma_start3A_255 = arith.constant 0 : i32
    %dma_start3A_256 = tpu.memref_slice %arg6[%add3A_252, %dma_start3A_255] : memref<163840x16xf32, #tpu.memory_space<hbm>> -> memref<512x16xf32, #tpu.memory_space<hbm>>
    tpu.enqueue_dma source(%arg10 : memref<512x16xf32, #tpu.memory_space<vmem>>) target(%dma_start3A_256 : memref<512x16xf32, #tpu.memory_space<hbm>>) target_semaphore(%arg14 : memref<!tpu.dma_semaphore, #tpu.memory_space<semaphore_mem>>)
    %dma_wait3A_257 = arith.constant 0 : i32
    %dma_wait3A_258 = tpu.memref_slice %arg6[%add3A_232, %dma_wait3A_257] : memref<163840x16xf32, #tpu.memory_space<hbm>> -> memref<512x16xf32, #tpu.memory_space<hbm>>
    %dma_wait3A_259 = arith.constant 0 : i32
    %dma_wait3A_260 = tpu.memref_slice %arg6[%add3A_232, %dma_wait3A_259] : memref<163840x16xf32, #tpu.memory_space<hbm>> -> memref<512x16xf32, #tpu.memory_space<hbm>>
    tpu.wait_dma2 semaphore(%arg15 : memref<!tpu.dma_semaphore, #tpu.memory_space<semaphore_mem>>) src(%arg11 : memref<512x16xf32, #tpu.memory_space<vmem>>) dst(%dma_wait3A_260 : memref<512x16xf32, #tpu.memory_space<hbm>>)
    %dma_start3A_261 = arith.constant 1536 : i32
    %dma_start3A_262 = tpu.memref_slice %arg9[%dma_start3A_261] : memref<5120xi32, #tpu.memory_space<vmem>> -> memref<512xi32, #tpu.memory_space<vmem>>
    %dma_start3A_263 = arith.constant 0 : i32
    %dma_start3A_264 = arith.constant 0 : i32
    %dma_start3A_265 = tpu.memref_slice %arg7[%dma_start3A_263, %dma_start3A_264] : memref<10240x16xf32, #tpu.memory_space<vmem_shared>> -> memref<10240x16xf32, #tpu.memory_space<vmem_shared>>
    tpu.enqueue_indirect_dma source(%dma_start3A_265 : memref<10240x16xf32, #tpu.memory_space<vmem_shared>>) target(%arg11 : memref<512x16xf32, #tpu.memory_space<vmem>>) offsets(%dma_start3A_262 : memref<512xi32, #tpu.memory_space<vmem>>) semaphore(%arg13 : memref<!tpu.dma_semaphore, #tpu.memory_space<semaphore_mem>>)
    %dma_wait3A_266 = arith.constant 1536 : i32
    %dma_wait3A_267 = tpu.memref_slice %arg9[%dma_wait3A_266] : memref<5120xi32, #tpu.memory_space<vmem>> -> memref<512xi32, #tpu.memory_space<vmem>>
    %dma_wait3A_268 = arith.constant 0 : i32
    %dma_wait3A_269 = arith.constant 0 : i32
    %dma_wait3A_270 = tpu.memref_slice %arg7[%dma_wait3A_268, %dma_wait3A_269] : memref<10240x16xf32, #tpu.memory_space<vmem_shared>> -> memref<10240x16xf32, #tpu.memory_space<vmem_shared>>
    tpu.wait_indirect_dma semaphore(%arg13 : memref<!tpu.dma_semaphore, #tpu.memory_space<semaphore_mem>>) src(%dma_wait3A_270 : memref<10240x16xf32, #tpu.memory_space<vmem_shared>>) dst(%arg11 : memref<512x16xf32, #tpu.memory_space<vmem>>)
    %add3A_271 = arith.constant 1536 : i32
    %add3A_272 = arith.addi %mul3A_2, %add3A_271 : i32
    %dma_start3A_273 = arith.constant 0 : i32
    %dma_start3A_274 = tpu.memref_slice %arg6[%add3A_272, %dma_start3A_273] : memref<163840x16xf32, #tpu.memory_space<hbm>> -> memref<512x16xf32, #tpu.memory_space<hbm>>
    %dma_start3A_275 = arith.constant 0 : i32
    %dma_start3A_276 = tpu.memref_slice %arg6[%add3A_272, %dma_start3A_275] : memref<163840x16xf32, #tpu.memory_space<hbm>> -> memref<512x16xf32, #tpu.memory_space<hbm>>
    tpu.enqueue_dma source(%arg11 : memref<512x16xf32, #tpu.memory_space<vmem>>) target(%dma_start3A_276 : memref<512x16xf32, #tpu.memory_space<hbm>>) target_semaphore(%arg15 : memref<!tpu.dma_semaphore, #tpu.memory_space<semaphore_mem>>)
    %dma_wait3A_277 = arith.constant 0 : i32
    %dma_wait3A_278 = tpu.memref_slice %arg6[%add3A_252, %dma_wait3A_277] : memref<163840x16xf32, #tpu.memory_space<hbm>> -> memref<512x16xf32, #tpu.memory_space<hbm>>
    %dma_wait3A_279 = arith.constant 0 : i32
    %dma_wait3A_280 = tpu.memref_slice %arg6[%add3A_252, %dma_wait3A_279] : memref<163840x16xf32, #tpu.memory_space<hbm>> -> memref<512x16xf32, #tpu.memory_space<hbm>>
    tpu.wait_dma2 semaphore(%arg14 : memref<!tpu.dma_semaphore, #tpu.memory_space<semaphore_mem>>) src(%arg10 : memref<512x16xf32, #tpu.memory_space<vmem>>) dst(%dma_wait3A_280 : memref<512x16xf32, #tpu.memory_space<hbm>>)
    %dma_start3A_281 = arith.constant 2048 : i32
    %dma_start3A_282 = tpu.memref_slice %arg9[%dma_start3A_281] : memref<5120xi32, #tpu.memory_space<vmem>> -> memref<512xi32, #tpu.memory_space<vmem>>
    %dma_start3A_283 = arith.constant 0 : i32
    %dma_start3A_284 = arith.constant 0 : i32
    %dma_start3A_285 = tpu.memref_slice %arg7[%dma_start3A_283, %dma_start3A_284] : memref<10240x16xf32, #tpu.memory_space<vmem_shared>> -> memref<10240x16xf32, #tpu.memory_space<vmem_shared>>
    tpu.enqueue_indirect_dma source(%dma_start3A_285 : memref<10240x16xf32, #tpu.memory_space<vmem_shared>>) target(%arg10 : memref<512x16xf32, #tpu.memory_space<vmem>>) offsets(%dma_start3A_282 : memref<512xi32, #tpu.memory_space<vmem>>) semaphore(%arg12 : memref<!tpu.dma_semaphore, #tpu.memory_space<semaphore_mem>>)
    %dma_wait3A_286 = arith.constant 2048 : i32
    %dma_wait3A_287 = tpu.memref_slice %arg9[%dma_wait3A_286] : memref<5120xi32, #tpu.memory_space<vmem>> -> memref<512xi32, #tpu.memory_space<vmem>>
    %dma_wait3A_288 = arith.constant 0 : i32
    %dma_wait3A_289 = arith.constant 0 : i32
    %dma_wait3A_290 = tpu.memref_slice %arg7[%dma_wait3A_288, %dma_wait3A_289] : memref<10240x16xf32, #tpu.memory_space<vmem_shared>> -> memref<10240x16xf32, #tpu.memory_space<vmem_shared>>
    tpu.wait_indirect_dma semaphore(%arg12 : memref<!tpu.dma_semaphore, #tpu.memory_space<semaphore_mem>>) src(%dma_wait3A_290 : memref<10240x16xf32, #tpu.memory_space<vmem_shared>>) dst(%arg10 : memref<512x16xf32, #tpu.memory_space<vmem>>)
    %add3A_291 = arith.constant 2048 : i32
    %add3A_292 = arith.addi %mul3A_2, %add3A_291 : i32
    %dma_start3A_293 = arith.constant 0 : i32
    %dma_start3A_294 = tpu.memref_slice %arg6[%add3A_292, %dma_start3A_293] : memref<163840x16xf32, #tpu.memory_space<hbm>> -> memref<512x16xf32, #tpu.memory_space<hbm>>
    %dma_start3A_295 = arith.constant 0 : i32
    %dma_start3A_296 = tpu.memref_slice %arg6[%add3A_292, %dma_start3A_295] : memref<163840x16xf32, #tpu.memory_space<hbm>> -> memref<512x16xf32, #tpu.memory_space<hbm>>
    tpu.enqueue_dma source(%arg10 : memref<512x16xf32, #tpu.memory_space<vmem>>) target(%dma_start3A_296 : memref<512x16xf32, #tpu.memory_space<hbm>>) target_semaphore(%arg14 : memref<!tpu.dma_semaphore, #tpu.memory_space<semaphore_mem>>)
    %dma_wait3A_297 = arith.constant 0 : i32
    %dma_wait3A_298 = tpu.memref_slice %arg6[%add3A_272, %dma_wait3A_297] : memref<163840x16xf32, #tpu.memory_space<hbm>> -> memref<512x16xf32, #tpu.memory_space<hbm>>
    %dma_wait3A_299 = arith.constant 0 : i32
    %dma_wait3A_300 = tpu.memref_slice %arg6[%add3A_272, %dma_wait3A_299] : memref<163840x16xf32, #tpu.memory_space<hbm>> -> memref<512x16xf32, #tpu.memory_space<hbm>>
    tpu.wait_dma2 semaphore(%arg15 : memref<!tpu.dma_semaphore, #tpu.memory_space<semaphore_mem>>) src(%arg11 : memref<512x16xf32, #tpu.memory_space<vmem>>) dst(%dma_wait3A_300 : memref<512x16xf32, #tpu.memory_space<hbm>>)
    %dma_start3A_301 = arith.constant 2560 : i32
    %dma_start3A_302 = tpu.memref_slice %arg9[%dma_start3A_301] : memref<5120xi32, #tpu.memory_space<vmem>> -> memref<512xi32, #tpu.memory_space<vmem>>
    %dma_start3A_303 = arith.constant 0 : i32
    %dma_start3A_304 = arith.constant 0 : i32
    %dma_start3A_305 = tpu.memref_slice %arg7[%dma_start3A_303, %dma_start3A_304] : memref<10240x16xf32, #tpu.memory_space<vmem_shared>> -> memref<10240x16xf32, #tpu.memory_space<vmem_shared>>
    tpu.enqueue_indirect_dma source(%dma_start3A_305 : memref<10240x16xf32, #tpu.memory_space<vmem_shared>>) target(%arg11 : memref<512x16xf32, #tpu.memory_space<vmem>>) offsets(%dma_start3A_302 : memref<512xi32, #tpu.memory_space<vmem>>) semaphore(%arg13 : memref<!tpu.dma_semaphore, #tpu.memory_space<semaphore_mem>>)
    %dma_wait3A_306 = arith.constant 2560 : i32
    %dma_wait3A_307 = tpu.memref_slice %arg9[%dma_wait3A_306] : memref<5120xi32, #tpu.memory_space<vmem>> -> memref<512xi32, #tpu.memory_space<vmem>>
    %dma_wait3A_308 = arith.constant 0 : i32
    %dma_wait3A_309 = arith.constant 0 : i32
    %dma_wait3A_310 = tpu.memref_slice %arg7[%dma_wait3A_308, %dma_wait3A_309] : memref<10240x16xf32, #tpu.memory_space<vmem_shared>> -> memref<10240x16xf32, #tpu.memory_space<vmem_shared>>
    tpu.wait_indirect_dma semaphore(%arg13 : memref<!tpu.dma_semaphore, #tpu.memory_space<semaphore_mem>>) src(%dma_wait3A_310 : memref<10240x16xf32, #tpu.memory_space<vmem_shared>>) dst(%arg11 : memref<512x16xf32, #tpu.memory_space<vmem>>)
    %add3A_311 = arith.constant 2560 : i32
    %add3A_312 = arith.addi %mul3A_2, %add3A_311 : i32
    %dma_start3A_313 = arith.constant 0 : i32
    %dma_start3A_314 = tpu.memref_slice %arg6[%add3A_312, %dma_start3A_313] : memref<163840x16xf32, #tpu.memory_space<hbm>> -> memref<512x16xf32, #tpu.memory_space<hbm>>
    %dma_start3A_315 = arith.constant 0 : i32
    %dma_start3A_316 = tpu.memref_slice %arg6[%add3A_312, %dma_start3A_315] : memref<163840x16xf32, #tpu.memory_space<hbm>> -> memref<512x16xf32, #tpu.memory_space<hbm>>
    tpu.enqueue_dma source(%arg11 : memref<512x16xf32, #tpu.memory_space<vmem>>) target(%dma_start3A_316 : memref<512x16xf32, #tpu.memory_space<hbm>>) target_semaphore(%arg15 : memref<!tpu.dma_semaphore, #tpu.memory_space<semaphore_mem>>)
    %dma_wait3A_317 = arith.constant 0 : i32
    %dma_wait3A_318 = tpu.memref_slice %arg6[%add3A_292, %dma_wait3A_317] : memref<163840x16xf32, #tpu.memory_space<hbm>> -> memref<512x16xf32, #tpu.memory_space<hbm>>
    %dma_wait3A_319 = arith.constant 0 : i32
    %dma_wait3A_320 = tpu.memref_slice %arg6[%add3A_292, %dma_wait3A_319] : memref<163840x16xf32, #tpu.memory_space<hbm>> -> memref<512x16xf32, #tpu.memory_space<hbm>>
    tpu.wait_dma2 semaphore(%arg14 : memref<!tpu.dma_semaphore, #tpu.memory_space<semaphore_mem>>) src(%arg10 : memref<512x16xf32, #tpu.memory_space<vmem>>) dst(%dma_wait3A_320 : memref<512x16xf32, #tpu.memory_space<hbm>>)
    %dma_start3A_321 = arith.constant 3072 : i32
    %dma_start3A_322 = tpu.memref_slice %arg9[%dma_start3A_321] : memref<5120xi32, #tpu.memory_space<vmem>> -> memref<512xi32, #tpu.memory_space<vmem>>
    %dma_start3A_323 = arith.constant 0 : i32
    %dma_start3A_324 = arith.constant 0 : i32
    %dma_start3A_325 = tpu.memref_slice %arg7[%dma_start3A_323, %dma_start3A_324] : memref<10240x16xf32, #tpu.memory_space<vmem_shared>> -> memref<10240x16xf32, #tpu.memory_space<vmem_shared>>
    tpu.enqueue_indirect_dma source(%dma_start3A_325 : memref<10240x16xf32, #tpu.memory_space<vmem_shared>>) target(%arg10 : memref<512x16xf32, #tpu.memory_space<vmem>>) offsets(%dma_start3A_322 : memref<512xi32, #tpu.memory_space<vmem>>) semaphore(%arg12 : memref<!tpu.dma_semaphore, #tpu.memory_space<semaphore_mem>>)
    %dma_wait3A_326 = arith.constant 3072 : i32
    %dma_wait3A_327 = tpu.memref_slice %arg9[%dma_wait3A_326] : memref<5120xi32, #tpu.memory_space<vmem>> -> memref<512xi32, #tpu.memory_space<vmem>>
    %dma_wait3A_328 = arith.constant 0 : i32
    %dma_wait3A_329 = arith.constant 0 : i32
    %dma_wait3A_330 = tpu.memref_slice %arg7[%dma_wait3A_328, %dma_wait3A_329] : memref<10240x16xf32, #tpu.memory_space<vmem_shared>> -> memref<10240x16xf32, #tpu.memory_space<vmem_shared>>
    tpu.wait_indirect_dma semaphore(%arg12 : memref<!tpu.dma_semaphore, #tpu.memory_space<semaphore_mem>>) src(%dma_wait3A_330 : memref<10240x16xf32, #tpu.memory_space<vmem_shared>>) dst(%arg10 : memref<512x16xf32, #tpu.memory_space<vmem>>)
    %add3A_331 = arith.constant 3072 : i32
    %add3A_332 = arith.addi %mul3A_2, %add3A_331 : i32
    %dma_start3A_333 = arith.constant 0 : i32
    %dma_start3A_334 = tpu.memref_slice %arg6[%add3A_332, %dma_start3A_333] : memref<163840x16xf32, #tpu.memory_space<hbm>> -> memref<512x16xf32, #tpu.memory_space<hbm>>
    %dma_start3A_335 = arith.constant 0 : i32
    %dma_start3A_336 = tpu.memref_slice %arg6[%add3A_332, %dma_start3A_335] : memref<163840x16xf32, #tpu.memory_space<hbm>> -> memref<512x16xf32, #tpu.memory_space<hbm>>
    tpu.enqueue_dma source(%arg10 : memref<512x16xf32, #tpu.memory_space<vmem>>) target(%dma_start3A_336 : memref<512x16xf32, #tpu.memory_space<hbm>>) target_semaphore(%arg14 : memref<!tpu.dma_semaphore, #tpu.memory_space<semaphore_mem>>)
    %dma_wait3A_337 = arith.constant 0 : i32
    %dma_wait3A_338 = tpu.memref_slice %arg6[%add3A_312, %dma_wait3A_337] : memref<163840x16xf32, #tpu.memory_space<hbm>> -> memref<512x16xf32, #tpu.memory_space<hbm>>
    %dma_wait3A_339 = arith.constant 0 : i32
    %dma_wait3A_340 = tpu.memref_slice %arg6[%add3A_312, %dma_wait3A_339] : memref<163840x16xf32, #tpu.memory_space<hbm>> -> memref<512x16xf32, #tpu.memory_space<hbm>>
    tpu.wait_dma2 semaphore(%arg15 : memref<!tpu.dma_semaphore, #tpu.memory_space<semaphore_mem>>) src(%arg11 : memref<512x16xf32, #tpu.memory_space<vmem>>) dst(%dma_wait3A_340 : memref<512x16xf32, #tpu.memory_space<hbm>>)
    %dma_start3A_341 = arith.constant 3584 : i32
    %dma_start3A_342 = tpu.memref_slice %arg9[%dma_start3A_341] : memref<5120xi32, #tpu.memory_space<vmem>> -> memref<512xi32, #tpu.memory_space<vmem>>
    %dma_start3A_343 = arith.constant 0 : i32
    %dma_start3A_344 = arith.constant 0 : i32
    %dma_start3A_345 = tpu.memref_slice %arg7[%dma_start3A_343, %dma_start3A_344] : memref<10240x16xf32, #tpu.memory_space<vmem_shared>> -> memref<10240x16xf32, #tpu.memory_space<vmem_shared>>
    tpu.enqueue_indirect_dma source(%dma_start3A_345 : memref<10240x16xf32, #tpu.memory_space<vmem_shared>>) target(%arg11 : memref<512x16xf32, #tpu.memory_space<vmem>>) offsets(%dma_start3A_342 : memref<512xi32, #tpu.memory_space<vmem>>) semaphore(%arg13 : memref<!tpu.dma_semaphore, #tpu.memory_space<semaphore_mem>>)
    %dma_wait3A_346 = arith.constant 3584 : i32
    %dma_wait3A_347 = tpu.memref_slice %arg9[%dma_wait3A_346] : memref<5120xi32, #tpu.memory_space<vmem>> -> memref<512xi32, #tpu.memory_space<vmem>>
    %dma_wait3A_348 = arith.constant 0 : i32
    %dma_wait3A_349 = arith.constant 0 : i32
    %dma_wait3A_350 = tpu.memref_slice %arg7[%dma_wait3A_348, %dma_wait3A_349] : memref<10240x16xf32, #tpu.memory_space<vmem_shared>> -> memref<10240x16xf32, #tpu.memory_space<vmem_shared>>
    tpu.wait_indirect_dma semaphore(%arg13 : memref<!tpu.dma_semaphore, #tpu.memory_space<semaphore_mem>>) src(%dma_wait3A_350 : memref<10240x16xf32, #tpu.memory_space<vmem_shared>>) dst(%arg11 : memref<512x16xf32, #tpu.memory_space<vmem>>)
    %add3A_351 = arith.constant 3584 : i32
    %add3A_352 = arith.addi %mul3A_2, %add3A_351 : i32
    %dma_start3A_353 = arith.constant 0 : i32
    %dma_start3A_354 = tpu.memref_slice %arg6[%add3A_352, %dma_start3A_353] : memref<163840x16xf32, #tpu.memory_space<hbm>> -> memref<512x16xf32, #tpu.memory_space<hbm>>
    %dma_start3A_355 = arith.constant 0 : i32
    %dma_start3A_356 = tpu.memref_slice %arg6[%add3A_352, %dma_start3A_355] : memref<163840x16xf32, #tpu.memory_space<hbm>> -> memref<512x16xf32, #tpu.memory_space<hbm>>
    tpu.enqueue_dma source(%arg11 : memref<512x16xf32, #tpu.memory_space<vmem>>) target(%dma_start3A_356 : memref<512x16xf32, #tpu.memory_space<hbm>>) target_semaphore(%arg15 : memref<!tpu.dma_semaphore, #tpu.memory_space<semaphore_mem>>)
    %dma_wait3A_357 = arith.constant 0 : i32
    %dma_wait3A_358 = tpu.memref_slice %arg6[%add3A_332, %dma_wait3A_357] : memref<163840x16xf32, #tpu.memory_space<hbm>> -> memref<512x16xf32, #tpu.memory_space<hbm>>
    %dma_wait3A_359 = arith.constant 0 : i32
    %dma_wait3A_360 = tpu.memref_slice %arg6[%add3A_332, %dma_wait3A_359] : memref<163840x16xf32, #tpu.memory_space<hbm>> -> memref<512x16xf32, #tpu.memory_space<hbm>>
    tpu.wait_dma2 semaphore(%arg14 : memref<!tpu.dma_semaphore, #tpu.memory_space<semaphore_mem>>) src(%arg10 : memref<512x16xf32, #tpu.memory_space<vmem>>) dst(%dma_wait3A_360 : memref<512x16xf32, #tpu.memory_space<hbm>>)
    %dma_start3A_361 = arith.constant 4096 : i32
    %dma_start3A_362 = tpu.memref_slice %arg9[%dma_start3A_361] : memref<5120xi32, #tpu.memory_space<vmem>> -> memref<512xi32, #tpu.memory_space<vmem>>
    %dma_start3A_363 = arith.constant 0 : i32
    %dma_start3A_364 = arith.constant 0 : i32
    %dma_start3A_365 = tpu.memref_slice %arg7[%dma_start3A_363, %dma_start3A_364] : memref<10240x16xf32, #tpu.memory_space<vmem_shared>> -> memref<10240x16xf32, #tpu.memory_space<vmem_shared>>
    tpu.enqueue_indirect_dma source(%dma_start3A_365 : memref<10240x16xf32, #tpu.memory_space<vmem_shared>>) target(%arg10 : memref<512x16xf32, #tpu.memory_space<vmem>>) offsets(%dma_start3A_362 : memref<512xi32, #tpu.memory_space<vmem>>) semaphore(%arg12 : memref<!tpu.dma_semaphore, #tpu.memory_space<semaphore_mem>>)
    %dma_wait3A_366 = arith.constant 4096 : i32
    %dma_wait3A_367 = tpu.memref_slice %arg9[%dma_wait3A_366] : memref<5120xi32, #tpu.memory_space<vmem>> -> memref<512xi32, #tpu.memory_space<vmem>>
    %dma_wait3A_368 = arith.constant 0 : i32
    %dma_wait3A_369 = arith.constant 0 : i32
    %dma_wait3A_370 = tpu.memref_slice %arg7[%dma_wait3A_368, %dma_wait3A_369] : memref<10240x16xf32, #tpu.memory_space<vmem_shared>> -> memref<10240x16xf32, #tpu.memory_space<vmem_shared>>
    tpu.wait_indirect_dma semaphore(%arg12 : memref<!tpu.dma_semaphore, #tpu.memory_space<semaphore_mem>>) src(%dma_wait3A_370 : memref<10240x16xf32, #tpu.memory_space<vmem_shared>>) dst(%arg10 : memref<512x16xf32, #tpu.memory_space<vmem>>)
    %add3A_371 = arith.constant 4096 : i32
    %add3A_372 = arith.addi %mul3A_2, %add3A_371 : i32
    %dma_start3A_373 = arith.constant 0 : i32
    %dma_start3A_374 = tpu.memref_slice %arg6[%add3A_372, %dma_start3A_373] : memref<163840x16xf32, #tpu.memory_space<hbm>> -> memref<512x16xf32, #tpu.memory_space<hbm>>
    %dma_start3A_375 = arith.constant 0 : i32
    %dma_start3A_376 = tpu.memref_slice %arg6[%add3A_372, %dma_start3A_375] : memref<163840x16xf32, #tpu.memory_space<hbm>> -> memref<512x16xf32, #tpu.memory_space<hbm>>
    tpu.enqueue_dma source(%arg10 : memref<512x16xf32, #tpu.memory_space<vmem>>) target(%dma_start3A_376 : memref<512x16xf32, #tpu.memory_space<hbm>>) target_semaphore(%arg14 : memref<!tpu.dma_semaphore, #tpu.memory_space<semaphore_mem>>)
    %dma_wait3A_377 = arith.constant 0 : i32
    %dma_wait3A_378 = tpu.memref_slice %arg6[%add3A_352, %dma_wait3A_377] : memref<163840x16xf32, #tpu.memory_space<hbm>> -> memref<512x16xf32, #tpu.memory_space<hbm>>
    %dma_wait3A_379 = arith.constant 0 : i32
    %dma_wait3A_380 = tpu.memref_slice %arg6[%add3A_352, %dma_wait3A_379] : memref<163840x16xf32, #tpu.memory_space<hbm>> -> memref<512x16xf32, #tpu.memory_space<hbm>>
    tpu.wait_dma2 semaphore(%arg15 : memref<!tpu.dma_semaphore, #tpu.memory_space<semaphore_mem>>) src(%arg11 : memref<512x16xf32, #tpu.memory_space<vmem>>) dst(%dma_wait3A_380 : memref<512x16xf32, #tpu.memory_space<hbm>>)
    %dma_start3A_381 = arith.constant 4608 : i32
    %dma_start3A_382 = tpu.memref_slice %arg9[%dma_start3A_381] : memref<5120xi32, #tpu.memory_space<vmem>> -> memref<512xi32, #tpu.memory_space<vmem>>
    %dma_start3A_383 = arith.constant 0 : i32
    %dma_start3A_384 = arith.constant 0 : i32
    %dma_start3A_385 = tpu.memref_slice %arg7[%dma_start3A_383, %dma_start3A_384] : memref<10240x16xf32, #tpu.memory_space<vmem_shared>> -> memref<10240x16xf32, #tpu.memory_space<vmem_shared>>
    tpu.enqueue_indirect_dma source(%dma_start3A_385 : memref<10240x16xf32, #tpu.memory_space<vmem_shared>>) target(%arg11 : memref<512x16xf32, #tpu.memory_space<vmem>>) offsets(%dma_start3A_382 : memref<512xi32, #tpu.memory_space<vmem>>) semaphore(%arg13 : memref<!tpu.dma_semaphore, #tpu.memory_space<semaphore_mem>>)
    %dma_wait3A_386 = arith.constant 4608 : i32
    %dma_wait3A_387 = tpu.memref_slice %arg9[%dma_wait3A_386] : memref<5120xi32, #tpu.memory_space<vmem>> -> memref<512xi32, #tpu.memory_space<vmem>>
    %dma_wait3A_388 = arith.constant 0 : i32
    %dma_wait3A_389 = arith.constant 0 : i32
    %dma_wait3A_390 = tpu.memref_slice %arg7[%dma_wait3A_388, %dma_wait3A_389] : memref<10240x16xf32, #tpu.memory_space<vmem_shared>> -> memref<10240x16xf32, #tpu.memory_space<vmem_shared>>
    tpu.wait_indirect_dma semaphore(%arg13 : memref<!tpu.dma_semaphore, #tpu.memory_space<semaphore_mem>>) src(%dma_wait3A_390 : memref<10240x16xf32, #tpu.memory_space<vmem_shared>>) dst(%arg11 : memref<512x16xf32, #tpu.memory_space<vmem>>)
    %add3A_391 = arith.constant 4608 : i32
    %add3A_392 = arith.addi %mul3A_2, %add3A_391 : i32
    %dma_start3A_393 = arith.constant 0 : i32
    %dma_start3A_394 = tpu.memref_slice %arg6[%add3A_392, %dma_start3A_393] : memref<163840x16xf32, #tpu.memory_space<hbm>> -> memref<512x16xf32, #tpu.memory_space<hbm>>
    %dma_start3A_395 = arith.constant 0 : i32
    %dma_start3A_396 = tpu.memref_slice %arg6[%add3A_392, %dma_start3A_395] : memref<163840x16xf32, #tpu.memory_space<hbm>> -> memref<512x16xf32, #tpu.memory_space<hbm>>
    tpu.enqueue_dma source(%arg11 : memref<512x16xf32, #tpu.memory_space<vmem>>) target(%dma_start3A_396 : memref<512x16xf32, #tpu.memory_space<hbm>>) target_semaphore(%arg15 : memref<!tpu.dma_semaphore, #tpu.memory_space<semaphore_mem>>)
    %dma_wait3A_397 = arith.constant 0 : i32
    %dma_wait3A_398 = tpu.memref_slice %arg6[%add3A_372, %dma_wait3A_397] : memref<163840x16xf32, #tpu.memory_space<hbm>> -> memref<512x16xf32, #tpu.memory_space<hbm>>
    %dma_wait3A_399 = arith.constant 0 : i32
    %dma_wait3A_400 = tpu.memref_slice %arg6[%add3A_372, %dma_wait3A_399] : memref<163840x16xf32, #tpu.memory_space<hbm>> -> memref<512x16xf32, #tpu.memory_space<hbm>>
    tpu.wait_dma2 semaphore(%arg14 : memref<!tpu.dma_semaphore, #tpu.memory_space<semaphore_mem>>) src(%arg10 : memref<512x16xf32, #tpu.memory_space<vmem>>) dst(%dma_wait3A_400 : memref<512x16xf32, #tpu.memory_space<hbm>>)
    %dma_wait3A_401 = arith.constant 0 : i32
    %dma_wait3A_402 = tpu.memref_slice %arg6[%add3A_392, %dma_wait3A_401] : memref<163840x16xf32, #tpu.memory_space<hbm>> -> memref<512x16xf32, #tpu.memory_space<hbm>>
    %dma_wait3A_403 = arith.constant 0 : i32
    %dma_wait3A_404 = tpu.memref_slice %arg6[%add3A_392, %dma_wait3A_403] : memref<163840x16xf32, #tpu.memory_space<hbm>> -> memref<512x16xf32, #tpu.memory_space<hbm>>
    tpu.wait_dma2 semaphore(%arg15 : memref<!tpu.dma_semaphore, #tpu.memory_space<semaphore_mem>>) src(%arg11 : memref<512x16xf32, #tpu.memory_space<vmem>>) dst(%dma_wait3A_404 : memref<512x16xf32, #tpu.memory_space<hbm>>)
    return
  }
}

#map = affine_map<(d0, d1) -> (0, 0)>
#map1 = affine_map<(d0, d1) -> (0)>
module attributes {stable_mosaic.version = 14 : i64} {
  func.func @_g2(%arg0: i32, %arg1: i32, %arg2: memref<10240x64xf32, #tpu.memory_space<hbm>>, %arg3: memref<163840xi32, #tpu.memory_space<hbm>>, %arg4: memref<163840xi32, #tpu.memory_space<hbm>>, %arg5: memref<163840x128xf32, #tpu.memory_space<hbm>>, %arg6: memref<10240x64xf32, #tpu.memory_space<vmem_shared>>, %arg7: memref<5120xi32, #tpu.memory_space<vmem>>, %arg8: memref<5120xi32, #tpu.memory_space<vmem>>, %arg9: memref<512x64xf32, #tpu.memory_space<vmem>>, %arg10: memref<512x64xf32, #tpu.memory_space<vmem>>, %arg11: memref<!tpu.dma_semaphore, #tpu.memory_space<semaphore_mem>>, %arg12: memref<!tpu.dma_semaphore, #tpu.memory_space<semaphore_mem>>, %arg13: memref<!tpu.dma_semaphore, #tpu.memory_space<semaphore_mem>>, %arg14: memref<!tpu.dma_semaphore, #tpu.memory_space<semaphore_mem>>) attributes {dimension_semantics = [#tpu.dimension_semantics<core_parallel>, #tpu.dimension_semantics<subcore_parallel>], iteration_bounds = array<i64: 2, 16>, scalar_prefetch = 0 : i64, scratch_operands = 9 : i64, tpu.core_type = #tpu.core_type<sc_vector_subcore>, window_params = [{transform_indices = #map}, {transform_indices = #map1}, {transform_indices = #map1}, {transform_indices = #map}]} {
    %mul3A = arith.constant 2 : i32
    %mul3A_0 = arith.muli %arg1, %mul3A : i32
    %add3A = arith.addi %mul3A_0, %arg0 : i32
    %mul3A_1 = arith.constant 5120 : i32
    %mul3A_2 = arith.muli %add3A, %mul3A_1 : i32
    %mul3A_3 = arith.constant 640 : i32
    %mul3A_4 = arith.muli %arg1, %mul3A_3 : i32
    %mul3A_5 = arith.constant 640 : i32
    %mul3A_6 = arith.muli %arg1, %mul3A_5 : i32
    "tpu.region"() ({
      %run_scoped3A = tpu.sem_alloc : memref<!tpu.dma_semaphore, #tpu.memory_space<semaphore_mem>>
      %dma_start3A_405 = arith.constant 0 : i32
      %dma_start3A_406 = tpu.memref_slice %arg6[%mul3A_6, %dma_start3A_405] : memref<10240x64xf32, #tpu.memory_space<vmem_shared>> -> memref<640x64xf32, #tpu.memory_space<vmem_shared>>
      %dma_start3A_407 = arith.constant 0 : i32
      %dma_start3A_408 = tpu.memref_slice %arg2[%mul3A_4, %dma_start3A_407] : memref<10240x64xf32, #tpu.memory_space<hbm>> -> memref<640x64xf32, #tpu.memory_space<hbm>>
      tpu.enqueue_dma source(%dma_start3A_408 : memref<640x64xf32, #tpu.memory_space<hbm>>) target(%dma_start3A_406 : memref<640x64xf32, #tpu.memory_space<vmem_shared>>) target_semaphore(%run_scoped3A : memref<!tpu.dma_semaphore, #tpu.memory_space<semaphore_mem>>)
      %dma_wait3A_409 = arith.constant 0 : i32
      %dma_wait3A_410 = tpu.memref_slice %arg6[%mul3A_6, %dma_wait3A_409] : memref<10240x64xf32, #tpu.memory_space<vmem_shared>> -> memref<640x64xf32, #tpu.memory_space<vmem_shared>>
      %dma_wait3A_411 = arith.constant 0 : i32
      %dma_wait3A_412 = tpu.memref_slice %arg2[%mul3A_4, %dma_wait3A_411] : memref<10240x64xf32, #tpu.memory_space<hbm>> -> memref<640x64xf32, #tpu.memory_space<hbm>>
      tpu.wait_dma2 semaphore(%run_scoped3A : memref<!tpu.dma_semaphore, #tpu.memory_space<semaphore_mem>>) src(%dma_wait3A_412 : memref<640x64xf32, #tpu.memory_space<hbm>>) dst(%dma_wait3A_410 : memref<640x64xf32, #tpu.memory_space<vmem_shared>>)
      tpu.yield
    }) : () -> ()
    "tpu.region"() ({
      %run_scoped3A = tpu.sem_alloc : memref<!tpu.dma_semaphore, #tpu.memory_space<semaphore_mem>>
      %dma_start3A_405 = tpu.memref_slice %arg3[%mul3A_2] : memref<163840xi32, #tpu.memory_space<hbm>> -> memref<5120xi32, #tpu.memory_space<hbm>>
      %dma_start3A_406 = tpu.memref_slice %arg3[%mul3A_2] : memref<163840xi32, #tpu.memory_space<hbm>> -> memref<5120xi32, #tpu.memory_space<hbm>>
      tpu.enqueue_dma source(%dma_start3A_406 : memref<5120xi32, #tpu.memory_space<hbm>>) target(%arg7 : memref<5120xi32, #tpu.memory_space<vmem>>) target_semaphore(%run_scoped3A : memref<!tpu.dma_semaphore, #tpu.memory_space<semaphore_mem>>)
      %dma_wait3A_407 = tpu.memref_slice %arg3[%mul3A_2] : memref<163840xi32, #tpu.memory_space<hbm>> -> memref<5120xi32, #tpu.memory_space<hbm>>
      %dma_wait3A_408 = tpu.memref_slice %arg3[%mul3A_2] : memref<163840xi32, #tpu.memory_space<hbm>> -> memref<5120xi32, #tpu.memory_space<hbm>>
      tpu.wait_dma2 semaphore(%run_scoped3A : memref<!tpu.dma_semaphore, #tpu.memory_space<semaphore_mem>>) src(%dma_wait3A_408 : memref<5120xi32, #tpu.memory_space<hbm>>) dst(%arg7 : memref<5120xi32, #tpu.memory_space<vmem>>)
      tpu.yield
    }) : () -> ()
    "tpu.region"() ({
      %run_scoped3A = tpu.sem_alloc : memref<!tpu.dma_semaphore, #tpu.memory_space<semaphore_mem>>
      %dma_start3A_405 = tpu.memref_slice %arg4[%mul3A_2] : memref<163840xi32, #tpu.memory_space<hbm>> -> memref<5120xi32, #tpu.memory_space<hbm>>
      %dma_start3A_406 = tpu.memref_slice %arg4[%mul3A_2] : memref<163840xi32, #tpu.memory_space<hbm>> -> memref<5120xi32, #tpu.memory_space<hbm>>
      tpu.enqueue_dma source(%dma_start3A_406 : memref<5120xi32, #tpu.memory_space<hbm>>) target(%arg8 : memref<5120xi32, #tpu.memory_space<vmem>>) target_semaphore(%run_scoped3A : memref<!tpu.dma_semaphore, #tpu.memory_space<semaphore_mem>>)
      %dma_wait3A_407 = tpu.memref_slice %arg4[%mul3A_2] : memref<163840xi32, #tpu.memory_space<hbm>> -> memref<5120xi32, #tpu.memory_space<hbm>>
      %dma_wait3A_408 = tpu.memref_slice %arg4[%mul3A_2] : memref<163840xi32, #tpu.memory_space<hbm>> -> memref<5120xi32, #tpu.memory_space<hbm>>
      tpu.wait_dma2 semaphore(%run_scoped3A : memref<!tpu.dma_semaphore, #tpu.memory_space<semaphore_mem>>) src(%dma_wait3A_408 : memref<5120xi32, #tpu.memory_space<hbm>>) dst(%arg8 : memref<5120xi32, #tpu.memory_space<vmem>>)
      tpu.yield
    }) : () -> ()
    %barrier3A = arith.constant 0 : index
    tpu.barrier barrier_id(%barrier3A)
    %dma_start3A = arith.constant 0 : i32
    %dma_start3A_7 = tpu.memref_slice %arg7[%dma_start3A] : memref<5120xi32, #tpu.memory_space<vmem>> -> memref<512xi32, #tpu.memory_space<vmem>>
    %dma_start3A_8 = arith.constant 0 : i32
    %dma_start3A_9 = arith.constant 0 : i32
    %dma_start3A_10 = tpu.memref_slice %arg6[%dma_start3A_8, %dma_start3A_9] : memref<10240x64xf32, #tpu.memory_space<vmem_shared>> -> memref<10240x64xf32, #tpu.memory_space<vmem_shared>>
    tpu.enqueue_indirect_dma source(%dma_start3A_10 : memref<10240x64xf32, #tpu.memory_space<vmem_shared>>) target(%arg9 : memref<512x64xf32, #tpu.memory_space<vmem>>) offsets(%dma_start3A_7 : memref<512xi32, #tpu.memory_space<vmem>>) semaphore(%arg11 : memref<!tpu.dma_semaphore, #tpu.memory_space<semaphore_mem>>)
    %dma_start3A_11 = arith.constant 512 : i32
    %dma_start3A_12 = tpu.memref_slice %arg7[%dma_start3A_11] : memref<5120xi32, #tpu.memory_space<vmem>> -> memref<512xi32, #tpu.memory_space<vmem>>
    %dma_start3A_13 = arith.constant 0 : i32
    %dma_start3A_14 = arith.constant 0 : i32
    %dma_start3A_15 = tpu.memref_slice %arg6[%dma_start3A_13, %dma_start3A_14] : memref<10240x64xf32, #tpu.memory_space<vmem_shared>> -> memref<10240x64xf32, #tpu.memory_space<vmem_shared>>
    tpu.enqueue_indirect_dma source(%dma_start3A_15 : memref<10240x64xf32, #tpu.memory_space<vmem_shared>>) target(%arg10 : memref<512x64xf32, #tpu.memory_space<vmem>>) offsets(%dma_start3A_12 : memref<512xi32, #tpu.memory_space<vmem>>) semaphore(%arg12 : memref<!tpu.dma_semaphore, #tpu.memory_space<semaphore_mem>>)
    %dma_wait3A = arith.constant 0 : i32
    %dma_wait3A_16 = tpu.memref_slice %arg7[%dma_wait3A] : memref<5120xi32, #tpu.memory_space<vmem>> -> memref<512xi32, #tpu.memory_space<vmem>>
    %dma_wait3A_17 = arith.constant 0 : i32
    %dma_wait3A_18 = arith.constant 0 : i32
    %dma_wait3A_19 = tpu.memref_slice %arg6[%dma_wait3A_17, %dma_wait3A_18] : memref<10240x64xf32, #tpu.memory_space<vmem_shared>> -> memref<10240x64xf32, #tpu.memory_space<vmem_shared>>
    tpu.wait_indirect_dma semaphore(%arg11 : memref<!tpu.dma_semaphore, #tpu.memory_space<semaphore_mem>>) src(%dma_wait3A_19 : memref<10240x64xf32, #tpu.memory_space<vmem_shared>>) dst(%arg9 : memref<512x64xf32, #tpu.memory_space<vmem>>)
    %add3A_20 = arith.constant 0 : i32
    %add3A_21 = arith.addi %mul3A_2, %add3A_20 : i32
    %dma_start3A_22 = arith.constant 0 : i32
    %dma_start3A_23 = tpu.memref_slice %arg5[%add3A_21, %dma_start3A_22] : memref<163840x128xf32, #tpu.memory_space<hbm>> -> memref<512x64xf32, #tpu.memory_space<hbm>>
    %dma_start3A_24 = arith.constant 0 : i32
    %dma_start3A_25 = tpu.memref_slice %arg5[%add3A_21, %dma_start3A_24] : memref<163840x128xf32, #tpu.memory_space<hbm>> -> memref<512x64xf32, #tpu.memory_space<hbm>>
    tpu.enqueue_dma source(%arg9 : memref<512x64xf32, #tpu.memory_space<vmem>>) target(%dma_start3A_25 : memref<512x64xf32, #tpu.memory_space<hbm>>) target_semaphore(%arg13 : memref<!tpu.dma_semaphore, #tpu.memory_space<semaphore_mem>>)
    %dma_wait3A_26 = arith.constant 0 : i32
    %dma_wait3A_27 = tpu.memref_slice %arg5[%add3A_21, %dma_wait3A_26] : memref<163840x128xf32, #tpu.memory_space<hbm>> -> memref<512x64xf32, #tpu.memory_space<hbm>>
    %dma_wait3A_28 = arith.constant 0 : i32
    %dma_wait3A_29 = tpu.memref_slice %arg5[%add3A_21, %dma_wait3A_28] : memref<163840x128xf32, #tpu.memory_space<hbm>> -> memref<512x64xf32, #tpu.memory_space<hbm>>
    tpu.wait_dma2 semaphore(%arg13 : memref<!tpu.dma_semaphore, #tpu.memory_space<semaphore_mem>>) src(%arg9 : memref<512x64xf32, #tpu.memory_space<vmem>>) dst(%dma_wait3A_29 : memref<512x64xf32, #tpu.memory_space<hbm>>)
    %dma_start3A_30 = arith.constant 1024 : i32
    %dma_start3A_31 = tpu.memref_slice %arg7[%dma_start3A_30] : memref<5120xi32, #tpu.memory_space<vmem>> -> memref<512xi32, #tpu.memory_space<vmem>>
    %dma_start3A_32 = arith.constant 0 : i32
    %dma_start3A_33 = arith.constant 0 : i32
    %dma_start3A_34 = tpu.memref_slice %arg6[%dma_start3A_32, %dma_start3A_33] : memref<10240x64xf32, #tpu.memory_space<vmem_shared>> -> memref<10240x64xf32, #tpu.memory_space<vmem_shared>>
    tpu.enqueue_indirect_dma source(%dma_start3A_34 : memref<10240x64xf32, #tpu.memory_space<vmem_shared>>) target(%arg9 : memref<512x64xf32, #tpu.memory_space<vmem>>) offsets(%dma_start3A_31 : memref<512xi32, #tpu.memory_space<vmem>>) semaphore(%arg11 : memref<!tpu.dma_semaphore, #tpu.memory_space<semaphore_mem>>)
    %dma_wait3A_35 = arith.constant 512 : i32
    %dma_wait3A_36 = tpu.memref_slice %arg7[%dma_wait3A_35] : memref<5120xi32, #tpu.memory_space<vmem>> -> memref<512xi32, #tpu.memory_space<vmem>>
    %dma_wait3A_37 = arith.constant 0 : i32
    %dma_wait3A_38 = arith.constant 0 : i32
    %dma_wait3A_39 = tpu.memref_slice %arg6[%dma_wait3A_37, %dma_wait3A_38] : memref<10240x64xf32, #tpu.memory_space<vmem_shared>> -> memref<10240x64xf32, #tpu.memory_space<vmem_shared>>
    tpu.wait_indirect_dma semaphore(%arg12 : memref<!tpu.dma_semaphore, #tpu.memory_space<semaphore_mem>>) src(%dma_wait3A_39 : memref<10240x64xf32, #tpu.memory_space<vmem_shared>>) dst(%arg10 : memref<512x64xf32, #tpu.memory_space<vmem>>)
    %add3A_40 = arith.constant 512 : i32
    %add3A_41 = arith.addi %mul3A_2, %add3A_40 : i32
    %dma_start3A_42 = arith.constant 0 : i32
    %dma_start3A_43 = tpu.memref_slice %arg5[%add3A_41, %dma_start3A_42] : memref<163840x128xf32, #tpu.memory_space<hbm>> -> memref<512x64xf32, #tpu.memory_space<hbm>>
    %dma_start3A_44 = arith.constant 0 : i32
    %dma_start3A_45 = tpu.memref_slice %arg5[%add3A_41, %dma_start3A_44] : memref<163840x128xf32, #tpu.memory_space<hbm>> -> memref<512x64xf32, #tpu.memory_space<hbm>>
    tpu.enqueue_dma source(%arg10 : memref<512x64xf32, #tpu.memory_space<vmem>>) target(%dma_start3A_45 : memref<512x64xf32, #tpu.memory_space<hbm>>) target_semaphore(%arg14 : memref<!tpu.dma_semaphore, #tpu.memory_space<semaphore_mem>>)
    %dma_wait3A_46 = arith.constant 0 : i32
    %dma_wait3A_47 = tpu.memref_slice %arg5[%add3A_41, %dma_wait3A_46] : memref<163840x128xf32, #tpu.memory_space<hbm>> -> memref<512x64xf32, #tpu.memory_space<hbm>>
    %dma_wait3A_48 = arith.constant 0 : i32
    %dma_wait3A_49 = tpu.memref_slice %arg5[%add3A_41, %dma_wait3A_48] : memref<163840x128xf32, #tpu.memory_space<hbm>> -> memref<512x64xf32, #tpu.memory_space<hbm>>
    tpu.wait_dma2 semaphore(%arg14 : memref<!tpu.dma_semaphore, #tpu.memory_space<semaphore_mem>>) src(%arg10 : memref<512x64xf32, #tpu.memory_space<vmem>>) dst(%dma_wait3A_49 : memref<512x64xf32, #tpu.memory_space<hbm>>)
    %dma_start3A_50 = arith.constant 1536 : i32
    %dma_start3A_51 = tpu.memref_slice %arg7[%dma_start3A_50] : memref<5120xi32, #tpu.memory_space<vmem>> -> memref<512xi32, #tpu.memory_space<vmem>>
    %dma_start3A_52 = arith.constant 0 : i32
    %dma_start3A_53 = arith.constant 0 : i32
    %dma_start3A_54 = tpu.memref_slice %arg6[%dma_start3A_52, %dma_start3A_53] : memref<10240x64xf32, #tpu.memory_space<vmem_shared>> -> memref<10240x64xf32, #tpu.memory_space<vmem_shared>>
    tpu.enqueue_indirect_dma source(%dma_start3A_54 : memref<10240x64xf32, #tpu.memory_space<vmem_shared>>) target(%arg10 : memref<512x64xf32, #tpu.memory_space<vmem>>) offsets(%dma_start3A_51 : memref<512xi32, #tpu.memory_space<vmem>>) semaphore(%arg12 : memref<!tpu.dma_semaphore, #tpu.memory_space<semaphore_mem>>)
    %dma_wait3A_55 = arith.constant 1024 : i32
    %dma_wait3A_56 = tpu.memref_slice %arg7[%dma_wait3A_55] : memref<5120xi32, #tpu.memory_space<vmem>> -> memref<512xi32, #tpu.memory_space<vmem>>
    %dma_wait3A_57 = arith.constant 0 : i32
    %dma_wait3A_58 = arith.constant 0 : i32
    %dma_wait3A_59 = tpu.memref_slice %arg6[%dma_wait3A_57, %dma_wait3A_58] : memref<10240x64xf32, #tpu.memory_space<vmem_shared>> -> memref<10240x64xf32, #tpu.memory_space<vmem_shared>>
    tpu.wait_indirect_dma semaphore(%arg11 : memref<!tpu.dma_semaphore, #tpu.memory_space<semaphore_mem>>) src(%dma_wait3A_59 : memref<10240x64xf32, #tpu.memory_space<vmem_shared>>) dst(%arg9 : memref<512x64xf32, #tpu.memory_space<vmem>>)
    %add3A_60 = arith.constant 1024 : i32
    %add3A_61 = arith.addi %mul3A_2, %add3A_60 : i32
    %dma_start3A_62 = arith.constant 0 : i32
    %dma_start3A_63 = tpu.memref_slice %arg5[%add3A_61, %dma_start3A_62] : memref<163840x128xf32, #tpu.memory_space<hbm>> -> memref<512x64xf32, #tpu.memory_space<hbm>>
    %dma_start3A_64 = arith.constant 0 : i32
    %dma_start3A_65 = tpu.memref_slice %arg5[%add3A_61, %dma_start3A_64] : memref<163840x128xf32, #tpu.memory_space<hbm>> -> memref<512x64xf32, #tpu.memory_space<hbm>>
    tpu.enqueue_dma source(%arg9 : memref<512x64xf32, #tpu.memory_space<vmem>>) target(%dma_start3A_65 : memref<512x64xf32, #tpu.memory_space<hbm>>) target_semaphore(%arg13 : memref<!tpu.dma_semaphore, #tpu.memory_space<semaphore_mem>>)
    %dma_wait3A_66 = arith.constant 0 : i32
    %dma_wait3A_67 = tpu.memref_slice %arg5[%add3A_61, %dma_wait3A_66] : memref<163840x128xf32, #tpu.memory_space<hbm>> -> memref<512x64xf32, #tpu.memory_space<hbm>>
    %dma_wait3A_68 = arith.constant 0 : i32
    %dma_wait3A_69 = tpu.memref_slice %arg5[%add3A_61, %dma_wait3A_68] : memref<163840x128xf32, #tpu.memory_space<hbm>> -> memref<512x64xf32, #tpu.memory_space<hbm>>
    tpu.wait_dma2 semaphore(%arg13 : memref<!tpu.dma_semaphore, #tpu.memory_space<semaphore_mem>>) src(%arg9 : memref<512x64xf32, #tpu.memory_space<vmem>>) dst(%dma_wait3A_69 : memref<512x64xf32, #tpu.memory_space<hbm>>)
    %dma_start3A_70 = arith.constant 2048 : i32
    %dma_start3A_71 = tpu.memref_slice %arg7[%dma_start3A_70] : memref<5120xi32, #tpu.memory_space<vmem>> -> memref<512xi32, #tpu.memory_space<vmem>>
    %dma_start3A_72 = arith.constant 0 : i32
    %dma_start3A_73 = arith.constant 0 : i32
    %dma_start3A_74 = tpu.memref_slice %arg6[%dma_start3A_72, %dma_start3A_73] : memref<10240x64xf32, #tpu.memory_space<vmem_shared>> -> memref<10240x64xf32, #tpu.memory_space<vmem_shared>>
    tpu.enqueue_indirect_dma source(%dma_start3A_74 : memref<10240x64xf32, #tpu.memory_space<vmem_shared>>) target(%arg9 : memref<512x64xf32, #tpu.memory_space<vmem>>) offsets(%dma_start3A_71 : memref<512xi32, #tpu.memory_space<vmem>>) semaphore(%arg11 : memref<!tpu.dma_semaphore, #tpu.memory_space<semaphore_mem>>)
    %dma_wait3A_75 = arith.constant 1536 : i32
    %dma_wait3A_76 = tpu.memref_slice %arg7[%dma_wait3A_75] : memref<5120xi32, #tpu.memory_space<vmem>> -> memref<512xi32, #tpu.memory_space<vmem>>
    %dma_wait3A_77 = arith.constant 0 : i32
    %dma_wait3A_78 = arith.constant 0 : i32
    %dma_wait3A_79 = tpu.memref_slice %arg6[%dma_wait3A_77, %dma_wait3A_78] : memref<10240x64xf32, #tpu.memory_space<vmem_shared>> -> memref<10240x64xf32, #tpu.memory_space<vmem_shared>>
    tpu.wait_indirect_dma semaphore(%arg12 : memref<!tpu.dma_semaphore, #tpu.memory_space<semaphore_mem>>) src(%dma_wait3A_79 : memref<10240x64xf32, #tpu.memory_space<vmem_shared>>) dst(%arg10 : memref<512x64xf32, #tpu.memory_space<vmem>>)
    %add3A_80 = arith.constant 1536 : i32
    %add3A_81 = arith.addi %mul3A_2, %add3A_80 : i32
    %dma_start3A_82 = arith.constant 0 : i32
    %dma_start3A_83 = tpu.memref_slice %arg5[%add3A_81, %dma_start3A_82] : memref<163840x128xf32, #tpu.memory_space<hbm>> -> memref<512x64xf32, #tpu.memory_space<hbm>>
    %dma_start3A_84 = arith.constant 0 : i32
    %dma_start3A_85 = tpu.memref_slice %arg5[%add3A_81, %dma_start3A_84] : memref<163840x128xf32, #tpu.memory_space<hbm>> -> memref<512x64xf32, #tpu.memory_space<hbm>>
    tpu.enqueue_dma source(%arg10 : memref<512x64xf32, #tpu.memory_space<vmem>>) target(%dma_start3A_85 : memref<512x64xf32, #tpu.memory_space<hbm>>) target_semaphore(%arg14 : memref<!tpu.dma_semaphore, #tpu.memory_space<semaphore_mem>>)
    %dma_wait3A_86 = arith.constant 0 : i32
    %dma_wait3A_87 = tpu.memref_slice %arg5[%add3A_81, %dma_wait3A_86] : memref<163840x128xf32, #tpu.memory_space<hbm>> -> memref<512x64xf32, #tpu.memory_space<hbm>>
    %dma_wait3A_88 = arith.constant 0 : i32
    %dma_wait3A_89 = tpu.memref_slice %arg5[%add3A_81, %dma_wait3A_88] : memref<163840x128xf32, #tpu.memory_space<hbm>> -> memref<512x64xf32, #tpu.memory_space<hbm>>
    tpu.wait_dma2 semaphore(%arg14 : memref<!tpu.dma_semaphore, #tpu.memory_space<semaphore_mem>>) src(%arg10 : memref<512x64xf32, #tpu.memory_space<vmem>>) dst(%dma_wait3A_89 : memref<512x64xf32, #tpu.memory_space<hbm>>)
    %dma_start3A_90 = arith.constant 2560 : i32
    %dma_start3A_91 = tpu.memref_slice %arg7[%dma_start3A_90] : memref<5120xi32, #tpu.memory_space<vmem>> -> memref<512xi32, #tpu.memory_space<vmem>>
    %dma_start3A_92 = arith.constant 0 : i32
    %dma_start3A_93 = arith.constant 0 : i32
    %dma_start3A_94 = tpu.memref_slice %arg6[%dma_start3A_92, %dma_start3A_93] : memref<10240x64xf32, #tpu.memory_space<vmem_shared>> -> memref<10240x64xf32, #tpu.memory_space<vmem_shared>>
    tpu.enqueue_indirect_dma source(%dma_start3A_94 : memref<10240x64xf32, #tpu.memory_space<vmem_shared>>) target(%arg10 : memref<512x64xf32, #tpu.memory_space<vmem>>) offsets(%dma_start3A_91 : memref<512xi32, #tpu.memory_space<vmem>>) semaphore(%arg12 : memref<!tpu.dma_semaphore, #tpu.memory_space<semaphore_mem>>)
    %dma_wait3A_95 = arith.constant 2048 : i32
    %dma_wait3A_96 = tpu.memref_slice %arg7[%dma_wait3A_95] : memref<5120xi32, #tpu.memory_space<vmem>> -> memref<512xi32, #tpu.memory_space<vmem>>
    %dma_wait3A_97 = arith.constant 0 : i32
    %dma_wait3A_98 = arith.constant 0 : i32
    %dma_wait3A_99 = tpu.memref_slice %arg6[%dma_wait3A_97, %dma_wait3A_98] : memref<10240x64xf32, #tpu.memory_space<vmem_shared>> -> memref<10240x64xf32, #tpu.memory_space<vmem_shared>>
    tpu.wait_indirect_dma semaphore(%arg11 : memref<!tpu.dma_semaphore, #tpu.memory_space<semaphore_mem>>) src(%dma_wait3A_99 : memref<10240x64xf32, #tpu.memory_space<vmem_shared>>) dst(%arg9 : memref<512x64xf32, #tpu.memory_space<vmem>>)
    %add3A_100 = arith.constant 2048 : i32
    %add3A_101 = arith.addi %mul3A_2, %add3A_100 : i32
    %dma_start3A_102 = arith.constant 0 : i32
    %dma_start3A_103 = tpu.memref_slice %arg5[%add3A_101, %dma_start3A_102] : memref<163840x128xf32, #tpu.memory_space<hbm>> -> memref<512x64xf32, #tpu.memory_space<hbm>>
    %dma_start3A_104 = arith.constant 0 : i32
    %dma_start3A_105 = tpu.memref_slice %arg5[%add3A_101, %dma_start3A_104] : memref<163840x128xf32, #tpu.memory_space<hbm>> -> memref<512x64xf32, #tpu.memory_space<hbm>>
    tpu.enqueue_dma source(%arg9 : memref<512x64xf32, #tpu.memory_space<vmem>>) target(%dma_start3A_105 : memref<512x64xf32, #tpu.memory_space<hbm>>) target_semaphore(%arg13 : memref<!tpu.dma_semaphore, #tpu.memory_space<semaphore_mem>>)
    %dma_wait3A_106 = arith.constant 0 : i32
    %dma_wait3A_107 = tpu.memref_slice %arg5[%add3A_101, %dma_wait3A_106] : memref<163840x128xf32, #tpu.memory_space<hbm>> -> memref<512x64xf32, #tpu.memory_space<hbm>>
    %dma_wait3A_108 = arith.constant 0 : i32
    %dma_wait3A_109 = tpu.memref_slice %arg5[%add3A_101, %dma_wait3A_108] : memref<163840x128xf32, #tpu.memory_space<hbm>> -> memref<512x64xf32, #tpu.memory_space<hbm>>
    tpu.wait_dma2 semaphore(%arg13 : memref<!tpu.dma_semaphore, #tpu.memory_space<semaphore_mem>>) src(%arg9 : memref<512x64xf32, #tpu.memory_space<vmem>>) dst(%dma_wait3A_109 : memref<512x64xf32, #tpu.memory_space<hbm>>)
    %dma_start3A_110 = arith.constant 3072 : i32
    %dma_start3A_111 = tpu.memref_slice %arg7[%dma_start3A_110] : memref<5120xi32, #tpu.memory_space<vmem>> -> memref<512xi32, #tpu.memory_space<vmem>>
    %dma_start3A_112 = arith.constant 0 : i32
    %dma_start3A_113 = arith.constant 0 : i32
    %dma_start3A_114 = tpu.memref_slice %arg6[%dma_start3A_112, %dma_start3A_113] : memref<10240x64xf32, #tpu.memory_space<vmem_shared>> -> memref<10240x64xf32, #tpu.memory_space<vmem_shared>>
    tpu.enqueue_indirect_dma source(%dma_start3A_114 : memref<10240x64xf32, #tpu.memory_space<vmem_shared>>) target(%arg9 : memref<512x64xf32, #tpu.memory_space<vmem>>) offsets(%dma_start3A_111 : memref<512xi32, #tpu.memory_space<vmem>>) semaphore(%arg11 : memref<!tpu.dma_semaphore, #tpu.memory_space<semaphore_mem>>)
    %dma_wait3A_115 = arith.constant 2560 : i32
    %dma_wait3A_116 = tpu.memref_slice %arg7[%dma_wait3A_115] : memref<5120xi32, #tpu.memory_space<vmem>> -> memref<512xi32, #tpu.memory_space<vmem>>
    %dma_wait3A_117 = arith.constant 0 : i32
    %dma_wait3A_118 = arith.constant 0 : i32
    %dma_wait3A_119 = tpu.memref_slice %arg6[%dma_wait3A_117, %dma_wait3A_118] : memref<10240x64xf32, #tpu.memory_space<vmem_shared>> -> memref<10240x64xf32, #tpu.memory_space<vmem_shared>>
    tpu.wait_indirect_dma semaphore(%arg12 : memref<!tpu.dma_semaphore, #tpu.memory_space<semaphore_mem>>) src(%dma_wait3A_119 : memref<10240x64xf32, #tpu.memory_space<vmem_shared>>) dst(%arg10 : memref<512x64xf32, #tpu.memory_space<vmem>>)
    %add3A_120 = arith.constant 2560 : i32
    %add3A_121 = arith.addi %mul3A_2, %add3A_120 : i32
    %dma_start3A_122 = arith.constant 0 : i32
    %dma_start3A_123 = tpu.memref_slice %arg5[%add3A_121, %dma_start3A_122] : memref<163840x128xf32, #tpu.memory_space<hbm>> -> memref<512x64xf32, #tpu.memory_space<hbm>>
    %dma_start3A_124 = arith.constant 0 : i32
    %dma_start3A_125 = tpu.memref_slice %arg5[%add3A_121, %dma_start3A_124] : memref<163840x128xf32, #tpu.memory_space<hbm>> -> memref<512x64xf32, #tpu.memory_space<hbm>>
    tpu.enqueue_dma source(%arg10 : memref<512x64xf32, #tpu.memory_space<vmem>>) target(%dma_start3A_125 : memref<512x64xf32, #tpu.memory_space<hbm>>) target_semaphore(%arg14 : memref<!tpu.dma_semaphore, #tpu.memory_space<semaphore_mem>>)
    %dma_wait3A_126 = arith.constant 0 : i32
    %dma_wait3A_127 = tpu.memref_slice %arg5[%add3A_121, %dma_wait3A_126] : memref<163840x128xf32, #tpu.memory_space<hbm>> -> memref<512x64xf32, #tpu.memory_space<hbm>>
    %dma_wait3A_128 = arith.constant 0 : i32
    %dma_wait3A_129 = tpu.memref_slice %arg5[%add3A_121, %dma_wait3A_128] : memref<163840x128xf32, #tpu.memory_space<hbm>> -> memref<512x64xf32, #tpu.memory_space<hbm>>
    tpu.wait_dma2 semaphore(%arg14 : memref<!tpu.dma_semaphore, #tpu.memory_space<semaphore_mem>>) src(%arg10 : memref<512x64xf32, #tpu.memory_space<vmem>>) dst(%dma_wait3A_129 : memref<512x64xf32, #tpu.memory_space<hbm>>)
    %dma_start3A_130 = arith.constant 3584 : i32
    %dma_start3A_131 = tpu.memref_slice %arg7[%dma_start3A_130] : memref<5120xi32, #tpu.memory_space<vmem>> -> memref<512xi32, #tpu.memory_space<vmem>>
    %dma_start3A_132 = arith.constant 0 : i32
    %dma_start3A_133 = arith.constant 0 : i32
    %dma_start3A_134 = tpu.memref_slice %arg6[%dma_start3A_132, %dma_start3A_133] : memref<10240x64xf32, #tpu.memory_space<vmem_shared>> -> memref<10240x64xf32, #tpu.memory_space<vmem_shared>>
    tpu.enqueue_indirect_dma source(%dma_start3A_134 : memref<10240x64xf32, #tpu.memory_space<vmem_shared>>) target(%arg10 : memref<512x64xf32, #tpu.memory_space<vmem>>) offsets(%dma_start3A_131 : memref<512xi32, #tpu.memory_space<vmem>>) semaphore(%arg12 : memref<!tpu.dma_semaphore, #tpu.memory_space<semaphore_mem>>)
    %dma_wait3A_135 = arith.constant 3072 : i32
    %dma_wait3A_136 = tpu.memref_slice %arg7[%dma_wait3A_135] : memref<5120xi32, #tpu.memory_space<vmem>> -> memref<512xi32, #tpu.memory_space<vmem>>
    %dma_wait3A_137 = arith.constant 0 : i32
    %dma_wait3A_138 = arith.constant 0 : i32
    %dma_wait3A_139 = tpu.memref_slice %arg6[%dma_wait3A_137, %dma_wait3A_138] : memref<10240x64xf32, #tpu.memory_space<vmem_shared>> -> memref<10240x64xf32, #tpu.memory_space<vmem_shared>>
    tpu.wait_indirect_dma semaphore(%arg11 : memref<!tpu.dma_semaphore, #tpu.memory_space<semaphore_mem>>) src(%dma_wait3A_139 : memref<10240x64xf32, #tpu.memory_space<vmem_shared>>) dst(%arg9 : memref<512x64xf32, #tpu.memory_space<vmem>>)
    %add3A_140 = arith.constant 3072 : i32
    %add3A_141 = arith.addi %mul3A_2, %add3A_140 : i32
    %dma_start3A_142 = arith.constant 0 : i32
    %dma_start3A_143 = tpu.memref_slice %arg5[%add3A_141, %dma_start3A_142] : memref<163840x128xf32, #tpu.memory_space<hbm>> -> memref<512x64xf32, #tpu.memory_space<hbm>>
    %dma_start3A_144 = arith.constant 0 : i32
    %dma_start3A_145 = tpu.memref_slice %arg5[%add3A_141, %dma_start3A_144] : memref<163840x128xf32, #tpu.memory_space<hbm>> -> memref<512x64xf32, #tpu.memory_space<hbm>>
    tpu.enqueue_dma source(%arg9 : memref<512x64xf32, #tpu.memory_space<vmem>>) target(%dma_start3A_145 : memref<512x64xf32, #tpu.memory_space<hbm>>) target_semaphore(%arg13 : memref<!tpu.dma_semaphore, #tpu.memory_space<semaphore_mem>>)
    %dma_wait3A_146 = arith.constant 0 : i32
    %dma_wait3A_147 = tpu.memref_slice %arg5[%add3A_141, %dma_wait3A_146] : memref<163840x128xf32, #tpu.memory_space<hbm>> -> memref<512x64xf32, #tpu.memory_space<hbm>>
    %dma_wait3A_148 = arith.constant 0 : i32
    %dma_wait3A_149 = tpu.memref_slice %arg5[%add3A_141, %dma_wait3A_148] : memref<163840x128xf32, #tpu.memory_space<hbm>> -> memref<512x64xf32, #tpu.memory_space<hbm>>
    tpu.wait_dma2 semaphore(%arg13 : memref<!tpu.dma_semaphore, #tpu.memory_space<semaphore_mem>>) src(%arg9 : memref<512x64xf32, #tpu.memory_space<vmem>>) dst(%dma_wait3A_149 : memref<512x64xf32, #tpu.memory_space<hbm>>)
    %dma_start3A_150 = arith.constant 4096 : i32
    %dma_start3A_151 = tpu.memref_slice %arg7[%dma_start3A_150] : memref<5120xi32, #tpu.memory_space<vmem>> -> memref<512xi32, #tpu.memory_space<vmem>>
    %dma_start3A_152 = arith.constant 0 : i32
    %dma_start3A_153 = arith.constant 0 : i32
    %dma_start3A_154 = tpu.memref_slice %arg6[%dma_start3A_152, %dma_start3A_153] : memref<10240x64xf32, #tpu.memory_space<vmem_shared>> -> memref<10240x64xf32, #tpu.memory_space<vmem_shared>>
    tpu.enqueue_indirect_dma source(%dma_start3A_154 : memref<10240x64xf32, #tpu.memory_space<vmem_shared>>) target(%arg9 : memref<512x64xf32, #tpu.memory_space<vmem>>) offsets(%dma_start3A_151 : memref<512xi32, #tpu.memory_space<vmem>>) semaphore(%arg11 : memref<!tpu.dma_semaphore, #tpu.memory_space<semaphore_mem>>)
    %dma_wait3A_155 = arith.constant 3584 : i32
    %dma_wait3A_156 = tpu.memref_slice %arg7[%dma_wait3A_155] : memref<5120xi32, #tpu.memory_space<vmem>> -> memref<512xi32, #tpu.memory_space<vmem>>
    %dma_wait3A_157 = arith.constant 0 : i32
    %dma_wait3A_158 = arith.constant 0 : i32
    %dma_wait3A_159 = tpu.memref_slice %arg6[%dma_wait3A_157, %dma_wait3A_158] : memref<10240x64xf32, #tpu.memory_space<vmem_shared>> -> memref<10240x64xf32, #tpu.memory_space<vmem_shared>>
    tpu.wait_indirect_dma semaphore(%arg12 : memref<!tpu.dma_semaphore, #tpu.memory_space<semaphore_mem>>) src(%dma_wait3A_159 : memref<10240x64xf32, #tpu.memory_space<vmem_shared>>) dst(%arg10 : memref<512x64xf32, #tpu.memory_space<vmem>>)
    %add3A_160 = arith.constant 3584 : i32
    %add3A_161 = arith.addi %mul3A_2, %add3A_160 : i32
    %dma_start3A_162 = arith.constant 0 : i32
    %dma_start3A_163 = tpu.memref_slice %arg5[%add3A_161, %dma_start3A_162] : memref<163840x128xf32, #tpu.memory_space<hbm>> -> memref<512x64xf32, #tpu.memory_space<hbm>>
    %dma_start3A_164 = arith.constant 0 : i32
    %dma_start3A_165 = tpu.memref_slice %arg5[%add3A_161, %dma_start3A_164] : memref<163840x128xf32, #tpu.memory_space<hbm>> -> memref<512x64xf32, #tpu.memory_space<hbm>>
    tpu.enqueue_dma source(%arg10 : memref<512x64xf32, #tpu.memory_space<vmem>>) target(%dma_start3A_165 : memref<512x64xf32, #tpu.memory_space<hbm>>) target_semaphore(%arg14 : memref<!tpu.dma_semaphore, #tpu.memory_space<semaphore_mem>>)
    %dma_wait3A_166 = arith.constant 0 : i32
    %dma_wait3A_167 = tpu.memref_slice %arg5[%add3A_161, %dma_wait3A_166] : memref<163840x128xf32, #tpu.memory_space<hbm>> -> memref<512x64xf32, #tpu.memory_space<hbm>>
    %dma_wait3A_168 = arith.constant 0 : i32
    %dma_wait3A_169 = tpu.memref_slice %arg5[%add3A_161, %dma_wait3A_168] : memref<163840x128xf32, #tpu.memory_space<hbm>> -> memref<512x64xf32, #tpu.memory_space<hbm>>
    tpu.wait_dma2 semaphore(%arg14 : memref<!tpu.dma_semaphore, #tpu.memory_space<semaphore_mem>>) src(%arg10 : memref<512x64xf32, #tpu.memory_space<vmem>>) dst(%dma_wait3A_169 : memref<512x64xf32, #tpu.memory_space<hbm>>)
    %dma_start3A_170 = arith.constant 4608 : i32
    %dma_start3A_171 = tpu.memref_slice %arg7[%dma_start3A_170] : memref<5120xi32, #tpu.memory_space<vmem>> -> memref<512xi32, #tpu.memory_space<vmem>>
    %dma_start3A_172 = arith.constant 0 : i32
    %dma_start3A_173 = arith.constant 0 : i32
    %dma_start3A_174 = tpu.memref_slice %arg6[%dma_start3A_172, %dma_start3A_173] : memref<10240x64xf32, #tpu.memory_space<vmem_shared>> -> memref<10240x64xf32, #tpu.memory_space<vmem_shared>>
    tpu.enqueue_indirect_dma source(%dma_start3A_174 : memref<10240x64xf32, #tpu.memory_space<vmem_shared>>) target(%arg10 : memref<512x64xf32, #tpu.memory_space<vmem>>) offsets(%dma_start3A_171 : memref<512xi32, #tpu.memory_space<vmem>>) semaphore(%arg12 : memref<!tpu.dma_semaphore, #tpu.memory_space<semaphore_mem>>)
    %dma_wait3A_175 = arith.constant 4096 : i32
    %dma_wait3A_176 = tpu.memref_slice %arg7[%dma_wait3A_175] : memref<5120xi32, #tpu.memory_space<vmem>> -> memref<512xi32, #tpu.memory_space<vmem>>
    %dma_wait3A_177 = arith.constant 0 : i32
    %dma_wait3A_178 = arith.constant 0 : i32
    %dma_wait3A_179 = tpu.memref_slice %arg6[%dma_wait3A_177, %dma_wait3A_178] : memref<10240x64xf32, #tpu.memory_space<vmem_shared>> -> memref<10240x64xf32, #tpu.memory_space<vmem_shared>>
    tpu.wait_indirect_dma semaphore(%arg11 : memref<!tpu.dma_semaphore, #tpu.memory_space<semaphore_mem>>) src(%dma_wait3A_179 : memref<10240x64xf32, #tpu.memory_space<vmem_shared>>) dst(%arg9 : memref<512x64xf32, #tpu.memory_space<vmem>>)
    %add3A_180 = arith.constant 4096 : i32
    %add3A_181 = arith.addi %mul3A_2, %add3A_180 : i32
    %dma_start3A_182 = arith.constant 0 : i32
    %dma_start3A_183 = tpu.memref_slice %arg5[%add3A_181, %dma_start3A_182] : memref<163840x128xf32, #tpu.memory_space<hbm>> -> memref<512x64xf32, #tpu.memory_space<hbm>>
    %dma_start3A_184 = arith.constant 0 : i32
    %dma_start3A_185 = tpu.memref_slice %arg5[%add3A_181, %dma_start3A_184] : memref<163840x128xf32, #tpu.memory_space<hbm>> -> memref<512x64xf32, #tpu.memory_space<hbm>>
    tpu.enqueue_dma source(%arg9 : memref<512x64xf32, #tpu.memory_space<vmem>>) target(%dma_start3A_185 : memref<512x64xf32, #tpu.memory_space<hbm>>) target_semaphore(%arg13 : memref<!tpu.dma_semaphore, #tpu.memory_space<semaphore_mem>>)
    %dma_wait3A_186 = arith.constant 0 : i32
    %dma_wait3A_187 = tpu.memref_slice %arg5[%add3A_181, %dma_wait3A_186] : memref<163840x128xf32, #tpu.memory_space<hbm>> -> memref<512x64xf32, #tpu.memory_space<hbm>>
    %dma_wait3A_188 = arith.constant 0 : i32
    %dma_wait3A_189 = tpu.memref_slice %arg5[%add3A_181, %dma_wait3A_188] : memref<163840x128xf32, #tpu.memory_space<hbm>> -> memref<512x64xf32, #tpu.memory_space<hbm>>
    tpu.wait_dma2 semaphore(%arg13 : memref<!tpu.dma_semaphore, #tpu.memory_space<semaphore_mem>>) src(%arg9 : memref<512x64xf32, #tpu.memory_space<vmem>>) dst(%dma_wait3A_189 : memref<512x64xf32, #tpu.memory_space<hbm>>)
    %dma_start3A_190 = arith.constant 0 : i32
    %dma_start3A_191 = tpu.memref_slice %arg8[%dma_start3A_190] : memref<5120xi32, #tpu.memory_space<vmem>> -> memref<512xi32, #tpu.memory_space<vmem>>
    %dma_start3A_192 = arith.constant 0 : i32
    %dma_start3A_193 = arith.constant 0 : i32
    %dma_start3A_194 = tpu.memref_slice %arg6[%dma_start3A_192, %dma_start3A_193] : memref<10240x64xf32, #tpu.memory_space<vmem_shared>> -> memref<10240x64xf32, #tpu.memory_space<vmem_shared>>
    tpu.enqueue_indirect_dma source(%dma_start3A_194 : memref<10240x64xf32, #tpu.memory_space<vmem_shared>>) target(%arg9 : memref<512x64xf32, #tpu.memory_space<vmem>>) offsets(%dma_start3A_191 : memref<512xi32, #tpu.memory_space<vmem>>) semaphore(%arg11 : memref<!tpu.dma_semaphore, #tpu.memory_space<semaphore_mem>>)
    %dma_wait3A_195 = arith.constant 4608 : i32
    %dma_wait3A_196 = tpu.memref_slice %arg7[%dma_wait3A_195] : memref<5120xi32, #tpu.memory_space<vmem>> -> memref<512xi32, #tpu.memory_space<vmem>>
    %dma_wait3A_197 = arith.constant 0 : i32
    %dma_wait3A_198 = arith.constant 0 : i32
    %dma_wait3A_199 = tpu.memref_slice %arg6[%dma_wait3A_197, %dma_wait3A_198] : memref<10240x64xf32, #tpu.memory_space<vmem_shared>> -> memref<10240x64xf32, #tpu.memory_space<vmem_shared>>
    tpu.wait_indirect_dma semaphore(%arg12 : memref<!tpu.dma_semaphore, #tpu.memory_space<semaphore_mem>>) src(%dma_wait3A_199 : memref<10240x64xf32, #tpu.memory_space<vmem_shared>>) dst(%arg10 : memref<512x64xf32, #tpu.memory_space<vmem>>)
    %add3A_200 = arith.constant 4608 : i32
    %add3A_201 = arith.addi %mul3A_2, %add3A_200 : i32
    %dma_start3A_202 = arith.constant 0 : i32
    %dma_start3A_203 = tpu.memref_slice %arg5[%add3A_201, %dma_start3A_202] : memref<163840x128xf32, #tpu.memory_space<hbm>> -> memref<512x64xf32, #tpu.memory_space<hbm>>
    %dma_start3A_204 = arith.constant 0 : i32
    %dma_start3A_205 = tpu.memref_slice %arg5[%add3A_201, %dma_start3A_204] : memref<163840x128xf32, #tpu.memory_space<hbm>> -> memref<512x64xf32, #tpu.memory_space<hbm>>
    tpu.enqueue_dma source(%arg10 : memref<512x64xf32, #tpu.memory_space<vmem>>) target(%dma_start3A_205 : memref<512x64xf32, #tpu.memory_space<hbm>>) target_semaphore(%arg14 : memref<!tpu.dma_semaphore, #tpu.memory_space<semaphore_mem>>)
    %dma_wait3A_206 = arith.constant 0 : i32
    %dma_wait3A_207 = tpu.memref_slice %arg5[%add3A_201, %dma_wait3A_206] : memref<163840x128xf32, #tpu.memory_space<hbm>> -> memref<512x64xf32, #tpu.memory_space<hbm>>
    %dma_wait3A_208 = arith.constant 0 : i32
    %dma_wait3A_209 = tpu.memref_slice %arg5[%add3A_201, %dma_wait3A_208] : memref<163840x128xf32, #tpu.memory_space<hbm>> -> memref<512x64xf32, #tpu.memory_space<hbm>>
    tpu.wait_dma2 semaphore(%arg14 : memref<!tpu.dma_semaphore, #tpu.memory_space<semaphore_mem>>) src(%arg10 : memref<512x64xf32, #tpu.memory_space<vmem>>) dst(%dma_wait3A_209 : memref<512x64xf32, #tpu.memory_space<hbm>>)
    %dma_start3A_210 = arith.constant 512 : i32
    %dma_start3A_211 = tpu.memref_slice %arg8[%dma_start3A_210] : memref<5120xi32, #tpu.memory_space<vmem>> -> memref<512xi32, #tpu.memory_space<vmem>>
    %dma_start3A_212 = arith.constant 0 : i32
    %dma_start3A_213 = arith.constant 0 : i32
    %dma_start3A_214 = tpu.memref_slice %arg6[%dma_start3A_212, %dma_start3A_213] : memref<10240x64xf32, #tpu.memory_space<vmem_shared>> -> memref<10240x64xf32, #tpu.memory_space<vmem_shared>>
    tpu.enqueue_indirect_dma source(%dma_start3A_214 : memref<10240x64xf32, #tpu.memory_space<vmem_shared>>) target(%arg10 : memref<512x64xf32, #tpu.memory_space<vmem>>) offsets(%dma_start3A_211 : memref<512xi32, #tpu.memory_space<vmem>>) semaphore(%arg12 : memref<!tpu.dma_semaphore, #tpu.memory_space<semaphore_mem>>)
    %dma_wait3A_215 = arith.constant 0 : i32
    %dma_wait3A_216 = tpu.memref_slice %arg8[%dma_wait3A_215] : memref<5120xi32, #tpu.memory_space<vmem>> -> memref<512xi32, #tpu.memory_space<vmem>>
    %dma_wait3A_217 = arith.constant 0 : i32
    %dma_wait3A_218 = arith.constant 0 : i32
    %dma_wait3A_219 = tpu.memref_slice %arg6[%dma_wait3A_217, %dma_wait3A_218] : memref<10240x64xf32, #tpu.memory_space<vmem_shared>> -> memref<10240x64xf32, #tpu.memory_space<vmem_shared>>
    tpu.wait_indirect_dma semaphore(%arg11 : memref<!tpu.dma_semaphore, #tpu.memory_space<semaphore_mem>>) src(%dma_wait3A_219 : memref<10240x64xf32, #tpu.memory_space<vmem_shared>>) dst(%arg9 : memref<512x64xf32, #tpu.memory_space<vmem>>)
    %add3A_220 = arith.constant 0 : i32
    %add3A_221 = arith.addi %mul3A_2, %add3A_220 : i32
    %dma_start3A_222 = arith.constant 64 : i32
    %dma_start3A_223 = tpu.memref_slice %arg5[%add3A_221, %dma_start3A_222] : memref<163840x128xf32, #tpu.memory_space<hbm>> -> memref<512x64xf32, #tpu.memory_space<hbm>>
    %dma_start3A_224 = arith.constant 64 : i32
    %dma_start3A_225 = tpu.memref_slice %arg5[%add3A_221, %dma_start3A_224] : memref<163840x128xf32, #tpu.memory_space<hbm>> -> memref<512x64xf32, #tpu.memory_space<hbm>>
    tpu.enqueue_dma source(%arg9 : memref<512x64xf32, #tpu.memory_space<vmem>>) target(%dma_start3A_225 : memref<512x64xf32, #tpu.memory_space<hbm>>) target_semaphore(%arg13 : memref<!tpu.dma_semaphore, #tpu.memory_space<semaphore_mem>>)
    %dma_wait3A_226 = arith.constant 64 : i32
    %dma_wait3A_227 = tpu.memref_slice %arg5[%add3A_221, %dma_wait3A_226] : memref<163840x128xf32, #tpu.memory_space<hbm>> -> memref<512x64xf32, #tpu.memory_space<hbm>>
    %dma_wait3A_228 = arith.constant 64 : i32
    %dma_wait3A_229 = tpu.memref_slice %arg5[%add3A_221, %dma_wait3A_228] : memref<163840x128xf32, #tpu.memory_space<hbm>> -> memref<512x64xf32, #tpu.memory_space<hbm>>
    tpu.wait_dma2 semaphore(%arg13 : memref<!tpu.dma_semaphore, #tpu.memory_space<semaphore_mem>>) src(%arg9 : memref<512x64xf32, #tpu.memory_space<vmem>>) dst(%dma_wait3A_229 : memref<512x64xf32, #tpu.memory_space<hbm>>)
    %dma_start3A_230 = arith.constant 1024 : i32
    %dma_start3A_231 = tpu.memref_slice %arg8[%dma_start3A_230] : memref<5120xi32, #tpu.memory_space<vmem>> -> memref<512xi32, #tpu.memory_space<vmem>>
    %dma_start3A_232 = arith.constant 0 : i32
    %dma_start3A_233 = arith.constant 0 : i32
    %dma_start3A_234 = tpu.memref_slice %arg6[%dma_start3A_232, %dma_start3A_233] : memref<10240x64xf32, #tpu.memory_space<vmem_shared>> -> memref<10240x64xf32, #tpu.memory_space<vmem_shared>>
    tpu.enqueue_indirect_dma source(%dma_start3A_234 : memref<10240x64xf32, #tpu.memory_space<vmem_shared>>) target(%arg9 : memref<512x64xf32, #tpu.memory_space<vmem>>) offsets(%dma_start3A_231 : memref<512xi32, #tpu.memory_space<vmem>>) semaphore(%arg11 : memref<!tpu.dma_semaphore, #tpu.memory_space<semaphore_mem>>)
    %dma_wait3A_235 = arith.constant 512 : i32
    %dma_wait3A_236 = tpu.memref_slice %arg8[%dma_wait3A_235] : memref<5120xi32, #tpu.memory_space<vmem>> -> memref<512xi32, #tpu.memory_space<vmem>>
    %dma_wait3A_237 = arith.constant 0 : i32
    %dma_wait3A_238 = arith.constant 0 : i32
    %dma_wait3A_239 = tpu.memref_slice %arg6[%dma_wait3A_237, %dma_wait3A_238] : memref<10240x64xf32, #tpu.memory_space<vmem_shared>> -> memref<10240x64xf32, #tpu.memory_space<vmem_shared>>
    tpu.wait_indirect_dma semaphore(%arg12 : memref<!tpu.dma_semaphore, #tpu.memory_space<semaphore_mem>>) src(%dma_wait3A_239 : memref<10240x64xf32, #tpu.memory_space<vmem_shared>>) dst(%arg10 : memref<512x64xf32, #tpu.memory_space<vmem>>)
    %add3A_240 = arith.constant 512 : i32
    %add3A_241 = arith.addi %mul3A_2, %add3A_240 : i32
    %dma_start3A_242 = arith.constant 64 : i32
    %dma_start3A_243 = tpu.memref_slice %arg5[%add3A_241, %dma_start3A_242] : memref<163840x128xf32, #tpu.memory_space<hbm>> -> memref<512x64xf32, #tpu.memory_space<hbm>>
    %dma_start3A_244 = arith.constant 64 : i32
    %dma_start3A_245 = tpu.memref_slice %arg5[%add3A_241, %dma_start3A_244] : memref<163840x128xf32, #tpu.memory_space<hbm>> -> memref<512x64xf32, #tpu.memory_space<hbm>>
    tpu.enqueue_dma source(%arg10 : memref<512x64xf32, #tpu.memory_space<vmem>>) target(%dma_start3A_245 : memref<512x64xf32, #tpu.memory_space<hbm>>) target_semaphore(%arg14 : memref<!tpu.dma_semaphore, #tpu.memory_space<semaphore_mem>>)
    %dma_wait3A_246 = arith.constant 64 : i32
    %dma_wait3A_247 = tpu.memref_slice %arg5[%add3A_241, %dma_wait3A_246] : memref<163840x128xf32, #tpu.memory_space<hbm>> -> memref<512x64xf32, #tpu.memory_space<hbm>>
    %dma_wait3A_248 = arith.constant 64 : i32
    %dma_wait3A_249 = tpu.memref_slice %arg5[%add3A_241, %dma_wait3A_248] : memref<163840x128xf32, #tpu.memory_space<hbm>> -> memref<512x64xf32, #tpu.memory_space<hbm>>
    tpu.wait_dma2 semaphore(%arg14 : memref<!tpu.dma_semaphore, #tpu.memory_space<semaphore_mem>>) src(%arg10 : memref<512x64xf32, #tpu.memory_space<vmem>>) dst(%dma_wait3A_249 : memref<512x64xf32, #tpu.memory_space<hbm>>)
    %dma_start3A_250 = arith.constant 1536 : i32
    %dma_start3A_251 = tpu.memref_slice %arg8[%dma_start3A_250] : memref<5120xi32, #tpu.memory_space<vmem>> -> memref<512xi32, #tpu.memory_space<vmem>>
    %dma_start3A_252 = arith.constant 0 : i32
    %dma_start3A_253 = arith.constant 0 : i32
    %dma_start3A_254 = tpu.memref_slice %arg6[%dma_start3A_252, %dma_start3A_253] : memref<10240x64xf32, #tpu.memory_space<vmem_shared>> -> memref<10240x64xf32, #tpu.memory_space<vmem_shared>>
    tpu.enqueue_indirect_dma source(%dma_start3A_254 : memref<10240x64xf32, #tpu.memory_space<vmem_shared>>) target(%arg10 : memref<512x64xf32, #tpu.memory_space<vmem>>) offsets(%dma_start3A_251 : memref<512xi32, #tpu.memory_space<vmem>>) semaphore(%arg12 : memref<!tpu.dma_semaphore, #tpu.memory_space<semaphore_mem>>)
    %dma_wait3A_255 = arith.constant 1024 : i32
    %dma_wait3A_256 = tpu.memref_slice %arg8[%dma_wait3A_255] : memref<5120xi32, #tpu.memory_space<vmem>> -> memref<512xi32, #tpu.memory_space<vmem>>
    %dma_wait3A_257 = arith.constant 0 : i32
    %dma_wait3A_258 = arith.constant 0 : i32
    %dma_wait3A_259 = tpu.memref_slice %arg6[%dma_wait3A_257, %dma_wait3A_258] : memref<10240x64xf32, #tpu.memory_space<vmem_shared>> -> memref<10240x64xf32, #tpu.memory_space<vmem_shared>>
    tpu.wait_indirect_dma semaphore(%arg11 : memref<!tpu.dma_semaphore, #tpu.memory_space<semaphore_mem>>) src(%dma_wait3A_259 : memref<10240x64xf32, #tpu.memory_space<vmem_shared>>) dst(%arg9 : memref<512x64xf32, #tpu.memory_space<vmem>>)
    %add3A_260 = arith.constant 1024 : i32
    %add3A_261 = arith.addi %mul3A_2, %add3A_260 : i32
    %dma_start3A_262 = arith.constant 64 : i32
    %dma_start3A_263 = tpu.memref_slice %arg5[%add3A_261, %dma_start3A_262] : memref<163840x128xf32, #tpu.memory_space<hbm>> -> memref<512x64xf32, #tpu.memory_space<hbm>>
    %dma_start3A_264 = arith.constant 64 : i32
    %dma_start3A_265 = tpu.memref_slice %arg5[%add3A_261, %dma_start3A_264] : memref<163840x128xf32, #tpu.memory_space<hbm>> -> memref<512x64xf32, #tpu.memory_space<hbm>>
    tpu.enqueue_dma source(%arg9 : memref<512x64xf32, #tpu.memory_space<vmem>>) target(%dma_start3A_265 : memref<512x64xf32, #tpu.memory_space<hbm>>) target_semaphore(%arg13 : memref<!tpu.dma_semaphore, #tpu.memory_space<semaphore_mem>>)
    %dma_wait3A_266 = arith.constant 64 : i32
    %dma_wait3A_267 = tpu.memref_slice %arg5[%add3A_261, %dma_wait3A_266] : memref<163840x128xf32, #tpu.memory_space<hbm>> -> memref<512x64xf32, #tpu.memory_space<hbm>>
    %dma_wait3A_268 = arith.constant 64 : i32
    %dma_wait3A_269 = tpu.memref_slice %arg5[%add3A_261, %dma_wait3A_268] : memref<163840x128xf32, #tpu.memory_space<hbm>> -> memref<512x64xf32, #tpu.memory_space<hbm>>
    tpu.wait_dma2 semaphore(%arg13 : memref<!tpu.dma_semaphore, #tpu.memory_space<semaphore_mem>>) src(%arg9 : memref<512x64xf32, #tpu.memory_space<vmem>>) dst(%dma_wait3A_269 : memref<512x64xf32, #tpu.memory_space<hbm>>)
    %dma_start3A_270 = arith.constant 2048 : i32
    %dma_start3A_271 = tpu.memref_slice %arg8[%dma_start3A_270] : memref<5120xi32, #tpu.memory_space<vmem>> -> memref<512xi32, #tpu.memory_space<vmem>>
    %dma_start3A_272 = arith.constant 0 : i32
    %dma_start3A_273 = arith.constant 0 : i32
    %dma_start3A_274 = tpu.memref_slice %arg6[%dma_start3A_272, %dma_start3A_273] : memref<10240x64xf32, #tpu.memory_space<vmem_shared>> -> memref<10240x64xf32, #tpu.memory_space<vmem_shared>>
    tpu.enqueue_indirect_dma source(%dma_start3A_274 : memref<10240x64xf32, #tpu.memory_space<vmem_shared>>) target(%arg9 : memref<512x64xf32, #tpu.memory_space<vmem>>) offsets(%dma_start3A_271 : memref<512xi32, #tpu.memory_space<vmem>>) semaphore(%arg11 : memref<!tpu.dma_semaphore, #tpu.memory_space<semaphore_mem>>)
    %dma_wait3A_275 = arith.constant 1536 : i32
    %dma_wait3A_276 = tpu.memref_slice %arg8[%dma_wait3A_275] : memref<5120xi32, #tpu.memory_space<vmem>> -> memref<512xi32, #tpu.memory_space<vmem>>
    %dma_wait3A_277 = arith.constant 0 : i32
    %dma_wait3A_278 = arith.constant 0 : i32
    %dma_wait3A_279 = tpu.memref_slice %arg6[%dma_wait3A_277, %dma_wait3A_278] : memref<10240x64xf32, #tpu.memory_space<vmem_shared>> -> memref<10240x64xf32, #tpu.memory_space<vmem_shared>>
    tpu.wait_indirect_dma semaphore(%arg12 : memref<!tpu.dma_semaphore, #tpu.memory_space<semaphore_mem>>) src(%dma_wait3A_279 : memref<10240x64xf32, #tpu.memory_space<vmem_shared>>) dst(%arg10 : memref<512x64xf32, #tpu.memory_space<vmem>>)
    %add3A_280 = arith.constant 1536 : i32
    %add3A_281 = arith.addi %mul3A_2, %add3A_280 : i32
    %dma_start3A_282 = arith.constant 64 : i32
    %dma_start3A_283 = tpu.memref_slice %arg5[%add3A_281, %dma_start3A_282] : memref<163840x128xf32, #tpu.memory_space<hbm>> -> memref<512x64xf32, #tpu.memory_space<hbm>>
    %dma_start3A_284 = arith.constant 64 : i32
    %dma_start3A_285 = tpu.memref_slice %arg5[%add3A_281, %dma_start3A_284] : memref<163840x128xf32, #tpu.memory_space<hbm>> -> memref<512x64xf32, #tpu.memory_space<hbm>>
    tpu.enqueue_dma source(%arg10 : memref<512x64xf32, #tpu.memory_space<vmem>>) target(%dma_start3A_285 : memref<512x64xf32, #tpu.memory_space<hbm>>) target_semaphore(%arg14 : memref<!tpu.dma_semaphore, #tpu.memory_space<semaphore_mem>>)
    %dma_wait3A_286 = arith.constant 64 : i32
    %dma_wait3A_287 = tpu.memref_slice %arg5[%add3A_281, %dma_wait3A_286] : memref<163840x128xf32, #tpu.memory_space<hbm>> -> memref<512x64xf32, #tpu.memory_space<hbm>>
    %dma_wait3A_288 = arith.constant 64 : i32
    %dma_wait3A_289 = tpu.memref_slice %arg5[%add3A_281, %dma_wait3A_288] : memref<163840x128xf32, #tpu.memory_space<hbm>> -> memref<512x64xf32, #tpu.memory_space<hbm>>
    tpu.wait_dma2 semaphore(%arg14 : memref<!tpu.dma_semaphore, #tpu.memory_space<semaphore_mem>>) src(%arg10 : memref<512x64xf32, #tpu.memory_space<vmem>>) dst(%dma_wait3A_289 : memref<512x64xf32, #tpu.memory_space<hbm>>)
    %dma_start3A_290 = arith.constant 2560 : i32
    %dma_start3A_291 = tpu.memref_slice %arg8[%dma_start3A_290] : memref<5120xi32, #tpu.memory_space<vmem>> -> memref<512xi32, #tpu.memory_space<vmem>>
    %dma_start3A_292 = arith.constant 0 : i32
    %dma_start3A_293 = arith.constant 0 : i32
    %dma_start3A_294 = tpu.memref_slice %arg6[%dma_start3A_292, %dma_start3A_293] : memref<10240x64xf32, #tpu.memory_space<vmem_shared>> -> memref<10240x64xf32, #tpu.memory_space<vmem_shared>>
    tpu.enqueue_indirect_dma source(%dma_start3A_294 : memref<10240x64xf32, #tpu.memory_space<vmem_shared>>) target(%arg10 : memref<512x64xf32, #tpu.memory_space<vmem>>) offsets(%dma_start3A_291 : memref<512xi32, #tpu.memory_space<vmem>>) semaphore(%arg12 : memref<!tpu.dma_semaphore, #tpu.memory_space<semaphore_mem>>)
    %dma_wait3A_295 = arith.constant 2048 : i32
    %dma_wait3A_296 = tpu.memref_slice %arg8[%dma_wait3A_295] : memref<5120xi32, #tpu.memory_space<vmem>> -> memref<512xi32, #tpu.memory_space<vmem>>
    %dma_wait3A_297 = arith.constant 0 : i32
    %dma_wait3A_298 = arith.constant 0 : i32
    %dma_wait3A_299 = tpu.memref_slice %arg6[%dma_wait3A_297, %dma_wait3A_298] : memref<10240x64xf32, #tpu.memory_space<vmem_shared>> -> memref<10240x64xf32, #tpu.memory_space<vmem_shared>>
    tpu.wait_indirect_dma semaphore(%arg11 : memref<!tpu.dma_semaphore, #tpu.memory_space<semaphore_mem>>) src(%dma_wait3A_299 : memref<10240x64xf32, #tpu.memory_space<vmem_shared>>) dst(%arg9 : memref<512x64xf32, #tpu.memory_space<vmem>>)
    %add3A_300 = arith.constant 2048 : i32
    %add3A_301 = arith.addi %mul3A_2, %add3A_300 : i32
    %dma_start3A_302 = arith.constant 64 : i32
    %dma_start3A_303 = tpu.memref_slice %arg5[%add3A_301, %dma_start3A_302] : memref<163840x128xf32, #tpu.memory_space<hbm>> -> memref<512x64xf32, #tpu.memory_space<hbm>>
    %dma_start3A_304 = arith.constant 64 : i32
    %dma_start3A_305 = tpu.memref_slice %arg5[%add3A_301, %dma_start3A_304] : memref<163840x128xf32, #tpu.memory_space<hbm>> -> memref<512x64xf32, #tpu.memory_space<hbm>>
    tpu.enqueue_dma source(%arg9 : memref<512x64xf32, #tpu.memory_space<vmem>>) target(%dma_start3A_305 : memref<512x64xf32, #tpu.memory_space<hbm>>) target_semaphore(%arg13 : memref<!tpu.dma_semaphore, #tpu.memory_space<semaphore_mem>>)
    %dma_wait3A_306 = arith.constant 64 : i32
    %dma_wait3A_307 = tpu.memref_slice %arg5[%add3A_301, %dma_wait3A_306] : memref<163840x128xf32, #tpu.memory_space<hbm>> -> memref<512x64xf32, #tpu.memory_space<hbm>>
    %dma_wait3A_308 = arith.constant 64 : i32
    %dma_wait3A_309 = tpu.memref_slice %arg5[%add3A_301, %dma_wait3A_308] : memref<163840x128xf32, #tpu.memory_space<hbm>> -> memref<512x64xf32, #tpu.memory_space<hbm>>
    tpu.wait_dma2 semaphore(%arg13 : memref<!tpu.dma_semaphore, #tpu.memory_space<semaphore_mem>>) src(%arg9 : memref<512x64xf32, #tpu.memory_space<vmem>>) dst(%dma_wait3A_309 : memref<512x64xf32, #tpu.memory_space<hbm>>)
    %dma_start3A_310 = arith.constant 3072 : i32
    %dma_start3A_311 = tpu.memref_slice %arg8[%dma_start3A_310] : memref<5120xi32, #tpu.memory_space<vmem>> -> memref<512xi32, #tpu.memory_space<vmem>>
    %dma_start3A_312 = arith.constant 0 : i32
    %dma_start3A_313 = arith.constant 0 : i32
    %dma_start3A_314 = tpu.memref_slice %arg6[%dma_start3A_312, %dma_start3A_313] : memref<10240x64xf32, #tpu.memory_space<vmem_shared>> -> memref<10240x64xf32, #tpu.memory_space<vmem_shared>>
    tpu.enqueue_indirect_dma source(%dma_start3A_314 : memref<10240x64xf32, #tpu.memory_space<vmem_shared>>) target(%arg9 : memref<512x64xf32, #tpu.memory_space<vmem>>) offsets(%dma_start3A_311 : memref<512xi32, #tpu.memory_space<vmem>>) semaphore(%arg11 : memref<!tpu.dma_semaphore, #tpu.memory_space<semaphore_mem>>)
    %dma_wait3A_315 = arith.constant 2560 : i32
    %dma_wait3A_316 = tpu.memref_slice %arg8[%dma_wait3A_315] : memref<5120xi32, #tpu.memory_space<vmem>> -> memref<512xi32, #tpu.memory_space<vmem>>
    %dma_wait3A_317 = arith.constant 0 : i32
    %dma_wait3A_318 = arith.constant 0 : i32
    %dma_wait3A_319 = tpu.memref_slice %arg6[%dma_wait3A_317, %dma_wait3A_318] : memref<10240x64xf32, #tpu.memory_space<vmem_shared>> -> memref<10240x64xf32, #tpu.memory_space<vmem_shared>>
    tpu.wait_indirect_dma semaphore(%arg12 : memref<!tpu.dma_semaphore, #tpu.memory_space<semaphore_mem>>) src(%dma_wait3A_319 : memref<10240x64xf32, #tpu.memory_space<vmem_shared>>) dst(%arg10 : memref<512x64xf32, #tpu.memory_space<vmem>>)
    %add3A_320 = arith.constant 2560 : i32
    %add3A_321 = arith.addi %mul3A_2, %add3A_320 : i32
    %dma_start3A_322 = arith.constant 64 : i32
    %dma_start3A_323 = tpu.memref_slice %arg5[%add3A_321, %dma_start3A_322] : memref<163840x128xf32, #tpu.memory_space<hbm>> -> memref<512x64xf32, #tpu.memory_space<hbm>>
    %dma_start3A_324 = arith.constant 64 : i32
    %dma_start3A_325 = tpu.memref_slice %arg5[%add3A_321, %dma_start3A_324] : memref<163840x128xf32, #tpu.memory_space<hbm>> -> memref<512x64xf32, #tpu.memory_space<hbm>>
    tpu.enqueue_dma source(%arg10 : memref<512x64xf32, #tpu.memory_space<vmem>>) target(%dma_start3A_325 : memref<512x64xf32, #tpu.memory_space<hbm>>) target_semaphore(%arg14 : memref<!tpu.dma_semaphore, #tpu.memory_space<semaphore_mem>>)
    %dma_wait3A_326 = arith.constant 64 : i32
    %dma_wait3A_327 = tpu.memref_slice %arg5[%add3A_321, %dma_wait3A_326] : memref<163840x128xf32, #tpu.memory_space<hbm>> -> memref<512x64xf32, #tpu.memory_space<hbm>>
    %dma_wait3A_328 = arith.constant 64 : i32
    %dma_wait3A_329 = tpu.memref_slice %arg5[%add3A_321, %dma_wait3A_328] : memref<163840x128xf32, #tpu.memory_space<hbm>> -> memref<512x64xf32, #tpu.memory_space<hbm>>
    tpu.wait_dma2 semaphore(%arg14 : memref<!tpu.dma_semaphore, #tpu.memory_space<semaphore_mem>>) src(%arg10 : memref<512x64xf32, #tpu.memory_space<vmem>>) dst(%dma_wait3A_329 : memref<512x64xf32, #tpu.memory_space<hbm>>)
    %dma_start3A_330 = arith.constant 3584 : i32
    %dma_start3A_331 = tpu.memref_slice %arg8[%dma_start3A_330] : memref<5120xi32, #tpu.memory_space<vmem>> -> memref<512xi32, #tpu.memory_space<vmem>>
    %dma_start3A_332 = arith.constant 0 : i32
    %dma_start3A_333 = arith.constant 0 : i32
    %dma_start3A_334 = tpu.memref_slice %arg6[%dma_start3A_332, %dma_start3A_333] : memref<10240x64xf32, #tpu.memory_space<vmem_shared>> -> memref<10240x64xf32, #tpu.memory_space<vmem_shared>>
    tpu.enqueue_indirect_dma source(%dma_start3A_334 : memref<10240x64xf32, #tpu.memory_space<vmem_shared>>) target(%arg10 : memref<512x64xf32, #tpu.memory_space<vmem>>) offsets(%dma_start3A_331 : memref<512xi32, #tpu.memory_space<vmem>>) semaphore(%arg12 : memref<!tpu.dma_semaphore, #tpu.memory_space<semaphore_mem>>)
    %dma_wait3A_335 = arith.constant 3072 : i32
    %dma_wait3A_336 = tpu.memref_slice %arg8[%dma_wait3A_335] : memref<5120xi32, #tpu.memory_space<vmem>> -> memref<512xi32, #tpu.memory_space<vmem>>
    %dma_wait3A_337 = arith.constant 0 : i32
    %dma_wait3A_338 = arith.constant 0 : i32
    %dma_wait3A_339 = tpu.memref_slice %arg6[%dma_wait3A_337, %dma_wait3A_338] : memref<10240x64xf32, #tpu.memory_space<vmem_shared>> -> memref<10240x64xf32, #tpu.memory_space<vmem_shared>>
    tpu.wait_indirect_dma semaphore(%arg11 : memref<!tpu.dma_semaphore, #tpu.memory_space<semaphore_mem>>) src(%dma_wait3A_339 : memref<10240x64xf32, #tpu.memory_space<vmem_shared>>) dst(%arg9 : memref<512x64xf32, #tpu.memory_space<vmem>>)
    %add3A_340 = arith.constant 3072 : i32
    %add3A_341 = arith.addi %mul3A_2, %add3A_340 : i32
    %dma_start3A_342 = arith.constant 64 : i32
    %dma_start3A_343 = tpu.memref_slice %arg5[%add3A_341, %dma_start3A_342] : memref<163840x128xf32, #tpu.memory_space<hbm>> -> memref<512x64xf32, #tpu.memory_space<hbm>>
    %dma_start3A_344 = arith.constant 64 : i32
    %dma_start3A_345 = tpu.memref_slice %arg5[%add3A_341, %dma_start3A_344] : memref<163840x128xf32, #tpu.memory_space<hbm>> -> memref<512x64xf32, #tpu.memory_space<hbm>>
    tpu.enqueue_dma source(%arg9 : memref<512x64xf32, #tpu.memory_space<vmem>>) target(%dma_start3A_345 : memref<512x64xf32, #tpu.memory_space<hbm>>) target_semaphore(%arg13 : memref<!tpu.dma_semaphore, #tpu.memory_space<semaphore_mem>>)
    %dma_wait3A_346 = arith.constant 64 : i32
    %dma_wait3A_347 = tpu.memref_slice %arg5[%add3A_341, %dma_wait3A_346] : memref<163840x128xf32, #tpu.memory_space<hbm>> -> memref<512x64xf32, #tpu.memory_space<hbm>>
    %dma_wait3A_348 = arith.constant 64 : i32
    %dma_wait3A_349 = tpu.memref_slice %arg5[%add3A_341, %dma_wait3A_348] : memref<163840x128xf32, #tpu.memory_space<hbm>> -> memref<512x64xf32, #tpu.memory_space<hbm>>
    tpu.wait_dma2 semaphore(%arg13 : memref<!tpu.dma_semaphore, #tpu.memory_space<semaphore_mem>>) src(%arg9 : memref<512x64xf32, #tpu.memory_space<vmem>>) dst(%dma_wait3A_349 : memref<512x64xf32, #tpu.memory_space<hbm>>)
    %dma_start3A_350 = arith.constant 4096 : i32
    %dma_start3A_351 = tpu.memref_slice %arg8[%dma_start3A_350] : memref<5120xi32, #tpu.memory_space<vmem>> -> memref<512xi32, #tpu.memory_space<vmem>>
    %dma_start3A_352 = arith.constant 0 : i32
    %dma_start3A_353 = arith.constant 0 : i32
    %dma_start3A_354 = tpu.memref_slice %arg6[%dma_start3A_352, %dma_start3A_353] : memref<10240x64xf32, #tpu.memory_space<vmem_shared>> -> memref<10240x64xf32, #tpu.memory_space<vmem_shared>>
    tpu.enqueue_indirect_dma source(%dma_start3A_354 : memref<10240x64xf32, #tpu.memory_space<vmem_shared>>) target(%arg9 : memref<512x64xf32, #tpu.memory_space<vmem>>) offsets(%dma_start3A_351 : memref<512xi32, #tpu.memory_space<vmem>>) semaphore(%arg11 : memref<!tpu.dma_semaphore, #tpu.memory_space<semaphore_mem>>)
    %dma_wait3A_355 = arith.constant 3584 : i32
    %dma_wait3A_356 = tpu.memref_slice %arg8[%dma_wait3A_355] : memref<5120xi32, #tpu.memory_space<vmem>> -> memref<512xi32, #tpu.memory_space<vmem>>
    %dma_wait3A_357 = arith.constant 0 : i32
    %dma_wait3A_358 = arith.constant 0 : i32
    %dma_wait3A_359 = tpu.memref_slice %arg6[%dma_wait3A_357, %dma_wait3A_358] : memref<10240x64xf32, #tpu.memory_space<vmem_shared>> -> memref<10240x64xf32, #tpu.memory_space<vmem_shared>>
    tpu.wait_indirect_dma semaphore(%arg12 : memref<!tpu.dma_semaphore, #tpu.memory_space<semaphore_mem>>) src(%dma_wait3A_359 : memref<10240x64xf32, #tpu.memory_space<vmem_shared>>) dst(%arg10 : memref<512x64xf32, #tpu.memory_space<vmem>>)
    %add3A_360 = arith.constant 3584 : i32
    %add3A_361 = arith.addi %mul3A_2, %add3A_360 : i32
    %dma_start3A_362 = arith.constant 64 : i32
    %dma_start3A_363 = tpu.memref_slice %arg5[%add3A_361, %dma_start3A_362] : memref<163840x128xf32, #tpu.memory_space<hbm>> -> memref<512x64xf32, #tpu.memory_space<hbm>>
    %dma_start3A_364 = arith.constant 64 : i32
    %dma_start3A_365 = tpu.memref_slice %arg5[%add3A_361, %dma_start3A_364] : memref<163840x128xf32, #tpu.memory_space<hbm>> -> memref<512x64xf32, #tpu.memory_space<hbm>>
    tpu.enqueue_dma source(%arg10 : memref<512x64xf32, #tpu.memory_space<vmem>>) target(%dma_start3A_365 : memref<512x64xf32, #tpu.memory_space<hbm>>) target_semaphore(%arg14 : memref<!tpu.dma_semaphore, #tpu.memory_space<semaphore_mem>>)
    %dma_wait3A_366 = arith.constant 64 : i32
    %dma_wait3A_367 = tpu.memref_slice %arg5[%add3A_361, %dma_wait3A_366] : memref<163840x128xf32, #tpu.memory_space<hbm>> -> memref<512x64xf32, #tpu.memory_space<hbm>>
    %dma_wait3A_368 = arith.constant 64 : i32
    %dma_wait3A_369 = tpu.memref_slice %arg5[%add3A_361, %dma_wait3A_368] : memref<163840x128xf32, #tpu.memory_space<hbm>> -> memref<512x64xf32, #tpu.memory_space<hbm>>
    tpu.wait_dma2 semaphore(%arg14 : memref<!tpu.dma_semaphore, #tpu.memory_space<semaphore_mem>>) src(%arg10 : memref<512x64xf32, #tpu.memory_space<vmem>>) dst(%dma_wait3A_369 : memref<512x64xf32, #tpu.memory_space<hbm>>)
    %dma_start3A_370 = arith.constant 4608 : i32
    %dma_start3A_371 = tpu.memref_slice %arg8[%dma_start3A_370] : memref<5120xi32, #tpu.memory_space<vmem>> -> memref<512xi32, #tpu.memory_space<vmem>>
    %dma_start3A_372 = arith.constant 0 : i32
    %dma_start3A_373 = arith.constant 0 : i32
    %dma_start3A_374 = tpu.memref_slice %arg6[%dma_start3A_372, %dma_start3A_373] : memref<10240x64xf32, #tpu.memory_space<vmem_shared>> -> memref<10240x64xf32, #tpu.memory_space<vmem_shared>>
    tpu.enqueue_indirect_dma source(%dma_start3A_374 : memref<10240x64xf32, #tpu.memory_space<vmem_shared>>) target(%arg10 : memref<512x64xf32, #tpu.memory_space<vmem>>) offsets(%dma_start3A_371 : memref<512xi32, #tpu.memory_space<vmem>>) semaphore(%arg12 : memref<!tpu.dma_semaphore, #tpu.memory_space<semaphore_mem>>)
    %dma_wait3A_375 = arith.constant 4096 : i32
    %dma_wait3A_376 = tpu.memref_slice %arg8[%dma_wait3A_375] : memref<5120xi32, #tpu.memory_space<vmem>> -> memref<512xi32, #tpu.memory_space<vmem>>
    %dma_wait3A_377 = arith.constant 0 : i32
    %dma_wait3A_378 = arith.constant 0 : i32
    %dma_wait3A_379 = tpu.memref_slice %arg6[%dma_wait3A_377, %dma_wait3A_378] : memref<10240x64xf32, #tpu.memory_space<vmem_shared>> -> memref<10240x64xf32, #tpu.memory_space<vmem_shared>>
    tpu.wait_indirect_dma semaphore(%arg11 : memref<!tpu.dma_semaphore, #tpu.memory_space<semaphore_mem>>) src(%dma_wait3A_379 : memref<10240x64xf32, #tpu.memory_space<vmem_shared>>) dst(%arg9 : memref<512x64xf32, #tpu.memory_space<vmem>>)
    %add3A_380 = arith.constant 4096 : i32
    %add3A_381 = arith.addi %mul3A_2, %add3A_380 : i32
    %dma_start3A_382 = arith.constant 64 : i32
    %dma_start3A_383 = tpu.memref_slice %arg5[%add3A_381, %dma_start3A_382] : memref<163840x128xf32, #tpu.memory_space<hbm>> -> memref<512x64xf32, #tpu.memory_space<hbm>>
    %dma_start3A_384 = arith.constant 64 : i32
    %dma_start3A_385 = tpu.memref_slice %arg5[%add3A_381, %dma_start3A_384] : memref<163840x128xf32, #tpu.memory_space<hbm>> -> memref<512x64xf32, #tpu.memory_space<hbm>>
    tpu.enqueue_dma source(%arg9 : memref<512x64xf32, #tpu.memory_space<vmem>>) target(%dma_start3A_385 : memref<512x64xf32, #tpu.memory_space<hbm>>) target_semaphore(%arg13 : memref<!tpu.dma_semaphore, #tpu.memory_space<semaphore_mem>>)
    %dma_wait3A_386 = arith.constant 4608 : i32
    %dma_wait3A_387 = tpu.memref_slice %arg8[%dma_wait3A_386] : memref<5120xi32, #tpu.memory_space<vmem>> -> memref<512xi32, #tpu.memory_space<vmem>>
    %dma_wait3A_388 = arith.constant 0 : i32
    %dma_wait3A_389 = arith.constant 0 : i32
    %dma_wait3A_390 = tpu.memref_slice %arg6[%dma_wait3A_388, %dma_wait3A_389] : memref<10240x64xf32, #tpu.memory_space<vmem_shared>> -> memref<10240x64xf32, #tpu.memory_space<vmem_shared>>
    tpu.wait_indirect_dma semaphore(%arg12 : memref<!tpu.dma_semaphore, #tpu.memory_space<semaphore_mem>>) src(%dma_wait3A_390 : memref<10240x64xf32, #tpu.memory_space<vmem_shared>>) dst(%arg10 : memref<512x64xf32, #tpu.memory_space<vmem>>)
    %add3A_391 = arith.constant 4608 : i32
    %add3A_392 = arith.addi %mul3A_2, %add3A_391 : i32
    %dma_start3A_393 = arith.constant 64 : i32
    %dma_start3A_394 = tpu.memref_slice %arg5[%add3A_392, %dma_start3A_393] : memref<163840x128xf32, #tpu.memory_space<hbm>> -> memref<512x64xf32, #tpu.memory_space<hbm>>
    %dma_start3A_395 = arith.constant 64 : i32
    %dma_start3A_396 = tpu.memref_slice %arg5[%add3A_392, %dma_start3A_395] : memref<163840x128xf32, #tpu.memory_space<hbm>> -> memref<512x64xf32, #tpu.memory_space<hbm>>
    tpu.enqueue_dma source(%arg10 : memref<512x64xf32, #tpu.memory_space<vmem>>) target(%dma_start3A_396 : memref<512x64xf32, #tpu.memory_space<hbm>>) target_semaphore(%arg14 : memref<!tpu.dma_semaphore, #tpu.memory_space<semaphore_mem>>)
    %dma_wait3A_397 = arith.constant 64 : i32
    %dma_wait3A_398 = tpu.memref_slice %arg5[%add3A_381, %dma_wait3A_397] : memref<163840x128xf32, #tpu.memory_space<hbm>> -> memref<512x64xf32, #tpu.memory_space<hbm>>
    %dma_wait3A_399 = arith.constant 64 : i32
    %dma_wait3A_400 = tpu.memref_slice %arg5[%add3A_381, %dma_wait3A_399] : memref<163840x128xf32, #tpu.memory_space<hbm>> -> memref<512x64xf32, #tpu.memory_space<hbm>>
    tpu.wait_dma2 semaphore(%arg13 : memref<!tpu.dma_semaphore, #tpu.memory_space<semaphore_mem>>) src(%arg9 : memref<512x64xf32, #tpu.memory_space<vmem>>) dst(%dma_wait3A_400 : memref<512x64xf32, #tpu.memory_space<hbm>>)
    %dma_wait3A_401 = arith.constant 64 : i32
    %dma_wait3A_402 = tpu.memref_slice %arg5[%add3A_392, %dma_wait3A_401] : memref<163840x128xf32, #tpu.memory_space<hbm>> -> memref<512x64xf32, #tpu.memory_space<hbm>>
    %dma_wait3A_403 = arith.constant 64 : i32
    %dma_wait3A_404 = tpu.memref_slice %arg5[%add3A_392, %dma_wait3A_403] : memref<163840x128xf32, #tpu.memory_space<hbm>> -> memref<512x64xf32, #tpu.memory_space<hbm>>
    tpu.wait_dma2 semaphore(%arg14 : memref<!tpu.dma_semaphore, #tpu.memory_space<semaphore_mem>>) src(%arg10 : memref<512x64xf32, #tpu.memory_space<vmem>>) dst(%dma_wait3A_404 : memref<512x64xf32, #tpu.memory_space<hbm>>)
    return
  }
}

#map = affine_map<(d0, d1) -> (0, 0)>
#map1 = affine_map<(d0, d1) -> (0)>
module attributes {stable_mosaic.version = 14 : i64} {
  func.func @_sc_scatter(%arg0: i32, %arg1: i32, %arg2: memref<81920x128xf32, #tpu.memory_space<hbm>>, %arg3: memref<81920xi32, #tpu.memory_space<hbm>>, %arg4: memref<81920xi32, #tpu.memory_space<hbm>>, %arg5: memref<10240x64xf32, #tpu.memory_space<hbm>>, %arg6: memref<10240x128xf32, #tpu.memory_space<hbm>>, %arg7: memref<10240x64xf32, #tpu.memory_space<vmem_shared>>, %arg8: memref<512xi32, #tpu.memory_space<vmem>>, %arg9: memref<512xi32, #tpu.memory_space<vmem>>, %arg10: memref<512x64xf32, #tpu.memory_space<vmem>>, %arg11: memref<512x64xf32, #tpu.memory_space<vmem>>, %arg12: memref<!tpu.dma_semaphore, #tpu.memory_space<semaphore_mem>>, %arg13: memref<!tpu.dma_semaphore, #tpu.memory_space<semaphore_mem>>, %arg14: memref<!tpu.dma_semaphore, #tpu.memory_space<semaphore_mem>>, %arg15: memref<!tpu.dma_semaphore, #tpu.memory_space<semaphore_mem>>) attributes {dimension_semantics = [#tpu.dimension_semantics<core_parallel>, #tpu.dimension_semantics<subcore_parallel>], iteration_bounds = array<i64: 2, 16>, scalar_prefetch = 0 : i64, scratch_operands = 9 : i64, tpu.core_type = #tpu.core_type<sc_vector_subcore>, window_params = [{transform_indices = #map}, {transform_indices = #map1}, {transform_indices = #map1}, {transform_indices = #map}, {transform_indices = #map}]} {
    %mul3A = arith.constant 640 : i32
    %mul3A_0 = arith.muli %arg1, %mul3A : i32
    %mul3A_1 = arith.constant 640 : i32
    %mul3A_2 = arith.muli %arg1, %mul3A_1 : i32
    "tpu.region"() ({
      %run_scoped3A = tpu.sem_alloc : memref<!tpu.dma_semaphore, #tpu.memory_space<semaphore_mem>>
      %dma_start3A = arith.constant 0 : i32
      %dma_start3A_19 = tpu.memref_slice %arg7[%mul3A_2, %dma_start3A] : memref<10240x64xf32, #tpu.memory_space<vmem_shared>> -> memref<640x64xf32, #tpu.memory_space<vmem_shared>>
      %dma_start3A_20 = arith.constant 0 : i32
      %dma_start3A_21 = tpu.memref_slice %arg5[%mul3A_0, %dma_start3A_20] : memref<10240x64xf32, #tpu.memory_space<hbm>> -> memref<640x64xf32, #tpu.memory_space<hbm>>
      tpu.enqueue_dma source(%dma_start3A_21 : memref<640x64xf32, #tpu.memory_space<hbm>>) target(%dma_start3A_19 : memref<640x64xf32, #tpu.memory_space<vmem_shared>>) target_semaphore(%run_scoped3A : memref<!tpu.dma_semaphore, #tpu.memory_space<semaphore_mem>>)
      %dma_wait3A = arith.constant 0 : i32
      %dma_wait3A_22 = tpu.memref_slice %arg7[%mul3A_2, %dma_wait3A] : memref<10240x64xf32, #tpu.memory_space<vmem_shared>> -> memref<640x64xf32, #tpu.memory_space<vmem_shared>>
      %dma_wait3A_23 = arith.constant 0 : i32
      %dma_wait3A_24 = tpu.memref_slice %arg5[%mul3A_0, %dma_wait3A_23] : memref<10240x64xf32, #tpu.memory_space<hbm>> -> memref<640x64xf32, #tpu.memory_space<hbm>>
      tpu.wait_dma2 semaphore(%run_scoped3A : memref<!tpu.dma_semaphore, #tpu.memory_space<semaphore_mem>>) src(%dma_wait3A_24 : memref<640x64xf32, #tpu.memory_space<hbm>>) dst(%dma_wait3A_22 : memref<640x64xf32, #tpu.memory_space<vmem_shared>>)
      tpu.yield
    }) : () -> ()
    %barrier3A = arith.constant 0 : index
    tpu.barrier barrier_id(%barrier3A)
    %mul3A_3 = arith.constant 40960 : i32
    %mul3A_4 = arith.muli %arg0, %mul3A_3 : i32
    %mul3A_5 = arith.constant 2560 : i32
    %mul3A_6 = arith.muli %arg1, %mul3A_5 : i32
    %add3A = arith.addi %mul3A_4, %mul3A_6 : i32
    %scan3A = arith.constant 0 : i32
    %scan3A_7 = arith.constant 0 : i32
    %scan3A_8 = arith.constant 5 : i32
    %scan3A_9 = arith.addi %scan3A_7, %scan3A_8 : i32
    %scan3A_10 = arith.constant 1 : i32
    scf.for %scan3A_19 = %scan3A_7 to %scan3A_9 step %scan3A_10  : i32 {
      %mul3A_20 = arith.constant 512 : i32
      %mul3A_21 = arith.muli %scan3A_19, %mul3A_20 : i32
      %add3A_22 = arith.addi %add3A, %mul3A_21 : i32
      %dma_start3A = tpu.memref_slice %arg3[%add3A_22] : memref<81920xi32, #tpu.memory_space<hbm>> -> memref<512xi32, #tpu.memory_space<hbm>>
      %dma_start3A_23 = tpu.memref_slice %arg3[%add3A_22] : memref<81920xi32, #tpu.memory_space<hbm>> -> memref<512xi32, #tpu.memory_space<hbm>>
      tpu.enqueue_dma source(%dma_start3A_23 : memref<512xi32, #tpu.memory_space<hbm>>) target(%arg8 : memref<512xi32, #tpu.memory_space<vmem>>) target_semaphore(%arg12 : memref<!tpu.dma_semaphore, #tpu.memory_space<semaphore_mem>>)
      %dma_start3A_24 = tpu.memref_slice %arg4[%add3A_22] : memref<81920xi32, #tpu.memory_space<hbm>> -> memref<512xi32, #tpu.memory_space<hbm>>
      %dma_start3A_25 = tpu.memref_slice %arg4[%add3A_22] : memref<81920xi32, #tpu.memory_space<hbm>> -> memref<512xi32, #tpu.memory_space<hbm>>
      tpu.enqueue_dma source(%dma_start3A_25 : memref<512xi32, #tpu.memory_space<hbm>>) target(%arg9 : memref<512xi32, #tpu.memory_space<vmem>>) target_semaphore(%arg13 : memref<!tpu.dma_semaphore, #tpu.memory_space<semaphore_mem>>)
      %dma_start3A_26 = arith.constant 0 : i32
      %dma_start3A_27 = tpu.memref_slice %arg2[%add3A_22, %dma_start3A_26] : memref<81920x128xf32, #tpu.memory_space<hbm>> -> memref<512x64xf32, #tpu.memory_space<hbm>>
      %dma_start3A_28 = arith.constant 0 : i32
      %dma_start3A_29 = tpu.memref_slice %arg2[%add3A_22, %dma_start3A_28] : memref<81920x128xf32, #tpu.memory_space<hbm>> -> memref<512x64xf32, #tpu.memory_space<hbm>>
      tpu.enqueue_dma source(%dma_start3A_29 : memref<512x64xf32, #tpu.memory_space<hbm>>) target(%arg10 : memref<512x64xf32, #tpu.memory_space<vmem>>) target_semaphore(%arg14 : memref<!tpu.dma_semaphore, #tpu.memory_space<semaphore_mem>>)
      %dma_start3A_30 = arith.constant 64 : i32
      %dma_start3A_31 = tpu.memref_slice %arg2[%add3A_22, %dma_start3A_30] : memref<81920x128xf32, #tpu.memory_space<hbm>> -> memref<512x64xf32, #tpu.memory_space<hbm>>
      %dma_start3A_32 = arith.constant 64 : i32
      %dma_start3A_33 = tpu.memref_slice %arg2[%add3A_22, %dma_start3A_32] : memref<81920x128xf32, #tpu.memory_space<hbm>> -> memref<512x64xf32, #tpu.memory_space<hbm>>
      tpu.enqueue_dma source(%dma_start3A_33 : memref<512x64xf32, #tpu.memory_space<hbm>>) target(%arg11 : memref<512x64xf32, #tpu.memory_space<vmem>>) target_semaphore(%arg15 : memref<!tpu.dma_semaphore, #tpu.memory_space<semaphore_mem>>)
      %dma_wait3A = tpu.memref_slice %arg3[%add3A_22] : memref<81920xi32, #tpu.memory_space<hbm>> -> memref<512xi32, #tpu.memory_space<hbm>>
      %dma_wait3A_34 = tpu.memref_slice %arg3[%add3A_22] : memref<81920xi32, #tpu.memory_space<hbm>> -> memref<512xi32, #tpu.memory_space<hbm>>
      tpu.wait_dma2 semaphore(%arg12 : memref<!tpu.dma_semaphore, #tpu.memory_space<semaphore_mem>>) src(%dma_wait3A_34 : memref<512xi32, #tpu.memory_space<hbm>>) dst(%arg8 : memref<512xi32, #tpu.memory_space<vmem>>)
      %dma_wait3A_35 = arith.constant 0 : i32
      %dma_wait3A_36 = tpu.memref_slice %arg2[%add3A_22, %dma_wait3A_35] : memref<81920x128xf32, #tpu.memory_space<hbm>> -> memref<512x64xf32, #tpu.memory_space<hbm>>
      %dma_wait3A_37 = arith.constant 0 : i32
      %dma_wait3A_38 = tpu.memref_slice %arg2[%add3A_22, %dma_wait3A_37] : memref<81920x128xf32, #tpu.memory_space<hbm>> -> memref<512x64xf32, #tpu.memory_space<hbm>>
      tpu.wait_dma2 semaphore(%arg14 : memref<!tpu.dma_semaphore, #tpu.memory_space<semaphore_mem>>) src(%dma_wait3A_38 : memref<512x64xf32, #tpu.memory_space<hbm>>) dst(%arg10 : memref<512x64xf32, #tpu.memory_space<vmem>>)
      "tpu.region"() ({
        %run_scoped3A = tpu.sem_alloc : memref<!tpu.dma_semaphore, #tpu.memory_space<semaphore_mem>>
        %dma_start3A_45 = arith.constant 0 : i32
        %dma_start3A_46 = arith.constant 0 : i32
        %dma_start3A_47 = tpu.memref_slice %arg7[%dma_start3A_45, %dma_start3A_46] : memref<10240x64xf32, #tpu.memory_space<vmem_shared>> -> memref<10240x64xf32, #tpu.memory_space<vmem_shared>>
        tpu.enqueue_indirect_dma source(%arg10 : memref<512x64xf32, #tpu.memory_space<vmem>>) target(%dma_start3A_47 : memref<10240x64xf32, #tpu.memory_space<vmem_shared>>) offsets(%arg8 : memref<512xi32, #tpu.memory_space<vmem>>) semaphore(%run_scoped3A : memref<!tpu.dma_semaphore, #tpu.memory_space<semaphore_mem>>) {add = true}
        %dma_wait3A_48 = arith.constant 0 : i32
        %dma_wait3A_49 = arith.constant 0 : i32
        %dma_wait3A_50 = tpu.memref_slice %arg7[%dma_wait3A_48, %dma_wait3A_49] : memref<10240x64xf32, #tpu.memory_space<vmem_shared>> -> memref<10240x64xf32, #tpu.memory_space<vmem_shared>>
        tpu.wait_indirect_dma semaphore(%run_scoped3A : memref<!tpu.dma_semaphore, #tpu.memory_space<semaphore_mem>>) src(%arg10 : memref<512x64xf32, #tpu.memory_space<vmem>>) dst(%dma_wait3A_50 : memref<10240x64xf32, #tpu.memory_space<vmem_shared>>)
        tpu.yield
      }) : () -> ()
      %dma_wait3A_39 = tpu.memref_slice %arg4[%add3A_22] : memref<81920xi32, #tpu.memory_space<hbm>> -> memref<512xi32, #tpu.memory_space<hbm>>
      %dma_wait3A_40 = tpu.memref_slice %arg4[%add3A_22] : memref<81920xi32, #tpu.memory_space<hbm>> -> memref<512xi32, #tpu.memory_space<hbm>>
      tpu.wait_dma2 semaphore(%arg13 : memref<!tpu.dma_semaphore, #tpu.memory_space<semaphore_mem>>) src(%dma_wait3A_40 : memref<512xi32, #tpu.memory_space<hbm>>) dst(%arg9 : memref<512xi32, #tpu.memory_space<vmem>>)
      %dma_wait3A_41 = arith.constant 64 : i32
      %dma_wait3A_42 = tpu.memref_slice %arg2[%add3A_22, %dma_wait3A_41] : memref<81920x128xf32, #tpu.memory_space<hbm>> -> memref<512x64xf32, #tpu.memory_space<hbm>>
      %dma_wait3A_43 = arith.constant 64 : i32
      %dma_wait3A_44 = tpu.memref_slice %arg2[%add3A_22, %dma_wait3A_43] : memref<81920x128xf32, #tpu.memory_space<hbm>> -> memref<512x64xf32, #tpu.memory_space<hbm>>
      tpu.wait_dma2 semaphore(%arg15 : memref<!tpu.dma_semaphore, #tpu.memory_space<semaphore_mem>>) src(%dma_wait3A_44 : memref<512x64xf32, #tpu.memory_space<hbm>>) dst(%arg11 : memref<512x64xf32, #tpu.memory_space<vmem>>)
      "tpu.region"() ({
        %run_scoped3A = tpu.sem_alloc : memref<!tpu.dma_semaphore, #tpu.memory_space<semaphore_mem>>
        %dma_start3A_45 = arith.constant 0 : i32
        %dma_start3A_46 = arith.constant 0 : i32
        %dma_start3A_47 = tpu.memref_slice %arg7[%dma_start3A_45, %dma_start3A_46] : memref<10240x64xf32, #tpu.memory_space<vmem_shared>> -> memref<10240x64xf32, #tpu.memory_space<vmem_shared>>
        tpu.enqueue_indirect_dma source(%arg11 : memref<512x64xf32, #tpu.memory_space<vmem>>) target(%dma_start3A_47 : memref<10240x64xf32, #tpu.memory_space<vmem_shared>>) offsets(%arg9 : memref<512xi32, #tpu.memory_space<vmem>>) semaphore(%run_scoped3A : memref<!tpu.dma_semaphore, #tpu.memory_space<semaphore_mem>>) {add = true}
        %dma_wait3A_48 = arith.constant 0 : i32
        %dma_wait3A_49 = arith.constant 0 : i32
        %dma_wait3A_50 = tpu.memref_slice %arg7[%dma_wait3A_48, %dma_wait3A_49] : memref<10240x64xf32, #tpu.memory_space<vmem_shared>> -> memref<10240x64xf32, #tpu.memory_space<vmem_shared>>
        tpu.wait_indirect_dma semaphore(%run_scoped3A : memref<!tpu.dma_semaphore, #tpu.memory_space<semaphore_mem>>) src(%arg11 : memref<512x64xf32, #tpu.memory_space<vmem>>) dst(%dma_wait3A_50 : memref<10240x64xf32, #tpu.memory_space<vmem_shared>>)
        tpu.yield
      }) : () -> ()
    }
    %scan3A_11 = arith.constant 5 : i32
    %barrier3A_12 = arith.constant 0 : index
    tpu.barrier barrier_id(%barrier3A_12)
    %mul3A_13 = arith.constant 640 : i32
    %mul3A_14 = arith.muli %arg1, %mul3A_13 : i32
    %mul3A_15 = arith.constant 640 : i32
    %mul3A_16 = arith.muli %arg1, %mul3A_15 : i32
    %mul3A_17 = arith.constant 64 : i32
    %mul3A_18 = arith.muli %arg0, %mul3A_17 : i32
    "tpu.region"() ({
      %run_scoped3A = tpu.sem_alloc : memref<!tpu.dma_semaphore, #tpu.memory_space<semaphore_mem>>
      %dma_start3A = tpu.memref_slice %arg6[%mul3A_16, %mul3A_18] : memref<10240x128xf32, #tpu.memory_space<hbm>> -> memref<640x64xf32, #tpu.memory_space<hbm>>
      %dma_start3A_19 = arith.constant 0 : i32
      %dma_start3A_20 = tpu.memref_slice %arg7[%mul3A_14, %dma_start3A_19] : memref<10240x64xf32, #tpu.memory_space<vmem_shared>> -> memref<640x64xf32, #tpu.memory_space<vmem_shared>>
      tpu.enqueue_dma source(%dma_start3A_20 : memref<640x64xf32, #tpu.memory_space<vmem_shared>>) target(%dma_start3A : memref<640x64xf32, #tpu.memory_space<hbm>>) target_semaphore(%run_scoped3A : memref<!tpu.dma_semaphore, #tpu.memory_space<semaphore_mem>>)
      %dma_wait3A = tpu.memref_slice %arg6[%mul3A_16, %mul3A_18] : memref<10240x128xf32, #tpu.memory_space<hbm>> -> memref<640x64xf32, #tpu.memory_space<hbm>>
      %dma_wait3A_21 = arith.constant 0 : i32
      %dma_wait3A_22 = tpu.memref_slice %arg7[%mul3A_14, %dma_wait3A_21] : memref<10240x64xf32, #tpu.memory_space<vmem_shared>> -> memref<640x64xf32, #tpu.memory_space<vmem_shared>>
      tpu.wait_dma2 semaphore(%run_scoped3A : memref<!tpu.dma_semaphore, #tpu.memory_space<semaphore_mem>>) src(%dma_wait3A_22 : memref<640x64xf32, #tpu.memory_space<vmem_shared>>) dst(%dma_wait3A : memref<640x64xf32, #tpu.memory_space<hbm>>)
      tpu.yield
    }) : () -> ()
    return
  }
}

module attributes {stable_mosaic.version = 14 : i64} {
  func.func @_emb_body(%arg0: memref<10240x128xf32, #tpu.memory_space<vmem>>, %arg1: memref<128x64xf32, #tpu.memory_space<vmem>>, %arg2: memref<1x64xf32, #tpu.memory_space<vmem>>, %arg3: memref<10240x64xf32, #tpu.memory_space<vmem>>) attributes {dimension_semantics = [], scalar_prefetch = 0 : i64, scratch_operands = 0 : i64, tpu.core_type = #tpu.core_type<tc>} {
    %get3A = arith.constant 0 : index
    %get3A_0 = arith.constant 0 : index
    %get3A_1 = vector.load %arg0[%get3A, %get3A_0] : memref<10240x128xf32, #tpu.memory_space<vmem>>, vector<10240x128xf32>
    %get3A_2 = arith.constant 0 : index
    %get3A_3 = arith.constant 0 : index
    %get3A_4 = vector.load %arg1[%get3A_2, %get3A_3] : memref<128x64xf32, #tpu.memory_space<vmem>>, vector<128x64xf32>
    %dot_general3A = arith.constant dense<0.000000e+00> : vector<10240x64xf32>
    %dot_general3A_5 = tpu.matmul %get3A_1, %get3A_4, %dot_general3A {dimension_numbers = #tpu.dot_dimension_numbers<[1], [0], [0], [1], [0, 0, 1, 1], [], []>, transpose_lhs_hint = false} : vector<10240x128xf32>, vector<128x64xf32>, vector<10240x64xf32> -> vector<10240x64xf32>
    %get3A_6 = arith.constant 0 : index
    %get3A_7 = arith.constant 0 : index
    %get3A_8 = vector.load %arg2[%get3A_6, %get3A_7] : memref<1x64xf32, #tpu.memory_space<vmem>>, vector<1x64xf32>
    %add3A = vector.broadcast %get3A_8 : vector<1x64xf32> to vector<10240x64xf32>
    %add3A_9 = arith.addf %dot_general3A_5, %add3A : vector<10240x64xf32>
    %swap3A = arith.constant 0 : index
    %swap3A_10 = arith.constant 0 : index
    %swap3A_11 = vector.load %arg3[%swap3A, %swap3A_10] : memref<10240x64xf32, #tpu.memory_space<vmem>>, vector<10240x64xf32>
    tpu.vector_store %arg3[%swap3A, %swap3A_10], %add3A_9 {strides = array<i32>} : memref<10240x64xf32, #tpu.memory_space<vmem>>, vector<10240x64xf32>,
    return
  }
}

module attributes {stable_mosaic.version = 14 : i64} {
  func.func @_d2_body(%arg0: i32, %arg1: memref<4096x128xf32, #tpu.memory_space<vmem>>, %arg2: memref<4096x128xf32, #tpu.memory_space<vmem>>, %arg3: memref<128x8xf32, #tpu.memory_space<vmem>>, %arg4: memref<4096x8xf32, #tpu.memory_space<vmem>>, %arg5: memref<1x8xf32, #tpu.memory_space<vmem>>, %arg6: memref<1x8xf32, #tpu.memory_space<vmem>>) attributes {dimension_semantics = [#tpu.dimension_semantics<arbitrary>], iteration_bounds = array<i64: 5>, scalar_prefetch = 0 : i64, scratch_operands = 0 : i64, tpu.core_type = #tpu.core_type<tc>, window_params = [{transform_indices = @transform_0, window_bounds = array<i64: 4096, 128>}, {transform_indices = @transform_1, window_bounds = array<i64: 4096, 128>}, {pipeline_mode = #tpu.pipeline_mode<synchronous>, transform_indices = @transform_2, window_bounds = array<i64: 128, 8>}, {transform_indices = @transform_3, window_bounds = array<i64: 4096, 8>}, {pipeline_mode = #tpu.pipeline_mode<synchronous>, transform_indices = @transform_4, window_bounds = array<i64: 1, 8>}, {pipeline_mode = #tpu.pipeline_mode<synchronous>, transform_indices = @transform_5, window_bounds = array<i64: 1, 8>}]} {
    %get3A = arith.constant 0 : index
    %get3A_0 = arith.constant 0 : index
    %get3A_1 = vector.load %arg1[%get3A, %get3A_0] : memref<4096x128xf32, #tpu.memory_space<vmem>>, vector<4096x128xf32>
    %get3A_2 = arith.constant 0 : index
    %get3A_3 = arith.constant 0 : index
    %get3A_4 = vector.load %arg2[%get3A_2, %get3A_3] : memref<4096x128xf32, #tpu.memory_space<vmem>>, vector<4096x128xf32>
    %sub3A = arith.subf %get3A_1, %get3A_4 : vector<4096x128xf32>
    %mul3A = arith.mulf %sub3A, %sub3A : vector<4096x128xf32>
    %get3A_5 = arith.constant 0 : index
    %get3A_6 = arith.constant 0 : index
    %get3A_7 = vector.load %arg3[%get3A_5, %get3A_6] : memref<128x8xf32, #tpu.memory_space<vmem>>, vector<128x8xf32>
    %dot_general3A = arith.constant dense<0.000000e+00> : vector<4096x8xf32>
    %dot_general3A_8 = tpu.matmul %mul3A, %get3A_7, %dot_general3A {dimension_numbers = #tpu.dot_dimension_numbers<[1], [0], [0], [1], [0, 0, 1, 1], [], []>, transpose_lhs_hint = false} : vector<4096x128xf32>, vector<128x8xf32>, vector<4096x8xf32> -> vector<4096x8xf32>
    %sqrt3A = math.sqrt %dot_general3A_8 : vector<4096x8xf32>
    %swap3A = arith.constant 0 : index
    %swap3A_9 = arith.constant 0 : index
    %swap3A_10 = vector.load %arg4[%swap3A, %swap3A_9] : memref<4096x8xf32, #tpu.memory_space<vmem>>, vector<4096x8xf32>
    tpu.vector_store %arg4[%swap3A, %swap3A_9], %sqrt3A {strides = array<i32>} : memref<4096x8xf32, #tpu.memory_space<vmem>>, vector<4096x8xf32>,
    %eq3A = arith.constant 0 : i32
    %eq3A_11 = arith.cmpi eq, %arg0, %eq3A : i32
    %convert_element_type3A = arith.extui %eq3A_11 : i1 to i32
    %cond3A = arith.constant 0 : i32
    %cond3A_12 = arith.cmpi ne, %convert_element_type3A, %cond3A : i32
    scf.if %cond3A_12 {
      %broadcast_in_dim3A_30 = arith.constant 0.000000e+00 : f32
      %broadcast_in_dim3A_31 = vector.broadcast %broadcast_in_dim3A_30 : f32 to vector<1x8xf32>
      %swap3A_32 = arith.constant 0 : index
      %swap3A_33 = arith.constant 0 : index
      %swap3A_34 = vector.load %arg5[%swap3A_32, %swap3A_33] : memref<1x8xf32, #tpu.memory_space<vmem>>, vector<1x8xf32>
      tpu.vector_store %arg5[%swap3A_32, %swap3A_33], %broadcast_in_dim3A_31 {strides = array<i32>} : memref<1x8xf32, #tpu.memory_space<vmem>>, vector<1x8xf32>,
      %broadcast_in_dim3A_35 = arith.constant 0.000000e+00 : f32
      %broadcast_in_dim3A_36 = vector.broadcast %broadcast_in_dim3A_35 : f32 to vector<1x8xf32>
      %swap3A_37 = arith.constant 0 : index
      %swap3A_38 = arith.constant 0 : index
      %swap3A_39 = vector.load %arg6[%swap3A_37, %swap3A_38] : memref<1x8xf32, #tpu.memory_space<vmem>>, vector<1x8xf32>
      tpu.vector_store %arg6[%swap3A_37, %swap3A_38], %broadcast_in_dim3A_36 {strides = array<i32>} : memref<1x8xf32, #tpu.memory_space<vmem>>, vector<1x8xf32>,
    } else {
    }
    %get3A_13 = arith.constant 0 : index
    %get3A_14 = arith.constant 0 : index
    %get3A_15 = vector.load %arg5[%get3A_13, %get3A_14] : memref<1x8xf32, #tpu.memory_space<vmem>>, vector<1x8xf32>
    %reduce_sum3A = arith.constant dense<0.000000e+00> : vector<8xf32>
    %reduce_sum3A_16 = vector.multi_reduction <add>, %sqrt3A, %reduce_sum3A [0] : vector<4096x8xf32> to vector<8xf32>
    %broadcast_in_dim3A = vector.shape_cast %reduce_sum3A_16 : vector<8xf32> to vector<1x8xf32>
    %add3A = arith.addf %get3A_15, %broadcast_in_dim3A : vector<1x8xf32>
    %swap3A_17 = arith.constant 0 : index
    %swap3A_18 = arith.constant 0 : index
    %swap3A_19 = vector.load %arg5[%swap3A_17, %swap3A_18] : memref<1x8xf32, #tpu.memory_space<vmem>>, vector<1x8xf32>
    tpu.vector_store %arg5[%swap3A_17, %swap3A_18], %add3A {strides = array<i32>} : memref<1x8xf32, #tpu.memory_space<vmem>>, vector<1x8xf32>,
    %get3A_20 = arith.constant 0 : index
    %get3A_21 = arith.constant 0 : index
    %get3A_22 = vector.load %arg6[%get3A_20, %get3A_21] : memref<1x8xf32, #tpu.memory_space<vmem>>, vector<1x8xf32>
    %reduce_sum3A_23 = arith.constant dense<0.000000e+00> : vector<8xf32>
    %reduce_sum3A_24 = vector.multi_reduction <add>, %dot_general3A_8, %reduce_sum3A_23 [0] : vector<4096x8xf32> to vector<8xf32>
    %broadcast_in_dim3A_25 = vector.shape_cast %reduce_sum3A_24 : vector<8xf32> to vector<1x8xf32>
    %add3A_26 = arith.addf %get3A_22, %broadcast_in_dim3A_25 : vector<1x8xf32>
    %swap3A_27 = arith.constant 0 : index
    %swap3A_28 = arith.constant 0 : index
    %swap3A_29 = vector.load %arg6[%swap3A_27, %swap3A_28] : memref<1x8xf32, #tpu.memory_space<vmem>>, vector<1x8xf32>
    tpu.vector_store %arg6[%swap3A_27, %swap3A_28], %add3A_26 {strides = array<i32>} : memref<1x8xf32, #tpu.memory_space<vmem>>, vector<1x8xf32>,
    return
  }
  func.func @transform_0(%arg0: i32) -> (i32, i32) {
    %c0_i32 = arith.constant 0 : i32
    %c0_i32_0 = arith.constant 0 : i32
    return %arg0, %c0_i32 : i32, i32
  }
  func.func @transform_1(%arg0: i32) -> (i32, i32) {
    %c0_i32 = arith.constant 0 : i32
    %c0_i32_0 = arith.constant 0 : i32
    return %arg0, %c0_i32 : i32, i32
  }
  func.func @transform_2(%arg0: i32) -> (i32, i32) {
    %c0_i32 = arith.constant 0 : i32
    %c0_i32_0 = arith.constant 0 : i32
    %c0_i32_1 = arith.constant 0 : i32
    return %c0_i32, %c0_i32_0 : i32, i32
  }
  func.func @transform_3(%arg0: i32) -> (i32, i32) {
    %c0_i32 = arith.constant 0 : i32
    %c0_i32_0 = arith.constant 0 : i32
    return %arg0, %c0_i32 : i32, i32
  }
  func.func @transform_4(%arg0: i32) -> (i32, i32) {
    %c0_i32 = arith.constant 0 : i32
    %c0_i32_0 = arith.constant 0 : i32
    %c0_i32_1 = arith.constant 0 : i32
    return %c0_i32, %c0_i32_0 : i32, i32
  }
  func.func @transform_5(%arg0: i32) -> (i32, i32) {
    %c0_i32 = arith.constant 0 : i32
    %c0_i32_0 = arith.constant 0 : i32
    %c0_i32_1 = arith.constant 0 : i32
    return %c0_i32, %c0_i32_0 : i32, i32
  }
}

module attributes {stable_mosaic.version = 14 : i64} {
  func.func @_msg_body(%arg0: i32, %arg1: memref<4096x128xf32, #tpu.memory_space<vmem>>, %arg2: memref<4096x128xf32, #tpu.memory_space<vmem>>, %arg3: memref<4096x1xf32, #tpu.memory_space<vmem>>, %arg4: memref<4096x1xf32, #tpu.memory_space<vmem>>, %arg5: memref<128x64xbf16, #tpu.memory_space<vmem>>, %arg6: memref<1x64xf32, #tpu.memory_space<vmem>>, %arg7: memref<1x64xf32, #tpu.memory_space<vmem>>, %arg8: memref<64x64xbf16, #tpu.memory_space<vmem>>, %arg9: memref<1x64xf32, #tpu.memory_space<vmem>>, %arg10: memref<4096x128xf32, #tpu.memory_space<vmem>>) attributes {dimension_semantics = [#tpu.dimension_semantics<arbitrary>], iteration_bounds = array<i64: 20>, scalar_prefetch = 0 : i64, scratch_operands = 0 : i64, tpu.core_type = #tpu.core_type<tc>, window_params = [{transform_indices = @transform_0, window_bounds = array<i64: 4096, 128>}, {transform_indices = @transform_1, window_bounds = array<i64: 4096, 128>}, {transform_indices = @transform_2, window_bounds = array<i64: 4096, 1>}, {transform_indices = @transform_3, window_bounds = array<i64: 4096, 1>}, {pipeline_mode = #tpu.pipeline_mode<synchronous>, transform_indices = @transform_4, window_bounds = array<i64: 128, 64>}, {pipeline_mode = #tpu.pipeline_mode<synchronous>, transform_indices = @transform_5, window_bounds = array<i64: 1, 64>}, {pipeline_mode = #tpu.pipeline_mode<synchronous>, transform_indices = @transform_6, window_bounds = array<i64: 1, 64>}, {pipeline_mode = #tpu.pipeline_mode<synchronous>, transform_indices = @transform_7, window_bounds = array<i64: 64, 64>}, {pipeline_mode = #tpu.pipeline_mode<synchronous>, transform_indices = @transform_8, window_bounds = array<i64: 1, 64>}, {transform_indices = @transform_9, window_bounds = array<i64: 4096, 128>}]} {
    %get3A = arith.constant 0 : index
    %get3A_0 = arith.constant 0 : index
    %get3A_1 = vector.load %arg1[%get3A, %get3A_0] : memref<4096x128xf32, #tpu.memory_space<vmem>>, vector<4096x128xf32>
    %get3A_2 = arith.constant 0 : index
    %get3A_3 = arith.constant 0 : index
    %get3A_4 = vector.load %arg3[%get3A_2, %get3A_3] : memref<4096x1xf32, #tpu.memory_space<vmem>>, vector<4096x1xf32>
    %convert_element_type3A = arith.truncf %get3A_1 : vector<4096x128xf32> to vector<4096x128xbf16>
    %get3A_5 = arith.constant 0 : index
    %get3A_6 = arith.constant 0 : index
    %get3A_7 = vector.load %arg5[%get3A_5, %get3A_6] : memref<128x64xbf16, #tpu.memory_space<vmem>>, vector<128x64xbf16>
    %dot_general3A = arith.constant dense<0.000000e+00> : vector<4096x64xf32>
    %dot_general3A_8 = tpu.matmul %convert_element_type3A, %get3A_7, %dot_general3A {dimension_numbers = #tpu.dot_dimension_numbers<[1], [0], [0], [1], [0, 0, 1, 1], [], []>, transpose_lhs_hint = false} : vector<4096x128xbf16>, vector<128x64xbf16>, vector<4096x64xf32> -> vector<4096x64xf32>
    %get3A_9 = arith.constant 0 : index
    %get3A_10 = arith.constant 0 : index
    %get3A_11 = vector.load %arg6[%get3A_9, %get3A_10] : memref<1x64xf32, #tpu.memory_space<vmem>>, vector<1x64xf32>
    %mul3A = vector.broadcast %get3A_4 : vector<4096x1xf32> to vector<4096x64xf32>
    %mul3A_12 = vector.broadcast %get3A_11 : vector<1x64xf32> to vector<4096x64xf32>
    %mul3A_13 = arith.mulf %mul3A, %mul3A_12 : vector<4096x64xf32>
    %add3A = arith.addf %dot_general3A_8, %mul3A_13 : vector<4096x64xf32>
    %get3A_14 = arith.constant 0 : index
    %get3A_15 = arith.constant 0 : index
    %get3A_16 = vector.load %arg7[%get3A_14, %get3A_15] : memref<1x64xf32, #tpu.memory_space<vmem>>, vector<1x64xf32>
    %add3A_17 = vector.broadcast %get3A_16 : vector<1x64xf32> to vector<4096x64xf32>
    %add3A_18 = arith.addf %add3A, %add3A_17 : vector<4096x64xf32>
    %logistic3A = arith.negf %add3A_18 : vector<4096x64xf32>
    %logistic3A_19 = math.exp %logistic3A : vector<4096x64xf32>
    %logistic3A_20 = arith.constant 1.000000e+00 : f32
    %logistic3A_21 = vector.broadcast %logistic3A_20 : f32 to vector<4096x64xf32>
    %logistic3A_22 = arith.addf %logistic3A_21, %logistic3A_19 : vector<4096x64xf32>
    %logistic3A_23 = arith.divf %logistic3A_21, %logistic3A_22 : vector<4096x64xf32>
    %mul3A_24 = arith.mulf %add3A_18, %logistic3A_23 : vector<4096x64xf32>
    %convert_element_type3A_25 = arith.truncf %mul3A_24 : vector<4096x64xf32> to vector<4096x64xbf16>
    %get3A_26 = arith.constant 0 : index
    %get3A_27 = arith.constant 0 : index
    %get3A_28 = vector.load %arg8[%get3A_26, %get3A_27] : memref<64x64xbf16, #tpu.memory_space<vmem>>, vector<64x64xbf16>
    %dot_general3A_29 = arith.constant dense<0.000000e+00> : vector<4096x64xf32>
    %dot_general3A_30 = tpu.matmul %convert_element_type3A_25, %get3A_28, %dot_general3A_29 {dimension_numbers = #tpu.dot_dimension_numbers<[1], [0], [0], [1], [0, 0, 1, 1], [], []>, transpose_lhs_hint = false} : vector<4096x64xbf16>, vector<64x64xbf16>, vector<4096x64xf32> -> vector<4096x64xf32>
    %get3A_31 = arith.constant 0 : index
    %get3A_32 = arith.constant 0 : index
    %get3A_33 = vector.load %arg9[%get3A_31, %get3A_32] : memref<1x64xf32, #tpu.memory_space<vmem>>, vector<1x64xf32>
    %add3A_34 = vector.broadcast %get3A_33 : vector<1x64xf32> to vector<4096x64xf32>
    %add3A_35 = arith.addf %dot_general3A_30, %add3A_34 : vector<4096x64xf32>
    %logistic3A_36 = arith.negf %add3A_35 : vector<4096x64xf32>
    %logistic3A_37 = math.exp %logistic3A_36 : vector<4096x64xf32>
    %logistic3A_38 = arith.constant 1.000000e+00 : f32
    %logistic3A_39 = vector.broadcast %logistic3A_38 : f32 to vector<4096x64xf32>
    %logistic3A_40 = arith.addf %logistic3A_39, %logistic3A_37 : vector<4096x64xf32>
    %logistic3A_41 = arith.divf %logistic3A_39, %logistic3A_40 : vector<4096x64xf32>
    %mul3A_42 = arith.mulf %add3A_35, %logistic3A_41 : vector<4096x64xf32>
    %get3A_43 = arith.constant 0 : index
    %get3A_44 = arith.constant 0 : index
    %get3A_45 = vector.load %arg2[%get3A_43, %get3A_44] : memref<4096x128xf32, #tpu.memory_space<vmem>>, vector<4096x128xf32>
    %get3A_46 = arith.constant 0 : index
    %get3A_47 = arith.constant 0 : index
    %get3A_48 = vector.load %arg4[%get3A_46, %get3A_47] : memref<4096x1xf32, #tpu.memory_space<vmem>>, vector<4096x1xf32>
    %convert_element_type3A_49 = arith.truncf %get3A_45 : vector<4096x128xf32> to vector<4096x128xbf16>
    %get3A_50 = arith.constant 0 : index
    %get3A_51 = arith.constant 0 : index
    %get3A_52 = vector.load %arg5[%get3A_50, %get3A_51] : memref<128x64xbf16, #tpu.memory_space<vmem>>, vector<128x64xbf16>
    %dot_general3A_53 = arith.constant dense<0.000000e+00> : vector<4096x64xf32>
    %dot_general3A_54 = tpu.matmul %convert_element_type3A_49, %get3A_52, %dot_general3A_53 {dimension_numbers = #tpu.dot_dimension_numbers<[1], [0], [0], [1], [0, 0, 1, 1], [], []>, transpose_lhs_hint = false} : vector<4096x128xbf16>, vector<128x64xbf16>, vector<4096x64xf32> -> vector<4096x64xf32>
    %get3A_55 = arith.constant 0 : index
    %get3A_56 = arith.constant 0 : index
    %get3A_57 = vector.load %arg6[%get3A_55, %get3A_56] : memref<1x64xf32, #tpu.memory_space<vmem>>, vector<1x64xf32>
    %mul3A_58 = vector.broadcast %get3A_48 : vector<4096x1xf32> to vector<4096x64xf32>
    %mul3A_59 = vector.broadcast %get3A_57 : vector<1x64xf32> to vector<4096x64xf32>
    %mul3A_60 = arith.mulf %mul3A_58, %mul3A_59 : vector<4096x64xf32>
    %add3A_61 = arith.addf %dot_general3A_54, %mul3A_60 : vector<4096x64xf32>
    %get3A_62 = arith.constant 0 : index
    %get3A_63 = arith.constant 0 : index
    %get3A_64 = vector.load %arg7[%get3A_62, %get3A_63] : memref<1x64xf32, #tpu.memory_space<vmem>>, vector<1x64xf32>
    %add3A_65 = vector.broadcast %get3A_64 : vector<1x64xf32> to vector<4096x64xf32>
    %add3A_66 = arith.addf %add3A_61, %add3A_65 : vector<4096x64xf32>
    %logistic3A_67 = arith.negf %add3A_66 : vector<4096x64xf32>
    %logistic3A_68 = math.exp %logistic3A_67 : vector<4096x64xf32>
    %logistic3A_69 = arith.constant 1.000000e+00 : f32
    %logistic3A_70 = vector.broadcast %logistic3A_69 : f32 to vector<4096x64xf32>
    %logistic3A_71 = arith.addf %logistic3A_70, %logistic3A_68 : vector<4096x64xf32>
    %logistic3A_72 = arith.divf %logistic3A_70, %logistic3A_71 : vector<4096x64xf32>
    %mul3A_73 = arith.mulf %add3A_66, %logistic3A_72 : vector<4096x64xf32>
    %convert_element_type3A_74 = arith.truncf %mul3A_73 : vector<4096x64xf32> to vector<4096x64xbf16>
    %get3A_75 = arith.constant 0 : index
    %get3A_76 = arith.constant 0 : index
    %get3A_77 = vector.load %arg8[%get3A_75, %get3A_76] : memref<64x64xbf16, #tpu.memory_space<vmem>>, vector<64x64xbf16>
    %dot_general3A_78 = arith.constant dense<0.000000e+00> : vector<4096x64xf32>
    %dot_general3A_79 = tpu.matmul %convert_element_type3A_74, %get3A_77, %dot_general3A_78 {dimension_numbers = #tpu.dot_dimension_numbers<[1], [0], [0], [1], [0, 0, 1, 1], [], []>, transpose_lhs_hint = false} : vector<4096x64xbf16>, vector<64x64xbf16>, vector<4096x64xf32> -> vector<4096x64xf32>
    %get3A_80 = arith.constant 0 : index
    %get3A_81 = arith.constant 0 : index
    %get3A_82 = vector.load %arg9[%get3A_80, %get3A_81] : memref<1x64xf32, #tpu.memory_space<vmem>>, vector<1x64xf32>
    %add3A_83 = vector.broadcast %get3A_82 : vector<1x64xf32> to vector<4096x64xf32>
    %add3A_84 = arith.addf %dot_general3A_79, %add3A_83 : vector<4096x64xf32>
    %logistic3A_85 = arith.negf %add3A_84 : vector<4096x64xf32>
    %logistic3A_86 = math.exp %logistic3A_85 : vector<4096x64xf32>
    %logistic3A_87 = arith.constant 1.000000e+00 : f32
    %logistic3A_88 = vector.broadcast %logistic3A_87 : f32 to vector<4096x64xf32>
    %logistic3A_89 = arith.addf %logistic3A_88, %logistic3A_86 : vector<4096x64xf32>
    %logistic3A_90 = arith.divf %logistic3A_88, %logistic3A_89 : vector<4096x64xf32>
    %mul3A_91 = arith.mulf %add3A_84, %logistic3A_90 : vector<4096x64xf32>
    %concatenate3A = tpu.concatenate %mul3A_42, %mul3A_91 in 1 : vector<4096x64xf32>, vector<4096x64xf32> -> vector<4096x128xf32>
    %swap3A = arith.constant 0 : index
    %swap3A_92 = arith.constant 0 : index
    %swap3A_93 = vector.load %arg10[%swap3A, %swap3A_92] : memref<4096x128xf32, #tpu.memory_space<vmem>>, vector<4096x128xf32>
    tpu.vector_store %arg10[%swap3A, %swap3A_92], %concatenate3A {strides = array<i32>} : memref<4096x128xf32, #tpu.memory_space<vmem>>, vector<4096x128xf32>,
    return
  }
  func.func @transform_0(%arg0: i32) -> (i32, i32) {
    %c0_i32 = arith.constant 0 : i32
    %c0_i32_0 = arith.constant 0 : i32
    return %arg0, %c0_i32 : i32, i32
  }
  func.func @transform_1(%arg0: i32) -> (i32, i32) {
    %add3A = arith.constant 20 : i32
    %add3A_0 = arith.addi %arg0, %add3A : i32
    %c0_i32 = arith.constant 0 : i32
    %c0_i32_1 = arith.constant 0 : i32
    return %add3A_0, %c0_i32 : i32, i32
  }
  func.func @transform_2(%arg0: i32) -> (i32, i32) {
    %c0_i32 = arith.constant 0 : i32
    %c0_i32_0 = arith.constant 0 : i32
    return %arg0, %c0_i32 : i32, i32
  }
  func.func @transform_3(%arg0: i32) -> (i32, i32) {
    %add3A = arith.constant 20 : i32
    %add3A_0 = arith.addi %arg0, %add3A : i32
    %c0_i32 = arith.constant 0 : i32
    %c0_i32_1 = arith.constant 0 : i32
    return %add3A_0, %c0_i32 : i32, i32
  }
  func.func @transform_4(%arg0: i32) -> (i32, i32) {
    %c0_i32 = arith.constant 0 : i32
    %c0_i32_0 = arith.constant 0 : i32
    %c0_i32_1 = arith.constant 0 : i32
    return %c0_i32, %c0_i32_0 : i32, i32
  }
  func.func @transform_5(%arg0: i32) -> (i32, i32) {
    %c0_i32 = arith.constant 0 : i32
    %c0_i32_0 = arith.constant 0 : i32
    %c0_i32_1 = arith.constant 0 : i32
    return %c0_i32, %c0_i32_0 : i32, i32
  }
  func.func @transform_6(%arg0: i32) -> (i32, i32) {
    %c0_i32 = arith.constant 0 : i32
    %c0_i32_0 = arith.constant 0 : i32
    %c0_i32_1 = arith.constant 0 : i32
    return %c0_i32, %c0_i32_0 : i32, i32
  }
  func.func @transform_7(%arg0: i32) -> (i32, i32) {
    %c0_i32 = arith.constant 0 : i32
    %c0_i32_0 = arith.constant 0 : i32
    %c0_i32_1 = arith.constant 0 : i32
    return %c0_i32, %c0_i32_0 : i32, i32
  }
  func.func @transform_8(%arg0: i32) -> (i32, i32) {
    %c0_i32 = arith.constant 0 : i32
    %c0_i32_0 = arith.constant 0 : i32
    %c0_i32_1 = arith.constant 0 : i32
    return %c0_i32, %c0_i32_0 : i32, i32
  }
  func.func @transform_9(%arg0: i32) -> (i32, i32) {
    %c0_i32 = arith.constant 0 : i32
    %c0_i32_0 = arith.constant 0 : i32
    return %arg0, %c0_i32 : i32, i32
  }
}

module attributes {stable_mosaic.version = 14 : i64} {
  func.func @_upd_body(%arg0: memref<10240x64xf32, #tpu.memory_space<vmem>>, %arg1: memref<10240x128xf32, #tpu.memory_space<vmem>>, %arg2: memref<64x64xf32, #tpu.memory_space<vmem>>, %arg3: memref<64x64xf32, #tpu.memory_space<vmem>>, %arg4: memref<1x64xf32, #tpu.memory_space<vmem>>, %arg5: memref<64x64xf32, #tpu.memory_space<vmem>>, %arg6: memref<1x64xf32, #tpu.memory_space<vmem>>, %arg7: memref<10240x64xf32, #tpu.memory_space<vmem>>) attributes {dimension_semantics = [], scalar_prefetch = 0 : i64, scratch_operands = 0 : i64, tpu.core_type = #tpu.core_type<tc>} {
    %get3A = arith.constant 0 : index
    %get3A_0 = arith.constant 0 : index
    %get3A_1 = vector.load %arg0[%get3A, %get3A_0] : memref<10240x64xf32, #tpu.memory_space<vmem>>, vector<10240x64xf32>
    %get3A_2 = arith.constant 0 : index
    %get3A_3 = arith.constant 0 : index
    %get3A_4 = vector.load %arg1[%get3A_2, %get3A_3] : memref<10240x128xf32, #tpu.memory_space<vmem>>, vector<10240x128xf32>
    %slice3A = vector.extract_strided_slice %get3A_4 {offsets = [0, 0], sizes = [10240, 64], strides = [1, 1]} : vector<10240x128xf32> to vector<10240x64xf32>
    %slice3A_5 = vector.extract_strided_slice %get3A_4 {offsets = [0, 64], sizes = [10240, 64], strides = [1, 1]} : vector<10240x128xf32> to vector<10240x64xf32>
    %add3A = arith.addf %slice3A, %slice3A_5 : vector<10240x64xf32>
    %get3A_6 = arith.constant 0 : index
    %get3A_7 = arith.constant 0 : index
    %get3A_8 = vector.load %arg2[%get3A_6, %get3A_7] : memref<64x64xf32, #tpu.memory_space<vmem>>, vector<64x64xf32>
    %dot_general3A = arith.constant dense<0.000000e+00> : vector<10240x64xf32>
    %dot_general3A_9 = tpu.matmul %get3A_1, %get3A_8, %dot_general3A {dimension_numbers = #tpu.dot_dimension_numbers<[1], [0], [0], [1], [0, 0, 1, 1], [], []>, transpose_lhs_hint = false} : vector<10240x64xf32>, vector<64x64xf32>, vector<10240x64xf32> -> vector<10240x64xf32>
    %get3A_10 = arith.constant 0 : index
    %get3A_11 = arith.constant 0 : index
    %get3A_12 = vector.load %arg3[%get3A_10, %get3A_11] : memref<64x64xf32, #tpu.memory_space<vmem>>, vector<64x64xf32>
    %dot_general3A_13 = arith.constant dense<0.000000e+00> : vector<10240x64xf32>
    %dot_general3A_14 = tpu.matmul %add3A, %get3A_12, %dot_general3A_13 {dimension_numbers = #tpu.dot_dimension_numbers<[1], [0], [0], [1], [0, 0, 1, 1], [], []>, transpose_lhs_hint = false} : vector<10240x64xf32>, vector<64x64xf32>, vector<10240x64xf32> -> vector<10240x64xf32>
    %add3A_15 = arith.addf %dot_general3A_9, %dot_general3A_14 : vector<10240x64xf32>
    %get3A_16 = arith.constant 0 : index
    %get3A_17 = arith.constant 0 : index
    %get3A_18 = vector.load %arg4[%get3A_16, %get3A_17] : memref<1x64xf32, #tpu.memory_space<vmem>>, vector<1x64xf32>
    %add3A_19 = vector.broadcast %get3A_18 : vector<1x64xf32> to vector<10240x64xf32>
    %add3A_20 = arith.addf %add3A_15, %add3A_19 : vector<10240x64xf32>
    %logistic3A = arith.negf %add3A_20 : vector<10240x64xf32>
    %logistic3A_21 = math.exp %logistic3A : vector<10240x64xf32>
    %logistic3A_22 = arith.constant 1.000000e+00 : f32
    %logistic3A_23 = vector.broadcast %logistic3A_22 : f32 to vector<10240x64xf32>
    %logistic3A_24 = arith.addf %logistic3A_23, %logistic3A_21 : vector<10240x64xf32>
    %logistic3A_25 = arith.divf %logistic3A_23, %logistic3A_24 : vector<10240x64xf32>
    %mul3A = arith.mulf %add3A_20, %logistic3A_25 : vector<10240x64xf32>
    %get3A_26 = arith.constant 0 : index
    %get3A_27 = arith.constant 0 : index
    %get3A_28 = vector.load %arg5[%get3A_26, %get3A_27] : memref<64x64xf32, #tpu.memory_space<vmem>>, vector<64x64xf32>
    %dot_general3A_29 = arith.constant dense<0.000000e+00> : vector<10240x64xf32>
    %dot_general3A_30 = tpu.matmul %mul3A, %get3A_28, %dot_general3A_29 {dimension_numbers = #tpu.dot_dimension_numbers<[1], [0], [0], [1], [0, 0, 1, 1], [], []>, transpose_lhs_hint = false} : vector<10240x64xf32>, vector<64x64xf32>, vector<10240x64xf32> -> vector<10240x64xf32>
    %get3A_31 = arith.constant 0 : index
    %get3A_32 = arith.constant 0 : index
    %get3A_33 = vector.load %arg6[%get3A_31, %get3A_32] : memref<1x64xf32, #tpu.memory_space<vmem>>, vector<1x64xf32>
    %add3A_34 = vector.broadcast %get3A_33 : vector<1x64xf32> to vector<10240x64xf32>
    %add3A_35 = arith.addf %dot_general3A_30, %add3A_34 : vector<10240x64xf32>
    %logistic3A_36 = arith.negf %add3A_35 : vector<10240x64xf32>
    %logistic3A_37 = math.exp %logistic3A_36 : vector<10240x64xf32>
    %logistic3A_38 = arith.constant 1.000000e+00 : f32
    %logistic3A_39 = vector.broadcast %logistic3A_38 : f32 to vector<10240x64xf32>
    %logistic3A_40 = arith.addf %logistic3A_39, %logistic3A_37 : vector<10240x64xf32>
    %logistic3A_41 = arith.divf %logistic3A_39, %logistic3A_40 : vector<10240x64xf32>
    %mul3A_42 = arith.mulf %add3A_35, %logistic3A_41 : vector<10240x64xf32>
    %add3A_43 = arith.addf %get3A_1, %mul3A_42 : vector<10240x64xf32>
    %swap3A = arith.constant 0 : index
    %swap3A_44 = arith.constant 0 : index
    %swap3A_45 = vector.load %arg7[%swap3A, %swap3A_44] : memref<10240x64xf32, #tpu.memory_space<vmem>>, vector<10240x64xf32>
    tpu.vector_store %arg7[%swap3A, %swap3A_44], %add3A_43 {strides = array<i32>} : memref<10240x64xf32, #tpu.memory_space<vmem>>, vector<10240x64xf32>,
    return
  }
}

module attributes {stable_mosaic.version = 14 : i64} {
  func.func @_upd_final_body(%arg0: memref<10240x64xf32, #tpu.memory_space<vmem>>, %arg1: memref<10240x128xf32, #tpu.memory_space<vmem>>, %arg2: memref<64x64xf32, #tpu.memory_space<vmem>>, %arg3: memref<64x64xf32, #tpu.memory_space<vmem>>, %arg4: memref<1x64xf32, #tpu.memory_space<vmem>>, %arg5: memref<64x64xf32, #tpu.memory_space<vmem>>, %arg6: memref<1x64xf32, #tpu.memory_space<vmem>>, %arg7: memref<64x64xf32, #tpu.memory_space<vmem>>, %arg8: memref<1x64xf32, #tpu.memory_space<vmem>>, %arg9: memref<10240x64xf32, #tpu.memory_space<vmem>>) attributes {dimension_semantics = [], scalar_prefetch = 0 : i64, scratch_operands = 0 : i64, tpu.core_type = #tpu.core_type<tc>} {
    %get3A = arith.constant 0 : index
    %get3A_0 = arith.constant 0 : index
    %get3A_1 = vector.load %arg0[%get3A, %get3A_0] : memref<10240x64xf32, #tpu.memory_space<vmem>>, vector<10240x64xf32>
    %get3A_2 = arith.constant 0 : index
    %get3A_3 = arith.constant 0 : index
    %get3A_4 = vector.load %arg1[%get3A_2, %get3A_3] : memref<10240x128xf32, #tpu.memory_space<vmem>>, vector<10240x128xf32>
    %slice3A = vector.extract_strided_slice %get3A_4 {offsets = [0, 0], sizes = [10240, 64], strides = [1, 1]} : vector<10240x128xf32> to vector<10240x64xf32>
    %slice3A_5 = vector.extract_strided_slice %get3A_4 {offsets = [0, 64], sizes = [10240, 64], strides = [1, 1]} : vector<10240x128xf32> to vector<10240x64xf32>
    %add3A = arith.addf %slice3A, %slice3A_5 : vector<10240x64xf32>
    %get3A_6 = arith.constant 0 : index
    %get3A_7 = arith.constant 0 : index
    %get3A_8 = vector.load %arg2[%get3A_6, %get3A_7] : memref<64x64xf32, #tpu.memory_space<vmem>>, vector<64x64xf32>
    %dot_general3A = arith.constant dense<0.000000e+00> : vector<10240x64xf32>
    %dot_general3A_9 = tpu.matmul %get3A_1, %get3A_8, %dot_general3A {dimension_numbers = #tpu.dot_dimension_numbers<[1], [0], [0], [1], [0, 0, 1, 1], [], []>, transpose_lhs_hint = false} : vector<10240x64xf32>, vector<64x64xf32>, vector<10240x64xf32> -> vector<10240x64xf32>
    %get3A_10 = arith.constant 0 : index
    %get3A_11 = arith.constant 0 : index
    %get3A_12 = vector.load %arg3[%get3A_10, %get3A_11] : memref<64x64xf32, #tpu.memory_space<vmem>>, vector<64x64xf32>
    %dot_general3A_13 = arith.constant dense<0.000000e+00> : vector<10240x64xf32>
    %dot_general3A_14 = tpu.matmul %add3A, %get3A_12, %dot_general3A_13 {dimension_numbers = #tpu.dot_dimension_numbers<[1], [0], [0], [1], [0, 0, 1, 1], [], []>, transpose_lhs_hint = false} : vector<10240x64xf32>, vector<64x64xf32>, vector<10240x64xf32> -> vector<10240x64xf32>
    %add3A_15 = arith.addf %dot_general3A_9, %dot_general3A_14 : vector<10240x64xf32>
    %get3A_16 = arith.constant 0 : index
    %get3A_17 = arith.constant 0 : index
    %get3A_18 = vector.load %arg4[%get3A_16, %get3A_17] : memref<1x64xf32, #tpu.memory_space<vmem>>, vector<1x64xf32>
    %add3A_19 = vector.broadcast %get3A_18 : vector<1x64xf32> to vector<10240x64xf32>
    %add3A_20 = arith.addf %add3A_15, %add3A_19 : vector<10240x64xf32>
    %logistic3A = arith.negf %add3A_20 : vector<10240x64xf32>
    %logistic3A_21 = math.exp %logistic3A : vector<10240x64xf32>
    %logistic3A_22 = arith.constant 1.000000e+00 : f32
    %logistic3A_23 = vector.broadcast %logistic3A_22 : f32 to vector<10240x64xf32>
    %logistic3A_24 = arith.addf %logistic3A_23, %logistic3A_21 : vector<10240x64xf32>
    %logistic3A_25 = arith.divf %logistic3A_23, %logistic3A_24 : vector<10240x64xf32>
    %mul3A = arith.mulf %add3A_20, %logistic3A_25 : vector<10240x64xf32>
    %get3A_26 = arith.constant 0 : index
    %get3A_27 = arith.constant 0 : index
    %get3A_28 = vector.load %arg5[%get3A_26, %get3A_27] : memref<64x64xf32, #tpu.memory_space<vmem>>, vector<64x64xf32>
    %dot_general3A_29 = arith.constant dense<0.000000e+00> : vector<10240x64xf32>
    %dot_general3A_30 = tpu.matmul %mul3A, %get3A_28, %dot_general3A_29 {dimension_numbers = #tpu.dot_dimension_numbers<[1], [0], [0], [1], [0, 0, 1, 1], [], []>, transpose_lhs_hint = false} : vector<10240x64xf32>, vector<64x64xf32>, vector<10240x64xf32> -> vector<10240x64xf32>
    %get3A_31 = arith.constant 0 : index
    %get3A_32 = arith.constant 0 : index
    %get3A_33 = vector.load %arg6[%get3A_31, %get3A_32] : memref<1x64xf32, #tpu.memory_space<vmem>>, vector<1x64xf32>
    %add3A_34 = vector.broadcast %get3A_33 : vector<1x64xf32> to vector<10240x64xf32>
    %add3A_35 = arith.addf %dot_general3A_30, %add3A_34 : vector<10240x64xf32>
    %logistic3A_36 = arith.negf %add3A_35 : vector<10240x64xf32>
    %logistic3A_37 = math.exp %logistic3A_36 : vector<10240x64xf32>
    %logistic3A_38 = arith.constant 1.000000e+00 : f32
    %logistic3A_39 = vector.broadcast %logistic3A_38 : f32 to vector<10240x64xf32>
    %logistic3A_40 = arith.addf %logistic3A_39, %logistic3A_37 : vector<10240x64xf32>
    %logistic3A_41 = arith.divf %logistic3A_39, %logistic3A_40 : vector<10240x64xf32>
    %mul3A_42 = arith.mulf %add3A_35, %logistic3A_41 : vector<10240x64xf32>
    %add3A_43 = arith.addf %get3A_1, %mul3A_42 : vector<10240x64xf32>
    %get3A_44 = arith.constant 0 : index
    %get3A_45 = arith.constant 0 : index
    %get3A_46 = vector.load %arg7[%get3A_44, %get3A_45] : memref<64x64xf32, #tpu.memory_space<vmem>>, vector<64x64xf32>
    %dot_general3A_47 = arith.constant dense<0.000000e+00> : vector<10240x64xf32>
    %dot_general3A_48 = tpu.matmul %add3A_43, %get3A_46, %dot_general3A_47 {dimension_numbers = #tpu.dot_dimension_numbers<[1], [0], [0], [1], [0, 0, 1, 1], [], []>, transpose_lhs_hint = false} : vector<10240x64xf32>, vector<64x64xf32>, vector<10240x64xf32> -> vector<10240x64xf32>
    %get3A_49 = arith.constant 0 : index
    %get3A_50 = arith.constant 0 : index
    %get3A_51 = vector.load %arg8[%get3A_49, %get3A_50] : memref<1x64xf32, #tpu.memory_space<vmem>>, vector<1x64xf32>
    %add3A_52 = vector.broadcast %get3A_51 : vector<1x64xf32> to vector<10240x64xf32>
    %add3A_53 = arith.addf %dot_general3A_48, %add3A_52 : vector<10240x64xf32>
    %swap3A = arith.constant 0 : index
    %swap3A_54 = arith.constant 0 : index
    %swap3A_55 = vector.load %arg9[%swap3A, %swap3A_54] : memref<10240x64xf32, #tpu.memory_space<vmem>>, vector<10240x64xf32>
    tpu.vector_store %arg9[%swap3A, %swap3A_54], %add3A_53 {strides = array<i32>} : memref<10240x64xf32, #tpu.memory_space<vmem>>, vector<10240x64xf32>,
    return
  }
}

</mosaic_0001>

<sc_bundles>
// kernel: kernel.13.cloned.1.call-start
scs
__scs_entry_jumppad:
0x0: {  	(pc) =	sbr.rel $0x88, $3  }
0x1: {  	(tag) =	ssettag $0x0;
	lr =	simm.s32 $0x1  }
0x2: {  	[smem:$0x3F8A] =	sst lr;
	_ =	strace $0xD0000000  }
0x3: {  	_ = 	snop  }
0x4: {  	_ = 	snop  }
0x5: {  	_ = 	snop  }
0x6: {  	_ = 	snop  }
0x7: {  	_ = 	snop  }
__scs_overlays_trampoline_lowered:
0x8: {  	[smem:$0x3F99] =	sst s0  }
0x9: {  	[smem:$0x3F9A] =	sst s1  }
0xa: {  	[smem:$0x3F9B] =	sst s2  }
0xb: {  	[smem:$0x3F9C] =	sst s3  }
0xc: {  	[smem:$0x3F9D] =	sst s4  }
0xd: {  	[smem:$0x3F9E] =	sst s5  }
0xe: {  	[smem:$0x3F9F] =	sst s6  }
0xf: {  	[smem:$0x3FA0] =	sst s7  }
0x10: {  	[smem:$0x3FA1] =	sst s8  }
0x11: {  	[smem:$0x3FA2] =	sst s9;
	s0 =	simm.s32 @!p0 $0x0  }
0x12: {  	s1 =	sld [smem:$0x3F88];
	s0 =	simm.s32 @p0 $0x1  }
0x13: {  	[smem:$0x3FA3] =	sst s0;
	s0 =	simm.s32 @!p1 $0x0  }
0x14: {  	s2 =	sld [smem:$0x3F87];
	s0 =	simm.s32 @p1 $0x1  }
0x15: {  	[smem:$0x3FA4] =	sst s0;
	s0 =	simm.s32 @!p2 $0x0  }
0x16: {  	s3 =	sld [smem:$0x3FDB];
	s0 =	simm.s32 @p2 $0x1  }
0x17: {  	s4 =	simm.s32 $0x1BF5;
	[smem:$0x3FA6] =	sst s0  }
0x18: {  	s0 =	sld [smem:$0x3F89];
	_ =	swait.ge [sflag:s4], $0x0  }
0x19: {  	s7 =	sld [smem:$0x3F8A]  }
0x1a: {  	s8 =	sadd.s32 $0xFFFFE003, lr  }
0x1b: {  	s9 =	sadd.s32 $0xFFFFFEF7, lr;
	s5 =	simm.s32 $0xFFFFFFFF;
	p2 =	slt.u32 s8, $0xFFFFF086  }
0x1c: {  	p1 =	slt.u32 s9, $0xF7A;
	s5 =	simm.s32 @!p2 $0x0  }
0x1d: {  	s5 =	simm.s32 @p1 $0x1;
	p0 =	seq.s32 s7, s2  }
0x1e: {  	s7 =	smul.u32 @!p0 $0xF7A, s2;
	p2 =	seq.s32 @!p0 s5, $0x0  }
0x1f: {  	s9 =	smul.u32 $0xF7A, s1;
	s8 =	simm.s32 @!p0 $0x1BF5;
	p2 =	por !p2, p0  }
0x20: {  	[sflag:s8] =	ssyncset.s32 @!p0 $0xFFFFF086;
	s6 =	sadd.s32 @!p0 s3, s7;
	s7 =	simm.s32 @!p0 $0x108  }
0x21: {  	s3 =	sadd.s32 s3, s9;
	s6 =	sadd.s32 @!p0 $0x88, s6;
	s7 =	simm.s32 @p2 $0x1082  }
0x22: {  	[simem:s7], [sflag:s8] =	dma.local @!p0 [hbm:s6], $0xF7A  }
0x23: {  	s9 =	sor.u32 $0xD0000000, s2;
	s6 =	simm.s32 $0x108;
	_ =	swait.ge @!p0 [sflag:s8], $0x0  }
0x24: {  	s3 =	sadd.s32 $0x88, s3;
	s6 =	simm.s32 @!p1 $0x1082;
	[sflag:s4] =	ssyncset.s32 $0xFFFFF086  }
0x25: {  	[simem:s6], [sflag:s4] =	dma.local [hbm:s3], $0xF7A  }
0x26: {  	[smem:$0x3F8A] =	sst s1;
	(tag) =	ssettag s2;
	_ =	strace s9  }
0x27: {  	s1 =	sld [smem:$0x3F9A]  }
0x28: {  	s2 =	sld [smem:$0x3F9B]  }
0x29: {  	s4 =	sld [smem:$0x3F9D]  }
0x2a: {  	p0 =	seq.s32 s5, $0x0;
	s5 =	sld [smem:$0x3F9E]  }
0x2b: {  	s6 =	sld [smem:$0x3F9F]  }
0x2c: {  	s7 =	sld [smem:$0x3FA0]  }
0x2d: {  	s3 =	simm.s32 $0x108;
	s8 =	sld [smem:$0x3FA1]  }
0x2e: {  	s3 =	simm.s32 @!p0 $0x1082;
	s9 =	sld [smem:$0x3FA2]  }
0x2f: {  	lr =	sadd.s32 s0, s3;
	s0 =	sld [smem:$0x3F99]  }
0x30: {  	s3 =	sld [smem:$0x3F9C]  }
0x31: {  	[smem:$0x3FA5] =	sst s10  }
0x32: {  	s10 =	sld [smem:$0x3FA3];
	_ =	sdelay $0x3  }
0x33: {  	p0 =	seq.s32 s10, $0x1;
	s10 =	sld [smem:$0x3FA5];
	_ =	sdelay $0x3  }
0x34: {  	[smem:$0x3FA5] =	sst s10  }
0x35: {  	s10 =	sld [smem:$0x3FA4];
	_ =	sdelay $0x3  }
0x36: {  	p1 =	seq.s32 s10, $0x1;
	s10 =	sld [smem:$0x3FA5];
	_ =	sdelay $0x3  }
0x37: {  	[smem:$0x3FA5] =	sst s10  }
0x38: {  	s10 =	sld [smem:$0x3FA6]  }
0x39: {  	_ = 	snop;
	(pc) =	sbr.ind lr, $3  }
0x3a: {  	_ = 	snop  }
0x3b: {  	_ = 	snop  }
0x3c: {  	p2 =	seq.s32 s10, $0x1;
	s10 =	sld [smem:$0x3FA5]  }
0x3d: {  	_ =	shalt  }
0x3e: {  	_ =	shalt  }
0x3f: {  	_ =	shalt  }
0x40: {  	_ =	shalt  }
0x41: {  	_ =	shalt  }
0x42: {  	_ =	shalt  }
0x43: {  	_ =	shalt  }
0x44: {  	_ =	shalt  }
0x45: {  	_ =	shalt  }
0x46: {  	_ =	shalt  }
0x47: {  	_ =	shalt  }
0x48: {  	_ =	shalt  }
0x49: {  	_ =	shalt  }
0x4a: {  	_ =	shalt  }
0x4b: {  	_ =	shalt  }
0x4c: {  	_ =	shalt  }
0x4d: {  	_ =	shalt  }
0x4e: {  	_ =	shalt  }
0x4f: {  	_ =	shalt  }
0x50: {  	_ =	shalt  }
0x51: {  	_ =	shalt  }
0x52: {  	_ =	shalt  }
0x53: {  	_ =	shalt  }
0x54: {  	_ =	shalt  }
0x55: {  	_ =	shalt  }
0x56: {  	_ =	shalt  }
0x57: {  	_ =	shalt  }
0x58: {  	_ =	shalt  }
0x59: {  	_ =	shalt  }
0x5a: {  	_ =	shalt  }
0x5b: {  	_ =	shalt  }
0x5c: {  	_ =	shalt  }
0x5d: {  	_ =	shalt  }
0x5e: {  	_ =	shalt  }
0x5f: {  	_ =	shalt  }
0x60: {  	_ =	shalt  }
0x61: {  	_ =	shalt  }
0x62: {  	_ =	shalt  }
0x63: {  	_ =	shalt  }
0x64: {  	_ =	shalt  }
0x65: {  	_ =	shalt  }
0x66: {  	_ =	shalt  }
0x67: {  	_ =	shalt  }
0x68: {  	_ =	shalt  }
0x69: {  	_ =	shalt  }
0x6a: {  	_ =	shalt  }
0x6b: {  	_ =	shalt  }
0x6c: {  	_ =	shalt  }
0x6d: {  	_ =	shalt  }
0x6e: {  	_ =	shalt  }
0x6f: {  	_ =	shalt  }
0x70: {  	_ =	shalt  }
0x71: {  	_ =	shalt  }
0x72: {  	_ =	shalt  }
0x73: {  	_ =	shalt  }
0x74: {  	_ =	shalt  }
0x75: {  	_ =	shalt  }
0x76: {  	_ =	shalt  }
0x77: {  	_ =	shalt  }
0x78: {  	_ =	shalt  }
0x79: {  	_ =	shalt  }
0x7a: {  	_ =	shalt  }
0x7b: {  	_ =	shalt  }
0x7c: {  	_ =	shalt  }
0x7d: {  	_ =	shalt  }
0x7e: {  	_ =	shalt  }
0x7f: {  	_ =	shalt  }
0x80: {  	_ =	shalt  }
0x81: {  	_ =	shalt  }
0x82: {  	_ =	shalt  }
0x83: {  	_ =	shalt  }
0x84: {  	_ =	shalt  }
0x85: {  	_ =	shalt  }
0x86: {  	_ =	shalt  }
0x87: {  	_ =	shalt  }
.Lfunc_end0:
.L_simem_size_0:
called_computation_lowered:
.L_overlay_start_0:
0x88: {  	s2 =	sld [smem:$0x3FD9]  }
0x89: {  	s3 =	sld [smem:$0x3FFE];
	_ =	sdelay $0x1  }
0x8a: {  	s1 =	srdreg.scid  }
0x8b: {  	s0 =	sand.u32 $0x1, s1  }
0x8c: {  	s14 =	sshll.u32 s0, $0xA;
	s2 =	sadd.s32 s3, s2  }
0x8d: {  	s2 =	sadd.s32 s2, s14  }
0x8e: {  	[smem:$0x3FB1] =	sst s2  }
0x8f: {  	_ = 	snop  }
0x90: {  	s2 =	sld [smem:$0x3FD0];
	_ =	sdelay $0x2  }
0x91: {  	s15 =	simm.s32 $0xB;
	s4 =	simm.s32 $0x10  }
0x92: {  	[smem:s4], [sflag:s15] =	dma.local [hbm:s2], $0x1  }
0x93: {  	_ =	swait.eq [sflag:s15], $0x1  }
0x94: {  	[sflag:s15] =	ssyncset.done $0x0  }
0x95: {  	s16 =	sld [smem:$0x10];
	[sflag:s15] =	ssyncadd.s32 $0xFFFFFFFF  }
0x96: {  	s17 =	sld [smem:$0x11];
	(tm) =	ssettm $0x1  }
0x97: {  	s18 =	sld [smem:$0x3FFB];
	_ =	sdelay $0x3  }
0x98: {  	_ =	strace s18  }
0x99: {  	s4 =	sld [smem:$0x3FFC];
	_ =	sdelay $0x3  }
0x9a: {  	_ =	strace s4  }
0x9b: {  	s4 =	sld [smem:$0x3FFD];
	_ =	sdelay $0x3  }
0x9c: {  	_ =	strace s4  }
0x9d: {  	_ =	strace $0x8FFFFFFF  }
0x9e: {  	s19 =	sld [smem:$0x3FDB];
	_ =	sdelay $0x1  }
0x9f: {  	s5 =	simm.s32 $_scs_section_size  }
0xa0: {  	s6 =	simm.s32 $_size__tile_overlayer_lowered;
	s7 =	simm.s32 $_tile_overlayer_lowered  }
0xa1: {  	s22 =	simm.s32 $0x1BFF;
	s21 =	sshll.u32 s7, $0x1;
	s4 =	sadd.s32 s5, s19  }
0xa2: {  	s8 =	simm.s32 $0x0;
	s20 =	sshll.u32 s6, $0x1;
	s6 =	sadd.s32 s21, s4  }
0xa3: {  	[timem:s8], [sflag:s22] =	dma.local [hbm:s6], s20  }
0xa4: {  	_ =	swait.ge [sflag:s22], s20  }
0xa5: {  	s5 =	ssub.s32 $0x0, s20;
	[sflag:s22] =	ssyncset.done $0x0  }
0xa6: {  	[sflag:s22] =	ssyncadd.s32 s5;
	_ =	sdelay $0x1  }
0xa7: {  	s23 =	simm.s32 $0x1B8B  }
0xa8: {  	_ =	swait.ge [sflag:s23], $0x1  }
0xa9: {  	[sflag:s23] =	ssyncset.done $0x0  }
0xaa: {  	s25 =	simm.s32 $0x1B8E;
	s24 =	sld [smem:$0x3FFE];
	[sflag:s23] =	ssyncadd.s32 $0xFFFFFFFF  }
0xab: {  	s26 =	simm.s32 $execute0_lowered;
	[smem:$0x3FD2] =	sst s25  }
0xac: {  	s6 =	sshll.u32 s26, $0x1;
	_ =	strace $0x80000046;
	[dreg:$0x1] =	wrdreg $0xFFFFFFFF  }
0xad: {  	s28 =	simm.s32 $_size_execute0_lowered;
	s4 =	sadd.s32 s4, s6;
	[dreg:$0x0] =	wrdreg $0x0  }
0xae: {  	s6 =	sshll.u32 s28, $0x1;
	[dreg:$0x2] =	wrdreg s4  }
0xaf: {  	[dreg:$0x3] =	wrdreg s6  }
0xb0: {  	[dreg:$0x4] =	wrdreg $0xC0  }
0xb1: {  	_ =	task [dreg:s8], $0x5FFFF  }
0xb2: {  	[dreg:$0x1] =	wrdreg $0xFFFFFFFF  }
0xb3: {  	[dreg:$0x0] =	wrdreg $0x60  }
0xb4: {  	[dreg:$0x2] =	wrdreg s24  }
0xb5: {  	[dreg:$0x3] =	wrdreg s17  }
0xb6: {  	[dreg:$0x4] =	wrdreg s16  }
0xb7: {  	[dreg:$0x5] =	wrdreg $0x0  }
0xb8: {  	[dreg:$0x6] =	wrdreg $0x9  }
0xb9: {  	_ =	task.clear_ibuf [dreg:s8], $0x7FFFF;
	_ =	strace $0x90000046  }
0xba: {  	s29 =	simm.s32 $0x9;
	_ =	strace $0x80000048  }
0xbb: {  	_ =	swait.ge [sflag:s29], $0x1  }
0xbc: {  	[sflag:s29] =	ssyncadd.s32 $0xFFFFFFFF  }
0xbd: {  	_ =	strace $0x90000048  }
0xbe: {  	_ =	sfence  }
0xbf: {  	s30 =	sld [smem:$0x0];
	_ =	sdelay $0x2  }
0xc0: {  	s31 =	sshll.u32 s1, $0xD;
	s1 =	sshrl.u32 s1, $0x2  }
0xc1: {  	s3 =	sand.u32 $0x4000, s31;
	s1 =	sadd.s32 s1, s30  }
0xc2: {  	s0 =	sor.u32 s3, s0;
	s1 =	sshll.u32 s1, $0x11  }
0xc3: {  	s0 =	sor.u32 s1, s0  }
0xc4: {  	s0 =	sadd.s32 $0x8F2B, s0  }
0xc5: {  	[sflag:s0] =	ssyncadd.remote.s32 $0x1  }
0xc6: {  	_ =	sfence.sel $0xFFFF  }
0xc7: {  	[dreg:$0x0] =	wrdreg $0xFFFFFFFF;
	(pc) =	sbr.abs _section_cstart, $3  }
0xc8: {  	[dreg:$0x1] =	wrdreg $0xFFFFFFFF  }
0xc9: {  	_ =	task.clear_ibuf [dreg:s8], $0x2FFFF;
	_ =	strace $0x9FFFFFFF  }
0xca: {  	(tm) =	ssettm $0x7FFFFFFF  }
0xcb: {  	_ =	shalt  }
tec
execute0_lowered:
.L_overlay_start_1:
0x0: {  	(tag) =	ssettag $0x1  }
0x1: {  	s5 =	rddreg [dreg:$0x0]  }
0x2: {  	s6 =	rddreg [dreg:$0x1]  }
0x3: {  	s7 =	rddreg [dreg:$0x2]  }
0x4: {  	s2 =	rddreg [dreg:$0x3]  }
0x5: {  	s1 =	stileid.u32;
	s3 =	simm.s32 $0x0;
	s0 =	srdreg.scid  }
0x6: {  	s4 =	smul.u32 $0x2800, s1;
	[smem:$0x7FF] =	sst s3  }
0x7: {  	s0 =	sand.u32 $0x1, s0;
	s9 =	sshll.u32 s1, $0x1;
	s10 =	sshll.u32 s1, $0x6  }
0x8: {  	_ =	strace $0x80000047;
	s9 =	sor.u32 s0, s9;
	s1 =	sor.u32 $0x1C05, s10  }
0x9: {  	s8 =	sshrl.u32 s4, $0x3;
	s11 =	smul.u32 $0x280, s9;
	s4 =	sadd.s32 s4, s2  }
0xa: {  	[dreg:$0x6] =	wrdreg s1;
	s8 =	sadd.s32 s8, s5;
	s4 =	sshrl.u32 s4, $0x3  }
0xb: {  	s23 =	sadd.s32 $0x9E00, s5;
	s8 =	sadd.s32 $0x4E00, s8;
	[dreg:$0x1d] =	wrdreg s4  }
0xc: {  	s10 =	smul.u32 $0x2800, s9;
	s6 =	sadd.s32 s6, s11;
	[dreg:$0x5] =	wrdreg s8  }
0xd: {  	s22 =	smul.u32 $0x14000, s9;
	s21 =	sadd.s32 s7, s11;
	[dreg:$0x7] =	wrdreg s6  }
0xe: {  	s5 =	sadd.s32 $0x59E00, s5;
	s24 =	sadd.s32 s23, s10;
	[dreg:$0x8] =	wrdreg s21  }
0xf: {  	s25 =	sor.u32 $0x400, s10;
	s7 =	sshrl.u32 s22, $0x3;
	[dreg:$0x9] =	wrdreg s24  }
0x10: {  	s26 =	sadd.s32 s23, s25;
	s1 =	sadd.s32 $0x800, s7;
	s12 =	sadd.s32 $0xC00, s7  }
0x11: {  	s13 =	sadd.s32 $0x1000, s7;
	s24 =	sadd.s32 s5, s25;
	[dreg:$0xa] =	wrdreg s26  }
0x12: {  	s15 =	sadd.s32 s23, s1;
	s16 =	sadd.s32 s23, s12;
	[dreg:$0x14] =	wrdreg s24  }
0x13: {  	s17 =	sadd.s32 s23, s13;
	s26 =	sadd.s32 s5, s12;
	s12 =	rddreg [dreg:$0x1d]  }
0x14: {  	s25 =	sadd.s32 s5, s1;
	s1 =	sadd.s32 s5, s13;
	s13 =	rddreg [dreg:$0x6]  }
0x15: {  	[dreg:$0xb] =	wrdreg s15  }
0x16: {  	s14 =	sadd.s32 $0x1400, s7;
	[dreg:$0xc] =	wrdreg s16  }
0x17: {  	s18 =	sadd.s32 s23, s14;
	[dreg:$0xd] =	wrdreg s17  }
0x18: {  	[dreg:$0xe] =	wrdreg s18  }
0x19: {  	[dreg:$0x15] =	wrdreg s25  }
0x1a: {  	[dreg:$0x16] =	wrdreg s26  }
0x1b: {  	s8 =	sadd.s32 s5, s14;
	[dreg:$0x17] =	wrdreg s1  }
0x1c: {  	s15 =	sadd.s32 $0x1800, s7;
	s16 =	sadd.s32 $0x1C00, s7;
	[dreg:$0x18] =	wrdreg s8  }
0x1d: {  	s19 =	sadd.s32 s23, s15;
	s9 =	sadd.s32 s5, s15;
	s15 =	rddreg [dreg:$0x5]  }
0x1e: {  	s17 =	sadd.s32 $0x2000, s7;
	s20 =	sadd.s32 s23, s16;
	[dreg:$0xf] =	wrdreg s19  }
0x1f: {  	s7 =	sadd.s32 $0x2400, s7;
	s21 =	sadd.s32 s23, s17;
	[dreg:$0x10] =	wrdreg s20  }
0x20: {  	s22 =	sadd.s32 s23, s7;
	[dreg:$0x11] =	wrdreg s21  }
0x21: {  	s23 =	sadd.s32 s5, s10;
	[dreg:$0x12] =	wrdreg s22  }
0x22: {  	[dreg:$0x13] =	wrdreg s23  }
0x23: {  	s10 =	sadd.s32 s5, s16;
	[dreg:$0x19] =	wrdreg s9  }
0x24: {  	s11 =	sadd.s32 s5, s17;
	[dreg:$0x1a] =	wrdreg s10  }
0x25: {  	s14 =	sadd.s32 s5, s7;
	[dreg:$0x1b] =	wrdreg s11  }
0x26: {  	s16 =	simm.s32 $0x2A00;
	[dreg:$0x1c] =	wrdreg s14  }
0x27: {  	s4 =	simm.s32 $0x5;
	[dreg:$0x1e] =	wrdreg s16  }
0x28: {  	[spmem:s12], [sflag:s13] =	dma.local [hbm:s15], $0x500  }
0x29: {  	_ =	swait.ge [sflag:s4], $0x500  }
0x2a: {  	[sflag:s4] =	ssyncset.done $0x0  }
0x2b: {  	s5 =	simm.s32 $0x2800;
	s17 =	rddreg [dreg:$0x7];
	[sflag:s4] =	ssyncadd.s32 $0xFFFFFB00  }
0x2c: {  	[tilespmem:s5], [sflag:$0x5] =	stream.linear.gather [hbm4b:s17+s3], $0x1400, $0x38;
	[tilespmem:$0x9000] =	vst v63  }
0x2d: {  	_ =	swait.ge [sflag:s4], $0x1400  }
0x2e: {  	[sflag:s4] =	ssyncset.done $0x0  }
0x2f: {  	s6 =	simm.s32 $0x3C00;
	s18 =	rddreg [dreg:$0x8];
	[sflag:s4] =	ssyncadd.s32 $0xFFFFEC00  }
0x30: {  	[tilespmem:s6], [sflag:$0x5] =	stream.linear.gather [hbm4b:s18+s3], $0x1400, $0x38;
	[tilespmem:$0x9000] =	vst v63  }
0x31: {  	_ =	swait.ge [sflag:s4], $0x1400  }
0x32: {  	[sflag:s4] =	ssyncset.done $0x0  }
0x33: {  	s8 =	simm.s32 $0x5000;
	[sflag:s4] =	ssyncadd.s32 $0xFFFFEC00  }
0x34: {  	s7 =	simm.s32 $0x200;
	s9 =	simm.s32 $0x1;
	[bflag:$0x0] =	sbarrier.arrive $0xFFFF  }
0x35: {  	[tilespmem:s8], [sflag:$0x1] =	stream.indirect.gather [spmem:s2], $0x10, s5, s7, $0xb8;
	[tilespmem:$0x9000] =	vst v63  }
0x36: {  	_ =	swait.ge [sflag:s9], $0x2000  }
0x37: {  	[sflag:s9] =	ssyncset.done $0x0  }
0x38: {  	s19 =	rddreg [dreg:$0x9];
	[sflag:s9] =	ssyncadd.s32 $0xFFFFE000  }
0x39: {  	[hbm4b:s19+s3] =	stream.linear.scatter [tilespmem:s8], [sflag:$0x3], $0x2000, $0x38;
	[tilespmem:$0x9000] =	vst v63  }
0x3a: {  	s10 =	simm.s32 $0x7000;
	s11 =	simm.s32 $0x2;
	s20 =	rddreg [dreg:$0x1e]  }
0x3b: {  	[tilespmem:s10], [sflag:$0x2] =	stream.indirect.gather [spmem:s2], $0x10, s20, s7, $0xb8;
	[tilespmem:$0x9000] =	vst v63  }
0x3c: {  	_ =	swait.ge [sflag:s11], $0x2000  }
0x3d: {  	[sflag:s11] =	ssyncset.done $0x0  }
0x3e: {  	s12 =	simm.s32 $0x3;
	s21 =	rddreg [dreg:$0xa];
	[sflag:s11] =	ssyncadd.s32 $0xFFFFE000  }
0x3f: {  	[hbm4b:s21+s3] =	stream.linear.scatter [tilespmem:s10], [sflag:$0x4], $0x2000, $0x38;
	[tilespmem:$0x9000] =	vst v63  }
0x40: {  	_ =	swait.ge [sflag:s12], $0x2000  }
0x41: {  	[sflag:s12] =	ssyncset.done $0x0  }
0x42: {  	s22 =	simm.s32 $0x2C00;
	[sflag:s12] =	ssyncadd.s32 $0xFFFFE000  }
0x43: {  	[tilespmem:s8], [sflag:$0x1] =	stream.indirect.gather [spmem:s2], $0x10, s22, s7, $0xb8;
	[tilespmem:$0x9000] =	vst v63  }
0x44: {  	_ =	swait.ge [sflag:s9], $0x2000  }
0x45: {  	[sflag:s9] =	ssyncset.done $0x0  }
0x46: {  	s14 =	simm.s32 $0x4;
	s23 =	rddreg [dreg:$0xb];
	[sflag:s9] =	ssyncadd.s32 $0xFFFFE000  }
0x47: {  	[hbm4b:s23+s3] =	stream.linear.scatter [tilespmem:s8], [sflag:$0x3], $0x2000, $0x38;
	[tilespmem:$0x9000] =	vst v63  }
0x48: {  	_ =	swait.ge [sflag:s14], $0x2000  }
0x49: {  	[sflag:s14] =	ssyncset.done $0x0  }
0x4a: {  	s24 =	simm.s32 $0x2E00;
	[sflag:s14] =	ssyncadd.s32 $0xFFFFE000  }
0x4b: {  	[tilespmem:s10], [sflag:$0x2] =	stream.indirect.gather [spmem:s2], $0x10, s24, s7, $0xb8;
	[tilespmem:$0x9000] =	vst v63  }
0x4c: {  	_ =	swait.ge [sflag:s11], $0x2000  }
0x4d: {  	[sflag:s11] =	ssyncset.done $0x0  }
0x4e: {  	s25 =	rddreg [dreg:$0xc];
	[sflag:s11] =	ssyncadd.s32 $0xFFFFE000  }
0x4f: {  	[hbm4b:s25+s3] =	stream.linear.scatter [tilespmem:s10], [sflag:$0x4], $0x2000, $0x38;
	[tilespmem:$0x9000] =	vst v63  }
0x50: {  	_ =	swait.ge [sflag:s12], $0x2000  }
0x51: {  	[sflag:s12] =	ssyncset.done $0x0  }
0x52: {  	s16 =	simm.s32 $0x3000;
	[sflag:s12] =	ssyncadd.s32 $0xFFFFE000  }
0x53: {  	[tilespmem:s8], [sflag:$0x1] =	stream.indirect.gather [spmem:s2], $0x10, s16, s7, $0xb8;
	[tilespmem:$0x9000] =	vst v63  }
0x54: {  	_ =	swait.ge [sflag:s9], $0x2000  }
0x55: {  	[sflag:s9] =	ssyncset.done $0x0  }
0x56: {  	s26 =	rddreg [dreg:$0xd];
	[sflag:s9] =	ssyncadd.s32 $0xFFFFE000  }
0x57: {  	[hbm4b:s26+s3] =	stream.linear.scatter [tilespmem:s8], [sflag:$0x3], $0x2000, $0x38;
	[tilespmem:$0x9000] =	vst v63  }
0x58: {  	_ =	swait.ge [sflag:s14], $0x2000  }
0x59: {  	[sflag:s14] =	ssyncset.done $0x0  }
0x5a: {  	s17 =	simm.s32 $0x3200;
	[sflag:s14] =	ssyncadd.s32 $0xFFFFE000  }
0x5b: {  	[tilespmem:s10], [sflag:$0x2] =	stream.indirect.gather [spmem:s2], $0x10, s17, s7, $0xb8;
	[tilespmem:$0x9000] =	vst v63  }
0x5c: {  	_ =	swait.ge [sflag:s11], $0x2000  }
0x5d: {  	[sflag:s11] =	ssyncset.done $0x0  }
0x5e: {  	s18 =	rddreg [dreg:$0xe];
	[sflag:s11] =	ssyncadd.s32 $0xFFFFE000  }
0x5f: {  	[hbm4b:s18+s3] =	stream.linear.scatter [tilespmem:s10], [sflag:$0x4], $0x2000, $0x38;
	[tilespmem:$0x9000] =	vst v63  }
0x60: {  	_ =	swait.ge [sflag:s12], $0x2000  }
0x61: {  	[sflag:s12] =	ssyncset.done $0x0  }
0x62: {  	s18 =	simm.s32 $0x3400;
	[sflag:s12] =	ssyncadd.s32 $0xFFFFE000  }
0x63: {  	[tilespmem:s8], [sflag:$0x1] =	stream.indirect.gather [spmem:s2], $0x10, s18, s7, $0xb8;
	[tilespmem:$0x9000] =	vst v63  }
0x64: {  	_ =	swait.ge [sflag:s9], $0x2000  }
0x65: {  	[sflag:s9] =	ssyncset.done $0x0  }
0x66: {  	s19 =	rddreg [dreg:$0xf];
	[sflag:s9] =	ssyncadd.s32 $0xFFFFE000  }
0x67: {  	[hbm4b:s19+s3] =	stream.linear.scatter [tilespmem:s8], [sflag:$0x3], $0x2000, $0x38;
	[tilespmem:$0x9000] =	vst v63  }
0x68: {  	_ =	swait.ge [sflag:s14], $0x2000  }
0x69: {  	[sflag:s14] =	ssyncset.done $0x0  }
0x6a: {  	s19 =	simm.s32 $0x3600;
	[sflag:s14] =	ssyncadd.s32 $0xFFFFE000  }
0x6b: {  	[tilespmem:s10], [sflag:$0x2] =	stream.indirect.gather [spmem:s2], $0x10, s19, s7, $0xb8;
	[tilespmem:$0x9000] =	vst v63  }
0x6c: {  	_ =	swait.ge [sflag:s11], $0x2000  }
0x6d: {  	[sflag:s11] =	ssyncset.done $0x0  }
0x6e: {  	s20 =	rddreg [dreg:$0x10];
	[sflag:s11] =	ssyncadd.s32 $0xFFFFE000  }
0x6f: {  	[hbm4b:s20+s3] =	stream.linear.scatter [tilespmem:s10], [sflag:$0x4], $0x2000, $0x38;
	[tilespmem:$0x9000] =	vst v63  }
0x70: {  	_ =	swait.ge [sflag:s12], $0x2000  }
0x71: {  	[sflag:s12] =	ssyncset.done $0x0  }
0x72: {  	s20 =	simm.s32 $0x3800;
	[sflag:s12] =	ssyncadd.s32 $0xFFFFE000  }
0x73: {  	[tilespmem:s8], [sflag:$0x1] =	stream.indirect.gather [spmem:s2], $0x10, s20, s7, $0xb8;
	[tilespmem:$0x9000] =	vst v63  }
0x74: {  	_ =	swait.ge [sflag:s9], $0x2000  }
0x75: {  	[sflag:s9] =	ssyncset.done $0x0  }
0x76: {  	s21 =	rddreg [dreg:$0x11];
	[sflag:s9] =	ssyncadd.s32 $0xFFFFE000  }
0x77: {  	[hbm4b:s21+s3] =	stream.linear.scatter [tilespmem:s8], [sflag:$0x3], $0x2000, $0x38;
	[tilespmem:$0x9000] =	vst v63  }
0x78: {  	_ =	swait.ge [sflag:s14], $0x2000  }
0x79: {  	[sflag:s14] =	ssyncset.done $0x0  }
0x7a: {  	s21 =	simm.s32 $0x3A00;
	[sflag:s14] =	ssyncadd.s32 $0xFFFFE000  }
0x7b: {  	[tilespmem:s10], [sflag:$0x2] =	stream.indirect.gather [spmem:s2], $0x10, s21, s7, $0xb8;
	[tilespmem:$0x9000] =	vst v63  }
0x7c: {  	_ =	swait.ge [sflag:s11], $0x2000  }
0x7d: {  	[sflag:s11] =	ssyncset.done $0x0  }
0x7e: {  	s22 =	rddreg [dreg:$0x12];
	[sflag:s11] =	ssyncadd.s32 $0xFFFFE000  }
0x7f: {  	[hbm4b:s22+s3] =	stream.linear.scatter [tilespmem:s10], [sflag:$0x4], $0x2000, $0x38;
	[tilespmem:$0x9000] =	vst v63  }
0x80: {  	_ =	swait.ge [sflag:s12], $0x2000  }
0x81: {  	[sflag:s12] =	ssyncset.done $0x0  }
0x82: {  	[sflag:s12] =	ssyncadd.s32 $0xFFFFE000  }
0x83: {  	[tilespmem:s8], [sflag:$0x1] =	stream.indirect.gather [spmem:s2], $0x10, s6, s7, $0xb8;
	[tilespmem:$0x9000] =	vst v63  }
0x84: {  	_ =	swait.ge [sflag:s9], $0x2000  }
0x85: {  	[sflag:s9] =	ssyncset.done $0x0  }
0x86: {  	s1 =	rddreg [dreg:$0x13];
	[sflag:s9] =	ssyncadd.s32 $0xFFFFE000  }
0x87: {  	[hbm4b:s1+s3] =	stream.linear.scatter [tilespmem:s8], [sflag:$0x3], $0x2000, $0x38;
	[tilespmem:$0x9000] =	vst v63  }
0x88: {  	_ =	swait.ge [sflag:s14], $0x2000  }
0x89: {  	[sflag:s14] =	ssyncset.done $0x0  }
0x8a: {  	s22 =	simm.s32 $0x3E00;
	[sflag:s14] =	ssyncadd.s32 $0xFFFFE000  }
0x8b: {  	[tilespmem:s10], [sflag:$0x2] =	stream.indirect.gather [spmem:s2], $0x10, s22, s7, $0xb8;
	[tilespmem:$0x9000] =	vst v63  }
0x8c: {  	_ =	swait.ge [sflag:s11], $0x2000  }
0x8d: {  	[sflag:s11] =	ssyncset.done $0x0  }
0x8e: {  	s23 =	rddreg [dreg:$0x14];
	[sflag:s11] =	ssyncadd.s32 $0xFFFFE000  }
0x8f: {  	[hbm4b:s23+s3] =	stream.linear.scatter [tilespmem:s10], [sflag:$0x4], $0x2000, $0x38;
	[tilespmem:$0x9000] =	vst v63  }
0x90: {  	_ =	swait.ge [sflag:s12], $0x2000  }
0x91: {  	[sflag:s12] =	ssyncset.done $0x0  }
0x92: {  	s23 =	simm.s32 $0x4000;
	[sflag:s12] =	ssyncadd.s32 $0xFFFFE000  }
0x93: {  	[tilespmem:s8], [sflag:$0x1] =	stream.indirect.gather [spmem:s2], $0x10, s23, s7, $0xb8;
	[tilespmem:$0x9000] =	vst v63  }
0x94: {  	_ =	swait.ge [sflag:s9], $0x2000  }
0x95: {  	[sflag:s9] =	ssyncset.done $0x0  }
0x96: {  	s24 =	rddreg [dreg:$0x15];
	[sflag:s9] =	ssyncadd.s32 $0xFFFFE000  }
0x97: {  	[hbm4b:s24+s3] =	stream.linear.scatter [tilespmem:s8], [sflag:$0x3], $0x2000, $0x38;
	[tilespmem:$0x9000] =	vst v63  }
0x98: {  	_ =	swait.ge [sflag:s14], $0x2000  }
0x99: {  	[sflag:s14] =	ssyncset.done $0x0  }
0x9a: {  	s24 =	simm.s32 $0x4200;
	[sflag:s14] =	ssyncadd.s32 $0xFFFFE000  }
0x9b: {  	[tilespmem:s10], [sflag:$0x2] =	stream.indirect.gather [spmem:s2], $0x10, s24, s7, $0xb8;
	[tilespmem:$0x9000] =	vst v63  }
0x9c: {  	_ =	swait.ge [sflag:s11], $0x2000  }
0x9d: {  	[sflag:s11] =	ssyncset.done $0x0  }
0x9e: {  	s25 =	rddreg [dreg:$0x16];
	[sflag:s11] =	ssyncadd.s32 $0xFFFFE000  }
0x9f: {  	[hbm4b:s25+s3] =	stream.linear.scatter [tilespmem:s10], [sflag:$0x4], $0x2000, $0x38;
	[tilespmem:$0x9000] =	vst v63  }
0xa0: {  	_ =	swait.ge [sflag:s12], $0x2000  }
0xa1: {  	[sflag:s12] =	ssyncset.done $0x0  }
0xa2: {  	s25 =	simm.s32 $0x4400;
	[sflag:s12] =	ssyncadd.s32 $0xFFFFE000  }
0xa3: {  	[tilespmem:s8], [sflag:$0x1] =	stream.indirect.gather [spmem:s2], $0x10, s25, s7, $0xb8;
	[tilespmem:$0x9000] =	vst v63  }
0xa4: {  	_ =	swait.ge [sflag:s9], $0x2000  }
0xa5: {  	[sflag:s9] =	ssyncset.done $0x0  }
0xa6: {  	s26 =	rddreg [dreg:$0x17];
	[sflag:s9] =	ssyncadd.s32 $0xFFFFE000  }
0xa7: {  	[hbm4b:s26+s3] =	stream.linear.scatter [tilespmem:s8], [sflag:$0x3], $0x2000, $0x38;
	[tilespmem:$0x9000] =	vst v63  }
0xa8: {  	_ =	swait.ge [sflag:s14], $0x2000  }
0xa9: {  	[sflag:s14] =	ssyncset.done $0x0  }
0xaa: {  	s26 =	simm.s32 $0x4600;
	[sflag:s14] =	ssyncadd.s32 $0xFFFFE000  }
0xab: {  	[tilespmem:s10], [sflag:$0x2] =	stream.indirect.gather [spmem:s2], $0x10, s26, s7, $0xb8;
	[tilespmem:$0x9000] =	vst v63  }
0xac: {  	_ =	swait.ge [sflag:s11], $0x2000  }
0xad: {  	[sflag:s11] =	ssyncset.done $0x0  }
0xae: {  	s28 =	rddreg [dreg:$0x18];
	[sflag:s11] =	ssyncadd.s32 $0xFFFFE000  }
0xaf: {  	[hbm4b:s28+s3] =	stream.linear.scatter [tilespmem:s10], [sflag:$0x4], $0x2000, $0x38;
	[tilespmem:$0x9000] =	vst v63  }
0xb0: {  	_ =	swait.ge [sflag:s12], $0x2000  }
0xb1: {  	[sflag:s12] =	ssyncset.done $0x0  }
0xb2: {  	s28 =	simm.s32 $0x4800;
	[sflag:s12] =	ssyncadd.s32 $0xFFFFE000  }
0xb3: {  	[tilespmem:s8], [sflag:$0x1] =	stream.indirect.gather [spmem:s2], $0x10, s28, s7, $0xb8;
	[tilespmem:$0x9000] =	vst v63  }
0xb4: {  	_ =	swait.ge [sflag:s9], $0x2000  }
0xb5: {  	[sflag:s9] =	ssyncset.done $0x0  }
0xb6: {  	s29 =	rddreg [dreg:$0x19];
	[sflag:s9] =	ssyncadd.s32 $0xFFFFE000  }
0xb7: {  	[hbm4b:s29+s3] =	stream.linear.scatter [tilespmem:s8], [sflag:$0x3], $0x2000, $0x38;
	[tilespmem:$0x9000] =	vst v63  }
0xb8: {  	_ =	swait.ge [sflag:s14], $0x2000  }
0xb9: {  	[sflag:s14] =	ssyncset.done $0x0  }
0xba: {  	s29 =	simm.s32 $0x4A00;
	[sflag:s14] =	ssyncadd.s32 $0xFFFFE000  }
0xbb: {  	[tilespmem:s10], [sflag:$0x2] =	stream.indirect.gather [spmem:s2], $0x10, s29, s7, $0xb8;
	[tilespmem:$0x9000] =	vst v63  }
0xbc: {  	_ =	swait.ge [sflag:s11], $0x2000  }
0xbd: {  	[sflag:s11] =	ssyncset.done $0x0  }
0xbe: {  	s30 =	rddreg [dreg:$0x1a];
	[sflag:s11] =	ssyncadd.s32 $0xFFFFE000  }
0xbf: {  	[hbm4b:s30+s3] =	stream.linear.scatter [tilespmem:s10], [sflag:$0x4], $0x2000, $0x38;
	[tilespmem:$0x9000] =	vst v63  }
0xc0: {  	_ =	swait.ge [sflag:s12], $0x2000  }
0xc1: {  	[sflag:s12] =	ssyncset.done $0x0  }
0xc2: {  	s30 =	simm.s32 $0x4C00;
	[sflag:s12] =	ssyncadd.s32 $0xFFFFE000  }
0xc3: {  	[tilespmem:s8], [sflag:$0x1] =	stream.indirect.gather [spmem:s2], $0x10, s30, s7, $0xb8;
	[tilespmem:$0x9000] =	vst v63  }
0xc4: {  	_ =	swait.ge [sflag:s9], $0x2000  }
0xc5: {  	[sflag:s9] =	ssyncset.done $0x0  }
0xc6: {  	s31 =	rddreg [dreg:$0x1b];
	[sflag:s9] =	ssyncadd.s32 $0xFFFFE000  }
0xc7: {  	[hbm4b:s31+s3] =	stream.linear.scatter [tilespmem:s8], [sflag:$0x3], $0x2000, $0x38;
	[tilespmem:$0x9000] =	vst v63  }
0xc8: {  	_ =	swait.ge [sflag:s14], $0x2000  }
0xc9: {  	s0 =	ssub.s32 $0x2, s0;
	[sflag:s14] =	ssyncset.done $0x0  }
0xca: {  	s15 =	sshrl.u32 s0, $0x1;
	s31 =	simm.s32 $0x4E00;
	[sflag:s14] =	ssyncadd.s32 $0xFFFFE000  }
0xcb: {  	[tilespmem:s10], [sflag:$0x2] =	stream.indirect.gather [spmem:s2], $0x10, s31, s7, $0xb8;
	[tilespmem:$0x9000] =	vst v63  }
0xcc: {  	s0 =	ssub.s32 s0, s15;
	_ =	swait.ge [sflag:s11], $0x2000  }
0xcd: {  	s0 =	smax.u32 s0, $0x1;
	[sflag:s11] =	ssyncset.done $0x0  }
0xce: {  	p0 =	sne.s32 s0, $0x1;
	s13 =	rddreg [dreg:$0x1c];
	[sflag:s11] =	ssyncadd.s32 $0xFFFFE000  }
0xcf: {  	[hbm4b:s13+s3] =	stream.linear.scatter [tilespmem:s10], [sflag:$0x4], $0x2000, $0x38;
	[tilespmem:$0x9000] =	vst v63  }
.Ltmp0:
0xd0: {  	_ = 	snop;
	(pc) =	sbr.rel @!p0 .LBB2_2-.Ltmp0, $4  }
0xd1: {  	_ =	swait.ge [sflag:s12], $0x2000  }
0xd2: {  	[sflag:s12] =	ssyncset.done $0x0  }
0xd3: {  	[sflag:s12] =	ssyncadd.s32 $0xFFFFE000  }
0xd4: {  	s0 =	sadd.s32 $0xFFFFFFFF, s0;
	_ =	swait.ge [sflag:s14], $0x2000  }
.LBB2_1:
0xd5: {  	s1 =	rddreg [dreg:$0x1d]  }
0xd6: {  	[sflag:s14] =	ssyncset.done $0x0;
	s13 =	rddreg [dreg:$0x6]  }
0xd7: {  	s15 =	rddreg [dreg:$0x5];
	[sflag:s14] =	ssyncadd.s32 $0xFFFFE000  }
0xd8: {  	[spmem:s1], [sflag:s13] =	dma.local [hbm:s15], $0x500  }
0xd9: {  	_ =	swait.ge [sflag:s4], $0x500  }
0xda: {  	[sflag:s4] =	ssyncset.done $0x0  }
0xdb: {  	s13 =	rddreg [dreg:$0x7];
	[sflag:s4] =	ssyncadd.s32 $0xFFFFFB00  }
0xdc: {  	[tilespmem:s5], [sflag:$0x5] =	stream.linear.gather [hbm4b:s13+s3], $0x1400, $0x38;
	[tilespmem:$0x9000] =	vst v63  }
0xdd: {  	_ =	swait.ge [sflag:s4], $0x1400  }
0xde: {  	[sflag:s4] =	ssyncset.done $0x0  }
0xdf: {  	s15 =	rddreg [dreg:$0x8];
	[sflag:s4] =	ssyncadd.s32 $0xFFFFEC00  }
0xe0: {  	[tilespmem:s6], [sflag:$0x5] =	stream.linear.gather [hbm4b:s15+s3], $0x1400, $0x38;
	[tilespmem:$0x9000] =	vst v63  }
0xe1: {  	_ =	swait.ge [sflag:s4], $0x1400  }
0xe2: {  	[sflag:s4] =	ssyncset.done $0x0  }
0xe3: {  	[sflag:s4] =	ssyncadd.s32 $0xFFFFEC00  }
0xe4: {  	[bflag:$0x0] =	sbarrier.arrive $0xFFFF  }
0xe5: {  	[tilespmem:s8], [sflag:$0x1] =	stream.indirect.gather [spmem:s2], $0x10, s5, s7, $0xb8;
	[tilespmem:$0x9000] =	vst v63  }
0xe6: {  	_ =	swait.ge [sflag:s9], $0x2000  }
0xe7: {  	[sflag:s9] =	ssyncset.done $0x0  }
0xe8: {  	s13 =	rddreg [dreg:$0x9];
	[sflag:s9] =	ssyncadd.s32 $0xFFFFE000  }
0xe9: {  	[hbm4b:s13+s3] =	stream.linear.scatter [tilespmem:s8], [sflag:$0x3], $0x2000, $0x38;
	[tilespmem:$0x9000] =	vst v63  }
0xea: {  	s15 =	rddreg [dreg:$0x1e]  }
0xeb: {  	[tilespmem:s10], [sflag:$0x2] =	stream.indirect.gather [spmem:s2], $0x10, s15, s7, $0xb8;
	[tilespmem:$0x9000] =	vst v63  }
0xec: {  	_ =	swait.ge [sflag:s11], $0x2000  }
0xed: {  	[sflag:s11] =	ssyncset.done $0x0  }
0xee: {  	s15 =	rddreg [dreg:$0xa];
	[sflag:s11] =	ssyncadd.s32 $0xFFFFE000  }
0xef: {  	[hbm4b:s15+s3] =	stream.linear.scatter [tilespmem:s10], [sflag:$0x4], $0x2000, $0x38;
	[tilespmem:$0x9000] =	vst v63  }
0xf0: {  	_ =	swait.ge [sflag:s12], $0x2000  }
0xf1: {  	[sflag:s12] =	ssyncset.done $0x0  }
0xf2: {  	s13 =	simm.s32 $0x2C00;
	[sflag:s12] =	ssyncadd.s32 $0xFFFFE000  }
0xf3: {  	[tilespmem:s8], [sflag:$0x1] =	stream.indirect.gather [spmem:s2], $0x10, s13, s7, $0xb8;
	[tilespmem:$0x9000] =	vst v63  }
0xf4: {  	_ =	swait.ge [sflag:s9], $0x2000  }
0xf5: {  	[sflag:s9] =	ssyncset.done $0x0  }
0xf6: {  	s15 =	rddreg [dreg:$0xb];
	[sflag:s9] =	ssyncadd.s32 $0xFFFFE000  }
0xf7: {  	[hbm4b:s15+s3] =	stream.linear.scatter [tilespmem:s8], [sflag:$0x3], $0x2000, $0x38;
	[tilespmem:$0x9000] =	vst v63  }
0xf8: {  	_ =	swait.ge [sflag:s14], $0x2000  }
0xf9: {  	[sflag:s14] =	ssyncset.done $0x0  }
0xfa: {  	s13 =	simm.s32 $0x2E00;
	[sflag:s14] =	ssyncadd.s32 $0xFFFFE000  }
0xfb: {  	[tilespmem:s10], [sflag:$0x2] =	stream.indirect.gather [spmem:s2], $0x10, s13, s7, $0xb8;
	[tilespmem:$0x9000] =	vst v63  }
0xfc: {  	_ =	swait.ge [sflag:s11], $0x2000  }
0xfd: {  	[sflag:s11] =	ssyncset.done $0x0  }
0xfe: {  	s15 =	rddreg [dreg:$0xc];
	[sflag:s11] =	ssyncadd.s32 $0xFFFFE000  }
0xff: {  	[hbm4b:s15+s3] =	stream.linear.scatter [tilespmem:s10], [sflag:$0x4], $0x2000, $0x38;
	[tilespmem:$0x9000] =	vst v63  }
0x100: {  	_ =	swait.ge [sflag:s12], $0x2000  }
0x101: {  	[sflag:s12] =	ssyncset.done $0x0  }
0x102: {  	[sflag:s12] =	ssyncadd.s32 $0xFFFFE000  }
0x103: {  	[tilespmem:s8], [sflag:$0x1] =	stream.indirect.gather [spmem:s2], $0x10, s16, s7, $0xb8;
	[tilespmem:$0x9000] =	vst v63  }
0x104: {  	_ =	swait.ge [sflag:s9], $0x2000  }
0x105: {  	[sflag:s9] =	ssyncset.done $0x0  }
0x106: {  	s13 =	rddreg [dreg:$0xd];
	[sflag:s9] =	ssyncadd.s32 $0xFFFFE000  }
0x107: {  	[hbm4b:s13+s3] =	stream.linear.scatter [tilespmem:s8], [sflag:$0x3], $0x2000, $0x38;
	[tilespmem:$0x9000] =	vst v63  }
0x108: {  	_ =	swait.ge [sflag:s14], $0x2000  }
0x109: {  	[sflag:s14] =	ssyncset.done $0x0  }
0x10a: {  	[sflag:s14] =	ssyncadd.s32 $0xFFFFE000  }
0x10b: {  	[tilespmem:s10], [sflag:$0x2] =	stream.indirect.gather [spmem:s2], $0x10, s17, s7, $0xb8;
	[tilespmem:$0x9000] =	vst v63  }
0x10c: {  	_ =	swait.ge [sflag:s11], $0x2000  }
0x10d: {  	[sflag:s11] =	ssyncset.done $0x0  }
0x10e: {  	s15 =	rddreg [dreg:$0xe];
	[sflag:s11] =	ssyncadd.s32 $0xFFFFE000  }
0x10f: {  	[hbm4b:s15+s3] =	stream.linear.scatter [tilespmem:s10], [sflag:$0x4], $0x2000, $0x38;
	[tilespmem:$0x9000] =	vst v63  }
0x110: {  	_ =	swait.ge [sflag:s12], $0x2000  }
0x111: {  	[sflag:s12] =	ssyncset.done $0x0  }
0x112: {  	[sflag:s12] =	ssyncadd.s32 $0xFFFFE000  }
0x113: {  	[tilespmem:s8], [sflag:$0x1] =	stream.indirect.gather [spmem:s2], $0x10, s18, s7, $0xb8;
	[tilespmem:$0x9000] =	vst v63  }
0x114: {  	_ =	swait.ge [sflag:s9], $0x2000  }
0x115: {  	[sflag:s9] =	ssyncset.done $0x0  }
0x116: {  	s13 =	rddreg [dreg:$0xf];
	[sflag:s9] =	ssyncadd.s32 $0xFFFFE000  }
0x117: {  	[hbm4b:s13+s3] =	stream.linear.scatter [tilespmem:s8], [sflag:$0x3], $0x2000, $0x38;
	[tilespmem:$0x9000] =	vst v63  }
0x118: {  	_ =	swait.ge [sflag:s14], $0x2000  }
0x119: {  	[sflag:s14] =	ssyncset.done $0x0  }
0x11a: {  	[sflag:s14] =	ssyncadd.s32 $0xFFFFE000  }
0x11b: {  	[tilespmem:s10], [sflag:$0x2] =	stream.indirect.gather [spmem:s2], $0x10, s19, s7, $0xb8;
	[tilespmem:$0x9000] =	vst v63  }
0x11c: {  	_ =	swait.ge [sflag:s11], $0x2000  }
0x11d: {  	[sflag:s11] =	ssyncset.done $0x0  }
0x11e: {  	s15 =	rddreg [dreg:$0x10];
	[sflag:s11] =	ssyncadd.s32 $0xFFFFE000  }
0x11f: {  	[hbm4b:s15+s3] =	stream.linear.scatter [tilespmem:s10], [sflag:$0x4], $0x2000, $0x38;
	[tilespmem:$0x9000] =	vst v63  }
0x120: {  	_ =	swait.ge [sflag:s12], $0x2000  }
0x121: {  	[sflag:s12] =	ssyncset.done $0x0  }
0x122: {  	[sflag:s12] =	ssyncadd.s32 $0xFFFFE000  }
0x123: {  	[tilespmem:s8], [sflag:$0x1] =	stream.indirect.gather [spmem:s2], $0x10, s20, s7, $0xb8;
	[tilespmem:$0x9000] =	vst v63  }
0x124: {  	_ =	swait.ge [sflag:s9], $0x2000  }
0x125: {  	[sflag:s9] =	ssyncset.done $0x0  }
0x126: {  	s13 =	rddreg [dreg:$0x11];
	[sflag:s9] =	ssyncadd.s32 $0xFFFFE000  }
0x127: {  	[hbm4b:s13+s3] =	stream.linear.scatter [tilespmem:s8], [sflag:$0x3], $0x2000, $0x38;
	[tilespmem:$0x9000] =	vst v63  }
0x128: {  	_ =	swait.ge [sflag:s14], $0x2000  }
0x129: {  	[sflag:s14] =	ssyncset.done $0x0  }
0x12a: {  	[sflag:s14] =	ssyncadd.s32 $0xFFFFE000  }
0x12b: {  	[tilespmem:s10], [sflag:$0x2] =	stream.indirect.gather [spmem:s2], $0x10, s21, s7, $0xb8;
	[tilespmem:$0x9000] =	vst v63  }
0x12c: {  	_ =	swait.ge [sflag:s11], $0x2000  }
0x12d: {  	[sflag:s11] =	ssyncset.done $0x0  }
0x12e: {  	s15 =	rddreg [dreg:$0x12];
	[sflag:s11] =	ssyncadd.s32 $0xFFFFE000  }
0x12f: {  	[hbm4b:s15+s3] =	stream.linear.scatter [tilespmem:s10], [sflag:$0x4], $0x2000, $0x38;
	[tilespmem:$0x9000] =	vst v63  }
0x130: {  	_ =	swait.ge [sflag:s12], $0x2000  }
0x131: {  	[sflag:s12] =	ssyncset.done $0x0  }
0x132: {  	[sflag:s12] =	ssyncadd.s32 $0xFFFFE000  }
0x133: {  	[tilespmem:s8], [sflag:$0x1] =	stream.indirect.gather [spmem:s2], $0x10, s6, s7, $0xb8;
	[tilespmem:$0x9000] =	vst v63  }
0x134: {  	_ =	swait.ge [sflag:s9], $0x2000  }
0x135: {  	[sflag:s9] =	ssyncset.done $0x0  }
0x136: {  	s13 =	rddreg [dreg:$0x13];
	[sflag:s9] =	ssyncadd.s32 $0xFFFFE000  }
0x137: {  	[hbm4b:s13+s3] =	stream.linear.scatter [tilespmem:s8], [sflag:$0x3], $0x2000, $0x38;
	[tilespmem:$0x9000] =	vst v63  }
0x138: {  	_ =	swait.ge [sflag:s14], $0x2000  }
0x139: {  	[sflag:s14] =	ssyncset.done $0x0  }
0x13a: {  	[sflag:s14] =	ssyncadd.s32 $0xFFFFE000  }
0x13b: {  	[tilespmem:s10], [sflag:$0x2] =	stream.indirect.gather [spmem:s2], $0x10, s22, s7, $0xb8;
	[tilespmem:$0x9000] =	vst v63  }
0x13c: {  	_ =	swait.ge [sflag:s11], $0x2000  }
0x13d: {  	[sflag:s11] =	ssyncset.done $0x0  }
0x13e: {  	s15 =	rddreg [dreg:$0x14];
	[sflag:s11] =	ssyncadd.s32 $0xFFFFE000  }
0x13f: {  	[hbm4b:s15+s3] =	stream.linear.scatter [tilespmem:s10], [sflag:$0x4], $0x2000, $0x38;
	[tilespmem:$0x9000] =	vst v63  }
0x140: {  	_ =	swait.ge [sflag:s12], $0x2000  }
0x141: {  	[sflag:s12] =	ssyncset.done $0x0  }
0x142: {  	[sflag:s12] =	ssyncadd.s32 $0xFFFFE000  }
0x143: {  	[tilespmem:s8], [sflag:$0x1] =	stream.indirect.gather [spmem:s2], $0x10, s23, s7, $0xb8;
	[tilespmem:$0x9000] =	vst v63  }
0x144: {  	_ =	swait.ge [sflag:s9], $0x2000  }
0x145: {  	[sflag:s9] =	ssyncset.done $0x0  }
0x146: {  	s13 =	rddreg [dreg:$0x15];
	[sflag:s9] =	ssyncadd.s32 $0xFFFFE000  }
0x147: {  	[hbm4b:s13+s3] =	stream.linear.scatter [tilespmem:s8], [sflag:$0x3], $0x2000, $0x38;
	[tilespmem:$0x9000] =	vst v63  }
0x148: {  	_ =	swait.ge [sflag:s14], $0x2000  }
0x149: {  	[sflag:s14] =	ssyncset.done $0x0  }
0x14a: {  	[sflag:s14] =	ssyncadd.s32 $0xFFFFE000  }
0x14b: {  	[tilespmem:s10], [sflag:$0x2] =	stream.indirect.gather [spmem:s2], $0x10, s24, s7, $0xb8;
	[tilespmem:$0x9000] =	vst v63  }
0x14c: {  	_ =	swait.ge [sflag:s11], $0x2000  }
0x14d: {  	[sflag:s11] =	ssyncset.done $0x0  }
0x14e: {  	s15 =	rddreg [dreg:$0x16];
	[sflag:s11] =	ssyncadd.s32 $0xFFFFE000  }
0x14f: {  	[hbm4b:s15+s3] =	stream.linear.scatter [tilespmem:s10], [sflag:$0x4], $0x2000, $0x38;
	[tilespmem:$0x9000] =	vst v63  }
0x150: {  	_ =	swait.ge [sflag:s12], $0x2000  }
0x151: {  	[sflag:s12] =	ssyncset.done $0x0  }
0x152: {  	[sflag:s12] =	ssyncadd.s32 $0xFFFFE000  }
0x153: {  	[tilespmem:s8], [sflag:$0x1] =	stream.indirect.gather [spmem:s2], $0x10, s25, s7, $0xb8;
	[tilespmem:$0x9000] =	vst v63  }
0x154: {  	_ =	swait.ge [sflag:s9], $0x2000  }
0x155: {  	[sflag:s9] =	ssyncset.done $0x0  }
0x156: {  	s13 =	rddreg [dreg:$0x17];
	[sflag:s9] =	ssyncadd.s32 $0xFFFFE000  }
0x157: {  	[hbm4b:s13+s3] =	stream.linear.scatter [tilespmem:s8], [sflag:$0x3], $0x2000, $0x38;
	[tilespmem:$0x9000] =	vst v63  }
0x158: {  	_ =	swait.ge [sflag:s14], $0x2000  }
0x159: {  	[sflag:s14] =	ssyncset.done $0x0  }
0x15a: {  	[sflag:s14] =	ssyncadd.s32 $0xFFFFE000  }
0x15b: {  	[tilespmem:s10], [sflag:$0x2] =	stream.indirect.gather [spmem:s2], $0x10, s26, s7, $0xb8;
	[tilespmem:$0x9000] =	vst v63  }
0x15c: {  	_ =	swait.ge [sflag:s11], $0x2000  }
0x15d: {  	[sflag:s11] =	ssyncset.done $0x0  }
0x15e: {  	s15 =	rddreg [dreg:$0x18];
	[sflag:s11] =	ssyncadd.s32 $0xFFFFE000  }
0x15f: {  	[hbm4b:s15+s3] =	stream.linear.scatter [tilespmem:s10], [sflag:$0x4], $0x2000, $0x38;
	[tilespmem:$0x9000] =	vst v63  }
0x160: {  	_ =	swait.ge [sflag:s12], $0x2000  }
0x161: {  	[sflag:s12] =	ssyncset.done $0x0  }
0x162: {  	[sflag:s12] =	ssyncadd.s32 $0xFFFFE000  }
0x163: {  	[tilespmem:s8], [sflag:$0x1] =	stream.indirect.gather [spmem:s2], $0x10, s28, s7, $0xb8;
	[tilespmem:$0x9000] =	vst v63  }
0x164: {  	_ =	swait.ge [sflag:s9], $0x2000  }
0x165: {  	[sflag:s9] =	ssyncset.done $0x0  }
0x166: {  	s13 =	rddreg [dreg:$0x19];
	[sflag:s9] =	ssyncadd.s32 $0xFFFFE000  }
0x167: {  	[hbm4b:s13+s3] =	stream.linear.scatter [tilespmem:s8], [sflag:$0x3], $0x2000, $0x38;
	[tilespmem:$0x9000] =	vst v63  }
0x168: {  	_ =	swait.ge [sflag:s14], $0x2000  }
0x169: {  	[sflag:s14] =	ssyncset.done $0x0  }
0x16a: {  	[sflag:s14] =	ssyncadd.s32 $0xFFFFE000  }
0x16b: {  	[tilespmem:s10], [sflag:$0x2] =	stream.indirect.gather [spmem:s2], $0x10, s29, s7, $0xb8;
	[tilespmem:$0x9000] =	vst v63  }
0x16c: {  	_ =	swait.ge [sflag:s11], $0x2000  }
0x16d: {  	[sflag:s11] =	ssyncset.done $0x0  }
0x16e: {  	s15 =	rddreg [dreg:$0x1a];
	[sflag:s11] =	ssyncadd.s32 $0xFFFFE000  }
0x16f: {  	[hbm4b:s15+s3] =	stream.linear.scatter [tilespmem:s10], [sflag:$0x4], $0x2000, $0x38;
	[tilespmem:$0x9000] =	vst v63  }
0x170: {  	_ =	swait.ge [sflag:s12], $0x2000  }
0x171: {  	[sflag:s12] =	ssyncset.done $0x0  }
0x172: {  	[sflag:s12] =	ssyncadd.s32 $0xFFFFE000  }
0x173: {  	[tilespmem:s8], [sflag:$0x1] =	stream.indirect.gather [spmem:s2], $0x10, s30, s7, $0xb8;
	[tilespmem:$0x9000] =	vst v63  }
0x174: {  	_ =	swait.ge [sflag:s9], $0x2000  }
0x175: {  	[sflag:s9] =	ssyncset.done $0x0  }
0x176: {  	s13 =	rddreg [dreg:$0x1b];
	[sflag:s9] =	ssyncadd.s32 $0xFFFFE000  }
0x177: {  	[hbm4b:s13+s3] =	stream.linear.scatter [tilespmem:s8], [sflag:$0x3], $0x2000, $0x38;
	[tilespmem:$0x9000] =	vst v63  }
0x178: {  	_ =	swait.ge [sflag:s14], $0x2000  }
0x179: {  	[sflag:s14] =	ssyncset.done $0x0  }
0x17a: {  	[sflag:s14] =	ssyncadd.s32 $0xFFFFE000  }
0x17b: {  	[tilespmem:s10], [sflag:$0x2] =	stream.indirect.gather [spmem:s2], $0x10, s31, s7, $0xb8;
	[tilespmem:$0x9000] =	vst v63  }
0x17c: {  	_ =	swait.ge [sflag:s11], $0x2000  }
0x17d: {  	[sflag:s11] =	ssyncset.done $0x0  }
0x17e: {  	p0 =	sne.s32 s0, $0x1;
	s15 =	rddreg [dreg:$0x1c];
	[sflag:s11] =	ssyncadd.s32 $0xFFFFE000  }
0x17f: {  	[hbm4b:s15+s3] =	stream.linear.scatter [tilespmem:s10], [sflag:$0x4], $0x2000, $0x38;
	[tilespmem:$0x9000] =	vst v63  }
.Ltmp1:
0x180: {  	_ = 	snop;
	(pc) =	sbr.rel @p0 .LBB2_1-.Ltmp1, $4  }
0x181: {  	_ =	swait.ge [sflag:s12], $0x2000  }
0x182: {  	[sflag:s12] =	ssyncset.done $0x0  }
0x183: {  	[sflag:s12] =	ssyncadd.s32 $0xFFFFE000  }
0x184: {  	s0 =	sadd.s32 $0xFFFFFFFF, s0;
	_ =	swait.ge [sflag:s14], $0x2000  }
.LBB2_2:
0x185: {  	[sflag:s14] =	ssyncset.done $0x0  }
0x186: {  	[sflag:s14] =	ssyncadd.s32 $0xFFFFE000  }
0x187: {  	_ =	sfence.sel $0x180000  }
0x188: {  	[bflag:$0x0] =	sbarrier.arrive $0xFFFF  }
0x189: {  	_ =	strace $0x90000047  }
0x18a: {  	s0 =	stileid.u32;
	[bflag:$0x2] =	sbarrier.arrive $0xFFFF  }
0x18b: {  	p0 =	sne.s32 s0, $0x0;
	s0 =	rddreg [dreg:$0x4]  }
0x18c: {  	s0 =	sadd.s32 @!p0 $0x100000, s0  }
0x18d: {  	[sflag:s0] =	ssyncadd.tile.s32 @!p0 $0x1;
	_ =	shalt  }
.Lfunc_end2:
_tile_overlayer_lowered:
.L_overlay_start_2:
0x18e: {  	(tag) =	ssettag $0x2  }
0x18f: {  	s0 =	rddreg [dreg:$0x0];
	s2 =	stileid.u32  }
0x190: {  	s1 =	rddreg [dreg:$0x1];
	p0 =	sne.s32 s2, $0x0  }
0x191: {  	s3 =	rddreg [dreg:$0x2];
	[bflag:$0x3] =	sbarrier.arrive $0xFFFF;
	s2 =	simm.s32 @!p0 $0x1C05  }
0x192: {  	[timem:s3], [sflag:s2] =	dma.local @!p0 [hbm:s0], s1  }
0x193: {  	s0 =	simm.s32 @!p0 $0x5  }
0x194: {  	_ =	swait.ge @!p0 [sflag:s0], s1  }
0x195: {  	s1 =	ssub.s32 @!p0 $0x0, s1;
	[sflag:s0] =	ssyncset.done @!p0 $0x0  }
0x196: {  	[sflag:s0] =	ssyncadd.s32 @!p0 s1  }
0x197: {  	[bflag:$0x3] =	sbarrier.arrive $0xFFFF  }
0x198: {  	_ =	shalt  }

// kernel: kernel.16.cloned.1.call-start
scs
__scs_entry_jumppad:
0x0: {  	(pc) =	sbr.rel $0x88, $3  }
0x1: {  	(tag) =	ssettag $0x0;
	lr =	simm.s32 $0x1  }
0x2: {  	[smem:$0x3F8A] =	sst lr;
	_ =	strace $0xD0000000  }
0x3: {  	_ = 	snop  }
0x4: {  	_ = 	snop  }
0x5: {  	_ = 	snop  }
0x6: {  	_ = 	snop  }
0x7: {  	_ = 	snop  }
__scs_overlays_trampoline_lowered:
0x8: {  	[smem:$0x3F99] =	sst s0  }
0x9: {  	[smem:$0x3F9A] =	sst s1  }
0xa: {  	[smem:$0x3F9B] =	sst s2  }
0xb: {  	[smem:$0x3F9C] =	sst s3  }
0xc: {  	[smem:$0x3F9D] =	sst s4  }
0xd: {  	[smem:$0x3F9E] =	sst s5  }
0xe: {  	[smem:$0x3F9F] =	sst s6  }
0xf: {  	[smem:$0x3FA0] =	sst s7  }
0x10: {  	[smem:$0x3FA1] =	sst s8  }
0x11: {  	[smem:$0x3FA2] =	sst s9;
	s0 =	simm.s32 @!p0 $0x0  }
0x12: {  	s1 =	sld [smem:$0x3F88];
	s0 =	simm.s32 @p0 $0x1  }
0x13: {  	[smem:$0x3FA3] =	sst s0;
	s0 =	simm.s32 @!p1 $0x0  }
0x14: {  	s2 =	sld [smem:$0x3F87];
	s0 =	simm.s32 @p1 $0x1  }
0x15: {  	[smem:$0x3FA4] =	sst s0;
	s0 =	simm.s32 @!p2 $0x0  }
0x16: {  	s3 =	sld [smem:$0x3FDB];
	s0 =	simm.s32 @p2 $0x1  }
0x17: {  	s4 =	simm.s32 $0x1BF5;
	[smem:$0x3FA6] =	sst s0  }
0x18: {  	s0 =	sld [smem:$0x3F89];
	_ =	swait.ge [sflag:s4], $0x0  }
0x19: {  	s7 =	sld [smem:$0x3F8A]  }
0x1a: {  	s8 =	sadd.s32 $0xFFFFE003, lr  }
0x1b: {  	s9 =	sadd.s32 $0xFFFFFEF7, lr;
	s5 =	simm.s32 $0xFFFFFFFF;
	p2 =	slt.u32 s8, $0xFFFFF086  }
0x1c: {  	p1 =	slt.u32 s9, $0xF7A;
	s5 =	simm.s32 @!p2 $0x0  }
0x1d: {  	s5 =	simm.s32 @p1 $0x1;
	p0 =	seq.s32 s7, s2  }
0x1e: {  	s7 =	smul.u32 @!p0 $0xF7A, s2;
	p2 =	seq.s32 @!p0 s5, $0x0  }
0x1f: {  	s9 =	smul.u32 $0xF7A, s1;
	s8 =	simm.s32 @!p0 $0x1BF5;
	p2 =	por !p2, p0  }
0x20: {  	[sflag:s8] =	ssyncset.s32 @!p0 $0xFFFFF086;
	s6 =	sadd.s32 @!p0 s3, s7;
	s7 =	simm.s32 @!p0 $0x108  }
0x21: {  	s3 =	sadd.s32 s3, s9;
	s6 =	sadd.s32 @!p0 $0x88, s6;
	s7 =	simm.s32 @p2 $0x1082  }
0x22: {  	[simem:s7], [sflag:s8] =	dma.local @!p0 [hbm:s6], $0xF7A  }
0x23: {  	s9 =	sor.u32 $0xD0000000, s2;
	s6 =	simm.s32 $0x108;
	_ =	swait.ge @!p0 [sflag:s8], $0x0  }
0x24: {  	s3 =	sadd.s32 $0x88, s3;
	s6 =	simm.s32 @!p1 $0x1082;
	[sflag:s4] =	ssyncset.s32 $0xFFFFF086  }
0x25: {  	[simem:s6], [sflag:s4] =	dma.local [hbm:s3], $0xF7A  }
0x26: {  	[smem:$0x3F8A] =	sst s1;
	(tag) =	ssettag s2;
	_ =	strace s9  }
0x27: {  	s1 =	sld [smem:$0x3F9A]  }
0x28: {  	s2 =	sld [smem:$0x3F9B]  }
0x29: {  	s4 =	sld [smem:$0x3F9D]  }
0x2a: {  	p0 =	seq.s32 s5, $0x0;
	s5 =	sld [smem:$0x3F9E]  }
0x2b: {  	s6 =	sld [smem:$0x3F9F]  }
0x2c: {  	s7 =	sld [smem:$0x3FA0]  }
0x2d: {  	s3 =	simm.s32 $0x108;
	s8 =	sld [smem:$0x3FA1]  }
0x2e: {  	s3 =	simm.s32 @!p0 $0x1082;
	s9 =	sld [smem:$0x3FA2]  }
0x2f: {  	lr =	sadd.s32 s0, s3;
	s0 =	sld [smem:$0x3F99]  }
0x30: {  	s3 =	sld [smem:$0x3F9C]  }
0x31: {  	[smem:$0x3FA5] =	sst s10  }
0x32: {  	s10 =	sld [smem:$0x3FA3];
	_ =	sdelay $0x3  }
0x33: {  	p0 =	seq.s32 s10, $0x1;
	s10 =	sld [smem:$0x3FA5];
	_ =	sdelay $0x3  }
0x34: {  	[smem:$0x3FA5] =	sst s10  }
0x35: {  	s10 =	sld [smem:$0x3FA4];
	_ =	sdelay $0x3  }
0x36: {  	p1 =	seq.s32 s10, $0x1;
	s10 =	sld [smem:$0x3FA5];
	_ =	sdelay $0x3  }
0x37: {  	[smem:$0x3FA5] =	sst s10  }
0x38: {  	s10 =	sld [smem:$0x3FA6]  }
0x39: {  	_ = 	snop;
	(pc) =	sbr.ind lr, $3  }
0x3a: {  	_ = 	snop  }
0x3b: {  	_ = 	snop  }
0x3c: {  	p2 =	seq.s32 s10, $0x1;
	s10 =	sld [smem:$0x3FA5]  }
0x3d: {  	_ =	shalt  }
0x3e: {  	_ =	shalt  }
0x3f: {  	_ =	shalt  }
0x40: {  	_ =	shalt  }
0x41: {  	_ =	shalt  }
0x42: {  	_ =	shalt  }
0x43: {  	_ =	shalt  }
0x44: {  	_ =	shalt  }
0x45: {  	_ =	shalt  }
0x46: {  	_ =	shalt  }
0x47: {  	_ =	shalt  }
0x48: {  	_ =	shalt  }
0x49: {  	_ =	shalt  }
0x4a: {  	_ =	shalt  }
0x4b: {  	_ =	shalt  }
0x4c: {  	_ =	shalt  }
0x4d: {  	_ =	shalt  }
0x4e: {  	_ =	shalt  }
0x4f: {  	_ =	shalt  }
0x50: {  	_ =	shalt  }
0x51: {  	_ =	shalt  }
0x52: {  	_ =	shalt  }
0x53: {  	_ =	shalt  }
0x54: {  	_ =	shalt  }
0x55: {  	_ =	shalt  }
0x56: {  	_ =	shalt  }
0x57: {  	_ =	shalt  }
0x58: {  	_ =	shalt  }
0x59: {  	_ =	shalt  }
0x5a: {  	_ =	shalt  }
0x5b: {  	_ =	shalt  }
0x5c: {  	_ =	shalt  }
0x5d: {  	_ =	shalt  }
0x5e: {  	_ =	shalt  }
0x5f: {  	_ =	shalt  }
0x60: {  	_ =	shalt  }
0x61: {  	_ =	shalt  }
0x62: {  	_ =	shalt  }
0x63: {  	_ =	shalt  }
0x64: {  	_ =	shalt  }
0x65: {  	_ =	shalt  }
0x66: {  	_ =	shalt  }
0x67: {  	_ =	shalt  }
0x68: {  	_ =	shalt  }
0x69: {  	_ =	shalt  }
0x6a: {  	_ =	shalt  }
0x6b: {  	_ =	shalt  }
0x6c: {  	_ =	shalt  }
0x6d: {  	_ =	shalt  }
0x6e: {  	_ =	shalt  }
0x6f: {  	_ =	shalt  }
0x70: {  	_ =	shalt  }
0x71: {  	_ =	shalt  }
0x72: {  	_ =	shalt  }
0x73: {  	_ =	shalt  }
0x74: {  	_ =	shalt  }
0x75: {  	_ =	shalt  }
0x76: {  	_ =	shalt  }
0x77: {  	_ =	shalt  }
0x78: {  	_ =	shalt  }
0x79: {  	_ =	shalt  }
0x7a: {  	_ =	shalt  }
0x7b: {  	_ =	shalt  }
0x7c: {  	_ =	shalt  }
0x7d: {  	_ =	shalt  }
0x7e: {  	_ =	shalt  }
0x7f: {  	_ =	shalt  }
0x80: {  	_ =	shalt  }
0x81: {  	_ =	shalt  }
0x82: {  	_ =	shalt  }
0x83: {  	_ =	shalt  }
0x84: {  	_ =	shalt  }
0x85: {  	_ =	shalt  }
0x86: {  	_ =	shalt  }
0x87: {  	_ =	shalt  }
.Lfunc_end0:
.L_simem_size_0:
called_computation.1_lowered:
.L_overlay_start_0:
0x88: {  	s2 =	sld [smem:$0x3FD9]  }
0x89: {  	s3 =	sld [smem:$0x3FFE];
	_ =	sdelay $0x1  }
0x8a: {  	s1 =	srdreg.scid  }
0x8b: {  	s0 =	sand.u32 $0x1, s1  }
0x8c: {  	s15 =	sshll.u32 s0, $0xA;
	s2 =	sadd.s32 s3, s2  }
0x8d: {  	s2 =	sadd.s32 s2, s15  }
0x8e: {  	[smem:$0x3FB1] =	sst s2  }
0x8f: {  	_ = 	snop  }
0x90: {  	s2 =	sld [smem:$0x3FD0];
	_ =	sdelay $0x2  }
0x91: {  	s4 =	simm.s32 $0xB;
	s16 =	simm.s32 $0x10  }
0x92: {  	[smem:s16], [sflag:s4] =	dma.local [hbm:s2], $0x1  }
0x93: {  	_ =	swait.eq [sflag:s4], $0x1  }
0x94: {  	[sflag:s4] =	ssyncset.done $0x0  }
0x95: {  	s17 =	sld [smem:$0x10];
	[sflag:s4] =	ssyncadd.s32 $0xFFFFFFFF  }
0x96: {  	s18 =	sld [smem:$0x11];
	(tm) =	ssettm $0x1  }
0x97: {  	s19 =	sld [smem:$0x3FFB];
	_ =	sdelay $0x3  }
0x98: {  	_ =	strace s19  }
0x99: {  	s2 =	sld [smem:$0x3FFC];
	_ =	sdelay $0x3  }
0x9a: {  	_ =	strace s2  }
0x9b: {  	s2 =	sld [smem:$0x3FFD];
	_ =	sdelay $0x3  }
0x9c: {  	_ =	strace s2  }
0x9d: {  	_ =	strace $0x8FFFFFFF  }
0x9e: {  	s20 =	sld [smem:$0x3FDB];
	_ =	sdelay $0x1  }
0x9f: {  	s5 =	simm.s32 $_scs_section_size  }
0xa0: {  	s6 =	simm.s32 $_size__tile_overlayer_lowered;
	s7 =	simm.s32 $_tile_overlayer_lowered  }
0xa1: {  	s8 =	simm.s32 $0x1BFF;
	s21 =	sshll.u32 s7, $0x1;
	s5 =	sadd.s32 s5, s20  }
0xa2: {  	s22 =	simm.s32 $0x0;
	s6 =	sshll.u32 s6, $0x1;
	s7 =	sadd.s32 s21, s5  }
0xa3: {  	[timem:s22], [sflag:s8] =	dma.local [hbm:s7], s6  }
0xa4: {  	_ =	swait.ge [sflag:s8], s6  }
0xa5: {  	s6 =	ssub.s32 $0x0, s6;
	[sflag:s8] =	ssyncset.done $0x0  }
0xa6: {  	[sflag:s8] =	ssyncadd.s32 s6;
	_ =	sdelay $0x1  }
0xa7: {  	s23 =	simm.s32 $0x1B8B  }
0xa8: {  	_ =	swait.ge [sflag:s23], $0x1  }
0xa9: {  	[sflag:s23] =	ssyncset.done $0x0  }
0xaa: {  	[sflag:s23] =	ssyncadd.s32 $0xFFFFFFFF  }
0xab: {  	s6 =	sld [smem:$0x0]  }
0xac: {  	s7 =	sand.u32 $0xFFFFFFFE, s1  }
0xad: {  	p0 =	sne.s32 s1, s7  }
0xae: {  	s7 =	sshll.u32 @p0 s7, $0xE  }
0xaf: {  	s7 =	sadd.s32 @p0 $0x11B8D, s7;
	s8 =	sshll.u32 @p0 s6, $0x11  }
0xb0: {  	s7 =	sor.u32 @p0 s8, s7  }
0xb1: {  	[sflag:s7] =	ssyncadd.remote.s32 @p0 $0x1;
	_ =	sdelay $0x1  }
0xb2: {  	s7 =	simm.s32 @p0 $0x1B8D  }
0xb3: {  	_ =	swait.eq @p0 [sflag:s7], $0x1  }
0xb4: {  	[sflag:s7] =	ssyncadd.s32 @p0 $0xFFFFFFFF  }
0xb5: {  	s8 =	sshll.u32 @!p0 s1, $0xE  }
0xb6: {  	s8 =	sor.u32 @!p0 $0x4000, s8;
	s7 =	simm.s32 @!p0 $0x1B8D  }
0xb7: {  	s6 =	sshll.u32 @!p0 s6, $0x11;
	s8 =	sadd.s32 @!p0 $0x11B8D, s8;
	_ =	swait.eq @!p0 [sflag:s7], $0x1  }
0xb8: {  	s6 =	sor.u32 @!p0 s6, s8;
	[sflag:s7] =	ssyncadd.s32 @!p0 $0xFFFFFFFF  }
0xb9: {  	s25 =	simm.s32 $0x1B8E;
	s24 =	sld [smem:$0x3FFE];
	[sflag:s6] =	ssyncadd.remote.s32 @!p0 $0x1  }
0xba: {  	s26 =	simm.s32 $execute0_lowered;
	[smem:$0x3FD2] =	sst s25  }
0xbb: {  	s7 =	sshll.u32 s26, $0x1;
	_ =	strace $0x80000049;
	[dreg:$0x1] =	wrdreg $0xFFFFFFFF  }
0xbc: {  	s28 =	simm.s32 $_size_execute0_lowered;
	s5 =	sadd.s32 s5, s7;
	[dreg:$0x0] =	wrdreg $0x0  }
0xbd: {  	s7 =	sshll.u32 s28, $0x1;
	[dreg:$0x2] =	wrdreg s5  }
0xbe: {  	[dreg:$0x3] =	wrdreg s7  }
0xbf: {  	[dreg:$0x4] =	wrdreg $0xC0  }
0xc0: {  	_ =	task [dreg:s22], $0x5FFFF  }
0xc1: {  	[dreg:$0x1] =	wrdreg $0xFFFFFFFF  }
0xc2: {  	[dreg:$0x0] =	wrdreg $0x60  }
0xc3: {  	[dreg:$0x2] =	wrdreg s24  }
0xc4: {  	[dreg:$0x3] =	wrdreg s18  }
0xc5: {  	[dreg:$0x4] =	wrdreg s17  }
0xc6: {  	[dreg:$0x5] =	wrdreg $0x0  }
0xc7: {  	[dreg:$0x6] =	wrdreg $0xA  }
0xc8: {  	_ =	task.clear_ibuf [dreg:s22], $0x7FFFF;
	_ =	strace $0x90000049  }
0xc9: {  	s29 =	simm.s32 $0xA;
	_ =	strace $0x8000004B  }
0xca: {  	_ =	swait.ge [sflag:s29], $0x1  }
0xcb: {  	[sflag:s29] =	ssyncadd.s32 $0xFFFFFFFF  }
0xcc: {  	_ =	strace $0x9000004B  }
0xcd: {  	_ =	sfence  }
0xce: {  	s30 =	sld [smem:$0x0];
	_ =	sdelay $0x2  }
0xcf: {  	s31 =	sshll.u32 s1, $0xD;
	s1 =	sshrl.u32 s1, $0x2  }
0xd0: {  	s4 =	sand.u32 $0x4000, s31;
	s1 =	sadd.s32 s1, s30  }
0xd1: {  	s0 =	sor.u32 s4, s0;
	s1 =	sshll.u32 s1, $0x11  }
0xd2: {  	s0 =	sor.u32 s1, s0  }
0xd3: {  	s0 =	sadd.s32 $0x8F2B, s0  }
0xd4: {  	[sflag:s0] =	ssyncadd.remote.s32 $0x1  }
0xd5: {  	_ =	sfence.sel $0xFFFF  }
0xd6: {  	[dreg:$0x0] =	wrdreg $0xFFFFFFFF;
	(pc) =	sbr.abs _section_cstart, $3  }
0xd7: {  	[dreg:$0x1] =	wrdreg $0xFFFFFFFF  }
0xd8: {  	_ =	task.clear_ibuf [dreg:s22], $0x2FFFF;
	_ =	strace $0x9FFFFFFF  }
0xd9: {  	(tm) =	ssettm $0x7FFFFFFF  }
tec
execute0_lowered:
.L_overlay_start_1:
0x0: {  	(tag) =	ssettag $0x1  }
0x1: {  	s4 =	rddreg [dreg:$0x0]  }
0x2: {  	s5 =	rddreg [dreg:$0x1]  }
0x3: {  	s6 =	rddreg [dreg:$0x2]  }
0x4: {  	s2 =	rddreg [dreg:$0x3]  }
0x5: {  	s1 =	stileid.u32;
	s0 =	srdreg.scid;
	s3 =	simm.s32 $0x0  }
0x6: {  	s7 =	smul.u32 $0xA000, s1;
	s0 =	sand.u32 $0x1, s0;
	s8 =	sshll.u32 s1, $0x1  }
0x7: {  	[smem:$0x7FF] =	sst s3;
	s8 =	sor.u32 s0, s8  }
0x8: {  	s11 =	sshll.u32 s1, $0x6;
	s9 =	sshrl.u32 s7, $0x3;
	s10 =	smul.u32 $0xA0000, s8  }
0x9: {  	s12 =	sor.u32 $0x1C05, s11;
	s8 =	smul.u32 $0x280, s8;
	s9 =	sadd.s32 s9, s4  }
0xa: {  	_ =	strace $0x8000004A;
	[dreg:$0x6] =	wrdreg s12;
	s9 =	sadd.s32 $0xD1E00, s9  }
0xb: {  	s12 =	sadd.s32 s7, s2;
	s5 =	sadd.s32 s5, s8;
	[dreg:$0x5] =	wrdreg s9  }
0xc: {  	s10 =	sshrl.u32 s10, $0x3;
	s13 =	sadd.s32 s6, s8;
	[dreg:$0x7] =	wrdreg s5  }
0xd: {  	s4 =	sadd.s32 s10, s4;
	[dreg:$0x8] =	wrdreg s13;
	s13 =	sshrl.u32 s12, $0x3  }
0xe: {  	s14 =	sadd.s32 $0xE5E00, s4;
	[dreg:$0x1d] =	wrdreg s13  }
0xf: {  	s15 =	sadd.s32 $0xE7E00, s4;
	[dreg:$0x9] =	wrdreg s14  }
0x10: {  	s16 =	sadd.s32 $0xE9E00, s4;
	[dreg:$0xa] =	wrdreg s15  }
0x11: {  	s17 =	sadd.s32 $0xEBE00, s4;
	[dreg:$0xb] =	wrdreg s16  }
0x12: {  	s18 =	sadd.s32 $0xEDE00, s4;
	[dreg:$0xc] =	wrdreg s17  }
0x13: {  	s19 =	sadd.s32 $0xEFE00, s4;
	[dreg:$0xd] =	wrdreg s18  }
0x14: {  	s20 =	sadd.s32 $0xF1E00, s4;
	[dreg:$0xe] =	wrdreg s19  }
0x15: {  	s21 =	sadd.s32 $0xF3E00, s4;
	[dreg:$0xf] =	wrdreg s20  }
0x16: {  	s22 =	sadd.s32 $0xF5E00, s4;
	[dreg:$0x10] =	wrdreg s21  }
0x17: {  	s23 =	sadd.s32 $0xF7E00, s4;
	[dreg:$0x11] =	wrdreg s22  }
0x18: {  	s24 =	sadd.s32 $0xE5E08, s4;
	[dreg:$0x12] =	wrdreg s23  }
0x19: {  	s25 =	sadd.s32 $0xE7E08, s4;
	[dreg:$0x13] =	wrdreg s24  }
0x1a: {  	s26 =	sadd.s32 $0xE9E08, s4;
	[dreg:$0x14] =	wrdreg s25  }
0x1b: {  	s1 =	sadd.s32 $0xEBE08, s4;
	[dreg:$0x15] =	wrdreg s26  }
0x1c: {  	s6 =	sadd.s32 $0xEDE08, s4;
	[dreg:$0x16] =	wrdreg s1  }
0x1d: {  	s8 =	sadd.s32 $0xEFE08, s4;
	[dreg:$0x17] =	wrdreg s6  }
0x1e: {  	s9 =	sadd.s32 $0xF1E08, s4;
	[dreg:$0x18] =	wrdreg s8  }
0x1f: {  	s10 =	sadd.s32 $0xF3E08, s4;
	[dreg:$0x19] =	wrdreg s9  }
0x20: {  	s11 =	sadd.s32 $0xF5E08, s4;
	[dreg:$0x1a] =	wrdreg s10  }
0x21: {  	s4 =	sadd.s32 $0xF7E08, s4;
	[dreg:$0x1b] =	wrdreg s11  }
0x22: {  	[dreg:$0x1c] =	wrdreg s4  }
0x23: {  	s15 =	rddreg [dreg:$0x1d]  }
0x24: {  	s16 =	rddreg [dreg:$0x6]  }
0x25: {  	s14 =	simm.s32 $0xA200;
	s18 =	rddreg [dreg:$0x5]  }
0x26: {  	s17 =	simm.s32 $0xA400;
	[dreg:$0x1e] =	wrdreg s14  }
0x27: {  	s19 =	simm.s32 $0xA600;
	[dreg:$0x1f] =	wrdreg s17  }
0x28: {  	s4 =	simm.s32 $0x5;
	[smem:$0x7FD] =	sst s19  }
0x29: {  	[spmem:s15], [sflag:s16] =	dma.local [hbm:s18], $0x1400  }
0x2a: {  	_ =	swait.ge [sflag:s4], $0x1400  }
0x2b: {  	[sflag:s4] =	ssyncset.done $0x0  }
0x2c: {  	s5 =	simm.s32 $0xA000;
	s20 =	rddreg [dreg:$0x7];
	[sflag:s4] =	ssyncadd.s32 $0xFFFFEC00  }
0x2d: {  	[tilespmem:s5], [sflag:$0x5] =	stream.linear.gather [hbm4b:s20+s3], $0x1400, $0x38;
	[tilespmem:$0x1C800] =	vst v63  }
0x2e: {  	_ =	swait.ge [sflag:s4], $0x1400  }
0x2f: {  	[sflag:s4] =	ssyncset.done $0x0  }
0x30: {  	s6 =	simm.s32 $0xB400;
	s21 =	rddreg [dreg:$0x8];
	[sflag:s4] =	ssyncadd.s32 $0xFFFFEC00  }
0x31: {  	[tilespmem:s6], [sflag:$0x5] =	stream.linear.gather [hbm4b:s21+s3], $0x1400, $0x38;
	[tilespmem:$0x1C800] =	vst v63  }
0x32: {  	_ =	swait.ge [sflag:s4], $0x1400  }
0x33: {  	[sflag:s4] =	ssyncset.done $0x0  }
0x34: {  	[sflag:s4] =	ssyncadd.s32 $0xFFFFEC00  }
0x35: {  	s7 =	simm.s32 $0x200;
	s8 =	simm.s32 $0xC800;
	[bflag:$0x0] =	sbarrier.arrive $0xFFFF  }
0x36: {  	[tilespmem:s8], [sflag:$0x1] =	stream.indirect.gather [spmem:s2], $0x40, s5, s7, $0xb8;
	[tilespmem:$0x1C800] =	vst v63  }
0x37: {  	s9 =	simm.s32 $0x14800;
	s10 =	simm.s32 $0x1;
	s22 =	rddreg [dreg:$0x1e]  }
0x38: {  	[tilespmem:s9], [sflag:$0x2] =	stream.indirect.gather [spmem:s2], $0x40, s22, s7, $0xb8;
	[tilespmem:$0x1C800] =	vst v63  }
0x39: {  	_ =	swait.ge [sflag:s10], $0x8000  }
0x3a: {  	s12 =	simm.s32 $0x80;
	s13 =	simm.s32 $0x3;
	[sflag:s10] =	ssyncset.done $0x0  }
0x3b: {  	s11 =	simm.s32 $0x40;
	s14 =	rddreg [dreg:$0x9];
	[sflag:s10] =	ssyncadd.s32 $0xFFFF8000  }
0x3c: {  	[hbm4b:s14+s11] =	stream.strided.scatter [tilespmem:s8], [sflag:$0x3], $0x8000, s12, s11, $0x38;
	[tilespmem:$0x1C800] =	vst v63  }
0x3d: {  	_ =	swait.ge [sflag:s13], $0x8000  }
0x3e: {  	[sflag:s13] =	ssyncset.done $0x0  }
0x3f: {  	s14 =	simm.s32 $0x2;
	s15 =	rddreg [dreg:$0x1f];
	[sflag:s13] =	ssyncadd.s32 $0xFFFF8000  }
0x40: {  	[tilespmem:s8], [sflag:$0x1] =	stream.indirect.gather [spmem:s2], $0x40, s15, s7, $0xb8;
	[tilespmem:$0x1C800] =	vst v63  }
0x41: {  	_ =	swait.ge [sflag:s14], $0x8000  }
0x42: {  	[sflag:s14] =	ssyncset.done $0x0  }
0x43: {  	s15 =	simm.s32 $0x4;
	s16 =	rddreg [dreg:$0xa];
	[sflag:s14] =	ssyncadd.s32 $0xFFFF8000  }
0x44: {  	[hbm4b:s16+s11] =	stream.strided.scatter [tilespmem:s9], [sflag:$0x4], $0x8000, s12, s11, $0x38;
	[tilespmem:$0x1C800] =	vst v63  }
0x45: {  	_ =	swait.ge [sflag:s15], $0x8000  }
0x46: {  	s23 =	sld [smem:$0x7FD]  }
0x47: {  	[sflag:s15] =	ssyncset.done $0x0  }
0x48: {  	[sflag:s15] =	ssyncadd.s32 $0xFFFF8000  }
0x49: {  	[tilespmem:s9], [sflag:$0x2] =	stream.indirect.gather [spmem:s2], $0x40, s23, s7, $0xb8;
	[tilespmem:$0x1C800] =	vst v63  }
0x4a: {  	_ =	swait.ge [sflag:s10], $0x8000  }
0x4b: {  	[sflag:s10] =	ssyncset.done $0x0  }
0x4c: {  	s24 =	rddreg [dreg:$0xb];
	[sflag:s10] =	ssyncadd.s32 $0xFFFF8000  }
0x4d: {  	[hbm4b:s24+s11] =	stream.strided.scatter [tilespmem:s8], [sflag:$0x3], $0x8000, s12, s11, $0x38;
	[tilespmem:$0x1C800] =	vst v63  }
0x4e: {  	_ =	swait.ge [sflag:s13], $0x8000  }
0x4f: {  	[sflag:s13] =	ssyncset.done $0x0  }
0x50: {  	s25 =	simm.s32 $0xA800;
	[sflag:s13] =	ssyncadd.s32 $0xFFFF8000  }
0x51: {  	[tilespmem:s8], [sflag:$0x1] =	stream.indirect.gather [spmem:s2], $0x40, s25, s7, $0xb8;
	[tilespmem:$0x1C800] =	vst v63  }
0x52: {  	_ =	swait.ge [sflag:s14], $0x8000  }
0x53: {  	[sflag:s14] =	ssyncset.done $0x0  }
0x54: {  	s17 =	rddreg [dreg:$0xc];
	[sflag:s14] =	ssyncadd.s32 $0xFFFF8000  }
0x55: {  	[hbm4b:s17+s11] =	stream.strided.scatter [tilespmem:s9], [sflag:$0x4], $0x8000, s12, s11, $0x38;
	[tilespmem:$0x1C800] =	vst v63  }
0x56: {  	_ =	swait.ge [sflag:s15], $0x8000  }
0x57: {  	[sflag:s15] =	ssyncset.done $0x0  }
0x58: {  	s26 =	simm.s32 $0xAA00;
	[sflag:s15] =	ssyncadd.s32 $0xFFFF8000  }
0x59: {  	[tilespmem:s9], [sflag:$0x2] =	stream.indirect.gather [spmem:s2], $0x40, s26, s7, $0xb8;
	[tilespmem:$0x1C800] =	vst v63  }
0x5a: {  	_ =	swait.ge [sflag:s10], $0x8000  }
0x5b: {  	[sflag:s10] =	ssyncset.done $0x0  }
0x5c: {  	s18 =	rddreg [dreg:$0xd];
	[sflag:s10] =	ssyncadd.s32 $0xFFFF8000  }
0x5d: {  	[hbm4b:s18+s11] =	stream.strided.scatter [tilespmem:s8], [sflag:$0x3], $0x8000, s12, s11, $0x38;
	[tilespmem:$0x1C800] =	vst v63  }
0x5e: {  	_ =	swait.ge [sflag:s13], $0x8000  }
0x5f: {  	[sflag:s13] =	ssyncset.done $0x0  }
0x60: {  	s18 =	simm.s32 $0xAC00;
	[sflag:s13] =	ssyncadd.s32 $0xFFFF8000  }
0x61: {  	[tilespmem:s8], [sflag:$0x1] =	stream.indirect.gather [spmem:s2], $0x40, s18, s7, $0xb8;
	[tilespmem:$0x1C800] =	vst v63  }
0x62: {  	_ =	swait.ge [sflag:s14], $0x8000  }
0x63: {  	[sflag:s14] =	ssyncset.done $0x0  }
0x64: {  	s19 =	rddreg [dreg:$0xe];
	[sflag:s14] =	ssyncadd.s32 $0xFFFF8000  }
0x65: {  	[hbm4b:s19+s11] =	stream.strided.scatter [tilespmem:s9], [sflag:$0x4], $0x8000, s12, s11, $0x38;
	[tilespmem:$0x1C800] =	vst v63  }
0x66: {  	_ =	swait.ge [sflag:s15], $0x8000  }
0x67: {  	[sflag:s15] =	ssyncset.done $0x0  }
0x68: {  	s19 =	simm.s32 $0xAE00;
	[sflag:s15] =	ssyncadd.s32 $0xFFFF8000  }
0x69: {  	[tilespmem:s9], [sflag:$0x2] =	stream.indirect.gather [spmem:s2], $0x40, s19, s7, $0xb8;
	[tilespmem:$0x1C800] =	vst v63  }
0x6a: {  	_ =	swait.ge [sflag:s10], $0x8000  }
0x6b: {  	[sflag:s10] =	ssyncset.done $0x0  }
0x6c: {  	s20 =	rddreg [dreg:$0xf];
	[sflag:s10] =	ssyncadd.s32 $0xFFFF8000  }
0x6d: {  	[hbm4b:s20+s11] =	stream.strided.scatter [tilespmem:s8], [sflag:$0x3], $0x8000, s12, s11, $0x38;
	[tilespmem:$0x1C800] =	vst v63  }
0x6e: {  	_ =	swait.ge [sflag:s13], $0x8000  }
0x6f: {  	[sflag:s13] =	ssyncset.done $0x0  }
0x70: {  	s20 =	simm.s32 $0xB000;
	[sflag:s13] =	ssyncadd.s32 $0xFFFF8000  }
0x71: {  	[tilespmem:s8], [sflag:$0x1] =	stream.indirect.gather [spmem:s2], $0x40, s20, s7, $0xb8;
	[tilespmem:$0x1C800] =	vst v63  }
0x72: {  	_ =	swait.ge [sflag:s14], $0x8000  }
0x73: {  	[sflag:s14] =	ssyncset.done $0x0  }
0x74: {  	s21 =	rddreg [dreg:$0x10];
	[sflag:s14] =	ssyncadd.s32 $0xFFFF8000  }
0x75: {  	[hbm4b:s21+s11] =	stream.strided.scatter [tilespmem:s9], [sflag:$0x4], $0x8000, s12, s11, $0x38;
	[tilespmem:$0x1C800] =	vst v63  }
0x76: {  	_ =	swait.ge [sflag:s15], $0x8000  }
0x77: {  	[sflag:s15] =	ssyncset.done $0x0  }
0x78: {  	s21 =	simm.s32 $0xB200;
	[sflag:s15] =	ssyncadd.s32 $0xFFFF8000  }
0x79: {  	[tilespmem:s9], [sflag:$0x2] =	stream.indirect.gather [spmem:s2], $0x40, s21, s7, $0xb8;
	[tilespmem:$0x1C800] =	vst v63  }
0x7a: {  	_ =	swait.ge [sflag:s10], $0x8000  }
0x7b: {  	[sflag:s10] =	ssyncset.done $0x0  }
0x7c: {  	s22 =	rddreg [dreg:$0x11];
	[sflag:s10] =	ssyncadd.s32 $0xFFFF8000  }
0x7d: {  	[hbm4b:s22+s11] =	stream.strided.scatter [tilespmem:s8], [sflag:$0x3], $0x8000, s12, s11, $0x38;
	[tilespmem:$0x1C800] =	vst v63  }
0x7e: {  	_ =	swait.ge [sflag:s13], $0x8000  }
0x7f: {  	[sflag:s13] =	ssyncset.done $0x0  }
0x80: {  	[sflag:s13] =	ssyncadd.s32 $0xFFFF8000  }
0x81: {  	[tilespmem:s8], [sflag:$0x1] =	stream.indirect.gather [spmem:s2], $0x40, s6, s7, $0xb8;
	[tilespmem:$0x1C800] =	vst v63  }
0x82: {  	_ =	swait.ge [sflag:s14], $0x8000  }
0x83: {  	[sflag:s14] =	ssyncset.done $0x0  }
0x84: {  	s16 =	rddreg [dreg:$0x12];
	[sflag:s14] =	ssyncadd.s32 $0xFFFF8000  }
0x85: {  	[hbm4b:s16+s11] =	stream.strided.scatter [tilespmem:s9], [sflag:$0x4], $0x8000, s12, s11, $0x38;
	[tilespmem:$0x1C800] =	vst v63  }
0x86: {  	_ =	swait.ge [sflag:s15], $0x8000  }
0x87: {  	[sflag:s15] =	ssyncset.done $0x0  }
0x88: {  	s22 =	simm.s32 $0xB600;
	[sflag:s15] =	ssyncadd.s32 $0xFFFF8000  }
0x89: {  	[tilespmem:s9], [sflag:$0x2] =	stream.indirect.gather [spmem:s2], $0x40, s22, s7, $0xb8;
	[tilespmem:$0x1C800] =	vst v63  }
0x8a: {  	_ =	swait.ge [sflag:s10], $0x8000  }
0x8b: {  	[sflag:s10] =	ssyncset.done $0x0  }
0x8c: {  	s23 =	rddreg [dreg:$0x13];
	[sflag:s10] =	ssyncadd.s32 $0xFFFF8000  }
0x8d: {  	[hbm4b:s23+s11] =	stream.strided.scatter [tilespmem:s8], [sflag:$0x3], $0x8000, s12, s11, $0x38;
	[tilespmem:$0x1C800] =	vst v63  }
0x8e: {  	_ =	swait.ge [sflag:s13], $0x8000  }
0x8f: {  	[sflag:s13] =	ssyncset.done $0x0  }
0x90: {  	s23 =	simm.s32 $0xB800;
	[sflag:s13] =	ssyncadd.s32 $0xFFFF8000  }
0x91: {  	[tilespmem:s8], [sflag:$0x1] =	stream.indirect.gather [spmem:s2], $0x40, s23, s7, $0xb8;
	[tilespmem:$0x1C800] =	vst v63  }
0x92: {  	_ =	swait.ge [sflag:s14], $0x8000  }
0x93: {  	[sflag:s14] =	ssyncset.done $0x0  }
0x94: {  	s24 =	rddreg [dreg:$0x14];
	[sflag:s14] =	ssyncadd.s32 $0xFFFF8000  }
0x95: {  	[hbm4b:s24+s11] =	stream.strided.scatter [tilespmem:s9], [sflag:$0x4], $0x8000, s12, s11, $0x38;
	[tilespmem:$0x1C800] =	vst v63  }
0x96: {  	_ =	swait.ge [sflag:s15], $0x8000  }
0x97: {  	[sflag:s15] =	ssyncset.done $0x0  }
0x98: {  	s24 =	simm.s32 $0xBA00;
	[sflag:s15] =	ssyncadd.s32 $0xFFFF8000  }
0x99: {  	[tilespmem:s9], [sflag:$0x2] =	stream.indirect.gather [spmem:s2], $0x40, s24, s7, $0xb8;
	[tilespmem:$0x1C800] =	vst v63  }
0x9a: {  	_ =	swait.ge [sflag:s10], $0x8000  }
0x9b: {  	[sflag:s10] =	ssyncset.done $0x0  }
0x9c: {  	s25 =	rddreg [dreg:$0x15];
	[sflag:s10] =	ssyncadd.s32 $0xFFFF8000  }
0x9d: {  	[hbm4b:s25+s11] =	stream.strided.scatter [tilespmem:s8], [sflag:$0x3], $0x8000, s12, s11, $0x38;
	[tilespmem:$0x1C800] =	vst v63  }
0x9e: {  	_ =	swait.ge [sflag:s13], $0x8000  }
0x9f: {  	[sflag:s13] =	ssyncset.done $0x0  }
0xa0: {  	s25 =	simm.s32 $0xBC00;
	[sflag:s13] =	ssyncadd.s32 $0xFFFF8000  }
0xa1: {  	[tilespmem:s8], [sflag:$0x1] =	stream.indirect.gather [spmem:s2], $0x40, s25, s7, $0xb8;
	[tilespmem:$0x1C800] =	vst v63  }
0xa2: {  	_ =	swait.ge [sflag:s14], $0x8000  }
0xa3: {  	[sflag:s14] =	ssyncset.done $0x0  }
0xa4: {  	s26 =	rddreg [dreg:$0x16];
	[sflag:s14] =	ssyncadd.s32 $0xFFFF8000  }
0xa5: {  	[hbm4b:s26+s11] =	stream.strided.scatter [tilespmem:s9], [sflag:$0x4], $0x8000, s12, s11, $0x38;
	[tilespmem:$0x1C800] =	vst v63  }
0xa6: {  	_ =	swait.ge [sflag:s15], $0x8000  }
0xa7: {  	[sflag:s15] =	ssyncset.done $0x0  }
0xa8: {  	s26 =	simm.s32 $0xBE00;
	[sflag:s15] =	ssyncadd.s32 $0xFFFF8000  }
0xa9: {  	[tilespmem:s9], [sflag:$0x2] =	stream.indirect.gather [spmem:s2], $0x40, s26, s7, $0xb8;
	[tilespmem:$0x1C800] =	vst v63  }
0xaa: {  	_ =	swait.ge [sflag:s10], $0x8000  }
0xab: {  	[sflag:s10] =	ssyncset.done $0x0  }
0xac: {  	s28 =	rddreg [dreg:$0x17];
	[sflag:s10] =	ssyncadd.s32 $0xFFFF8000  }
0xad: {  	[hbm4b:s28+s11] =	stream.strided.scatter [tilespmem:s8], [sflag:$0x3], $0x8000, s12, s11, $0x38;
	[tilespmem:$0x1C800] =	vst v63  }
0xae: {  	_ =	swait.ge [sflag:s13], $0x8000  }
0xaf: {  	[sflag:s13] =	ssyncset.done $0x0  }
0xb0: {  	s28 =	simm.s32 $0xC000;
	[sflag:s13] =	ssyncadd.s32 $0xFFFF8000  }
0xb1: {  	[tilespmem:s8], [sflag:$0x1] =	stream.indirect.gather [spmem:s2], $0x40, s28, s7, $0xb8;
	[tilespmem:$0x1C800] =	vst v63  }
0xb2: {  	_ =	swait.ge [sflag:s14], $0x8000  }
0xb3: {  	[sflag:s14] =	ssyncset.done $0x0  }
0xb4: {  	s29 =	rddreg [dreg:$0x18];
	[sflag:s14] =	ssyncadd.s32 $0xFFFF8000  }
0xb5: {  	[hbm4b:s29+s11] =	stream.strided.scatter [tilespmem:s9], [sflag:$0x4], $0x8000, s12, s11, $0x38;
	[tilespmem:$0x1C800] =	vst v63  }
0xb6: {  	_ =	swait.ge [sflag:s15], $0x8000  }
0xb7: {  	[sflag:s15] =	ssyncset.done $0x0  }
0xb8: {  	s29 =	simm.s32 $0xC200;
	[sflag:s15] =	ssyncadd.s32 $0xFFFF8000  }
0xb9: {  	[tilespmem:s9], [sflag:$0x2] =	stream.indirect.gather [spmem:s2], $0x40, s29, s7, $0xb8;
	[tilespmem:$0x1C800] =	vst v63  }
0xba: {  	_ =	swait.ge [sflag:s10], $0x8000  }
0xbb: {  	[sflag:s10] =	ssyncset.done $0x0  }
0xbc: {  	s30 =	rddreg [dreg:$0x19];
	[sflag:s10] =	ssyncadd.s32 $0xFFFF8000  }
0xbd: {  	[hbm4b:s30+s11] =	stream.strided.scatter [tilespmem:s8], [sflag:$0x3], $0x8000, s12, s11, $0x38;
	[tilespmem:$0x1C800] =	vst v63  }
0xbe: {  	_ =	swait.ge [sflag:s13], $0x8000  }
0xbf: {  	[sflag:s13] =	ssyncset.done $0x0  }
0xc0: {  	s30 =	simm.s32 $0xC400;
	[sflag:s13] =	ssyncadd.s32 $0xFFFF8000  }
0xc1: {  	[tilespmem:s8], [sflag:$0x1] =	stream.indirect.gather [spmem:s2], $0x40, s30, s7, $0xb8;
	[tilespmem:$0x1C800] =	vst v63  }
0xc2: {  	_ =	swait.ge [sflag:s14], $0x8000  }
0xc3: {  	[sflag:s14] =	ssyncset.done $0x0  }
0xc4: {  	s31 =	rddreg [dreg:$0x1a];
	[sflag:s14] =	ssyncadd.s32 $0xFFFF8000  }
0xc5: {  	[hbm4b:s31+s11] =	stream.strided.scatter [tilespmem:s9], [sflag:$0x4], $0x8000, s12, s11, $0x38;
	[tilespmem:$0x1C800] =	vst v63  }
0xc6: {  	_ =	swait.ge [sflag:s15], $0x8000  }
0xc7: {  	[sflag:s15] =	ssyncset.done $0x0  }
0xc8: {  	s31 =	simm.s32 $0xC600;
	[sflag:s15] =	ssyncadd.s32 $0xFFFF8000  }
0xc9: {  	[tilespmem:s9], [sflag:$0x2] =	stream.indirect.gather [spmem:s2], $0x40, s31, s7, $0xb8;
	[tilespmem:$0x1C800] =	vst v63  }
0xca: {  	_ =	swait.ge [sflag:s10], $0x8000  }
0xcb: {  	[sflag:s10] =	ssyncset.done $0x0  }
0xcc: {  	s0 =	ssub.s32 $0x2, s0;
	s17 =	rddreg [dreg:$0x1b];
	[sflag:s10] =	ssyncadd.s32 $0xFFFF8000  }
0xcd: {  	[hbm4b:s17+s11] =	stream.strided.scatter [tilespmem:s8], [sflag:$0x3], $0x8000, s12, s11, $0x38;
	[tilespmem:$0x1C800] =	vst v63  }
0xce: {  	s17 =	sshrl.u32 s0, $0x1  }
0xcf: {  	_ =	swait.ge [sflag:s14], $0x8000;
	s0 =	ssub.s32 s0, s17  }
0xd0: {  	[sflag:s14] =	ssyncset.done $0x0;
	s0 =	smax.u32 s0, $0x1  }
0xd1: {  	s16 =	rddreg [dreg:$0x1c];
	[sflag:s14] =	ssyncadd.s32 $0xFFFF8000;
	p0 =	sne.s32 s0, $0x1  }
0xd2: {  	[hbm4b:s16+s11] =	stream.strided.scatter [tilespmem:s9], [sflag:$0x4], $0x8000, s12, s11, $0x38;
	[tilespmem:$0x1C800] =	vst v63  }
.Ltmp0:
0xd3: {  	_ = 	snop;
	(pc) =	sbr.rel @!p0 .LBB2_2-.Ltmp0, $4  }
0xd4: {  	_ =	swait.ge [sflag:s13], $0x8000  }
0xd5: {  	[sflag:s13] =	ssyncset.done $0x0  }
0xd6: {  	[sflag:s13] =	ssyncadd.s32 $0xFFFF8000  }
0xd7: {  	s0 =	sadd.s32 $0xFFFFFFFF, s0;
	_ =	swait.ge [sflag:s15], $0x8000  }
.LBB2_1:
0xd8: {  	s1 =	rddreg [dreg:$0x1d]  }
0xd9: {  	[sflag:s15] =	ssyncset.done $0x0;
	s16 =	rddreg [dreg:$0x6]  }
0xda: {  	s17 =	rddreg [dreg:$0x5];
	[sflag:s15] =	ssyncadd.s32 $0xFFFF8000  }
0xdb: {  	[spmem:s1], [sflag:s16] =	dma.local [hbm:s17], $0x1400  }
0xdc: {  	_ =	swait.ge [sflag:s4], $0x1400  }
0xdd: {  	[sflag:s4] =	ssyncset.done $0x0  }
0xde: {  	s17 =	rddreg [dreg:$0x7];
	[sflag:s4] =	ssyncadd.s32 $0xFFFFEC00  }
0xdf: {  	[tilespmem:s5], [sflag:$0x5] =	stream.linear.gather [hbm4b:s17+s3], $0x1400, $0x38;
	[tilespmem:$0x1C800] =	vst v63  }
0xe0: {  	_ =	swait.ge [sflag:s4], $0x1400  }
0xe1: {  	[sflag:s4] =	ssyncset.done $0x0  }
0xe2: {  	s16 =	rddreg [dreg:$0x8];
	[sflag:s4] =	ssyncadd.s32 $0xFFFFEC00  }
0xe3: {  	[tilespmem:s6], [sflag:$0x5] =	stream.linear.gather [hbm4b:s16+s3], $0x1400, $0x38;
	[tilespmem:$0x1C800] =	vst v63  }
0xe4: {  	_ =	swait.ge [sflag:s4], $0x1400  }
0xe5: {  	[sflag:s4] =	ssyncset.done $0x0  }
0xe6: {  	[sflag:s4] =	ssyncadd.s32 $0xFFFFEC00  }
0xe7: {  	[bflag:$0x0] =	sbarrier.arrive $0xFFFF  }
0xe8: {  	[tilespmem:s8], [sflag:$0x1] =	stream.indirect.gather [spmem:s2], $0x40, s5, s7, $0xb8;
	[tilespmem:$0x1C800] =	vst v63  }
0xe9: {  	s17 =	rddreg [dreg:$0x1e]  }
0xea: {  	[tilespmem:s9], [sflag:$0x2] =	stream.indirect.gather [spmem:s2], $0x40, s17, s7, $0xb8;
	[tilespmem:$0x1C800] =	vst v63  }
0xeb: {  	_ =	swait.ge [sflag:s10], $0x8000  }
0xec: {  	[sflag:s10] =	ssyncset.done $0x0  }
0xed: {  	s16 =	rddreg [dreg:$0x9];
	[sflag:s10] =	ssyncadd.s32 $0xFFFF8000  }
0xee: {  	[hbm4b:s16+s11] =	stream.strided.scatter [tilespmem:s8], [sflag:$0x3], $0x8000, s12, s11, $0x38;
	[tilespmem:$0x1C800] =	vst v63  }
0xef: {  	_ =	swait.ge [sflag:s13], $0x8000  }
0xf0: {  	[sflag:s13] =	ssyncset.done $0x0  }
0xf1: {  	s17 =	rddreg [dreg:$0x1f];
	[sflag:s13] =	ssyncadd.s32 $0xFFFF8000  }
0xf2: {  	[tilespmem:s8], [sflag:$0x1] =	stream.indirect.gather [spmem:s2], $0x40, s17, s7, $0xb8;
	[tilespmem:$0x1C800] =	vst v63  }
0xf3: {  	_ =	swait.ge [sflag:s14], $0x8000  }
0xf4: {  	[sflag:s14] =	ssyncset.done $0x0  }
0xf5: {  	s16 =	rddreg [dreg:$0xa];
	[sflag:s14] =	ssyncadd.s32 $0xFFFF8000  }
0xf6: {  	[hbm4b:s16+s11] =	stream.strided.scatter [tilespmem:s9], [sflag:$0x4], $0x8000, s12, s11, $0x38;
	[tilespmem:$0x1C800] =	vst v63  }
0xf7: {  	_ =	swait.ge [sflag:s15], $0x8000  }
0xf8: {  	s17 =	sld [smem:$0x7FD]  }
0xf9: {  	[sflag:s15] =	ssyncset.done $0x0  }
0xfa: {  	[sflag:s15] =	ssyncadd.s32 $0xFFFF8000  }
0xfb: {  	[tilespmem:s9], [sflag:$0x2] =	stream.indirect.gather [spmem:s2], $0x40, s17, s7, $0xb8;
	[tilespmem:$0x1C800] =	vst v63  }
0xfc: {  	_ =	swait.ge [sflag:s10], $0x8000  }
0xfd: {  	[sflag:s10] =	ssyncset.done $0x0  }
0xfe: {  	s16 =	rddreg [dreg:$0xb];
	[sflag:s10] =	ssyncadd.s32 $0xFFFF8000  }
0xff: {  	[hbm4b:s16+s11] =	stream.strided.scatter [tilespmem:s8], [sflag:$0x3], $0x8000, s12, s11, $0x38;
	[tilespmem:$0x1C800] =	vst v63  }
0x100: {  	_ =	swait.ge [sflag:s13], $0x8000  }
0x101: {  	[sflag:s13] =	ssyncset.done $0x0  }
0x102: {  	s17 =	simm.s32 $0xA800;
	[sflag:s13] =	ssyncadd.s32 $0xFFFF8000  }
0x103: {  	[tilespmem:s8], [sflag:$0x1] =	stream.indirect.gather [spmem:s2], $0x40, s17, s7, $0xb8;
	[tilespmem:$0x1C800] =	vst v63  }
0x104: {  	_ =	swait.ge [sflag:s14], $0x8000  }
0x105: {  	[sflag:s14] =	ssyncset.done $0x0  }
0x106: {  	s16 =	rddreg [dreg:$0xc];
	[sflag:s14] =	ssyncadd.s32 $0xFFFF8000  }
0x107: {  	[hbm4b:s16+s11] =	stream.strided.scatter [tilespmem:s9], [sflag:$0x4], $0x8000, s12, s11, $0x38;
	[tilespmem:$0x1C800] =	vst v63  }
0x108: {  	_ =	swait.ge [sflag:s15], $0x8000  }
0x109: {  	[sflag:s15] =	ssyncset.done $0x0  }
0x10a: {  	s17 =	simm.s32 $0xAA00;
	[sflag:s15] =	ssyncadd.s32 $0xFFFF8000  }
0x10b: {  	[tilespmem:s9], [sflag:$0x2] =	stream.indirect.gather [spmem:s2], $0x40, s17, s7, $0xb8;
	[tilespmem:$0x1C800] =	vst v63  }
0x10c: {  	_ =	swait.ge [sflag:s10], $0x8000  }
0x10d: {  	[sflag:s10] =	ssyncset.done $0x0  }
0x10e: {  	s16 =	rddreg [dreg:$0xd];
	[sflag:s10] =	ssyncadd.s32 $0xFFFF8000  }
0x10f: {  	[hbm4b:s16+s11] =	stream.strided.scatter [tilespmem:s8], [sflag:$0x3], $0x8000, s12, s11, $0x38;
	[tilespmem:$0x1C800] =	vst v63  }
0x110: {  	_ =	swait.ge [sflag:s13], $0x8000  }
0x111: {  	[sflag:s13] =	ssyncset.done $0x0  }
0x112: {  	[sflag:s13] =	ssyncadd.s32 $0xFFFF8000  }
0x113: {  	[tilespmem:s8], [sflag:$0x1] =	stream.indirect.gather [spmem:s2], $0x40, s18, s7, $0xb8;
	[tilespmem:$0x1C800] =	vst v63  }
0x114: {  	_ =	swait.ge [sflag:s14], $0x8000  }
0x115: {  	[sflag:s14] =	ssyncset.done $0x0  }
0x116: {  	s17 =	rddreg [dreg:$0xe];
	[sflag:s14] =	ssyncadd.s32 $0xFFFF8000  }
0x117: {  	[hbm4b:s17+s11] =	stream.strided.scatter [tilespmem:s9], [sflag:$0x4], $0x8000, s12, s11, $0x38;
	[tilespmem:$0x1C800] =	vst v63  }
0x118: {  	_ =	swait.ge [sflag:s15], $0x8000  }
0x119: {  	[sflag:s15] =	ssyncset.done $0x0  }
0x11a: {  	[sflag:s15] =	ssyncadd.s32 $0xFFFF8000  }
0x11b: {  	[tilespmem:s9], [sflag:$0x2] =	stream.indirect.gather [spmem:s2], $0x40, s19, s7, $0xb8;
	[tilespmem:$0x1C800] =	vst v63  }
0x11c: {  	_ =	swait.ge [sflag:s10], $0x8000  }
0x11d: {  	[sflag:s10] =	ssyncset.done $0x0  }
0x11e: {  	s16 =	rddreg [dreg:$0xf];
	[sflag:s10] =	ssyncadd.s32 $0xFFFF8000  }
0x11f: {  	[hbm4b:s16+s11] =	stream.strided.scatter [tilespmem:s8], [sflag:$0x3], $0x8000, s12, s11, $0x38;
	[tilespmem:$0x1C800] =	vst v63  }
0x120: {  	_ =	swait.ge [sflag:s13], $0x8000  }
0x121: {  	[sflag:s13] =	ssyncset.done $0x0  }
0x122: {  	[sflag:s13] =	ssyncadd.s32 $0xFFFF8000  }
0x123: {  	[tilespmem:s8], [sflag:$0x1] =	stream.indirect.gather [spmem:s2], $0x40, s20, s7, $0xb8;
	[tilespmem:$0x1C800] =	vst v63  }
0x124: {  	_ =	swait.ge [sflag:s14], $0x8000  }
0x125: {  	[sflag:s14] =	ssyncset.done $0x0  }
0x126: {  	s17 =	rddreg [dreg:$0x10];
	[sflag:s14] =	ssyncadd.s32 $0xFFFF8000  }
0x127: {  	[hbm4b:s17+s11] =	stream.strided.scatter [tilespmem:s9], [sflag:$0x4], $0x8000, s12, s11, $0x38;
	[tilespmem:$0x1C800] =	vst v63  }
0x128: {  	_ =	swait.ge [sflag:s15], $0x8000  }
0x129: {  	[sflag:s15] =	ssyncset.done $0x0  }
0x12a: {  	[sflag:s15] =	ssyncadd.s32 $0xFFFF8000  }
0x12b: {  	[tilespmem:s9], [sflag:$0x2] =	stream.indirect.gather [spmem:s2], $0x40, s21, s7, $0xb8;
	[tilespmem:$0x1C800] =	vst v63  }
0x12c: {  	_ =	swait.ge [sflag:s10], $0x8000  }
0x12d: {  	[sflag:s10] =	ssyncset.done $0x0  }
0x12e: {  	s16 =	rddreg [dreg:$0x11];
	[sflag:s10] =	ssyncadd.s32 $0xFFFF8000  }
0x12f: {  	[hbm4b:s16+s11] =	stream.strided.scatter [tilespmem:s8], [sflag:$0x3], $0x8000, s12, s11, $0x38;
	[tilespmem:$0x1C800] =	vst v63  }
0x130: {  	_ =	swait.ge [sflag:s13], $0x8000  }
0x131: {  	[sflag:s13] =	ssyncset.done $0x0  }
0x132: {  	[sflag:s13] =	ssyncadd.s32 $0xFFFF8000  }
0x133: {  	[tilespmem:s8], [sflag:$0x1] =	stream.indirect.gather [spmem:s2], $0x40, s6, s7, $0xb8;
	[tilespmem:$0x1C800] =	vst v63  }
0x134: {  	_ =	swait.ge [sflag:s14], $0x8000  }
0x135: {  	[sflag:s14] =	ssyncset.done $0x0  }
0x136: {  	s17 =	rddreg [dreg:$0x12];
	[sflag:s14] =	ssyncadd.s32 $0xFFFF8000  }
0x137: {  	[hbm4b:s17+s11] =	stream.strided.scatter [tilespmem:s9], [sflag:$0x4], $0x8000, s12, s11, $0x38;
	[tilespmem:$0x1C800] =	vst v63  }
0x138: {  	_ =	swait.ge [sflag:s15], $0x8000  }
0x139: {  	[sflag:s15] =	ssyncset.done $0x0  }
0x13a: {  	[sflag:s15] =	ssyncadd.s32 $0xFFFF8000  }
0x13b: {  	[tilespmem:s9], [sflag:$0x2] =	stream.indirect.gather [spmem:s2], $0x40, s22, s7, $0xb8;
	[tilespmem:$0x1C800] =	vst v63  }
0x13c: {  	_ =	swait.ge [sflag:s10], $0x8000  }
0x13d: {  	[sflag:s10] =	ssyncset.done $0x0  }
0x13e: {  	s16 =	rddreg [dreg:$0x13];
	[sflag:s10] =	ssyncadd.s32 $0xFFFF8000  }
0x13f: {  	[hbm4b:s16+s11] =	stream.strided.scatter [tilespmem:s8], [sflag:$0x3], $0x8000, s12, s11, $0x38;
	[tilespmem:$0x1C800] =	vst v63  }
0x140: {  	_ =	swait.ge [sflag:s13], $0x8000  }
0x141: {  	[sflag:s13] =	ssyncset.done $0x0  }
0x142: {  	[sflag:s13] =	ssyncadd.s32 $0xFFFF8000  }
0x143: {  	[tilespmem:s8], [sflag:$0x1] =	stream.indirect.gather [spmem:s2], $0x40, s23, s7, $0xb8;
	[tilespmem:$0x1C800] =	vst v63  }
0x144: {  	_ =	swait.ge [sflag:s14], $0x8000  }
0x145: {  	[sflag:s14] =	ssyncset.done $0x0  }
0x146: {  	s17 =	rddreg [dreg:$0x14];
	[sflag:s14] =	ssyncadd.s32 $0xFFFF8000  }
0x147: {  	[hbm4b:s17+s11] =	stream.strided.scatter [tilespmem:s9], [sflag:$0x4], $0x8000, s12, s11, $0x38;
	[tilespmem:$0x1C800] =	vst v63  }
0x148: {  	_ =	swait.ge [sflag:s15], $0x8000  }
0x149: {  	[sflag:s15] =	ssyncset.done $0x0  }
0x14a: {  	[sflag:s15] =	ssyncadd.s32 $0xFFFF8000  }
0x14b: {  	[tilespmem:s9], [sflag:$0x2] =	stream.indirect.gather [spmem:s2], $0x40, s24, s7, $0xb8;
	[tilespmem:$0x1C800] =	vst v63  }
0x14c: {  	_ =	swait.ge [sflag:s10], $0x8000  }
0x14d: {  	[sflag:s10] =	ssyncset.done $0x0  }
0x14e: {  	s16 =	rddreg [dreg:$0x15];
	[sflag:s10] =	ssyncadd.s32 $0xFFFF8000  }
0x14f: {  	[hbm4b:s16+s11] =	stream.strided.scatter [tilespmem:s8], [sflag:$0x3], $0x8000, s12, s11, $0x38;
	[tilespmem:$0x1C800] =	vst v63  }
0x150: {  	_ =	swait.ge [sflag:s13], $0x8000  }
0x151: {  	[sflag:s13] =	ssyncset.done $0x0  }
0x152: {  	[sflag:s13] =	ssyncadd.s32 $0xFFFF8000  }
0x153: {  	[tilespmem:s8], [sflag:$0x1] =	stream.indirect.gather [spmem:s2], $0x40, s25, s7, $0xb8;
	[tilespmem:$0x1C800] =	vst v63  }
0x154: {  	_ =	swait.ge [sflag:s14], $0x8000  }
0x155: {  	[sflag:s14] =	ssyncset.done $0x0  }
0x156: {  	s17 =	rddreg [dreg:$0x16];
	[sflag:s14] =	ssyncadd.s32 $0xFFFF8000  }
0x157: {  	[hbm4b:s17+s11] =	stream.strided.scatter [tilespmem:s9], [sflag:$0x4], $0x8000, s12, s11, $0x38;
	[tilespmem:$0x1C800] =	vst v63  }
0x158: {  	_ =	swait.ge [sflag:s15], $0x8000  }
0x159: {  	[sflag:s15] =	ssyncset.done $0x0  }
0x15a: {  	[sflag:s15] =	ssyncadd.s32 $0xFFFF8000  }
0x15b: {  	[tilespmem:s9], [sflag:$0x2] =	stream.indirect.gather [spmem:s2], $0x40, s26, s7, $0xb8;
	[tilespmem:$0x1C800] =	vst v63  }
0x15c: {  	_ =	swait.ge [sflag:s10], $0x8000  }
0x15d: {  	[sflag:s10] =	ssyncset.done $0x0  }
0x15e: {  	s16 =	rddreg [dreg:$0x17];
	[sflag:s10] =	ssyncadd.s32 $0xFFFF8000  }
0x15f: {  	[hbm4b:s16+s11] =	stream.strided.scatter [tilespmem:s8], [sflag:$0x3], $0x8000, s12, s11, $0x38;
	[tilespmem:$0x1C800] =	vst v63  }
0x160: {  	_ =	swait.ge [sflag:s13], $0x8000  }
0x161: {  	[sflag:s13] =	ssyncset.done $0x0  }
0x162: {  	[sflag:s13] =	ssyncadd.s32 $0xFFFF8000  }
0x163: {  	[tilespmem:s8], [sflag:$0x1] =	stream.indirect.gather [spmem:s2], $0x40, s28, s7, $0xb8;
	[tilespmem:$0x1C800] =	vst v63  }
0x164: {  	_ =	swait.ge [sflag:s14], $0x8000  }
0x165: {  	[sflag:s14] =	ssyncset.done $0x0  }
0x166: {  	s17 =	rddreg [dreg:$0x18];
	[sflag:s14] =	ssyncadd.s32 $0xFFFF8000  }
0x167: {  	[hbm4b:s17+s11] =	stream.strided.scatter [tilespmem:s9], [sflag:$0x4], $0x8000, s12, s11, $0x38;
	[tilespmem:$0x1C800] =	vst v63  }
0x168: {  	_ =	swait.ge [sflag:s15], $0x8000  }
0x169: {  	[sflag:s15] =	ssyncset.done $0x0  }
0x16a: {  	[sflag:s15] =	ssyncadd.s32 $0xFFFF8000  }
0x16b: {  	[tilespmem:s9], [sflag:$0x2] =	stream.indirect.gather [spmem:s2], $0x40, s29, s7, $0xb8;
	[tilespmem:$0x1C800] =	vst v63  }
0x16c: {  	_ =	swait.ge [sflag:s10], $0x8000  }
0x16d: {  	[sflag:s10] =	ssyncset.done $0x0  }
0x16e: {  	s16 =	rddreg [dreg:$0x19];
	[sflag:s10] =	ssyncadd.s32 $0xFFFF8000  }
0x16f: {  	[hbm4b:s16+s11] =	stream.strided.scatter [tilespmem:s8], [sflag:$0x3], $0x8000, s12, s11, $0x38;
	[tilespmem:$0x1C800] =	vst v63  }
0x170: {  	_ =	swait.ge [sflag:s13], $0x8000  }
0x171: {  	[sflag:s13] =	ssyncset.done $0x0  }
0x172: {  	[sflag:s13] =	ssyncadd.s32 $0xFFFF8000  }
0x173: {  	[tilespmem:s8], [sflag:$0x1] =	stream.indirect.gather [spmem:s2], $0x40, s30, s7, $0xb8;
	[tilespmem:$0x1C800] =	vst v63  }
0x174: {  	_ =	swait.ge [sflag:s14], $0x8000  }
0x175: {  	[sflag:s14] =	ssyncset.done $0x0  }
0x176: {  	s17 =	rddreg [dreg:$0x1a];
	[sflag:s14] =	ssyncadd.s32 $0xFFFF8000  }
0x177: {  	[hbm4b:s17+s11] =	stream.strided.scatter [tilespmem:s9], [sflag:$0x4], $0x8000, s12, s11, $0x38;
	[tilespmem:$0x1C800] =	vst v63  }
0x178: {  	_ =	swait.ge [sflag:s15], $0x8000  }
0x179: {  	[sflag:s15] =	ssyncset.done $0x0  }
0x17a: {  	[sflag:s15] =	ssyncadd.s32 $0xFFFF8000  }
0x17b: {  	[tilespmem:s9], [sflag:$0x2] =	stream.indirect.gather [spmem:s2], $0x40, s31, s7, $0xb8;
	[tilespmem:$0x1C800] =	vst v63  }
0x17c: {  	_ =	swait.ge [sflag:s10], $0x8000  }
0x17d: {  	[sflag:s10] =	ssyncset.done $0x0  }
0x17e: {  	s16 =	rddreg [dreg:$0x1b];
	[sflag:s10] =	ssyncadd.s32 $0xFFFF8000  }
0x17f: {  	[hbm4b:s16+s11] =	stream.strided.scatter [tilespmem:s8], [sflag:$0x3], $0x8000, s12, s11, $0x38;
	[tilespmem:$0x1C800] =	vst v63  }
0x180: {  	_ =	swait.ge [sflag:s14], $0x8000  }
0x181: {  	[sflag:s14] =	ssyncset.done $0x0  }
0x182: {  	p0 =	sne.s32 s0, $0x1;
	s17 =	rddreg [dreg:$0x1c];
	[sflag:s14] =	ssyncadd.s32 $0xFFFF8000  }
0x183: {  	[hbm4b:s17+s11] =	stream.strided.scatter [tilespmem:s9], [sflag:$0x4], $0x8000, s12, s11, $0x38;
	[tilespmem:$0x1C800] =	vst v63  }
.Ltmp1:
0x184: {  	_ = 	snop;
	(pc) =	sbr.rel @p0 .LBB2_1-.Ltmp1, $4  }
0x185: {  	_ =	swait.ge [sflag:s13], $0x8000  }
0x186: {  	[sflag:s13] =	ssyncset.done $0x0  }
0x187: {  	[sflag:s13] =	ssyncadd.s32 $0xFFFF8000  }
0x188: {  	s0 =	sadd.s32 $0xFFFFFFFF, s0;
	_ =	swait.ge [sflag:s15], $0x8000  }
.LBB2_2:
0x189: {  	[sflag:s15] =	ssyncset.done $0x0  }
0x18a: {  	[sflag:s15] =	ssyncadd.s32 $0xFFFF8000  }
0x18b: {  	_ =	sfence.sel $0x180000  }
0x18c: {  	[bflag:$0x0] =	sbarrier.arrive $0xFFFF  }
0x18d: {  	_ =	strace $0x9000004A  }
0x18e: {  	s0 =	stileid.u32;
	[bflag:$0x2] =	sbarrier.arrive $0xFFFF  }
0x18f: {  	p0 =	sne.s32 s0, $0x0;
	s0 =	rddreg [dreg:$0x4]  }
0x190: {  	s0 =	sadd.s32 @!p0 $0x100000, s0  }
0x191: {  	[sflag:s0] =	ssyncadd.tile.s32 @!p0 $0x1;
	_ =	shalt  }
.Lfunc_end2:
_tile_overlayer_lowered:
.L_overlay_start_2:
0x192: {  	(tag) =	ssettag $0x2  }
0x193: {  	s0 =	rddreg [dreg:$0x0];
	s2 =	stileid.u32  }
0x194: {  	s1 =	rddreg [dreg:$0x1];
	p0 =	sne.s32 s2, $0x0  }
0x195: {  	s3 =	rddreg [dreg:$0x2];
	[bflag:$0x3] =	sbarrier.arrive $0xFFFF;
	s2 =	simm.s32 @!p0 $0x1C05  }
0x196: {  	[timem:s3], [sflag:s2] =	dma.local @!p0 [hbm:s0], s1  }
0x197: {  	s0 =	simm.s32 @!p0 $0x5  }
0x198: {  	_ =	swait.ge @!p0 [sflag:s0], s1  }
0x199: {  	s1 =	ssub.s32 @!p0 $0x0, s1;
	[sflag:s0] =	ssyncset.done @!p0 $0x0  }
0x19a: {  	[sflag:s0] =	ssyncadd.s32 @!p0 s1  }
0x19b: {  	[bflag:$0x3] =	sbarrier.arrive $0xFFFF  }
0x19c: {  	_ =	shalt  }

// kernel: kernel.19.cloned.1.call-start
scs
__scs_entry_jumppad:
0x0: {  	(pc) =	sbr.rel $0x88, $3  }
0x1: {  	(tag) =	ssettag $0x0;
	lr =	simm.s32 $0x1  }
0x2: {  	[smem:$0x3F8A] =	sst lr;
	_ =	strace $0xD0000000  }
0x3: {  	_ = 	snop  }
0x4: {  	_ = 	snop  }
0x5: {  	_ = 	snop  }
0x6: {  	_ = 	snop  }
0x7: {  	_ = 	snop  }
__scs_overlays_trampoline_lowered:
0x8: {  	[smem:$0x3F99] =	sst s0  }
0x9: {  	[smem:$0x3F9A] =	sst s1  }
0xa: {  	[smem:$0x3F9B] =	sst s2  }
0xb: {  	[smem:$0x3F9C] =	sst s3  }
0xc: {  	[smem:$0x3F9D] =	sst s4  }
0xd: {  	[smem:$0x3F9E] =	sst s5  }
0xe: {  	[smem:$0x3F9F] =	sst s6  }
0xf: {  	[smem:$0x3FA0] =	sst s7  }
0x10: {  	[smem:$0x3FA1] =	sst s8  }
0x11: {  	[smem:$0x3FA2] =	sst s9;
	s0 =	simm.s32 @!p0 $0x0  }
0x12: {  	s1 =	sld [smem:$0x3F88];
	s0 =	simm.s32 @p0 $0x1  }
0x13: {  	[smem:$0x3FA3] =	sst s0;
	s0 =	simm.s32 @!p1 $0x0  }
0x14: {  	s2 =	sld [smem:$0x3F87];
	s0 =	simm.s32 @p1 $0x1  }
0x15: {  	[smem:$0x3FA4] =	sst s0;
	s0 =	simm.s32 @!p2 $0x0  }
0x16: {  	s3 =	sld [smem:$0x3FDB];
	s0 =	simm.s32 @p2 $0x1  }
0x17: {  	s4 =	simm.s32 $0x1BF5;
	[smem:$0x3FA6] =	sst s0  }
0x18: {  	s0 =	sld [smem:$0x3F89];
	_ =	swait.ge [sflag:s4], $0x0  }
0x19: {  	s7 =	sld [smem:$0x3F8A]  }
0x1a: {  	s8 =	sadd.s32 $0xFFFFE003, lr  }
0x1b: {  	s9 =	sadd.s32 $0xFFFFFEF7, lr;
	s5 =	simm.s32 $0xFFFFFFFF;
	p2 =	slt.u32 s8, $0xFFFFF086  }
0x1c: {  	p1 =	slt.u32 s9, $0xF7A;
	s5 =	simm.s32 @!p2 $0x0  }
0x1d: {  	s5 =	simm.s32 @p1 $0x1;
	p0 =	seq.s32 s7, s2  }
0x1e: {  	s7 =	smul.u32 @!p0 $0xF7A, s2;
	p2 =	seq.s32 @!p0 s5, $0x0  }
0x1f: {  	s9 =	smul.u32 $0xF7A, s1;
	s8 =	simm.s32 @!p0 $0x1BF5;
	p2 =	por !p2, p0  }
0x20: {  	[sflag:s8] =	ssyncset.s32 @!p0 $0xFFFFF086;
	s6 =	sadd.s32 @!p0 s3, s7;
	s7 =	simm.s32 @!p0 $0x108  }
0x21: {  	s3 =	sadd.s32 s3, s9;
	s6 =	sadd.s32 @!p0 $0x88, s6;
	s7 =	simm.s32 @p2 $0x1082  }
0x22: {  	[simem:s7], [sflag:s8] =	dma.local @!p0 [hbm:s6], $0xF7A  }
0x23: {  	s9 =	sor.u32 $0xD0000000, s2;
	s6 =	simm.s32 $0x108;
	_ =	swait.ge @!p0 [sflag:s8], $0x0  }
0x24: {  	s3 =	sadd.s32 $0x88, s3;
	s6 =	simm.s32 @!p1 $0x1082;
	[sflag:s4] =	ssyncset.s32 $0xFFFFF086  }
0x25: {  	[simem:s6], [sflag:s4] =	dma.local [hbm:s3], $0xF7A  }
0x26: {  	[smem:$0x3F8A] =	sst s1;
	(tag) =	ssettag s2;
	_ =	strace s9  }
0x27: {  	s1 =	sld [smem:$0x3F9A]  }
0x28: {  	s2 =	sld [smem:$0x3F9B]  }
0x29: {  	s4 =	sld [smem:$0x3F9D]  }
0x2a: {  	p0 =	seq.s32 s5, $0x0;
	s5 =	sld [smem:$0x3F9E]  }
0x2b: {  	s6 =	sld [smem:$0x3F9F]  }
0x2c: {  	s7 =	sld [smem:$0x3FA0]  }
0x2d: {  	s3 =	simm.s32 $0x108;
	s8 =	sld [smem:$0x3FA1]  }
0x2e: {  	s3 =	simm.s32 @!p0 $0x1082;
	s9 =	sld [smem:$0x3FA2]  }
0x2f: {  	lr =	sadd.s32 s0, s3;
	s0 =	sld [smem:$0x3F99]  }
0x30: {  	s3 =	sld [smem:$0x3F9C]  }
0x31: {  	[smem:$0x3FA5] =	sst s10  }
0x32: {  	s10 =	sld [smem:$0x3FA3];
	_ =	sdelay $0x3  }
0x33: {  	p0 =	seq.s32 s10, $0x1;
	s10 =	sld [smem:$0x3FA5];
	_ =	sdelay $0x3  }
0x34: {  	[smem:$0x3FA5] =	sst s10  }
0x35: {  	s10 =	sld [smem:$0x3FA4];
	_ =	sdelay $0x3  }
0x36: {  	p1 =	seq.s32 s10, $0x1;
	s10 =	sld [smem:$0x3FA5];
	_ =	sdelay $0x3  }
0x37: {  	[smem:$0x3FA5] =	sst s10  }
0x38: {  	s10 =	sld [smem:$0x3FA6]  }
0x39: {  	_ = 	snop;
	(pc) =	sbr.ind lr, $3  }
0x3a: {  	_ = 	snop  }
0x3b: {  	_ = 	snop  }
0x3c: {  	p2 =	seq.s32 s10, $0x1;
	s10 =	sld [smem:$0x3FA5]  }
0x3d: {  	_ =	shalt  }
0x3e: {  	_ =	shalt  }
0x3f: {  	_ =	shalt  }
0x40: {  	_ =	shalt  }
0x41: {  	_ =	shalt  }
0x42: {  	_ =	shalt  }
0x43: {  	_ =	shalt  }
0x44: {  	_ =	shalt  }
0x45: {  	_ =	shalt  }
0x46: {  	_ =	shalt  }
0x47: {  	_ =	shalt  }
0x48: {  	_ =	shalt  }
0x49: {  	_ =	shalt  }
0x4a: {  	_ =	shalt  }
0x4b: {  	_ =	shalt  }
0x4c: {  	_ =	shalt  }
0x4d: {  	_ =	shalt  }
0x4e: {  	_ =	shalt  }
0x4f: {  	_ =	shalt  }
0x50: {  	_ =	shalt  }
0x51: {  	_ =	shalt  }
0x52: {  	_ =	shalt  }
0x53: {  	_ =	shalt  }
0x54: {  	_ =	shalt  }
0x55: {  	_ =	shalt  }
0x56: {  	_ =	shalt  }
0x57: {  	_ =	shalt  }
0x58: {  	_ =	shalt  }
0x59: {  	_ =	shalt  }
0x5a: {  	_ =	shalt  }
0x5b: {  	_ =	shalt  }
0x5c: {  	_ =	shalt  }
0x5d: {  	_ =	shalt  }
0x5e: {  	_ =	shalt  }
0x5f: {  	_ =	shalt  }
0x60: {  	_ =	shalt  }
0x61: {  	_ =	shalt  }
0x62: {  	_ =	shalt  }
0x63: {  	_ =	shalt  }
0x64: {  	_ =	shalt  }
0x65: {  	_ =	shalt  }
0x66: {  	_ =	shalt  }
0x67: {  	_ =	shalt  }
0x68: {  	_ =	shalt  }
0x69: {  	_ =	shalt  }
0x6a: {  	_ =	shalt  }
0x6b: {  	_ =	shalt  }
0x6c: {  	_ =	shalt  }
0x6d: {  	_ =	shalt  }
0x6e: {  	_ =	shalt  }
0x6f: {  	_ =	shalt  }
0x70: {  	_ =	shalt  }
0x71: {  	_ =	shalt  }
0x72: {  	_ =	shalt  }
0x73: {  	_ =	shalt  }
0x74: {  	_ =	shalt  }
0x75: {  	_ =	shalt  }
0x76: {  	_ =	shalt  }
0x77: {  	_ =	shalt  }
0x78: {  	_ =	shalt  }
0x79: {  	_ =	shalt  }
0x7a: {  	_ =	shalt  }
0x7b: {  	_ =	shalt  }
0x7c: {  	_ =	shalt  }
0x7d: {  	_ =	shalt  }
0x7e: {  	_ =	shalt  }
0x7f: {  	_ =	shalt  }
0x80: {  	_ =	shalt  }
0x81: {  	_ =	shalt  }
0x82: {  	_ =	shalt  }
0x83: {  	_ =	shalt  }
0x84: {  	_ =	shalt  }
0x85: {  	_ =	shalt  }
0x86: {  	_ =	shalt  }
0x87: {  	_ =	shalt  }
.Lfunc_end0:
.L_simem_size_0:
called_computation.2_lowered:
.L_overlay_start_0:
0x88: {  	s2 =	sld [smem:$0x3FD9]  }
0x89: {  	s3 =	sld [smem:$0x3FFE];
	_ =	sdelay $0x1  }
0x8a: {  	s1 =	srdreg.scid  }
0x8b: {  	s0 =	sand.u32 $0x1, s1  }
0x8c: {  	s16 =	sshll.u32 s0, $0xA;
	s2 =	sadd.s32 s3, s2  }
0x8d: {  	s2 =	sadd.s32 s2, s16  }
0x8e: {  	[smem:$0x3FB1] =	sst s2  }
0x8f: {  	_ = 	snop  }
0x90: {  	(tm) =	ssettm $0x1  }
0x91: {  	s17 =	sld [smem:$0x3FFB];
	_ =	sdelay $0x3  }
0x92: {  	_ =	strace s17  }
0x93: {  	s2 =	sld [smem:$0x3FFC];
	_ =	sdelay $0x3  }
0x94: {  	_ =	strace s2  }
0x95: {  	s2 =	sld [smem:$0x3FFD];
	_ =	sdelay $0x3  }
0x96: {  	_ =	strace s2  }
0x97: {  	_ =	strace $0x8FFFFFFF  }
0x98: {  	s18 =	sld [smem:$0x3FDB];
	_ =	sdelay $0x1  }
0x99: {  	s19 =	simm.s32 $_scs_section_size  }
0x9a: {  	s4 =	simm.s32 $_size__tile_overlayer_lowered;
	s5 =	simm.s32 $_tile_overlayer_lowered  }
0x9b: {  	s22 =	simm.s32 $0x1BFF;
	s21 =	sshll.u32 s5, $0x1;
	s2 =	sadd.s32 s19, s18  }
0x9c: {  	s6 =	simm.s32 $0x0;
	s20 =	sshll.u32 s4, $0x1;
	s4 =	sadd.s32 s21, s2  }
0x9d: {  	[timem:s6], [sflag:s22] =	dma.local [hbm:s4], s20  }
0x9e: {  	_ =	swait.ge [sflag:s22], s20  }
0x9f: {  	s3 =	ssub.s32 $0x0, s20;
	[sflag:s22] =	ssyncset.done $0x0  }
0xa0: {  	[sflag:s22] =	ssyncadd.s32 s3;
	_ =	sdelay $0x1  }
0xa1: {  	s23 =	simm.s32 $0x1B8B  }
0xa2: {  	_ =	swait.ge [sflag:s23], $0x1  }
0xa3: {  	[sflag:s23] =	ssyncset.done $0x0  }
0xa4: {  	s25 =	simm.s32 $0x1B8E;
	s24 =	sld [smem:$0x3FFE];
	[sflag:s23] =	ssyncadd.s32 $0xFFFFFFFF  }
0xa5: {  	s26 =	simm.s32 $execute0_lowered;
	[smem:$0x3FD2] =	sst s25  }
0xa6: {  	s4 =	sshll.u32 s26, $0x1;
	_ =	strace $0x8000004C;
	[dreg:$0x1] =	wrdreg $0xFFFFFFFF  }
0xa7: {  	s28 =	simm.s32 $_size_execute0_lowered;
	s2 =	sadd.s32 s2, s4;
	[dreg:$0x0] =	wrdreg $0x0  }
0xa8: {  	s4 =	sshll.u32 s28, $0x1;
	[dreg:$0x2] =	wrdreg s2  }
0xa9: {  	[dreg:$0x3] =	wrdreg s4  }
0xaa: {  	[dreg:$0x4] =	wrdreg $0xC0  }
0xab: {  	_ =	task [dreg:s6], $0x5FFFF  }
0xac: {  	[dreg:$0x1] =	wrdreg $0xFFFFFFFF  }
0xad: {  	[dreg:$0x0] =	wrdreg $0x60  }
0xae: {  	[dreg:$0x2] =	wrdreg s24  }
0xaf: {  	[dreg:$0x3] =	wrdreg $0x0  }
0xb0: {  	[dreg:$0x4] =	wrdreg $0x9  }
0xb1: {  	_ =	task.clear_ibuf [dreg:s6], $0x5FFFF;
	_ =	strace $0x9000004C  }
0xb2: {  	s29 =	simm.s32 $0x9;
	_ =	strace $0x8000004E  }
0xb3: {  	_ =	swait.ge [sflag:s29], $0x1  }
0xb4: {  	[sflag:s29] =	ssyncadd.s32 $0xFFFFFFFF  }
0xb5: {  	_ =	strace $0x9000004E  }
0xb6: {  	_ =	sfence  }
0xb7: {  	s30 =	sld [smem:$0x0];
	_ =	sdelay $0x2  }
0xb8: {  	s31 =	sshll.u32 s1, $0xD;
	s1 =	sshrl.u32 s1, $0x2  }
0xb9: {  	s3 =	sand.u32 $0x4000, s31;
	s1 =	sadd.s32 s1, s30  }
0xba: {  	s0 =	sor.u32 s3, s0;
	s1 =	sshll.u32 s1, $0x11  }
0xbb: {  	s0 =	sor.u32 s1, s0  }
0xbc: {  	s0 =	sadd.s32 $0x8F2B, s0  }
0xbd: {  	[sflag:s0] =	ssyncadd.remote.s32 $0x1  }
0xbe: {  	_ =	sfence.sel $0xFFFF  }
0xbf: {  	[dreg:$0x0] =	wrdreg $0xFFFFFFFF;
	(pc) =	sbr.abs _section_cstart, $3  }
0xc0: {  	[dreg:$0x1] =	wrdreg $0xFFFFFFFF  }
0xc1: {  	_ =	task.clear_ibuf [dreg:s6], $0x2FFFF;
	_ =	strace $0x9FFFFFFF  }
0xc2: {  	(tm) =	ssettm $0x7FFFFFFF  }
0xc3: {  	_ =	shalt  }
tec
execute0_lowered:
.L_overlay_start_1:
0x0: {  	(tag) =	ssettag $0x1  }
0x1: {  	s4 =	rddreg [dreg:$0x0];
	s0 =	srdreg.scid  }
0x2: {  	s2 =	rddreg [dreg:$0x1];
	s24 =	stileid.u32  }
0x3: {  	s3 =	simm.s32 $0x0;
	s13 =	simm.s32 $0xA000;
	s14 =	simm.s32 $0xA200  }
0x4: {  	s15 =	simm.s32 $0x40;
	s16 =	simm.s32 $0x80;
	s17 =	simm.s32 $0xA400  }
0x5: {  	s18 =	simm.s32 $0x12400;
	s19 =	simm.s32 $0x1;
	s7 =	smul.u32 $0xA00, s24  }
0x6: {  	s20 =	simm.s32 $0x3;
	s21 =	simm.s32 $0x200;
	s25 =	smul.u32 $0x14000, s24  }
0x7: {  	s22 =	simm.s32 $0x2;
	s5 =	sand.u32 $0x1, s0;
	s9 =	smul.u32 $0xA000, s24  }
0x8: {  	s23 =	simm.s32 $0x4;
	[smem:$0x7FF] =	sst s3;
	s6 =	smul.u32 $0xA000, s5  }
0x9: {  	s31 =	sshll.u32 s24, $0x6;
	s24 =	simm.s32 $0x10;
	s8 =	smul.u32 $0xA0000, s5  }
0xa: {  	_ =	strace $0x8000004D;
	s10 =	sshll.u32 s5, $0x6;
	s5 =	ssub.s32 $0x2, s5  }
0xb: {  	s26 =	sor.u32 s10, s25;
	s28 =	sshrl.u32 s9, $0x3;
	s29 =	sshrl.u32 s5, $0x1  }
0xc: {  	s12 =	sadd.s32 s9, s2;
	s25 =	simm.s32 $0x8;
	s6 =	sadd.s32 s7, s6  }
0xd: {  	s8 =	sadd.s32 s8, s4;
	s7 =	sadd.s32 s28, s4;
	s30 =	ssub.s32 s5, s29  }
0xe: {  	s5 =	sor.u32 $0x1C05, s31;
	s6 =	sshrl.u32 s6, $0x3;
	s8 =	sadd.s32 s9, s8  }
0xf: {  	s11 =	sadd.s32 s6, s4;
	s6 =	sshrl.u32 s26, $0x3;
	s8 =	sadd.s32 $0x5EAE08, s8  }
0x10: {  	s26 =	simm.s32 $0x0;
	s6 =	sadd.s32 s6, s4;
	s4 =	sadd.s32 $0x5000, s7  }
0x11: {  	s7 =	smax.u32 s30, $0x1;
	s9 =	sadd.s32 $0x368600, s11;
	s10 =	sadd.s32 $0x365E00, s11  }
0x12: {  	s11 =	sshrl.u32 s12, $0x3;
	s12 =	simm.s32 $0x5;
	s6 =	sadd.s32 $0x19000, s6  }
.LBB2_1:
0x13: {  	[spmem:s11], [sflag:s5] =	dma.local [hbm:s4], $0x1400  }
0x14: {  	_ =	swait.ge [sflag:s12], $0x1400  }
0x15: {  	[sflag:s12] =	ssyncset.done $0x0  }
0x16: {  	[sflag:s12] =	ssyncadd.s32 $0xFFFFEC00  }
0x17: {  	s28 =	sadd.s32 $0x0, s10;
	[bflag:$0x0] =	sbarrier.arrive $0xFFFF  }
0x18: {  	[tilespmem:s13], [sflag:$0x1] =	stream.linear.gather [hbm4b:s28+s3], $0x200, $0x38;
	[tilespmem:$0x1A400] =	vst v63  }
0x19: {  	s28 =	sadd.s32 $0x0, s9  }
0x1a: {  	[tilespmem:s14], [sflag:$0x2] =	stream.linear.gather [hbm4b:s28+s3], $0x200, $0x38;
	[tilespmem:$0x1A400] =	vst v63  }
0x1b: {  	s28 =	sadd.s32 $0xFFFFFFF8, s8  }
0x1c: {  	[tilespmem:s17], [sflag:$0x3] =	stream.strided.gather [hbm4b:s28+s15], $0x8000, s16, s15, $0x38;
	[tilespmem:$0x1A400] =	vst v63  }
0x1d: {  	_ = 	snop  }
0x1e: {  	[tilespmem:s18], [sflag:$0x4] =	stream.strided.gather [hbm4b:s8+s15], $0x8000, s16, s15, $0x38;
	[tilespmem:$0x1A400] =	vst v63  }
0x1f: {  	_ =	swait.ge [sflag:s19], $0x200  }
0x20: {  	[sflag:s19] =	ssyncset.done $0x0  }
0x21: {  	[sflag:s19] =	ssyncadd.s32 $0xFFFFFE00  }
0x22: {  	_ =	swait.ge [sflag:s20], $0x8000  }
0x23: {  	[sflag:s20] =	ssyncset.done $0x0  }
0x24: {  	[sflag:s20] =	ssyncadd.s32 $0xFFFF8000  }
0x25: {  	[spmem:s2] =	stream.indirect.scatter.add.f32 [tilespmem:s17], [sflag:$0x5], $0x40, s13, s21, $0xb8;
	[tilespmem:$0x1A400] =	vst v63  }
0x26: {  	_ =	swait.ge [sflag:s12], $0x8000  }
0x27: {  	[sflag:s12] =	ssyncset.done $0x0  }
0x28: {  	[sflag:s12] =	ssyncadd.s32 $0xFFFF8000  }
0x29: {  	_ =	swait.ge [sflag:s22], $0x200  }
0x2a: {  	[sflag:s22] =	ssyncset.done $0x0  }
0x2b: {  	[sflag:s22] =	ssyncadd.s32 $0xFFFFFE00  }
0x2c: {  	_ =	swait.ge [sflag:s23], $0x8000  }
0x2d: {  	[sflag:s23] =	ssyncset.done $0x0  }
0x2e: {  	[sflag:s23] =	ssyncadd.s32 $0xFFFF8000  }
0x2f: {  	[spmem:s2] =	stream.indirect.scatter.add.f32 [tilespmem:s18], [sflag:$0x5], $0x40, s14, s21, $0xb8;
	[tilespmem:$0x1A400] =	vst v63  }
0x30: {  	s29 =	simm.s32 $0x40;
	_ =	swait.ge [sflag:s12], $0x8000  }
0x31: {  	s30 =	simm.s32 $0x80;
	s28 =	sadd.s32 $0x2000, s8;
	[sflag:s12] =	ssyncset.done $0x0  }
.LBB2_2:
0x32: {  	s31 =	sadd.s32 s29, s10  }
0x33: {  	[sflag:s12] =	ssyncadd.s32 $0xFFFF8000;
	s0 =	smov.u32 s30;
	s1 =	sadd.s32 $0x40, s30  }
0x34: {  	[tilespmem:s13], [sflag:$0x1] =	stream.linear.gather [hbm4b:s31+s3], $0x200, $0x38;
	[tilespmem:$0x1A400] =	vst v63  }
0x35: {  	p0 =	sne.s32 s30, $0x100;
	s30 =	sadd.s32 s29, s9;
	s29 =	smov.u32 s0  }
0x36: {  	[tilespmem:s14], [sflag:$0x2] =	stream.linear.gather [hbm4b:s30+s3], $0x200, $0x38;
	[tilespmem:$0x1A400] =	vst v63  }
0x37: {  	s0 =	sadd.s32 $0xFFFFFFF8, s28  }
0x38: {  	[tilespmem:s17], [sflag:$0x3] =	stream.strided.gather [hbm4b:s0+s15], $0x8000, s16, s15, $0x38;
	[tilespmem:$0x1A400] =	vst v63  }
0x39: {  	_ = 	snop  }
0x3a: {  	[tilespmem:s18], [sflag:$0x4] =	stream.strided.gather [hbm4b:s28+s15], $0x8000, s16, s15, $0x38;
	[tilespmem:$0x1A400] =	vst v63  }
0x3b: {  	_ =	swait.ge [sflag:s19], $0x200  }
0x3c: {  	[sflag:s19] =	ssyncset.done $0x0  }
0x3d: {  	[sflag:s19] =	ssyncadd.s32 $0xFFFFFE00  }
0x3e: {  	_ =	swait.ge [sflag:s20], $0x8000  }
0x3f: {  	[sflag:s20] =	ssyncset.done $0x0  }
0x40: {  	[sflag:s20] =	ssyncadd.s32 $0xFFFF8000  }
0x41: {  	[spmem:s2] =	stream.indirect.scatter.add.f32 [tilespmem:s17], [sflag:$0x5], $0x40, s13, s21, $0xb8;
	[tilespmem:$0x1A400] =	vst v63  }
0x42: {  	_ =	swait.ge [sflag:s12], $0x8000  }
0x43: {  	[sflag:s12] =	ssyncset.done $0x0  }
0x44: {  	[sflag:s12] =	ssyncadd.s32 $0xFFFF8000  }
0x45: {  	_ =	swait.ge [sflag:s22], $0x200  }
0x46: {  	[sflag:s22] =	ssyncset.done $0x0  }
0x47: {  	[sflag:s22] =	ssyncadd.s32 $0xFFFFFE00  }
0x48: {  	_ =	swait.ge [sflag:s23], $0x8000  }
.Ltmp0:
0x49: {  	[sflag:s23] =	ssyncset.done $0x0;
	(pc) =	sbr.rel @p0 .LBB2_2-.Ltmp0, $4  }
0x4a: {  	[sflag:s23] =	ssyncadd.s32 $0xFFFF8000  }
0x4b: {  	[spmem:s2] =	stream.indirect.scatter.add.f32 [tilespmem:s18], [sflag:$0x5], $0x40, s14, s21, $0xb8;
	[tilespmem:$0x1A400] =	vst v63  }
0x4c: {  	_ =	swait.ge [sflag:s12], $0x8000  }
0x4d: {  	s30 =	smov.u32 s1;
	s28 =	sadd.s32 $0x2000, s28;
	[sflag:s12] =	ssyncset.done $0x0  }
0x4e: {  	s0 =	sadd.s32 s29, s10;
	[sflag:s12] =	ssyncadd.s32 $0xFFFF8000  }
0x4f: {  	[tilespmem:s13], [sflag:$0x1] =	stream.linear.gather [hbm4b:s0+s3], $0x200, $0x38;
	[tilespmem:$0x1A400] =	vst v63  }
0x50: {  	s30 =	sadd.s32 s29, s9  }
0x51: {  	[tilespmem:s14], [sflag:$0x2] =	stream.linear.gather [hbm4b:s30+s3], $0x200, $0x38;
	[tilespmem:$0x1A400] =	vst v63  }
0x52: {  	s31 =	sadd.s32 $0xFFFFFFF8, s28  }
0x53: {  	[tilespmem:s17], [sflag:$0x3] =	stream.strided.gather [hbm4b:s31+s15], $0x8000, s16, s15, $0x38;
	[tilespmem:$0x1A400] =	vst v63  }
0x54: {  	_ = 	snop  }
0x55: {  	[tilespmem:s18], [sflag:$0x4] =	stream.strided.gather [hbm4b:s28+s15], $0x8000, s16, s15, $0x38;
	[tilespmem:$0x1A400] =	vst v63  }
0x56: {  	_ =	swait.ge [sflag:s19], $0x200  }
0x57: {  	[sflag:s19] =	ssyncset.done $0x0  }
0x58: {  	[sflag:s19] =	ssyncadd.s32 $0xFFFFFE00  }
0x59: {  	_ =	swait.ge [sflag:s20], $0x8000  }
0x5a: {  	[sflag:s20] =	ssyncset.done $0x0  }
0x5b: {  	[sflag:s20] =	ssyncadd.s32 $0xFFFF8000  }
0x5c: {  	[spmem:s2] =	stream.indirect.scatter.add.f32 [tilespmem:s17], [sflag:$0x5], $0x40, s13, s21, $0xb8;
	[tilespmem:$0x1A400] =	vst v63  }
0x5d: {  	_ =	swait.ge [sflag:s12], $0x8000  }
0x5e: {  	[sflag:s12] =	ssyncset.done $0x0  }
0x5f: {  	[sflag:s12] =	ssyncadd.s32 $0xFFFF8000  }
0x60: {  	_ =	swait.ge [sflag:s22], $0x200  }
0x61: {  	[sflag:s22] =	ssyncset.done $0x0  }
0x62: {  	[sflag:s22] =	ssyncadd.s32 $0xFFFFFE00  }
0x63: {  	_ =	swait.ge [sflag:s23], $0x8000  }
0x64: {  	[sflag:s23] =	ssyncset.done $0x0  }
0x65: {  	[sflag:s23] =	ssyncadd.s32 $0xFFFF8000  }
0x66: {  	[spmem:s2] =	stream.indirect.scatter.add.f32 [tilespmem:s18], [sflag:$0x5], $0x40, s14, s21, $0xb8;
	[tilespmem:$0x1A400] =	vst v63  }
0x67: {  	_ =	swait.ge [sflag:s12], $0x8000  }
0x68: {  	s26 =	sadd.s32 $0x1, s26;
	[sflag:s12] =	ssyncset.done $0x0  }
0x69: {  	p0 =	sne.s32 s26, s7;
	[sflag:s12] =	ssyncadd.s32 $0xFFFF8000  }
.Ltmp1:
0x6a: {  	[bflag:$0x0] =	sbarrier.arrive $0xFFFF;
	(pc) =	sbr.rel @p0 .LBB2_1-.Ltmp1, $4  }
0x6b: {  	[hbm:s6@s24], [sflag:s5] =	dma.strided [spmem:s11@s25], $0x1400, s19, $0x8   }
0x6c: {  	_ =	swait.ge [sflag:s12], $0x1400  }
0x6d: {  	[sflag:s12] =	ssyncset.done $0x0  }
0x6e: {  	[sflag:s12] =	ssyncadd.s32 $0xFFFFEC00  }
0x6f: {  	_ =	sfence.sel $0x180000  }
0x70: {  	[bflag:$0x0] =	sbarrier.arrive $0xFFFF  }
0x71: {  	_ =	strace $0x9000004D  }
0x72: {  	s0 =	stileid.u32;
	[bflag:$0x2] =	sbarrier.arrive $0xFFFF  }
0x73: {  	p0 =	sne.s32 s0, $0x0;
	s0 =	rddreg [dreg:$0x2]  }
0x74: {  	s0 =	sadd.s32 @!p0 $0x100000, s0  }
0x75: {  	[sflag:s0] =	ssyncadd.tile.s32 @!p0 $0x1;
	_ =	shalt  }
.Lfunc_end2:
_tile_overlayer_lowered:
.L_overlay_start_2:
0x76: {  	(tag) =	ssettag $0x2  }
0x77: {  	s0 =	rddreg [dreg:$0x0];
	s2 =	stileid.u32  }
0x78: {  	s1 =	rddreg [dreg:$0x1];
	p0 =	sne.s32 s2, $0x0  }
0x79: {  	s3 =	rddreg [dreg:$0x2];
	[bflag:$0x3] =	sbarrier.arrive $0xFFFF;
	s2 =	simm.s32 @!p0 $0x1C05  }
0x7a: {  	[timem:s3], [sflag:s2] =	dma.local @!p0 [hbm:s0], s1  }
0x7b: {  	s0 =	simm.s32 @!p0 $0x5  }
0x7c: {  	_ =	swait.ge @!p0 [sflag:s0], s1  }
0x7d: {  	s1 =	ssub.s32 @!p0 $0x0, s1;
	[sflag:s0] =	ssyncset.done @!p0 $0x0  }
0x7e: {  	[sflag:s0] =	ssyncadd.s32 @!p0 s1  }
0x7f: {  	[bflag:$0x3] =	sbarrier.arrive $0xFFFF  }
0x80: {  	_ =	shalt  }

// kernel: kernel.22.cloned.1.call-start
scs
__scs_entry_jumppad:
0x0: {  	(pc) =	sbr.rel $0x88, $3  }
0x1: {  	(tag) =	ssettag $0x0;
	lr =	simm.s32 $0x1  }
0x2: {  	[smem:$0x3F8A] =	sst lr;
	_ =	strace $0xD0000000  }
0x3: {  	_ = 	snop  }
0x4: {  	_ = 	snop  }
0x5: {  	_ = 	snop  }
0x6: {  	_ = 	snop  }
0x7: {  	_ = 	snop  }
__scs_overlays_trampoline_lowered:
0x8: {  	[smem:$0x3F99] =	sst s0  }
0x9: {  	[smem:$0x3F9A] =	sst s1  }
0xa: {  	[smem:$0x3F9B] =	sst s2  }
0xb: {  	[smem:$0x3F9C] =	sst s3  }
0xc: {  	[smem:$0x3F9D] =	sst s4  }
0xd: {  	[smem:$0x3F9E] =	sst s5  }
0xe: {  	[smem:$0x3F9F] =	sst s6  }
0xf: {  	[smem:$0x3FA0] =	sst s7  }
0x10: {  	[smem:$0x3FA1] =	sst s8  }
0x11: {  	[smem:$0x3FA2] =	sst s9;
	s0 =	simm.s32 @!p0 $0x0  }
0x12: {  	s1 =	sld [smem:$0x3F88];
	s0 =	simm.s32 @p0 $0x1  }
0x13: {  	[smem:$0x3FA3] =	sst s0;
	s0 =	simm.s32 @!p1 $0x0  }
0x14: {  	s2 =	sld [smem:$0x3F87];
	s0 =	simm.s32 @p1 $0x1  }
0x15: {  	[smem:$0x3FA4] =	sst s0;
	s0 =	simm.s32 @!p2 $0x0  }
0x16: {  	s3 =	sld [smem:$0x3FDB];
	s0 =	simm.s32 @p2 $0x1  }
0x17: {  	s4 =	simm.s32 $0x1BF5;
	[smem:$0x3FA6] =	sst s0  }
0x18: {  	s0 =	sld [smem:$0x3F89];
	_ =	swait.ge [sflag:s4], $0x0  }
0x19: {  	s7 =	sld [smem:$0x3F8A]  }
0x1a: {  	s8 =	sadd.s32 $0xFFFFE003, lr  }
0x1b: {  	s9 =	sadd.s32 $0xFFFFFEF7, lr;
	s5 =	simm.s32 $0xFFFFFFFF;
	p2 =	slt.u32 s8, $0xFFFFF086  }
0x1c: {  	p1 =	slt.u32 s9, $0xF7A;
	s5 =	simm.s32 @!p2 $0x0  }
0x1d: {  	s5 =	simm.s32 @p1 $0x1;
	p0 =	seq.s32 s7, s2  }
0x1e: {  	s7 =	smul.u32 @!p0 $0xF7A, s2;
	p2 =	seq.s32 @!p0 s5, $0x0  }
0x1f: {  	s9 =	smul.u32 $0xF7A, s1;
	s8 =	simm.s32 @!p0 $0x1BF5;
	p2 =	por !p2, p0  }
0x20: {  	[sflag:s8] =	ssyncset.s32 @!p0 $0xFFFFF086;
	s6 =	sadd.s32 @!p0 s3, s7;
	s7 =	simm.s32 @!p0 $0x108  }
0x21: {  	s3 =	sadd.s32 s3, s9;
	s6 =	sadd.s32 @!p0 $0x88, s6;
	s7 =	simm.s32 @p2 $0x1082  }
0x22: {  	[simem:s7], [sflag:s8] =	dma.local @!p0 [hbm:s6], $0xF7A  }
0x23: {  	s9 =	sor.u32 $0xD0000000, s2;
	s6 =	simm.s32 $0x108;
	_ =	swait.ge @!p0 [sflag:s8], $0x0  }
0x24: {  	s3 =	sadd.s32 $0x88, s3;
	s6 =	simm.s32 @!p1 $0x1082;
	[sflag:s4] =	ssyncset.s32 $0xFFFFF086  }
0x25: {  	[simem:s6], [sflag:s4] =	dma.local [hbm:s3], $0xF7A  }
0x26: {  	[smem:$0x3F8A] =	sst s1;
	(tag) =	ssettag s2;
	_ =	strace s9  }
0x27: {  	s1 =	sld [smem:$0x3F9A]  }
0x28: {  	s2 =	sld [smem:$0x3F9B]  }
0x29: {  	s4 =	sld [smem:$0x3F9D]  }
0x2a: {  	p0 =	seq.s32 s5, $0x0;
	s5 =	sld [smem:$0x3F9E]  }
0x2b: {  	s6 =	sld [smem:$0x3F9F]  }
0x2c: {  	s7 =	sld [smem:$0x3FA0]  }
0x2d: {  	s3 =	simm.s32 $0x108;
	s8 =	sld [smem:$0x3FA1]  }
0x2e: {  	s3 =	simm.s32 @!p0 $0x1082;
	s9 =	sld [smem:$0x3FA2]  }
0x2f: {  	lr =	sadd.s32 s0, s3;
	s0 =	sld [smem:$0x3F99]  }
0x30: {  	s3 =	sld [smem:$0x3F9C]  }
0x31: {  	[smem:$0x3FA5] =	sst s10  }
0x32: {  	s10 =	sld [smem:$0x3FA3];
	_ =	sdelay $0x3  }
0x33: {  	p0 =	seq.s32 s10, $0x1;
	s10 =	sld [smem:$0x3FA5];
	_ =	sdelay $0x3  }
0x34: {  	[smem:$0x3FA5] =	sst s10  }
0x35: {  	s10 =	sld [smem:$0x3FA4];
	_ =	sdelay $0x3  }
0x36: {  	p1 =	seq.s32 s10, $0x1;
	s10 =	sld [smem:$0x3FA5];
	_ =	sdelay $0x3  }
0x37: {  	[smem:$0x3FA5] =	sst s10  }
0x38: {  	s10 =	sld [smem:$0x3FA6]  }
0x39: {  	_ = 	snop;
	(pc) =	sbr.ind lr, $3  }
0x3a: {  	_ = 	snop  }
0x3b: {  	_ = 	snop  }
0x3c: {  	p2 =	seq.s32 s10, $0x1;
	s10 =	sld [smem:$0x3FA5]  }
0x3d: {  	_ =	shalt  }
0x3e: {  	_ =	shalt  }
0x3f: {  	_ =	shalt  }
0x40: {  	_ =	shalt  }
0x41: {  	_ =	shalt  }
0x42: {  	_ =	shalt  }
0x43: {  	_ =	shalt  }
0x44: {  	_ =	shalt  }
0x45: {  	_ =	shalt  }
0x46: {  	_ =	shalt  }
0x47: {  	_ =	shalt  }
0x48: {  	_ =	shalt  }
0x49: {  	_ =	shalt  }
0x4a: {  	_ =	shalt  }
0x4b: {  	_ =	shalt  }
0x4c: {  	_ =	shalt  }
0x4d: {  	_ =	shalt  }
0x4e: {  	_ =	shalt  }
0x4f: {  	_ =	shalt  }
0x50: {  	_ =	shalt  }
0x51: {  	_ =	shalt  }
0x52: {  	_ =	shalt  }
0x53: {  	_ =	shalt  }
0x54: {  	_ =	shalt  }
0x55: {  	_ =	shalt  }
0x56: {  	_ =	shalt  }
0x57: {  	_ =	shalt  }
0x58: {  	_ =	shalt  }
0x59: {  	_ =	shalt  }
0x5a: {  	_ =	shalt  }
0x5b: {  	_ =	shalt  }
0x5c: {  	_ =	shalt  }
0x5d: {  	_ =	shalt  }
0x5e: {  	_ =	shalt  }
0x5f: {  	_ =	shalt  }
0x60: {  	_ =	shalt  }
0x61: {  	_ =	shalt  }
0x62: {  	_ =	shalt  }
0x63: {  	_ =	shalt  }
0x64: {  	_ =	shalt  }
0x65: {  	_ =	shalt  }
0x66: {  	_ =	shalt  }
0x67: {  	_ =	shalt  }
0x68: {  	_ =	shalt  }
0x69: {  	_ =	shalt  }
0x6a: {  	_ =	shalt  }
0x6b: {  	_ =	shalt  }
0x6c: {  	_ =	shalt  }
0x6d: {  	_ =	shalt  }
0x6e: {  	_ =	shalt  }
0x6f: {  	_ =	shalt  }
0x70: {  	_ =	shalt  }
0x71: {  	_ =	shalt  }
0x72: {  	_ =	shalt  }
0x73: {  	_ =	shalt  }
0x74: {  	_ =	shalt  }
0x75: {  	_ =	shalt  }
0x76: {  	_ =	shalt  }
0x77: {  	_ =	shalt  }
0x78: {  	_ =	shalt  }
0x79: {  	_ =	shalt  }
0x7a: {  	_ =	shalt  }
0x7b: {  	_ =	shalt  }
0x7c: {  	_ =	shalt  }
0x7d: {  	_ =	shalt  }
0x7e: {  	_ =	shalt  }
0x7f: {  	_ =	shalt  }
0x80: {  	_ =	shalt  }
0x81: {  	_ =	shalt  }
0x82: {  	_ =	shalt  }
0x83: {  	_ =	shalt  }
0x84: {  	_ =	shalt  }
0x85: {  	_ =	shalt  }
0x86: {  	_ =	shalt  }
0x87: {  	_ =	shalt  }
.Lfunc_end0:
.L_simem_size_0:
called_computation.3_lowered:
.L_overlay_start_0:
0x88: {  	s2 =	sld [smem:$0x3FD9]  }
0x89: {  	s3 =	sld [smem:$0x3FFE];
	_ =	sdelay $0x1  }
0x8a: {  	s1 =	srdreg.scid  }
0x8b: {  	s0 =	sand.u32 $0x1, s1  }
0x8c: {  	s14 =	sshll.u32 s0, $0xA;
	s2 =	sadd.s32 s3, s2  }
0x8d: {  	s2 =	sadd.s32 s2, s14  }
0x8e: {  	[smem:$0x3FB1] =	sst s2  }
0x8f: {  	_ = 	snop  }
0x90: {  	s2 =	sld [smem:$0x3FD0];
	_ =	sdelay $0x2  }
0x91: {  	s15 =	simm.s32 $0xB;
	s4 =	simm.s32 $0x10  }
0x92: {  	[smem:s4], [sflag:s15] =	dma.local [hbm:s2], $0x1  }
0x93: {  	_ =	swait.eq [sflag:s15], $0x1  }
0x94: {  	[sflag:s15] =	ssyncset.done $0x0  }
0x95: {  	s16 =	sld [smem:$0x10];
	[sflag:s15] =	ssyncadd.s32 $0xFFFFFFFF  }
0x96: {  	s17 =	sld [smem:$0x11];
	(tm) =	ssettm $0x1  }
0x97: {  	s18 =	sld [smem:$0x3FFB];
	_ =	sdelay $0x3  }
0x98: {  	_ =	strace s18  }
0x99: {  	s4 =	sld [smem:$0x3FFC];
	_ =	sdelay $0x3  }
0x9a: {  	_ =	strace s4  }
0x9b: {  	s4 =	sld [smem:$0x3FFD];
	_ =	sdelay $0x3  }
0x9c: {  	_ =	strace s4  }
0x9d: {  	_ =	strace $0x8FFFFFFF  }
0x9e: {  	s19 =	sld [smem:$0x3FDB];
	_ =	sdelay $0x1  }
0x9f: {  	s5 =	simm.s32 $_scs_section_size  }
0xa0: {  	s6 =	simm.s32 $_size__tile_overlayer_lowered;
	s7 =	simm.s32 $_tile_overlayer_lowered  }
0xa1: {  	s22 =	simm.s32 $0x1BFF;
	s21 =	sshll.u32 s7, $0x1;
	s4 =	sadd.s32 s5, s19  }
0xa2: {  	s8 =	simm.s32 $0x0;
	s20 =	sshll.u32 s6, $0x1;
	s6 =	sadd.s32 s21, s4  }
0xa3: {  	[timem:s8], [sflag:s22] =	dma.local [hbm:s6], s20  }
0xa4: {  	_ =	swait.ge [sflag:s22], s20  }
0xa5: {  	s5 =	ssub.s32 $0x0, s20;
	[sflag:s22] =	ssyncset.done $0x0  }
0xa6: {  	[sflag:s22] =	ssyncadd.s32 s5;
	_ =	sdelay $0x1  }
0xa7: {  	s23 =	simm.s32 $0x1B8B  }
0xa8: {  	_ =	swait.ge [sflag:s23], $0x1  }
0xa9: {  	[sflag:s23] =	ssyncset.done $0x0  }
0xaa: {  	s25 =	simm.s32 $0x1B8E;
	s24 =	sld [smem:$0x3FFE];
	[sflag:s23] =	ssyncadd.s32 $0xFFFFFFFF  }
0xab: {  	s26 =	simm.s32 $execute0_lowered;
	[smem:$0x3FD2] =	sst s25  }
0xac: {  	s6 =	sshll.u32 s26, $0x1;
	_ =	strace $0x8000004F;
	[dreg:$0x1] =	wrdreg $0xFFFFFFFF  }
0xad: {  	s28 =	simm.s32 $_size_execute0_lowered;
	s4 =	sadd.s32 s4, s6;
	[dreg:$0x0] =	wrdreg $0x0  }
0xae: {  	s6 =	sshll.u32 s28, $0x1;
	[dreg:$0x2] =	wrdreg s4  }
0xaf: {  	[dreg:$0x3] =	wrdreg s6  }
0xb0: {  	[dreg:$0x4] =	wrdreg $0xC0  }
0xb1: {  	_ =	task [dreg:s8], $0x5FFFF  }
0xb2: {  	[dreg:$0x1] =	wrdreg $0xFFFFFFFF  }
0xb3: {  	[dreg:$0x0] =	wrdreg $0x60  }
0xb4: {  	[dreg:$0x2] =	wrdreg s24  }
0xb5: {  	[dreg:$0x3] =	wrdreg s17  }
0xb6: {  	[dreg:$0x4] =	wrdreg s16  }
0xb7: {  	[dreg:$0x5] =	wrdreg $0x0  }
0xb8: {  	[dreg:$0x6] =	wrdreg $0x9  }
0xb9: {  	_ =	task.clear_ibuf [dreg:s8], $0x7FFFF;
	_ =	strace $0x9000004F  }
0xba: {  	s29 =	simm.s32 $0x9;
	_ =	strace $0x80000051  }
0xbb: {  	_ =	swait.ge [sflag:s29], $0x1  }
0xbc: {  	[sflag:s29] =	ssyncadd.s32 $0xFFFFFFFF  }
0xbd: {  	_ =	strace $0x90000051  }
0xbe: {  	_ =	sfence  }
0xbf: {  	s30 =	sld [smem:$0x0];
	_ =	sdelay $0x2  }
0xc0: {  	s31 =	sshll.u32 s1, $0xD;
	s1 =	sshrl.u32 s1, $0x2  }
0xc1: {  	s3 =	sand.u32 $0x4000, s31;
	s1 =	sadd.s32 s1, s30  }
0xc2: {  	s0 =	sor.u32 s3, s0;
	s1 =	sshll.u32 s1, $0x11  }
0xc3: {  	s0 =	sor.u32 s1, s0  }
0xc4: {  	s0 =	sadd.s32 $0x8F2B, s0  }
0xc5: {  	[sflag:s0] =	ssyncadd.remote.s32 $0x1  }
0xc6: {  	_ =	sfence.sel $0xFFFF  }
0xc7: {  	[dreg:$0x0] =	wrdreg $0xFFFFFFFF;
	(pc) =	sbr.abs _section_cstart, $3  }
0xc8: {  	[dreg:$0x1] =	wrdreg $0xFFFFFFFF  }
0xc9: {  	_ =	task.clear_ibuf [dreg:s8], $0x2FFFF;
	_ =	strace $0x9FFFFFFF  }
0xca: {  	(tm) =	ssettm $0x7FFFFFFF  }
0xcb: {  	_ =	shalt  }
tec
execute0_lowered:
.L_overlay_start_1:
0x0: {  	(tag) =	ssettag $0x1  }
0x1: {  	s4 =	rddreg [dreg:$0x0]  }
0x2: {  	s5 =	rddreg [dreg:$0x1]  }
0x3: {  	s6 =	rddreg [dreg:$0x2]  }
0x4: {  	s2 =	rddreg [dreg:$0x3]  }
0x5: {  	s1 =	stileid.u32;
	s0 =	srdreg.scid;
	s3 =	simm.s32 $0x0  }
0x6: {  	s7 =	smul.u32 $0xA000, s1;
	s0 =	sand.u32 $0x1, s0;
	s8 =	sshll.u32 s1, $0x1  }
0x7: {  	[smem:$0x7FF] =	sst s3;
	s8 =	sor.u32 s0, s8  }
0x8: {  	s11 =	sshll.u32 s1, $0x6;
	s9 =	sshrl.u32 s7, $0x3;
	s10 =	smul.u32 $0xA0000, s8  }
0x9: {  	s12 =	sor.u32 $0x1C05, s11;
	s8 =	smul.u32 $0x280, s8;
	s9 =	sadd.s32 s9, s4  }
0xa: {  	_ =	strace $0x80000050;
	[dreg:$0x6] =	wrdreg s12;
	s9 =	sadd.s32 $0x41000, s9  }
0xb: {  	s12 =	sadd.s32 s7, s2;
	s5 =	sadd.s32 s5, s8;
	[dreg:$0x5] =	wrdreg s9  }
0xc: {  	s10 =	sshrl.u32 s10, $0x3;
	s13 =	sadd.s32 s6, s8;
	[dreg:$0x7] =	wrdreg s5  }
0xd: {  	s4 =	sadd.s32 s10, s4;
	[dreg:$0x8] =	wrdreg s13;
	s13 =	sshrl.u32 s12, $0x3  }
0xe: {  	s14 =	sadd.s32 $0x55000, s4;
	[dreg:$0x1d] =	wrdreg s13  }
0xf: {  	s15 =	sadd.s32 $0x57000, s4;
	[dreg:$0x9] =	wrdreg s14  }
0x10: {  	s16 =	sadd.s32 $0x59000, s4;
	[dreg:$0xa] =	wrdreg s15  }
0x11: {  	s17 =	sadd.s32 $0x5B000, s4;
	[dreg:$0xb] =	wrdreg s16  }
0x12: {  	s18 =	sadd.s32 $0x5D000, s4;
	[dreg:$0xc] =	wrdreg s17  }
0x13: {  	s19 =	sadd.s32 $0x5F000, s4;
	[dreg:$0xd] =	wrdreg s18  }
0x14: {  	s20 =	sadd.s32 $0x61000, s4;
	[dreg:$0xe] =	wrdreg s19  }
0x15: {  	s21 =	sadd.s32 $0x63000, s4;
	[dreg:$0xf] =	wrdreg s20  }
0x16: {  	s22 =	sadd.s32 $0x65000, s4;
	[dreg:$0x10] =	wrdreg s21  }
0x17: {  	s23 =	sadd.s32 $0x67000, s4;
	[dreg:$0x11] =	wrdreg s22  }
0x18: {  	s24 =	sadd.s32 $0x55008, s4;
	[dreg:$0x12] =	wrdreg s23  }
0x19: {  	s25 =	sadd.s32 $0x57008, s4;
	[dreg:$0x13] =	wrdreg s24  }
0x1a: {  	s26 =	sadd.s32 $0x59008, s4;
	[dreg:$0x14] =	wrdreg s25  }
0x1b: {  	s1 =	sadd.s32 $0x5B008, s4;
	[dreg:$0x15] =	wrdreg s26  }
0x1c: {  	s6 =	sadd.s32 $0x5D008, s4;
	[dreg:$0x16] =	wrdreg s1  }
0x1d: {  	s8 =	sadd.s32 $0x5F008, s4;
	[dreg:$0x17] =	wrdreg s6  }
0x1e: {  	s9 =	sadd.s32 $0x61008, s4;
	[dreg:$0x18] =	wrdreg s8  }
0x1f: {  	s10 =	sadd.s32 $0x63008, s4;
	[dreg:$0x19] =	wrdreg s9  }
0x20: {  	s11 =	sadd.s32 $0x65008, s4;
	[dreg:$0x1a] =	wrdreg s10  }
0x21: {  	s4 =	sadd.s32 $0x67008, s4;
	[dreg:$0x1b] =	wrdreg s11  }
0x22: {  	[dreg:$0x1c] =	wrdreg s4  }
0x23: {  	s15 =	rddreg [dreg:$0x1d]  }
0x24: {  	s16 =	rddreg [dreg:$0x6]  }
0x25: {  	s14 =	simm.s32 $0xA200;
	s18 =	rddreg [dreg:$0x5]  }
0x26: {  	s17 =	simm.s32 $0xA400;
	[dreg:$0x1e] =	wrdreg s14  }
0x27: {  	s19 =	simm.s32 $0xA600;
	[dreg:$0x1f] =	wrdreg s17  }
0x28: {  	s4 =	simm.s32 $0x5;
	[smem:$0x7FD] =	sst s19  }
0x29: {  	[spmem:s15], [sflag:s16] =	dma.local [hbm:s18], $0x1400  }
0x2a: {  	_ =	swait.ge [sflag:s4], $0x1400  }
0x2b: {  	[sflag:s4] =	ssyncset.done $0x0  }
0x2c: {  	s5 =	simm.s32 $0xA000;
	s20 =	rddreg [dreg:$0x7];
	[sflag:s4] =	ssyncadd.s32 $0xFFFFEC00  }
0x2d: {  	[tilespmem:s5], [sflag:$0x5] =	stream.linear.gather [hbm4b:s20+s3], $0x1400, $0x38;
	[tilespmem:$0x1C800] =	vst v63  }
0x2e: {  	_ =	swait.ge [sflag:s4], $0x1400  }
0x2f: {  	[sflag:s4] =	ssyncset.done $0x0  }
0x30: {  	s6 =	simm.s32 $0xB400;
	s21 =	rddreg [dreg:$0x8];
	[sflag:s4] =	ssyncadd.s32 $0xFFFFEC00  }
0x31: {  	[tilespmem:s6], [sflag:$0x5] =	stream.linear.gather [hbm4b:s21+s3], $0x1400, $0x38;
	[tilespmem:$0x1C800] =	vst v63  }
0x32: {  	_ =	swait.ge [sflag:s4], $0x1400  }
0x33: {  	[sflag:s4] =	ssyncset.done $0x0  }
0x34: {  	[sflag:s4] =	ssyncadd.s32 $0xFFFFEC00  }
0x35: {  	s7 =	simm.s32 $0x200;
	s8 =	simm.s32 $0xC800;
	[bflag:$0x0] =	sbarrier.arrive $0xFFFF  }
0x36: {  	[tilespmem:s8], [sflag:$0x1] =	stream.indirect.gather [spmem:s2], $0x40, s5, s7, $0xb8;
	[tilespmem:$0x1C800] =	vst v63  }
0x37: {  	s9 =	simm.s32 $0x14800;
	s10 =	simm.s32 $0x1;
	s22 =	rddreg [dreg:$0x1e]  }
0x38: {  	[tilespmem:s9], [sflag:$0x2] =	stream.indirect.gather [spmem:s2], $0x40, s22, s7, $0xb8;
	[tilespmem:$0x1C800] =	vst v63  }
0x39: {  	_ =	swait.ge [sflag:s10], $0x8000  }
0x3a: {  	s12 =	simm.s32 $0x80;
	s13 =	simm.s32 $0x3;
	[sflag:s10] =	ssyncset.done $0x0  }
0x3b: {  	s11 =	simm.s32 $0x40;
	s14 =	rddreg [dreg:$0x9];
	[sflag:s10] =	ssyncadd.s32 $0xFFFF8000  }
0x3c: {  	[hbm4b:s14+s11] =	stream.strided.scatter [tilespmem:s8], [sflag:$0x3], $0x8000, s12, s11, $0x38;
	[tilespmem:$0x1C800] =	vst v63  }
0x3d: {  	_ =	swait.ge [sflag:s13], $0x8000  }
0x3e: {  	[sflag:s13] =	ssyncset.done $0x0  }
0x3f: {  	s14 =	simm.s32 $0x2;
	s15 =	rddreg [dreg:$0x1f];
	[sflag:s13] =	ssyncadd.s32 $0xFFFF8000  }
0x40: {  	[tilespmem:s8], [sflag:$0x1] =	stream.indirect.gather [spmem:s2], $0x40, s15, s7, $0xb8;
	[tilespmem:$0x1C800] =	vst v63  }
0x41: {  	_ =	swait.ge [sflag:s14], $0x8000  }
0x42: {  	[sflag:s14] =	ssyncset.done $0x0  }
0x43: {  	s15 =	simm.s32 $0x4;
	s16 =	rddreg [dreg:$0xa];
	[sflag:s14] =	ssyncadd.s32 $0xFFFF8000  }
0x44: {  	[hbm4b:s16+s11] =	stream.strided.scatter [tilespmem:s9], [sflag:$0x4], $0x8000, s12, s11, $0x38;
	[tilespmem:$0x1C800] =	vst v63  }
0x45: {  	_ =	swait.ge [sflag:s15], $0x8000  }
0x46: {  	s23 =	sld [smem:$0x7FD]  }
0x47: {  	[sflag:s15] =	ssyncset.done $0x0  }
0x48: {  	[sflag:s15] =	ssyncadd.s32 $0xFFFF8000  }
0x49: {  	[tilespmem:s9], [sflag:$0x2] =	stream.indirect.gather [spmem:s2], $0x40, s23, s7, $0xb8;
	[tilespmem:$0x1C800] =	vst v63  }
0x4a: {  	_ =	swait.ge [sflag:s10], $0x8000  }
0x4b: {  	[sflag:s10] =	ssyncset.done $0x0  }
0x4c: {  	s24 =	rddreg [dreg:$0xb];
	[sflag:s10] =	ssyncadd.s32 $0xFFFF8000  }
0x4d: {  	[hbm4b:s24+s11] =	stream.strided.scatter [tilespmem:s8], [sflag:$0x3], $0x8000, s12, s11, $0x38;
	[tilespmem:$0x1C800] =	vst v63  }
0x4e: {  	_ =	swait.ge [sflag:s13], $0x8000  }
0x4f: {  	[sflag:s13] =	ssyncset.done $0x0  }
0x50: {  	s25 =	simm.s32 $0xA800;
	[sflag:s13] =	ssyncadd.s32 $0xFFFF8000  }
0x51: {  	[tilespmem:s8], [sflag:$0x1] =	stream.indirect.gather [spmem:s2], $0x40, s25, s7, $0xb8;
	[tilespmem:$0x1C800] =	vst v63  }
0x52: {  	_ =	swait.ge [sflag:s14], $0x8000  }
0x53: {  	[sflag:s14] =	ssyncset.done $0x0  }
0x54: {  	s17 =	rddreg [dreg:$0xc];
	[sflag:s14] =	ssyncadd.s32 $0xFFFF8000  }
0x55: {  	[hbm4b:s17+s11] =	stream.strided.scatter [tilespmem:s9], [sflag:$0x4], $0x8000, s12, s11, $0x38;
	[tilespmem:$0x1C800] =	vst v63  }
0x56: {  	_ =	swait.ge [sflag:s15], $0x8000  }
0x57: {  	[sflag:s15] =	ssyncset.done $0x0  }
0x58: {  	s26 =	simm.s32 $0xAA00;
	[sflag:s15] =	ssyncadd.s32 $0xFFFF8000  }
0x59: {  	[tilespmem:s9], [sflag:$0x2] =	stream.indirect.gather [spmem:s2], $0x40, s26, s7, $0xb8;
	[tilespmem:$0x1C800] =	vst v63  }
0x5a: {  	_ =	swait.ge [sflag:s10], $0x8000  }
0x5b: {  	[sflag:s10] =	ssyncset.done $0x0  }
0x5c: {  	s18 =	rddreg [dreg:$0xd];
	[sflag:s10] =	ssyncadd.s32 $0xFFFF8000  }
0x5d: {  	[hbm4b:s18+s11] =	stream.strided.scatter [tilespmem:s8], [sflag:$0x3], $0x8000, s12, s11, $0x38;
	[tilespmem:$0x1C800] =	vst v63  }
0x5e: {  	_ =	swait.ge [sflag:s13], $0x8000  }
0x5f: {  	[sflag:s13] =	ssyncset.done $0x0  }
0x60: {  	s18 =	simm.s32 $0xAC00;
	[sflag:s13] =	ssyncadd.s32 $0xFFFF8000  }
0x61: {  	[tilespmem:s8], [sflag:$0x1] =	stream.indirect.gather [spmem:s2], $0x40, s18, s7, $0xb8;
	[tilespmem:$0x1C800] =	vst v63  }
0x62: {  	_ =	swait.ge [sflag:s14], $0x8000  }
0x63: {  	[sflag:s14] =	ssyncset.done $0x0  }
0x64: {  	s19 =	rddreg [dreg:$0xe];
	[sflag:s14] =	ssyncadd.s32 $0xFFFF8000  }
0x65: {  	[hbm4b:s19+s11] =	stream.strided.scatter [tilespmem:s9], [sflag:$0x4], $0x8000, s12, s11, $0x38;
	[tilespmem:$0x1C800] =	vst v63  }
0x66: {  	_ =	swait.ge [sflag:s15], $0x8000  }
0x67: {  	[sflag:s15] =	ssyncset.done $0x0  }
0x68: {  	s19 =	simm.s32 $0xAE00;
	[sflag:s15] =	ssyncadd.s32 $0xFFFF8000  }
0x69: {  	[tilespmem:s9], [sflag:$0x2] =	stream.indirect.gather [spmem:s2], $0x40, s19, s7, $0xb8;
	[tilespmem:$0x1C800] =	vst v63  }
0x6a: {  	_ =	swait.ge [sflag:s10], $0x8000  }
0x6b: {  	[sflag:s10] =	ssyncset.done $0x0  }
0x6c: {  	s20 =	rddreg [dreg:$0xf];
	[sflag:s10] =	ssyncadd.s32 $0xFFFF8000  }
0x6d: {  	[hbm4b:s20+s11] =	stream.strided.scatter [tilespmem:s8], [sflag:$0x3], $0x8000, s12, s11, $0x38;
	[tilespmem:$0x1C800] =	vst v63  }
0x6e: {  	_ =	swait.ge [sflag:s13], $0x8000  }
0x6f: {  	[sflag:s13] =	ssyncset.done $0x0  }
0x70: {  	s20 =	simm.s32 $0xB000;
	[sflag:s13] =	ssyncadd.s32 $0xFFFF8000  }
0x71: {  	[tilespmem:s8], [sflag:$0x1] =	stream.indirect.gather [spmem:s2], $0x40, s20, s7, $0xb8;
	[tilespmem:$0x1C800] =	vst v63  }
0x72: {  	_ =	swait.ge [sflag:s14], $0x8000  }
0x73: {  	[sflag:s14] =	ssyncset.done $0x0  }
0x74: {  	s21 =	rddreg [dreg:$0x10];
	[sflag:s14] =	ssyncadd.s32 $0xFFFF8000  }
0x75: {  	[hbm4b:s21+s11] =	stream.strided.scatter [tilespmem:s9], [sflag:$0x4], $0x8000, s12, s11, $0x38;
	[tilespmem:$0x1C800] =	vst v63  }
0x76: {  	_ =	swait.ge [sflag:s15], $0x8000  }
0x77: {  	[sflag:s15] =	ssyncset.done $0x0  }
0x78: {  	s21 =	simm.s32 $0xB200;
	[sflag:s15] =	ssyncadd.s32 $0xFFFF8000  }
0x79: {  	[tilespmem:s9], [sflag:$0x2] =	stream.indirect.gather [spmem:s2], $0x40, s21, s7, $0xb8;
	[tilespmem:$0x1C800] =	vst v63  }
0x7a: {  	_ =	swait.ge [sflag:s10], $0x8000  }
0x7b: {  	[sflag:s10] =	ssyncset.done $0x0  }
0x7c: {  	s22 =	rddreg [dreg:$0x11];
	[sflag:s10] =	ssyncadd.s32 $0xFFFF8000  }
0x7d: {  	[hbm4b:s22+s11] =	stream.strided.scatter [tilespmem:s8], [sflag:$0x3], $0x8000, s12, s11, $0x38;
	[tilespmem:$0x1C800] =	vst v63  }
0x7e: {  	_ =	swait.ge [sflag:s13], $0x8000  }
0x7f: {  	[sflag:s13] =	ssyncset.done $0x0  }
0x80: {  	[sflag:s13] =	ssyncadd.s32 $0xFFFF8000  }
0x81: {  	[tilespmem:s8], [sflag:$0x1] =	stream.indirect.gather [spmem:s2], $0x40, s6, s7, $0xb8;
	[tilespmem:$0x1C800] =	vst v63  }
0x82: {  	_ =	swait.ge [sflag:s14], $0x8000  }
0x83: {  	[sflag:s14] =	ssyncset.done $0x0  }
0x84: {  	s16 =	rddreg [dreg:$0x12];
	[sflag:s14] =	ssyncadd.s32 $0xFFFF8000  }
0x85: {  	[hbm4b:s16+s11] =	stream.strided.scatter [tilespmem:s9], [sflag:$0x4], $0x8000, s12, s11, $0x38;
	[tilespmem:$0x1C800] =	vst v63  }
0x86: {  	_ =	swait.ge [sflag:s15], $0x8000  }
0x87: {  	[sflag:s15] =	ssyncset.done $0x0  }
0x88: {  	s22 =	simm.s32 $0xB600;
	[sflag:s15] =	ssyncadd.s32 $0xFFFF8000  }
0x89: {  	[tilespmem:s9], [sflag:$0x2] =	stream.indirect.gather [spmem:s2], $0x40, s22, s7, $0xb8;
	[tilespmem:$0x1C800] =	vst v63  }
0x8a: {  	_ =	swait.ge [sflag:s10], $0x8000  }
0x8b: {  	[sflag:s10] =	ssyncset.done $0x0  }
0x8c: {  	s23 =	rddreg [dreg:$0x13];
	[sflag:s10] =	ssyncadd.s32 $0xFFFF8000  }
0x8d: {  	[hbm4b:s23+s11] =	stream.strided.scatter [tilespmem:s8], [sflag:$0x3], $0x8000, s12, s11, $0x38;
	[tilespmem:$0x1C800] =	vst v63  }
0x8e: {  	_ =	swait.ge [sflag:s13], $0x8000  }
0x8f: {  	[sflag:s13] =	ssyncset.done $0x0  }
0x90: {  	s23 =	simm.s32 $0xB800;
	[sflag:s13] =	ssyncadd.s32 $0xFFFF8000  }
0x91: {  	[tilespmem:s8], [sflag:$0x1] =	stream.indirect.gather [spmem:s2], $0x40, s23, s7, $0xb8;
	[tilespmem:$0x1C800] =	vst v63  }
0x92: {  	_ =	swait.ge [sflag:s14], $0x8000  }
0x93: {  	[sflag:s14] =	ssyncset.done $0x0  }
0x94: {  	s24 =	rddreg [dreg:$0x14];
	[sflag:s14] =	ssyncadd.s32 $0xFFFF8000  }
0x95: {  	[hbm4b:s24+s11] =	stream.strided.scatter [tilespmem:s9], [sflag:$0x4], $0x8000, s12, s11, $0x38;
	[tilespmem:$0x1C800] =	vst v63  }
0x96: {  	_ =	swait.ge [sflag:s15], $0x8000  }
0x97: {  	[sflag:s15] =	ssyncset.done $0x0  }
0x98: {  	s24 =	simm.s32 $0xBA00;
	[sflag:s15] =	ssyncadd.s32 $0xFFFF8000  }
0x99: {  	[tilespmem:s9], [sflag:$0x2] =	stream.indirect.gather [spmem:s2], $0x40, s24, s7, $0xb8;
	[tilespmem:$0x1C800] =	vst v63  }
0x9a: {  	_ =	swait.ge [sflag:s10], $0x8000  }
0x9b: {  	[sflag:s10] =	ssyncset.done $0x0  }
0x9c: {  	s25 =	rddreg [dreg:$0x15];
	[sflag:s10] =	ssyncadd.s32 $0xFFFF8000  }
0x9d: {  	[hbm4b:s25+s11] =	stream.strided.scatter [tilespmem:s8], [sflag:$0x3], $0x8000, s12, s11, $0x38;
	[tilespmem:$0x1C800] =	vst v63  }
0x9e: {  	_ =	swait.ge [sflag:s13], $0x8000  }
0x9f: {  	[sflag:s13] =	ssyncset.done $0x0  }
0xa0: {  	s25 =	simm.s32 $0xBC00;
	[sflag:s13] =	ssyncadd.s32 $0xFFFF8000  }
0xa1: {  	[tilespmem:s8], [sflag:$0x1] =	stream.indirect.gather [spmem:s2], $0x40, s25, s7, $0xb8;
	[tilespmem:$0x1C800] =	vst v63  }
0xa2: {  	_ =	swait.ge [sflag:s14], $0x8000  }
0xa3: {  	[sflag:s14] =	ssyncset.done $0x0  }
0xa4: {  	s26 =	rddreg [dreg:$0x16];
	[sflag:s14] =	ssyncadd.s32 $0xFFFF8000  }
0xa5: {  	[hbm4b:s26+s11] =	stream.strided.scatter [tilespmem:s9], [sflag:$0x4], $0x8000, s12, s11, $0x38;
	[tilespmem:$0x1C800] =	vst v63  }
0xa6: {  	_ =	swait.ge [sflag:s15], $0x8000  }
0xa7: {  	[sflag:s15] =	ssyncset.done $0x0  }
0xa8: {  	s26 =	simm.s32 $0xBE00;
	[sflag:s15] =	ssyncadd.s32 $0xFFFF8000  }
0xa9: {  	[tilespmem:s9], [sflag:$0x2] =	stream.indirect.gather [spmem:s2], $0x40, s26, s7, $0xb8;
	[tilespmem:$0x1C800] =	vst v63  }
0xaa: {  	_ =	swait.ge [sflag:s10], $0x8000  }
0xab: {  	[sflag:s10] =	ssyncset.done $0x0  }
0xac: {  	s28 =	rddreg [dreg:$0x17];
	[sflag:s10] =	ssyncadd.s32 $0xFFFF8000  }
0xad: {  	[hbm4b:s28+s11] =	stream.strided.scatter [tilespmem:s8], [sflag:$0x3], $0x8000, s12, s11, $0x38;
	[tilespmem:$0x1C800] =	vst v63  }
0xae: {  	_ =	swait.ge [sflag:s13], $0x8000  }
0xaf: {  	[sflag:s13] =	ssyncset.done $0x0  }
0xb0: {  	s28 =	simm.s32 $0xC000;
	[sflag:s13] =	ssyncadd.s32 $0xFFFF8000  }
0xb1: {  	[tilespmem:s8], [sflag:$0x1] =	stream.indirect.gather [spmem:s2], $0x40, s28, s7, $0xb8;
	[tilespmem:$0x1C800] =	vst v63  }
0xb2: {  	_ =	swait.ge [sflag:s14], $0x8000  }
0xb3: {  	[sflag:s14] =	ssyncset.done $0x0  }
0xb4: {  	s29 =	rddreg [dreg:$0x18];
	[sflag:s14] =	ssyncadd.s32 $0xFFFF8000  }
0xb5: {  	[hbm4b:s29+s11] =	stream.strided.scatter [tilespmem:s9], [sflag:$0x4], $0x8000, s12, s11, $0x38;
	[tilespmem:$0x1C800] =	vst v63  }
0xb6: {  	_ =	swait.ge [sflag:s15], $0x8000  }
0xb7: {  	[sflag:s15] =	ssyncset.done $0x0  }
0xb8: {  	s29 =	simm.s32 $0xC200;
	[sflag:s15] =	ssyncadd.s32 $0xFFFF8000  }
0xb9: {  	[tilespmem:s9], [sflag:$0x2] =	stream.indirect.gather [spmem:s2], $0x40, s29, s7, $0xb8;
	[tilespmem:$0x1C800] =	vst v63  }
0xba: {  	_ =	swait.ge [sflag:s10], $0x8000  }
0xbb: {  	[sflag:s10] =	ssyncset.done $0x0  }
0xbc: {  	s30 =	rddreg [dreg:$0x19];
	[sflag:s10] =	ssyncadd.s32 $0xFFFF8000  }
0xbd: {  	[hbm4b:s30+s11] =	stream.strided.scatter [tilespmem:s8], [sflag:$0x3], $0x8000, s12, s11, $0x38;
	[tilespmem:$0x1C800] =	vst v63  }
0xbe: {  	_ =	swait.ge [sflag:s13], $0x8000  }
0xbf: {  	[sflag:s13] =	ssyncset.done $0x0  }
0xc0: {  	s30 =	simm.s32 $0xC400;
	[sflag:s13] =	ssyncadd.s32 $0xFFFF8000  }
0xc1: {  	[tilespmem:s8], [sflag:$0x1] =	stream.indirect.gather [spmem:s2], $0x40, s30, s7, $0xb8;
	[tilespmem:$0x1C800] =	vst v63  }
0xc2: {  	_ =	swait.ge [sflag:s14], $0x8000  }
0xc3: {  	[sflag:s14] =	ssyncset.done $0x0  }
0xc4: {  	s31 =	rddreg [dreg:$0x1a];
	[sflag:s14] =	ssyncadd.s32 $0xFFFF8000  }
0xc5: {  	[hbm4b:s31+s11] =	stream.strided.scatter [tilespmem:s9], [sflag:$0x4], $0x8000, s12, s11, $0x38;
	[tilespmem:$0x1C800] =	vst v63  }
0xc6: {  	_ =	swait.ge [sflag:s15], $0x8000  }
0xc7: {  	[sflag:s15] =	ssyncset.done $0x0  }
0xc8: {  	s31 =	simm.s32 $0xC600;
	[sflag:s15] =	ssyncadd.s32 $0xFFFF8000  }
0xc9: {  	[tilespmem:s9], [sflag:$0x2] =	stream.indirect.gather [spmem:s2], $0x40, s31, s7, $0xb8;
	[tilespmem:$0x1C800] =	vst v63  }
0xca: {  	_ =	swait.ge [sflag:s10], $0x8000  }
0xcb: {  	[sflag:s10] =	ssyncset.done $0x0  }
0xcc: {  	s0 =	ssub.s32 $0x2, s0;
	s17 =	rddreg [dreg:$0x1b];
	[sflag:s10] =	ssyncadd.s32 $0xFFFF8000  }
0xcd: {  	[hbm4b:s17+s11] =	stream.strided.scatter [tilespmem:s8], [sflag:$0x3], $0x8000, s12, s11, $0x38;
	[tilespmem:$0x1C800] =	vst v63  }
0xce: {  	s17 =	sshrl.u32 s0, $0x1  }
0xcf: {  	_ =	swait.ge [sflag:s14], $0x8000;
	s0 =	ssub.s32 s0, s17  }
0xd0: {  	[sflag:s14] =	ssyncset.done $0x0;
	s0 =	smax.u32 s0, $0x1  }
0xd1: {  	s16 =	rddreg [dreg:$0x1c];
	[sflag:s14] =	ssyncadd.s32 $0xFFFF8000;
	p0 =	sne.s32 s0, $0x1  }
0xd2: {  	[hbm4b:s16+s11] =	stream.strided.scatter [tilespmem:s9], [sflag:$0x4], $0x8000, s12, s11, $0x38;
	[tilespmem:$0x1C800] =	vst v63  }
.Ltmp0:
0xd3: {  	_ = 	snop;
	(pc) =	sbr.rel @!p0 .LBB2_2-.Ltmp0, $4  }
0xd4: {  	_ =	swait.ge [sflag:s13], $0x8000  }
0xd5: {  	[sflag:s13] =	ssyncset.done $0x0  }
0xd6: {  	[sflag:s13] =	ssyncadd.s32 $0xFFFF8000  }
0xd7: {  	s0 =	sadd.s32 $0xFFFFFFFF, s0;
	_ =	swait.ge [sflag:s15], $0x8000  }
.LBB2_1:
0xd8: {  	s1 =	rddreg [dreg:$0x1d]  }
0xd9: {  	[sflag:s15] =	ssyncset.done $0x0;
	s16 =	rddreg [dreg:$0x6]  }
0xda: {  	s17 =	rddreg [dreg:$0x5];
	[sflag:s15] =	ssyncadd.s32 $0xFFFF8000  }
0xdb: {  	[spmem:s1], [sflag:s16] =	dma.local [hbm:s17], $0x1400  }
0xdc: {  	_ =	swait.ge [sflag:s4], $0x1400  }
0xdd: {  	[sflag:s4] =	ssyncset.done $0x0  }
0xde: {  	s17 =	rddreg [dreg:$0x7];
	[sflag:s4] =	ssyncadd.s32 $0xFFFFEC00  }
0xdf: {  	[tilespmem:s5], [sflag:$0x5] =	stream.linear.gather [hbm4b:s17+s3], $0x1400, $0x38;
	[tilespmem:$0x1C800] =	vst v63  }
0xe0: {  	_ =	swait.ge [sflag:s4], $0x1400  }
0xe1: {  	[sflag:s4] =	ssyncset.done $0x0  }
0xe2: {  	s16 =	rddreg [dreg:$0x8];
	[sflag:s4] =	ssyncadd.s32 $0xFFFFEC00  }
0xe3: {  	[tilespmem:s6], [sflag:$0x5] =	stream.linear.gather [hbm4b:s16+s3], $0x1400, $0x38;
	[tilespmem:$0x1C800] =	vst v63  }
0xe4: {  	_ =	swait.ge [sflag:s4], $0x1400  }
0xe5: {  	[sflag:s4] =	ssyncset.done $0x0  }
0xe6: {  	[sflag:s4] =	ssyncadd.s32 $0xFFFFEC00  }
0xe7: {  	[bflag:$0x0] =	sbarrier.arrive $0xFFFF  }
0xe8: {  	[tilespmem:s8], [sflag:$0x1] =	stream.indirect.gather [spmem:s2], $0x40, s5, s7, $0xb8;
	[tilespmem:$0x1C800] =	vst v63  }
0xe9: {  	s17 =	rddreg [dreg:$0x1e]  }
0xea: {  	[tilespmem:s9], [sflag:$0x2] =	stream.indirect.gather [spmem:s2], $0x40, s17, s7, $0xb8;
	[tilespmem:$0x1C800] =	vst v63  }
0xeb: {  	_ =	swait.ge [sflag:s10], $0x8000  }
0xec: {  	[sflag:s10] =	ssyncset.done $0x0  }
0xed: {  	s16 =	rddreg [dreg:$0x9];
	[sflag:s10] =	ssyncadd.s32 $0xFFFF8000  }
0xee: {  	[hbm4b:s16+s11] =	stream.strided.scatter [tilespmem:s8], [sflag:$0x3], $0x8000, s12, s11, $0x38;
	[tilespmem:$0x1C800] =	vst v63  }
0xef: {  	_ =	swait.ge [sflag:s13], $0x8000  }
0xf0: {  	[sflag:s13] =	ssyncset.done $0x0  }
0xf1: {  	s17 =	rddreg [dreg:$0x1f];
	[sflag:s13] =	ssyncadd.s32 $0xFFFF8000  }
0xf2: {  	[tilespmem:s8], [sflag:$0x1] =	stream.indirect.gather [spmem:s2], $0x40, s17, s7, $0xb8;
	[tilespmem:$0x1C800] =	vst v63  }
0xf3: {  	_ =	swait.ge [sflag:s14], $0x8000  }
0xf4: {  	[sflag:s14] =	ssyncset.done $0x0  }
0xf5: {  	s16 =	rddreg [dreg:$0xa];
	[sflag:s14] =	ssyncadd.s32 $0xFFFF8000  }
0xf6: {  	[hbm4b:s16+s11] =	stream.strided.scatter [tilespmem:s9], [sflag:$0x4], $0x8000, s12, s11, $0x38;
	[tilespmem:$0x1C800] =	vst v63  }
0xf7: {  	_ =	swait.ge [sflag:s15], $0x8000  }
0xf8: {  	s17 =	sld [smem:$0x7FD]  }
0xf9: {  	[sflag:s15] =	ssyncset.done $0x0  }
0xfa: {  	[sflag:s15] =	ssyncadd.s32 $0xFFFF8000  }
0xfb: {  	[tilespmem:s9], [sflag:$0x2] =	stream.indirect.gather [spmem:s2], $0x40, s17, s7, $0xb8;
	[tilespmem:$0x1C800] =	vst v63  }
0xfc: {  	_ =	swait.ge [sflag:s10], $0x8000  }
0xfd: {  	[sflag:s10] =	ssyncset.done $0x0  }
0xfe: {  	s16 =	rddreg [dreg:$0xb];
	[sflag:s10] =	ssyncadd.s32 $0xFFFF8000  }
0xff: {  	[hbm4b:s16+s11] =	stream.strided.scatter [tilespmem:s8], [sflag:$0x3], $0x8000, s12, s11, $0x38;
	[tilespmem:$0x1C800] =	vst v63  }
0x100: {  	_ =	swait.ge [sflag:s13], $0x8000  }
0x101: {  	[sflag:s13] =	ssyncset.done $0x0  }
0x102: {  	s17 =	simm.s32 $0xA800;
	[sflag:s13] =	ssyncadd.s32 $0xFFFF8000  }
0x103: {  	[tilespmem:s8], [sflag:$0x1] =	stream.indirect.gather [spmem:s2], $0x40, s17, s7, $0xb8;
	[tilespmem:$0x1C800] =	vst v63  }
0x104: {  	_ =	swait.ge [sflag:s14], $0x8000  }
0x105: {  	[sflag:s14] =	ssyncset.done $0x0  }
0x106: {  	s16 =	rddreg [dreg:$0xc];
	[sflag:s14] =	ssyncadd.s32 $0xFFFF8000  }
0x107: {  	[hbm4b:s16+s11] =	stream.strided.scatter [tilespmem:s9], [sflag:$0x4], $0x8000, s12, s11, $0x38;
	[tilespmem:$0x1C800] =	vst v63  }
0x108: {  	_ =	swait.ge [sflag:s15], $0x8000  }
0x109: {  	[sflag:s15] =	ssyncset.done $0x0  }
0x10a: {  	s17 =	simm.s32 $0xAA00;
	[sflag:s15] =	ssyncadd.s32 $0xFFFF8000  }
0x10b: {  	[tilespmem:s9], [sflag:$0x2] =	stream.indirect.gather [spmem:s2], $0x40, s17, s7, $0xb8;
	[tilespmem:$0x1C800] =	vst v63  }
0x10c: {  	_ =	swait.ge [sflag:s10], $0x8000  }
0x10d: {  	[sflag:s10] =	ssyncset.done $0x0  }
0x10e: {  	s16 =	rddreg [dreg:$0xd];
	[sflag:s10] =	ssyncadd.s32 $0xFFFF8000  }
0x10f: {  	[hbm4b:s16+s11] =	stream.strided.scatter [tilespmem:s8], [sflag:$0x3], $0x8000, s12, s11, $0x38;
	[tilespmem:$0x1C800] =	vst v63  }
0x110: {  	_ =	swait.ge [sflag:s13], $0x8000  }
0x111: {  	[sflag:s13] =	ssyncset.done $0x0  }
0x112: {  	[sflag:s13] =	ssyncadd.s32 $0xFFFF8000  }
0x113: {  	[tilespmem:s8], [sflag:$0x1] =	stream.indirect.gather [spmem:s2], $0x40, s18, s7, $0xb8;
	[tilespmem:$0x1C800] =	vst v63  }
0x114: {  	_ =	swait.ge [sflag:s14], $0x8000  }
0x115: {  	[sflag:s14] =	ssyncset.done $0x0  }
0x116: {  	s17 =	rddreg [dreg:$0xe];
	[sflag:s14] =	ssyncadd.s32 $0xFFFF8000  }
0x117: {  	[hbm4b:s17+s11] =	stream.strided.scatter [tilespmem:s9], [sflag:$0x4], $0x8000, s12, s11, $0x38;
	[tilespmem:$0x1C800] =	vst v63  }
0x118: {  	_ =	swait.ge [sflag:s15], $0x8000  }
0x119: {  	[sflag:s15] =	ssyncset.done $0x0  }
0x11a: {  	[sflag:s15] =	ssyncadd.s32 $0xFFFF8000  }
0x11b: {  	[tilespmem:s9], [sflag:$0x2] =	stream.indirect.gather [spmem:s2], $0x40, s19, s7, $0xb8;
	[tilespmem:$0x1C800] =	vst v63  }
0x11c: {  	_ =	swait.ge [sflag:s10], $0x8000  }
0x11d: {  	[sflag:s10] =	ssyncset.done $0x0  }
0x11e: {  	s16 =	rddreg [dreg:$0xf];
	[sflag:s10] =	ssyncadd.s32 $0xFFFF8000  }
0x11f: {  	[hbm4b:s16+s11] =	stream.strided.scatter [tilespmem:s8], [sflag:$0x3], $0x8000, s12, s11, $0x38;
	[tilespmem:$0x1C800] =	vst v63  }
0x120: {  	_ =	swait.ge [sflag:s13], $0x8000  }
0x121: {  	[sflag:s13] =	ssyncset.done $0x0  }
0x122: {  	[sflag:s13] =	ssyncadd.s32 $0xFFFF8000  }
0x123: {  	[tilespmem:s8], [sflag:$0x1] =	stream.indirect.gather [spmem:s2], $0x40, s20, s7, $0xb8;
	[tilespmem:$0x1C800] =	vst v63  }
0x124: {  	_ =	swait.ge [sflag:s14], $0x8000  }
0x125: {  	[sflag:s14] =	ssyncset.done $0x0  }
0x126: {  	s17 =	rddreg [dreg:$0x10];
	[sflag:s14] =	ssyncadd.s32 $0xFFFF8000  }
0x127: {  	[hbm4b:s17+s11] =	stream.strided.scatter [tilespmem:s9], [sflag:$0x4], $0x8000, s12, s11, $0x38;
	[tilespmem:$0x1C800] =	vst v63  }
0x128: {  	_ =	swait.ge [sflag:s15], $0x8000  }
0x129: {  	[sflag:s15] =	ssyncset.done $0x0  }
0x12a: {  	[sflag:s15] =	ssyncadd.s32 $0xFFFF8000  }
0x12b: {  	[tilespmem:s9], [sflag:$0x2] =	stream.indirect.gather [spmem:s2], $0x40, s21, s7, $0xb8;
	[tilespmem:$0x1C800] =	vst v63  }
0x12c: {  	_ =	swait.ge [sflag:s10], $0x8000  }
0x12d: {  	[sflag:s10] =	ssyncset.done $0x0  }
0x12e: {  	s16 =	rddreg [dreg:$0x11];
	[sflag:s10] =	ssyncadd.s32 $0xFFFF8000  }
0x12f: {  	[hbm4b:s16+s11] =	stream.strided.scatter [tilespmem:s8], [sflag:$0x3], $0x8000, s12, s11, $0x38;
	[tilespmem:$0x1C800] =	vst v63  }
0x130: {  	_ =	swait.ge [sflag:s13], $0x8000  }
0x131: {  	[sflag:s13] =	ssyncset.done $0x0  }
0x132: {  	[sflag:s13] =	ssyncadd.s32 $0xFFFF8000  }
0x133: {  	[tilespmem:s8], [sflag:$0x1] =	stream.indirect.gather [spmem:s2], $0x40, s6, s7, $0xb8;
	[tilespmem:$0x1C800] =	vst v63  }
0x134: {  	_ =	swait.ge [sflag:s14], $0x8000  }
0x135: {  	[sflag:s14] =	ssyncset.done $0x0  }
0x136: {  	s17 =	rddreg [dreg:$0x12];
	[sflag:s14] =	ssyncadd.s32 $0xFFFF8000  }
0x137: {  	[hbm4b:s17+s11] =	stream.strided.scatter [tilespmem:s9], [sflag:$0x4], $0x8000, s12, s11, $0x38;
	[tilespmem:$0x1C800] =	vst v63  }
0x138: {  	_ =	swait.ge [sflag:s15], $0x8000  }
0x139: {  	[sflag:s15] =	ssyncset.done $0x0  }
0x13a: {  	[sflag:s15] =	ssyncadd.s32 $0xFFFF8000  }
0x13b: {  	[tilespmem:s9], [sflag:$0x2] =	stream.indirect.gather [spmem:s2], $0x40, s22, s7, $0xb8;
	[tilespmem:$0x1C800] =	vst v63  }
0x13c: {  	_ =	swait.ge [sflag:s10], $0x8000  }
0x13d: {  	[sflag:s10] =	ssyncset.done $0x0  }
0x13e: {  	s16 =	rddreg [dreg:$0x13];
	[sflag:s10] =	ssyncadd.s32 $0xFFFF8000  }
0x13f: {  	[hbm4b:s16+s11] =	stream.strided.scatter [tilespmem:s8], [sflag:$0x3], $0x8000, s12, s11, $0x38;
	[tilespmem:$0x1C800] =	vst v63  }
0x140: {  	_ =	swait.ge [sflag:s13], $0x8000  }
0x141: {  	[sflag:s13] =	ssyncset.done $0x0  }
0x142: {  	[sflag:s13] =	ssyncadd.s32 $0xFFFF8000  }
0x143: {  	[tilespmem:s8], [sflag:$0x1] =	stream.indirect.gather [spmem:s2], $0x40, s23, s7, $0xb8;
	[tilespmem:$0x1C800] =	vst v63  }
0x144: {  	_ =	swait.ge [sflag:s14], $0x8000  }
0x145: {  	[sflag:s14] =	ssyncset.done $0x0  }
0x146: {  	s17 =	rddreg [dreg:$0x14];
	[sflag:s14] =	ssyncadd.s32 $0xFFFF8000  }
0x147: {  	[hbm4b:s17+s11] =	stream.strided.scatter [tilespmem:s9], [sflag:$0x4], $0x8000, s12, s11, $0x38;
	[tilespmem:$0x1C800] =	vst v63  }
0x148: {  	_ =	swait.ge [sflag:s15], $0x8000  }
0x149: {  	[sflag:s15] =	ssyncset.done $0x0  }
0x14a: {  	[sflag:s15] =	ssyncadd.s32 $0xFFFF8000  }
0x14b: {  	[tilespmem:s9], [sflag:$0x2] =	stream.indirect.gather [spmem:s2], $0x40, s24, s7, $0xb8;
	[tilespmem:$0x1C800] =	vst v63  }
0x14c: {  	_ =	swait.ge [sflag:s10], $0x8000  }
0x14d: {  	[sflag:s10] =	ssyncset.done $0x0  }
0x14e: {  	s16 =	rddreg [dreg:$0x15];
	[sflag:s10] =	ssyncadd.s32 $0xFFFF8000  }
0x14f: {  	[hbm4b:s16+s11] =	stream.strided.scatter [tilespmem:s8], [sflag:$0x3], $0x8000, s12, s11, $0x38;
	[tilespmem:$0x1C800] =	vst v63  }
0x150: {  	_ =	swait.ge [sflag:s13], $0x8000  }
0x151: {  	[sflag:s13] =	ssyncset.done $0x0  }
0x152: {  	[sflag:s13] =	ssyncadd.s32 $0xFFFF8000  }
0x153: {  	[tilespmem:s8], [sflag:$0x1] =	stream.indirect.gather [spmem:s2], $0x40, s25, s7, $0xb8;
	[tilespmem:$0x1C800] =	vst v63  }
0x154: {  	_ =	swait.ge [sflag:s14], $0x8000  }
0x155: {  	[sflag:s14] =	ssyncset.done $0x0  }
0x156: {  	s17 =	rddreg [dreg:$0x16];
	[sflag:s14] =	ssyncadd.s32 $0xFFFF8000  }
0x157: {  	[hbm4b:s17+s11] =	stream.strided.scatter [tilespmem:s9], [sflag:$0x4], $0x8000, s12, s11, $0x38;
	[tilespmem:$0x1C800] =	vst v63  }
0x158: {  	_ =	swait.ge [sflag:s15], $0x8000  }
0x159: {  	[sflag:s15] =	ssyncset.done $0x0  }
0x15a: {  	[sflag:s15] =	ssyncadd.s32 $0xFFFF8000  }
0x15b: {  	[tilespmem:s9], [sflag:$0x2] =	stream.indirect.gather [spmem:s2], $0x40, s26, s7, $0xb8;
	[tilespmem:$0x1C800] =	vst v63  }
0x15c: {  	_ =	swait.ge [sflag:s10], $0x8000  }
0x15d: {  	[sflag:s10] =	ssyncset.done $0x0  }
0x15e: {  	s16 =	rddreg [dreg:$0x17];
	[sflag:s10] =	ssyncadd.s32 $0xFFFF8000  }
0x15f: {  	[hbm4b:s16+s11] =	stream.strided.scatter [tilespmem:s8], [sflag:$0x3], $0x8000, s12, s11, $0x38;
	[tilespmem:$0x1C800] =	vst v63  }
0x160: {  	_ =	swait.ge [sflag:s13], $0x8000  }
0x161: {  	[sflag:s13] =	ssyncset.done $0x0  }
0x162: {  	[sflag:s13] =	ssyncadd.s32 $0xFFFF8000  }
0x163: {  	[tilespmem:s8], [sflag:$0x1] =	stream.indirect.gather [spmem:s2], $0x40, s28, s7, $0xb8;
	[tilespmem:$0x1C800] =	vst v63  }
0x164: {  	_ =	swait.ge [sflag:s14], $0x8000  }
0x165: {  	[sflag:s14] =	ssyncset.done $0x0  }
0x166: {  	s17 =	rddreg [dreg:$0x18];
	[sflag:s14] =	ssyncadd.s32 $0xFFFF8000  }
0x167: {  	[hbm4b:s17+s11] =	stream.strided.scatter [tilespmem:s9], [sflag:$0x4], $0x8000, s12, s11, $0x38;
	[tilespmem:$0x1C800] =	vst v63  }
0x168: {  	_ =	swait.ge [sflag:s15], $0x8000  }
0x169: {  	[sflag:s15] =	ssyncset.done $0x0  }
0x16a: {  	[sflag:s15] =	ssyncadd.s32 $0xFFFF8000  }
0x16b: {  	[tilespmem:s9], [sflag:$0x2] =	stream.indirect.gather [spmem:s2], $0x40, s29, s7, $0xb8;
	[tilespmem:$0x1C800] =	vst v63  }
0x16c: {  	_ =	swait.ge [sflag:s10], $0x8000  }
0x16d: {  	[sflag:s10] =	ssyncset.done $0x0  }
0x16e: {  	s16 =	rddreg [dreg:$0x19];
	[sflag:s10] =	ssyncadd.s32 $0xFFFF8000  }
0x16f: {  	[hbm4b:s16+s11] =	stream.strided.scatter [tilespmem:s8], [sflag:$0x3], $0x8000, s12, s11, $0x38;
	[tilespmem:$0x1C800] =	vst v63  }
0x170: {  	_ =	swait.ge [sflag:s13], $0x8000  }
0x171: {  	[sflag:s13] =	ssyncset.done $0x0  }
0x172: {  	[sflag:s13] =	ssyncadd.s32 $0xFFFF8000  }
0x173: {  	[tilespmem:s8], [sflag:$0x1] =	stream.indirect.gather [spmem:s2], $0x40, s30, s7, $0xb8;
	[tilespmem:$0x1C800] =	vst v63  }
0x174: {  	_ =	swait.ge [sflag:s14], $0x8000  }
0x175: {  	[sflag:s14] =	ssyncset.done $0x0  }
0x176: {  	s17 =	rddreg [dreg:$0x1a];
	[sflag:s14] =	ssyncadd.s32 $0xFFFF8000  }
0x177: {  	[hbm4b:s17+s11] =	stream.strided.scatter [tilespmem:s9], [sflag:$0x4], $0x8000, s12, s11, $0x38;
	[tilespmem:$0x1C800] =	vst v63  }
0x178: {  	_ =	swait.ge [sflag:s15], $0x8000  }
0x179: {  	[sflag:s15] =	ssyncset.done $0x0  }
0x17a: {  	[sflag:s15] =	ssyncadd.s32 $0xFFFF8000  }
0x17b: {  	[tilespmem:s9], [sflag:$0x2] =	stream.indirect.gather [spmem:s2], $0x40, s31, s7, $0xb8;
	[tilespmem:$0x1C800] =	vst v63  }
0x17c: {  	_ =	swait.ge [sflag:s10], $0x8000  }
0x17d: {  	[sflag:s10] =	ssyncset.done $0x0  }
0x17e: {  	s16 =	rddreg [dreg:$0x1b];
	[sflag:s10] =	ssyncadd.s32 $0xFFFF8000  }
0x17f: {  	[hbm4b:s16+s11] =	stream.strided.scatter [tilespmem:s8], [sflag:$0x3], $0x8000, s12, s11, $0x38;
	[tilespmem:$0x1C800] =	vst v63  }
0x180: {  	_ =	swait.ge [sflag:s14], $0x8000  }
0x181: {  	[sflag:s14] =	ssyncset.done $0x0  }
0x182: {  	p0 =	sne.s32 s0, $0x1;
	s17 =	rddreg [dreg:$0x1c];
	[sflag:s14] =	ssyncadd.s32 $0xFFFF8000  }
0x183: {  	[hbm4b:s17+s11] =	stream.strided.scatter [tilespmem:s9], [sflag:$0x4], $0x8000, s12, s11, $0x38;
	[tilespmem:$0x1C800] =	vst v63  }
.Ltmp1:
0x184: {  	_ = 	snop;
	(pc) =	sbr.rel @p0 .LBB2_1-.Ltmp1, $4  }
0x185: {  	_ =	swait.ge [sflag:s13], $0x8000  }
0x186: {  	[sflag:s13] =	ssyncset.done $0x0  }
0x187: {  	[sflag:s13] =	ssyncadd.s32 $0xFFFF8000  }
0x188: {  	s0 =	sadd.s32 $0xFFFFFFFF, s0;
	_ =	swait.ge [sflag:s15], $0x8000  }
.LBB2_2:
0x189: {  	[sflag:s15] =	ssyncset.done $0x0  }
0x18a: {  	[sflag:s15] =	ssyncadd.s32 $0xFFFF8000  }
0x18b: {  	_ =	sfence.sel $0x180000  }
0x18c: {  	[bflag:$0x0] =	sbarrier.arrive $0xFFFF  }
0x18d: {  	_ =	strace $0x90000050  }
0x18e: {  	s0 =	stileid.u32;
	[bflag:$0x2] =	sbarrier.arrive $0xFFFF  }
0x18f: {  	p0 =	sne.s32 s0, $0x0;
	s0 =	rddreg [dreg:$0x4]  }
0x190: {  	s0 =	sadd.s32 @!p0 $0x100000, s0  }
0x191: {  	[sflag:s0] =	ssyncadd.tile.s32 @!p0 $0x1;
	_ =	shalt  }
.Lfunc_end2:
_tile_overlayer_lowered:
.L_overlay_start_2:
0x192: {  	(tag) =	ssettag $0x2  }
0x193: {  	s0 =	rddreg [dreg:$0x0];
	s2 =	stileid.u32  }
0x194: {  	s1 =	rddreg [dreg:$0x1];
	p0 =	sne.s32 s2, $0x0  }
0x195: {  	s3 =	rddreg [dreg:$0x2];
	[bflag:$0x3] =	sbarrier.arrive $0xFFFF;
	s2 =	simm.s32 @!p0 $0x1C05  }
0x196: {  	[timem:s3], [sflag:s2] =	dma.local @!p0 [hbm:s0], s1  }
0x197: {  	s0 =	simm.s32 @!p0 $0x5  }
0x198: {  	_ =	swait.ge @!p0 [sflag:s0], s1  }
0x199: {  	s1 =	ssub.s32 @!p0 $0x0, s1;
	[sflag:s0] =	ssyncset.done @!p0 $0x0  }
0x19a: {  	[sflag:s0] =	ssyncadd.s32 @!p0 s1  }
0x19b: {  	[bflag:$0x3] =	sbarrier.arrive $0xFFFF  }
0x19c: {  	_ =	shalt  }

// kernel: kernel.25.cloned.1.call-start
scs
__scs_entry_jumppad:
0x0: {  	(pc) =	sbr.rel $0x88, $3  }
0x1: {  	(tag) =	ssettag $0x0;
	lr =	simm.s32 $0x1  }
0x2: {  	[smem:$0x3F8A] =	sst lr;
	_ =	strace $0xD0000000  }
0x3: {  	_ = 	snop  }
0x4: {  	_ = 	snop  }
0x5: {  	_ = 	snop  }
0x6: {  	_ = 	snop  }
0x7: {  	_ = 	snop  }
__scs_overlays_trampoline_lowered:
0x8: {  	[smem:$0x3F99] =	sst s0  }
0x9: {  	[smem:$0x3F9A] =	sst s1  }
0xa: {  	[smem:$0x3F9B] =	sst s2  }
0xb: {  	[smem:$0x3F9C] =	sst s3  }
0xc: {  	[smem:$0x3F9D] =	sst s4  }
0xd: {  	[smem:$0x3F9E] =	sst s5  }
0xe: {  	[smem:$0x3F9F] =	sst s6  }
0xf: {  	[smem:$0x3FA0] =	sst s7  }
0x10: {  	[smem:$0x3FA1] =	sst s8  }
0x11: {  	[smem:$0x3FA2] =	sst s9;
	s0 =	simm.s32 @!p0 $0x0  }
0x12: {  	s1 =	sld [smem:$0x3F88];
	s0 =	simm.s32 @p0 $0x1  }
0x13: {  	[smem:$0x3FA3] =	sst s0;
	s0 =	simm.s32 @!p1 $0x0  }
0x14: {  	s2 =	sld [smem:$0x3F87];
	s0 =	simm.s32 @p1 $0x1  }
0x15: {  	[smem:$0x3FA4] =	sst s0;
	s0 =	simm.s32 @!p2 $0x0  }
0x16: {  	s3 =	sld [smem:$0x3FDB];
	s0 =	simm.s32 @p2 $0x1  }
0x17: {  	s4 =	simm.s32 $0x1BF5;
	[smem:$0x3FA6] =	sst s0  }
0x18: {  	s0 =	sld [smem:$0x3F89];
	_ =	swait.ge [sflag:s4], $0x0  }
0x19: {  	s7 =	sld [smem:$0x3F8A]  }
0x1a: {  	s8 =	sadd.s32 $0xFFFFE003, lr  }
0x1b: {  	s9 =	sadd.s32 $0xFFFFFEF7, lr;
	s5 =	simm.s32 $0xFFFFFFFF;
	p2 =	slt.u32 s8, $0xFFFFF086  }
0x1c: {  	p1 =	slt.u32 s9, $0xF7A;
	s5 =	simm.s32 @!p2 $0x0  }
0x1d: {  	s5 =	simm.s32 @p1 $0x1;
	p0 =	seq.s32 s7, s2  }
0x1e: {  	s7 =	smul.u32 @!p0 $0xF7A, s2;
	p2 =	seq.s32 @!p0 s5, $0x0  }
0x1f: {  	s9 =	smul.u32 $0xF7A, s1;
	s8 =	simm.s32 @!p0 $0x1BF5;
	p2 =	por !p2, p0  }
0x20: {  	[sflag:s8] =	ssyncset.s32 @!p0 $0xFFFFF086;
	s6 =	sadd.s32 @!p0 s3, s7;
	s7 =	simm.s32 @!p0 $0x108  }
0x21: {  	s3 =	sadd.s32 s3, s9;
	s6 =	sadd.s32 @!p0 $0x88, s6;
	s7 =	simm.s32 @p2 $0x1082  }
0x22: {  	[simem:s7], [sflag:s8] =	dma.local @!p0 [hbm:s6], $0xF7A  }
0x23: {  	s9 =	sor.u32 $0xD0000000, s2;
	s6 =	simm.s32 $0x108;
	_ =	swait.ge @!p0 [sflag:s8], $0x0  }
0x24: {  	s3 =	sadd.s32 $0x88, s3;
	s6 =	simm.s32 @!p1 $0x1082;
	[sflag:s4] =	ssyncset.s32 $0xFFFFF086  }
0x25: {  	[simem:s6], [sflag:s4] =	dma.local [hbm:s3], $0xF7A  }
0x26: {  	[smem:$0x3F8A] =	sst s1;
	(tag) =	ssettag s2;
	_ =	strace s9  }
0x27: {  	s1 =	sld [smem:$0x3F9A]  }
0x28: {  	s2 =	sld [smem:$0x3F9B]  }
0x29: {  	s4 =	sld [smem:$0x3F9D]  }
0x2a: {  	p0 =	seq.s32 s5, $0x0;
	s5 =	sld [smem:$0x3F9E]  }
0x2b: {  	s6 =	sld [smem:$0x3F9F]  }
0x2c: {  	s7 =	sld [smem:$0x3FA0]  }
0x2d: {  	s3 =	simm.s32 $0x108;
	s8 =	sld [smem:$0x3FA1]  }
0x2e: {  	s3 =	simm.s32 @!p0 $0x1082;
	s9 =	sld [smem:$0x3FA2]  }
0x2f: {  	lr =	sadd.s32 s0, s3;
	s0 =	sld [smem:$0x3F99]  }
0x30: {  	s3 =	sld [smem:$0x3F9C]  }
0x31: {  	[smem:$0x3FA5] =	sst s10  }
0x32: {  	s10 =	sld [smem:$0x3FA3];
	_ =	sdelay $0x3  }
0x33: {  	p0 =	seq.s32 s10, $0x1;
	s10 =	sld [smem:$0x3FA5];
	_ =	sdelay $0x3  }
0x34: {  	[smem:$0x3FA5] =	sst s10  }
0x35: {  	s10 =	sld [smem:$0x3FA4];
	_ =	sdelay $0x3  }
0x36: {  	p1 =	seq.s32 s10, $0x1;
	s10 =	sld [smem:$0x3FA5];
	_ =	sdelay $0x3  }
0x37: {  	[smem:$0x3FA5] =	sst s10  }
0x38: {  	s10 =	sld [smem:$0x3FA6]  }
0x39: {  	_ = 	snop;
	(pc) =	sbr.ind lr, $3  }
0x3a: {  	_ = 	snop  }
0x3b: {  	_ = 	snop  }
0x3c: {  	p2 =	seq.s32 s10, $0x1;
	s10 =	sld [smem:$0x3FA5]  }
0x3d: {  	_ =	shalt  }
0x3e: {  	_ =	shalt  }
0x3f: {  	_ =	shalt  }
0x40: {  	_ =	shalt  }
0x41: {  	_ =	shalt  }
0x42: {  	_ =	shalt  }
0x43: {  	_ =	shalt  }
0x44: {  	_ =	shalt  }
0x45: {  	_ =	shalt  }
0x46: {  	_ =	shalt  }
0x47: {  	_ =	shalt  }
0x48: {  	_ =	shalt  }
0x49: {  	_ =	shalt  }
0x4a: {  	_ =	shalt  }
0x4b: {  	_ =	shalt  }
0x4c: {  	_ =	shalt  }
0x4d: {  	_ =	shalt  }
0x4e: {  	_ =	shalt  }
0x4f: {  	_ =	shalt  }
0x50: {  	_ =	shalt  }
0x51: {  	_ =	shalt  }
0x52: {  	_ =	shalt  }
0x53: {  	_ =	shalt  }
0x54: {  	_ =	shalt  }
0x55: {  	_ =	shalt  }
0x56: {  	_ =	shalt  }
0x57: {  	_ =	shalt  }
0x58: {  	_ =	shalt  }
0x59: {  	_ =	shalt  }
0x5a: {  	_ =	shalt  }
0x5b: {  	_ =	shalt  }
0x5c: {  	_ =	shalt  }
0x5d: {  	_ =	shalt  }
0x5e: {  	_ =	shalt  }
0x5f: {  	_ =	shalt  }
0x60: {  	_ =	shalt  }
0x61: {  	_ =	shalt  }
0x62: {  	_ =	shalt  }
0x63: {  	_ =	shalt  }
0x64: {  	_ =	shalt  }
0x65: {  	_ =	shalt  }
0x66: {  	_ =	shalt  }
0x67: {  	_ =	shalt  }
0x68: {  	_ =	shalt  }
0x69: {  	_ =	shalt  }
0x6a: {  	_ =	shalt  }
0x6b: {  	_ =	shalt  }
0x6c: {  	_ =	shalt  }
0x6d: {  	_ =	shalt  }
0x6e: {  	_ =	shalt  }
0x6f: {  	_ =	shalt  }
0x70: {  	_ =	shalt  }
0x71: {  	_ =	shalt  }
0x72: {  	_ =	shalt  }
0x73: {  	_ =	shalt  }
0x74: {  	_ =	shalt  }
0x75: {  	_ =	shalt  }
0x76: {  	_ =	shalt  }
0x77: {  	_ =	shalt  }
0x78: {  	_ =	shalt  }
0x79: {  	_ =	shalt  }
0x7a: {  	_ =	shalt  }
0x7b: {  	_ =	shalt  }
0x7c: {  	_ =	shalt  }
0x7d: {  	_ =	shalt  }
0x7e: {  	_ =	shalt  }
0x7f: {  	_ =	shalt  }
0x80: {  	_ =	shalt  }
0x81: {  	_ =	shalt  }
0x82: {  	_ =	shalt  }
0x83: {  	_ =	shalt  }
0x84: {  	_ =	shalt  }
0x85: {  	_ =	shalt  }
0x86: {  	_ =	shalt  }
0x87: {  	_ =	shalt  }
.Lfunc_end0:
.L_simem_size_0:
called_computation.4_lowered:
.L_overlay_start_0:
0x88: {  	s2 =	sld [smem:$0x3FD9]  }
0x89: {  	s3 =	sld [smem:$0x3FFE];
	_ =	sdelay $0x1  }
0x8a: {  	s1 =	srdreg.scid  }
0x8b: {  	s0 =	sand.u32 $0x1, s1  }
0x8c: {  	s16 =	sshll.u32 s0, $0xA;
	s2 =	sadd.s32 s3, s2  }
0x8d: {  	s2 =	sadd.s32 s2, s16  }
0x8e: {  	[smem:$0x3FB1] =	sst s2  }
0x8f: {  	_ = 	snop  }
0x90: {  	(tm) =	ssettm $0x1  }
0x91: {  	s17 =	sld [smem:$0x3FFB];
	_ =	sdelay $0x3  }
0x92: {  	_ =	strace s17  }
0x93: {  	s2 =	sld [smem:$0x3FFC];
	_ =	sdelay $0x3  }
0x94: {  	_ =	strace s2  }
0x95: {  	s2 =	sld [smem:$0x3FFD];
	_ =	sdelay $0x3  }
0x96: {  	_ =	strace s2  }
0x97: {  	_ =	strace $0x8FFFFFFF  }
0x98: {  	s18 =	sld [smem:$0x3FDB];
	_ =	sdelay $0x1  }
0x99: {  	s19 =	simm.s32 $_scs_section_size  }
0x9a: {  	s4 =	simm.s32 $_size__tile_overlayer_lowered;
	s5 =	simm.s32 $_tile_overlayer_lowered  }
0x9b: {  	s22 =	simm.s32 $0x1BFF;
	s21 =	sshll.u32 s5, $0x1;
	s2 =	sadd.s32 s19, s18  }
0x9c: {  	s6 =	simm.s32 $0x0;
	s20 =	sshll.u32 s4, $0x1;
	s4 =	sadd.s32 s21, s2  }
0x9d: {  	[timem:s6], [sflag:s22] =	dma.local [hbm:s4], s20  }
0x9e: {  	_ =	swait.ge [sflag:s22], s20  }
0x9f: {  	s3 =	ssub.s32 $0x0, s20;
	[sflag:s22] =	ssyncset.done $0x0  }
0xa0: {  	[sflag:s22] =	ssyncadd.s32 s3;
	_ =	sdelay $0x1  }
0xa1: {  	s23 =	simm.s32 $0x1B8B  }
0xa2: {  	_ =	swait.ge [sflag:s23], $0x1  }
0xa3: {  	[sflag:s23] =	ssyncset.done $0x0  }
0xa4: {  	s25 =	simm.s32 $0x1B8E;
	s24 =	sld [smem:$0x3FFE];
	[sflag:s23] =	ssyncadd.s32 $0xFFFFFFFF  }
0xa5: {  	s26 =	simm.s32 $execute0_lowered;
	[smem:$0x3FD2] =	sst s25  }
0xa6: {  	s4 =	sshll.u32 s26, $0x1;
	_ =	strace $0x80000052;
	[dreg:$0x1] =	wrdreg $0xFFFFFFFF  }
0xa7: {  	s28 =	simm.s32 $_size_execute0_lowered;
	s2 =	sadd.s32 s2, s4;
	[dreg:$0x0] =	wrdreg $0x0  }
0xa8: {  	s4 =	sshll.u32 s28, $0x1;
	[dreg:$0x2] =	wrdreg s2  }
0xa9: {  	[dreg:$0x3] =	wrdreg s4  }
0xaa: {  	[dreg:$0x4] =	wrdreg $0xC0  }
0xab: {  	_ =	task [dreg:s6], $0x5FFFF  }
0xac: {  	[dreg:$0x1] =	wrdreg $0xFFFFFFFF  }
0xad: {  	[dreg:$0x0] =	wrdreg $0x60  }
0xae: {  	[dreg:$0x2] =	wrdreg s24  }
0xaf: {  	[dreg:$0x3] =	wrdreg $0x0  }
0xb0: {  	[dreg:$0x4] =	wrdreg $0x9  }
0xb1: {  	_ =	task.clear_ibuf [dreg:s6], $0x5FFFF;
	_ =	strace $0x90000052  }
0xb2: {  	s29 =	simm.s32 $0x9;
	_ =	strace $0x80000054  }
0xb3: {  	_ =	swait.ge [sflag:s29], $0x1  }
0xb4: {  	[sflag:s29] =	ssyncadd.s32 $0xFFFFFFFF  }
0xb5: {  	_ =	strace $0x90000054  }
0xb6: {  	_ =	sfence  }
0xb7: {  	s30 =	sld [smem:$0x0];
	_ =	sdelay $0x2  }
0xb8: {  	s31 =	sshll.u32 s1, $0xD;
	s1 =	sshrl.u32 s1, $0x2  }
0xb9: {  	s3 =	sand.u32 $0x4000, s31;
	s1 =	sadd.s32 s1, s30  }
0xba: {  	s0 =	sor.u32 s3, s0;
	s1 =	sshll.u32 s1, $0x11  }
0xbb: {  	s0 =	sor.u32 s1, s0  }
0xbc: {  	s0 =	sadd.s32 $0x8F2B, s0  }
0xbd: {  	[sflag:s0] =	ssyncadd.remote.s32 $0x1  }
0xbe: {  	_ =	sfence.sel $0xFFFF  }
0xbf: {  	[dreg:$0x0] =	wrdreg $0xFFFFFFFF;
	(pc) =	sbr.abs _section_cstart, $3  }
0xc0: {  	[dreg:$0x1] =	wrdreg $0xFFFFFFFF  }
0xc1: {  	_ =	task.clear_ibuf [dreg:s6], $0x2FFFF;
	_ =	strace $0x9FFFFFFF  }
0xc2: {  	(tm) =	ssettm $0x7FFFFFFF  }
0xc3: {  	_ =	shalt  }
tec
execute0_lowered:
.L_overlay_start_1:
0x0: {  	(tag) =	ssettag $0x1  }
0x1: {  	s4 =	rddreg [dreg:$0x0];
	s0 =	srdreg.scid  }
0x2: {  	s2 =	rddreg [dreg:$0x1];
	s24 =	stileid.u32  }
0x3: {  	s3 =	simm.s32 $0x0;
	s13 =	simm.s32 $0xA000;
	s14 =	simm.s32 $0xA200  }
0x4: {  	s15 =	simm.s32 $0x40;
	s16 =	simm.s32 $0x80;
	s17 =	simm.s32 $0xA400  }
0x5: {  	s18 =	simm.s32 $0x12400;
	s19 =	simm.s32 $0x1;
	s7 =	smul.u32 $0xA00, s24  }
0x6: {  	s20 =	simm.s32 $0x3;
	s21 =	simm.s32 $0x200;
	s25 =	smul.u32 $0x14000, s24  }
0x7: {  	s22 =	simm.s32 $0x2;
	s5 =	sand.u32 $0x1, s0;
	s9 =	smul.u32 $0xA000, s24  }
0x8: {  	s23 =	simm.s32 $0x4;
	[smem:$0x7FF] =	sst s3;
	s6 =	smul.u32 $0xA000, s5  }
0x9: {  	s31 =	sshll.u32 s24, $0x6;
	s24 =	simm.s32 $0x10;
	s8 =	smul.u32 $0xA0000, s5  }
0xa: {  	_ =	strace $0x80000053;
	s10 =	sshll.u32 s5, $0x6;
	s5 =	ssub.s32 $0x2, s5  }
0xb: {  	s26 =	sor.u32 s10, s25;
	s28 =	sshrl.u32 s9, $0x3;
	s29 =	sshrl.u32 s5, $0x1  }
0xc: {  	s12 =	sadd.s32 s9, s2;
	s25 =	simm.s32 $0x8;
	s6 =	sadd.s32 s7, s6  }
0xd: {  	s8 =	sadd.s32 s8, s4;
	s7 =	sadd.s32 s28, s4;
	s30 =	ssub.s32 s5, s29  }
0xe: {  	s5 =	sor.u32 $0x1C05, s31;
	s6 =	sshrl.u32 s6, $0x3;
	s8 =	sadd.s32 s9, s8  }
0xf: {  	s11 =	sadd.s32 s6, s4;
	s6 =	sshrl.u32 s26, $0x3;
	s8 =	sadd.s32 $0x5EAE08, s8  }
0x10: {  	s26 =	simm.s32 $0x0;
	s6 =	sadd.s32 s6, s4;
	s4 =	sadd.s32 $0x5000, s7  }
0x11: {  	s7 =	smax.u32 s30, $0x1;
	s9 =	sadd.s32 $0x368600, s11;
	s10 =	sadd.s32 $0x365E00, s11  }
0x12: {  	s11 =	sshrl.u32 s12, $0x3;
	s12 =	simm.s32 $0x5;
	s6 =	sadd.s32 $0x36AE00, s6  }
.LBB2_1:
0x13: {  	[spmem:s11], [sflag:s5] =	dma.local [hbm:s4], $0x1400  }
0x14: {  	_ =	swait.ge [sflag:s12], $0x1400  }
0x15: {  	[sflag:s12] =	ssyncset.done $0x0  }
0x16: {  	[sflag:s12] =	ssyncadd.s32 $0xFFFFEC00  }
0x17: {  	s28 =	sadd.s32 $0x0, s10;
	[bflag:$0x0] =	sbarrier.arrive $0xFFFF  }
0x18: {  	[tilespmem:s13], [sflag:$0x1] =	stream.linear.gather [hbm4b:s28+s3], $0x200, $0x38;
	[tilespmem:$0x1A400] =	vst v63  }
0x19: {  	s28 =	sadd.s32 $0x0, s9  }
0x1a: {  	[tilespmem:s14], [sflag:$0x2] =	stream.linear.gather [hbm4b:s28+s3], $0x200, $0x38;
	[tilespmem:$0x1A400] =	vst v63  }
0x1b: {  	s28 =	sadd.s32 $0xFFFFFFF8, s8  }
0x1c: {  	[tilespmem:s17], [sflag:$0x3] =	stream.strided.gather [hbm4b:s28+s15], $0x8000, s16, s15, $0x38;
	[tilespmem:$0x1A400] =	vst v63  }
0x1d: {  	_ = 	snop  }
0x1e: {  	[tilespmem:s18], [sflag:$0x4] =	stream.strided.gather [hbm4b:s8+s15], $0x8000, s16, s15, $0x38;
	[tilespmem:$0x1A400] =	vst v63  }
0x1f: {  	_ =	swait.ge [sflag:s19], $0x200  }
0x20: {  	[sflag:s19] =	ssyncset.done $0x0  }
0x21: {  	[sflag:s19] =	ssyncadd.s32 $0xFFFFFE00  }
0x22: {  	_ =	swait.ge [sflag:s20], $0x8000  }
0x23: {  	[sflag:s20] =	ssyncset.done $0x0  }
0x24: {  	[sflag:s20] =	ssyncadd.s32 $0xFFFF8000  }
0x25: {  	[spmem:s2] =	stream.indirect.scatter.add.f32 [tilespmem:s17], [sflag:$0x5], $0x40, s13, s21, $0xb8;
	[tilespmem:$0x1A400] =	vst v63  }
0x26: {  	_ =	swait.ge [sflag:s12], $0x8000  }
0x27: {  	[sflag:s12] =	ssyncset.done $0x0  }
0x28: {  	[sflag:s12] =	ssyncadd.s32 $0xFFFF8000  }
0x29: {  	_ =	swait.ge [sflag:s22], $0x200  }
0x2a: {  	[sflag:s22] =	ssyncset.done $0x0  }
0x2b: {  	[sflag:s22] =	ssyncadd.s32 $0xFFFFFE00  }
0x2c: {  	_ =	swait.ge [sflag:s23], $0x8000  }
0x2d: {  	[sflag:s23] =	ssyncset.done $0x0  }
0x2e: {  	[sflag:s23] =	ssyncadd.s32 $0xFFFF8000  }
0x2f: {  	[spmem:s2] =	stream.indirect.scatter.add.f32 [tilespmem:s18], [sflag:$0x5], $0x40, s14, s21, $0xb8;
	[tilespmem:$0x1A400] =	vst v63  }
0x30: {  	s29 =	simm.s32 $0x40;
	_ =	swait.ge [sflag:s12], $0x8000  }
0x31: {  	s30 =	simm.s32 $0x80;
	s28 =	sadd.s32 $0x2000, s8;
	[sflag:s12] =	ssyncset.done $0x0  }
.LBB2_2:
0x32: {  	s31 =	sadd.s32 s29, s10  }
0x33: {  	[sflag:s12] =	ssyncadd.s32 $0xFFFF8000;
	s0 =	smov.u32 s30;
	s1 =	sadd.s32 $0x40, s30  }
0x34: {  	[tilespmem:s13], [sflag:$0x1] =	stream.linear.gather [hbm4b:s31+s3], $0x200, $0x38;
	[tilespmem:$0x1A400] =	vst v63  }
0x35: {  	p0 =	sne.s32 s30, $0x100;
	s30 =	sadd.s32 s29, s9;
	s29 =	smov.u32 s0  }
0x36: {  	[tilespmem:s14], [sflag:$0x2] =	stream.linear.gather [hbm4b:s30+s3], $0x200, $0x38;
	[tilespmem:$0x1A400] =	vst v63  }
0x37: {  	s0 =	sadd.s32 $0xFFFFFFF8, s28  }
0x38: {  	[tilespmem:s17], [sflag:$0x3] =	stream.strided.gather [hbm4b:s0+s15], $0x8000, s16, s15, $0x38;
	[tilespmem:$0x1A400] =	vst v63  }
0x39: {  	_ = 	snop  }
0x3a: {  	[tilespmem:s18], [sflag:$0x4] =	stream.strided.gather [hbm4b:s28+s15], $0x8000, s16, s15, $0x38;
	[tilespmem:$0x1A400] =	vst v63  }
0x3b: {  	_ =	swait.ge [sflag:s19], $0x200  }
0x3c: {  	[sflag:s19] =	ssyncset.done $0x0  }
0x3d: {  	[sflag:s19] =	ssyncadd.s32 $0xFFFFFE00  }
0x3e: {  	_ =	swait.ge [sflag:s20], $0x8000  }
0x3f: {  	[sflag:s20] =	ssyncset.done $0x0  }
0x40: {  	[sflag:s20] =	ssyncadd.s32 $0xFFFF8000  }
0x41: {  	[spmem:s2] =	stream.indirect.scatter.add.f32 [tilespmem:s17], [sflag:$0x5], $0x40, s13, s21, $0xb8;
	[tilespmem:$0x1A400] =	vst v63  }
0x42: {  	_ =	swait.ge [sflag:s12], $0x8000  }
0x43: {  	[sflag:s12] =	ssyncset.done $0x0  }
0x44: {  	[sflag:s12] =	ssyncadd.s32 $0xFFFF8000  }
0x45: {  	_ =	swait.ge [sflag:s22], $0x200  }
0x46: {  	[sflag:s22] =	ssyncset.done $0x0  }
0x47: {  	[sflag:s22] =	ssyncadd.s32 $0xFFFFFE00  }
0x48: {  	_ =	swait.ge [sflag:s23], $0x8000  }
.Ltmp0:
0x49: {  	[sflag:s23] =	ssyncset.done $0x0;
	(pc) =	sbr.rel @p0 .LBB2_2-.Ltmp0, $4  }
0x4a: {  	[sflag:s23] =	ssyncadd.s32 $0xFFFF8000  }
0x4b: {  	[spmem:s2] =	stream.indirect.scatter.add.f32 [tilespmem:s18], [sflag:$0x5], $0x40, s14, s21, $0xb8;
	[tilespmem:$0x1A400] =	vst v63  }
0x4c: {  	_ =	swait.ge [sflag:s12], $0x8000  }
0x4d: {  	s30 =	smov.u32 s1;
	s28 =	sadd.s32 $0x2000, s28;
	[sflag:s12] =	ssyncset.done $0x0  }
0x4e: {  	s0 =	sadd.s32 s29, s10;
	[sflag:s12] =	ssyncadd.s32 $0xFFFF8000  }
0x4f: {  	[tilespmem:s13], [sflag:$0x1] =	stream.linear.gather [hbm4b:s0+s3], $0x200, $0x38;
	[tilespmem:$0x1A400] =	vst v63  }
0x50: {  	s30 =	sadd.s32 s29, s9  }
0x51: {  	[tilespmem:s14], [sflag:$0x2] =	stream.linear.gather [hbm4b:s30+s3], $0x200, $0x38;
	[tilespmem:$0x1A400] =	vst v63  }
0x52: {  	s31 =	sadd.s32 $0xFFFFFFF8, s28  }
0x53: {  	[tilespmem:s17], [sflag:$0x3] =	stream.strided.gather [hbm4b:s31+s15], $0x8000, s16, s15, $0x38;
	[tilespmem:$0x1A400] =	vst v63  }
0x54: {  	_ = 	snop  }
0x55: {  	[tilespmem:s18], [sflag:$0x4] =	stream.strided.gather [hbm4b:s28+s15], $0x8000, s16, s15, $0x38;
	[tilespmem:$0x1A400] =	vst v63  }
0x56: {  	_ =	swait.ge [sflag:s19], $0x200  }
0x57: {  	[sflag:s19] =	ssyncset.done $0x0  }
0x58: {  	[sflag:s19] =	ssyncadd.s32 $0xFFFFFE00  }
0x59: {  	_ =	swait.ge [sflag:s20], $0x8000  }
0x5a: {  	[sflag:s20] =	ssyncset.done $0x0  }
0x5b: {  	[sflag:s20] =	ssyncadd.s32 $0xFFFF8000  }
0x5c: {  	[spmem:s2] =	stream.indirect.scatter.add.f32 [tilespmem:s17], [sflag:$0x5], $0x40, s13, s21, $0xb8;
	[tilespmem:$0x1A400] =	vst v63  }
0x5d: {  	_ =	swait.ge [sflag:s12], $0x8000  }
0x5e: {  	[sflag:s12] =	ssyncset.done $0x0  }
0x5f: {  	[sflag:s12] =	ssyncadd.s32 $0xFFFF8000  }
0x60: {  	_ =	swait.ge [sflag:s22], $0x200  }
0x61: {  	[sflag:s22] =	ssyncset.done $0x0  }
0x62: {  	[sflag:s22] =	ssyncadd.s32 $0xFFFFFE00  }
0x63: {  	_ =	swait.ge [sflag:s23], $0x8000  }
0x64: {  	[sflag:s23] =	ssyncset.done $0x0  }
0x65: {  	[sflag:s23] =	ssyncadd.s32 $0xFFFF8000  }
0x66: {  	[spmem:s2] =	stream.indirect.scatter.add.f32 [tilespmem:s18], [sflag:$0x5], $0x40, s14, s21, $0xb8;
	[tilespmem:$0x1A400] =	vst v63  }
0x67: {  	_ =	swait.ge [sflag:s12], $0x8000  }
0x68: {  	s26 =	sadd.s32 $0x1, s26;
	[sflag:s12] =	ssyncset.done $0x0  }
0x69: {  	p0 =	sne.s32 s26, s7;
	[sflag:s12] =	ssyncadd.s32 $0xFFFF8000  }
.Ltmp1:
0x6a: {  	[bflag:$0x0] =	sbarrier.arrive $0xFFFF;
	(pc) =	sbr.rel @p0 .LBB2_1-.Ltmp1, $4  }
0x6b: {  	[hbm:s6@s24], [sflag:s5] =	dma.strided [spmem:s11@s25], $0x1400, s19, $0x8   }
0x6c: {  	_ =	swait.ge [sflag:s12], $0x1400  }
0x6d: {  	[sflag:s12] =	ssyncset.done $0x0  }
0x6e: {  	[sflag:s12] =	ssyncadd.s32 $0xFFFFEC00  }
0x6f: {  	_ =	sfence.sel $0x180000  }
0x70: {  	[bflag:$0x0] =	sbarrier.arrive $0xFFFF  }
0x71: {  	_ =	strace $0x90000053  }
0x72: {  	s0 =	stileid.u32;
	[bflag:$0x2] =	sbarrier.arrive $0xFFFF  }
0x73: {  	p0 =	sne.s32 s0, $0x0;
	s0 =	rddreg [dreg:$0x2]  }
0x74: {  	s0 =	sadd.s32 @!p0 $0x100000, s0  }
0x75: {  	[sflag:s0] =	ssyncadd.tile.s32 @!p0 $0x1;
	_ =	shalt  }
.Lfunc_end2:
_tile_overlayer_lowered:
.L_overlay_start_2:
0x76: {  	(tag) =	ssettag $0x2  }
0x77: {  	s0 =	rddreg [dreg:$0x0];
	s2 =	stileid.u32  }
0x78: {  	s1 =	rddreg [dreg:$0x1];
	p0 =	sne.s32 s2, $0x0  }
0x79: {  	s3 =	rddreg [dreg:$0x2];
	[bflag:$0x3] =	sbarrier.arrive $0xFFFF;
	s2 =	simm.s32 @!p0 $0x1C05  }
0x7a: {  	[timem:s3], [sflag:s2] =	dma.local @!p0 [hbm:s0], s1  }
0x7b: {  	s0 =	simm.s32 @!p0 $0x5  }
0x7c: {  	_ =	swait.ge @!p0 [sflag:s0], s1  }
0x7d: {  	s1 =	ssub.s32 @!p0 $0x0, s1;
	[sflag:s0] =	ssyncset.done @!p0 $0x0  }
0x7e: {  	[sflag:s0] =	ssyncadd.s32 @!p0 s1  }
0x7f: {  	[bflag:$0x3] =	sbarrier.arrive $0xFFFF  }
0x80: {  	_ =	shalt  }

</sc_bundles>
